<compile_context>
chip_gen: v7x
topology: tpu7x:2x2x1
jax: 0.10.2.dev20260603
libtpu: 0.0.44.dev20260713+nightly
codegen_flags: <defaults>
</compile_context>

<pallas_src>
import functools

import jax
import jax.numpy as jnp
from jax import lax
from jax.experimental import pallas as pl
from jax.experimental.pallas import tpu as pltpu
from jax.experimental.pallas import tpu_sc as plsc

N = 10000
D = 128
E = 320000

NC = 2
NS = 16
NW = NC * NS
CHUNK = 128
PW = 80
NCHUNK = NW * PW
EPAD = NCHUNK * CHUNK
NBUF = 2
AHEAD = 1
HALF = PW // 2

HSLICE = 624

_mesh = plsc.VectorSubcoreMesh(core_axis_name="c", subcore_axis_name="s")


def _zero_vmem_2d(ref, nrows):
    z = jnp.zeros((16,), jnp.float32)
    def body(r, _):
        for c in range(D // 16):
            ref[r, pl.ds(c * 16, 16)] = z
        return 0
    lax.fori_loop(0, nrows, body, 0)


@functools.partial(
    pl.kernel,
    out_type=jax.ShapeDtypeStruct((NC * N,), jnp.float32),
    mesh=_mesh,
    scratch_types=[
        pltpu.VMEM((PW, CHUNK), jnp.int32),
        pltpu.VMEM((CHUNK,), jnp.float32),
        pltpu.VMEM((HSLICE + 16,), jnp.float32),
        pltpu.VMEM_SHARED((N + 16,), jnp.float32),
    ],
)
def _sc_degree(dstr_hbm, out_hbm, dst2d, ones_v, zbuf, acc):
    cid = lax.axis_index("c")
    sid = lax.axis_index("s")
    wid = sid * NC + cid

    one = jnp.ones((16,), jnp.float32)
    zero = jnp.zeros((16,), jnp.float32)
    for i in range(CHUNK // 16):
        ones_v[pl.ds(i * 16, 16)] = one
    for i in range((HSLICE + 16) // 16):
        zbuf[pl.ds(i * 16, 16)] = zero

    o = sid * HSLICE
    pltpu.sync_copy(zbuf.at[pl.ds(0, HSLICE)], acc.at[pl.ds(o, HSLICE)])
    @pl.when(sid == NS - 1)
    def _():
        pltpu.sync_copy(zbuf.at[pl.ds(0, 16)], acc.at[pl.ds(NS * HSLICE, 16)])
        pltpu.sync_copy(zbuf.at[pl.ds(16, 16)], acc.at[pl.ds(N, 16)])

    pltpu.sync_copy(dstr_hbm.at[pl.ds(wid * PW, PW)], dst2d)
    plsc.subcore_barrier()

    def body(j, _):
        pltpu.sync_copy(ones_v, acc.at[dst2d.at[j]], add=True)
        return 0
    lax.fori_loop(0, PW, body, 0)

    plsc.subcore_barrier()
    pltpu.sync_copy(acc.at[pl.ds(o, HSLICE)], zbuf.at[pl.ds(0, HSLICE)])
    pltpu.sync_copy(zbuf.at[pl.ds(0, HSLICE)],
                    out_hbm.at[pl.ds(cid * N + o, HSLICE)])
    @pl.when(sid == NS - 1)
    def _():
        pltpu.sync_copy(acc.at[pl.ds(NS * HSLICE, 16)],
                        zbuf.at[pl.ds(HSLICE, 16)])
        pltpu.sync_copy(zbuf.at[pl.ds(HSLICE, 16)],
                        out_hbm.at[pl.ds(cid * N + NS * HSLICE, 16)])


@functools.partial(
    pl.kernel,
    out_type=jax.ShapeDtypeStruct((NC, N, D), jnp.float32),
    mesh=_mesh,
    scratch_types=[
        pltpu.VMEM((HALF, CHUNK), jnp.int32),
        pltpu.VMEM((HALF, CHUNK), jnp.int32),
        pltpu.VMEM((CHUNK, D), jnp.float32),
        pltpu.VMEM((CHUNK, D), jnp.float32),
        pltpu.VMEM_SHARED((N + 16, D), jnp.float32),
        pltpu.SemaphoreType.DMA,
        pltpu.SemaphoreType.DMA,
    ],
)
def _sc_propagate(h_hbm, srcr_hbm, dstr_hbm, out_hbm, src2d, dst2d,
                  rb0, rb1, acc, sem0, sem1):
    cid = lax.axis_index("c")
    sid = lax.axis_index("s")
    wid = sid * NC + cid
    bufs = (rb0, rb1)
    sems = (sem0, sem1)

    _zero_vmem_2d(rb0, CHUNK)
    r0 = sid * HSLICE
    for k in range(HSLICE // CHUNK):
        pltpu.sync_copy(rb0, acc.at[pl.ds(r0 + k * CHUNK, CHUNK)])
    rem = HSLICE - (HSLICE // CHUNK) * CHUNK
    pltpu.sync_copy(rb0.at[pl.ds(0, rem)],
                    acc.at[pl.ds(r0 + HSLICE - rem, rem)])
    @pl.when(sid == NS - 1)
    def _():
        pltpu.sync_copy(rb0.at[pl.ds(0, 32)],
                        acc.at[pl.ds(NS * HSLICE, 32)])

    plsc.subcore_barrier()

    def run_step(j, b, ahead):
        pltpu.make_async_copy(h_hbm.at[src2d.at[j]], bufs[b], sems[b]).wait()
        if ahead:
            bn = (b + AHEAD) % NBUF
            pltpu.async_copy(h_hbm.at[src2d.at[j + AHEAD]], bufs[bn],
                             sems[bn])
        pltpu.sync_copy(bufs[b], acc.at[dst2d.at[j]], add=True)

    for half in range(2):
        pltpu.sync_copy(srcr_hbm.at[pl.ds(wid * PW + half * HALF, HALF)],
                        src2d)
        pltpu.sync_copy(dstr_hbm.at[pl.ds(wid * PW + half * HALF, HALF)],
                        dst2d)
        for j in range(AHEAD):
            pltpu.async_copy(h_hbm.at[src2d.at[j]], bufs[j], sems[j])

        def body(t, _):
            for b in range(NBUF):
                run_step(t * NBUF + b, b, ahead=True)
            return 0
        lax.fori_loop(0, HALF // NBUF - 1, body, 0)
        for b in range(NBUF):
            j = HALF - NBUF + b
            run_step(j, b, ahead=(j + AHEAD < HALF))

    plsc.subcore_barrier()
    for k in range(HSLICE // CHUNK):
        pltpu.sync_copy(acc.at[pl.ds(r0 + k * CHUNK, CHUNK)], rb0)
        pltpu.sync_copy(rb0, out_hbm.at[cid, pl.ds(r0 + k * CHUNK, CHUNK)])
    pltpu.sync_copy(acc.at[pl.ds(r0 + HSLICE - rem, rem)],
                    rb1.at[pl.ds(0, rem)])
    pltpu.sync_copy(rb1.at[pl.ds(0, rem)],
                    out_hbm.at[cid, pl.ds(r0 + HSLICE - rem, rem)])
    @pl.when(sid == NS - 1)
    def _():
        pltpu.sync_copy(acc.at[pl.ds(NS * HSLICE, 16)],
                        rb1.at[pl.ds(rem, 16)])
        pltpu.sync_copy(rb1.at[pl.ds(rem, 16)],
                        out_hbm.at[cid, pl.ds(NS * HSLICE, 16)])


RB = 1000
GRID = N // RB


def _tc1_body(x_ref, w_ref, d0_ref, d1_ref, hp_ref, dinv_ref):
    deg = d0_ref[...] + d1_ref[...] + 1.0
    dinv = lax.rsqrt(deg)
    dinv_ref[...] = dinv
    h = jnp.dot(x_ref[...], w_ref[...], preferred_element_type=jnp.float32)
    hp_ref[...] = h * dinv


def _tc2_body(a0_ref, a1_ref, hp_ref, dinv_ref, b_ref, w_ref, out_ref):
    dinv = dinv_ref[...]
    z = dinv * (a0_ref[...] + a1_ref[...] + hp_ref[...]) + b_ref[...]
    z = jnp.maximum(z, 0.0)
    h = jnp.dot(z, w_ref[...], preferred_element_type=jnp.float32)
    out_ref[...] = h * dinv


def _tc3_body(a0_ref, a1_ref, hp_ref, dinv_ref, b_ref, out_ref):
    out_ref[...] = (dinv_ref[...] * (a0_ref[...] + a1_ref[...] + hp_ref[...])
                    + b_ref[...])


_row_spec = pl.BlockSpec((RB, D), lambda i: (i, 0))
_col_spec = pl.BlockSpec((RB, 1), lambda i: (i, 0))
_w_spec = pl.BlockSpec((D, D), lambda i: (0, 0))
_b_spec = pl.BlockSpec((1, D), lambda i: (0, 0))

_tc1 = pl.pallas_call(
    _tc1_body,
    grid=(GRID,),
    in_specs=[_row_spec, _w_spec, _col_spec, _col_spec],
    out_specs=[_row_spec, _col_spec],
    out_shape=[jax.ShapeDtypeStruct((N, D), jnp.float32),
               jax.ShapeDtypeStruct((N, 1), jnp.float32)],
)

_tc2 = pl.pallas_call(
    _tc2_body,
    grid=(GRID,),
    in_specs=[_row_spec, _row_spec, _row_spec, _col_spec, _b_spec, _w_spec],
    out_specs=_row_spec,
    out_shape=jax.ShapeDtypeStruct((N, D), jnp.float32),
)

_tc3 = pl.pallas_call(
    _tc3_body,
    grid=(GRID,),
    in_specs=[_row_spec, _row_spec, _row_spec, _col_spec, _b_spec],
    out_specs=_row_spec,
    out_shape=jax.ShapeDtypeStruct((N, D), jnp.float32),
)


def kernel(X, edges, W1, b1, W2, b2):
    src = edges[0].astype(jnp.int32)
    dst = edges[1].astype(jnp.int32)
    pad = EPAD - E
    src = jnp.concatenate([src, jnp.zeros((pad,), jnp.int32)])
    dst = jnp.concatenate([dst, jnp.full((pad,), N, jnp.int32)])
    src = src.reshape(NCHUNK, CHUNK)
    dst = dst.reshape(NCHUNK, CHUNK)

    degp = _sc_degree(dst)
    deg0 = degp[:N].reshape(N, 1)
    deg1 = degp[N:].reshape(N, 1)

    h1p, dinv = _tc1(X, W1, deg0, deg1)

    a1 = _sc_propagate(h1p, src, dst)
    h2p = _tc2(a1[0], a1[1], h1p, dinv, b1.reshape(1, D), W2)

    a2 = _sc_propagate(h2p, src, dst)
    out = _tc3(a2[0], a2[1], h2p, dinv, b2.reshape(1, D))
    return out

# --- scband reference (transcript-rebuilt; emitter-appended) ---
"""Pipeline reference for scband-gcn-30554397343901 (READ-ONLY COPY).

The authoritative reference and input builder live on the scoring server;
editing this copy changes nothing except your own understanding.
"""

import jax, jax.numpy as jnp
import numpy as np

N_NODES = 10000
D = 128
N_EDGES = 320000


def gcn_conv(x, src, dst, W, b, num_nodes):
    # Add self loops
    loop = jnp.arange(num_nodes, dtype=src.dtype)
    src_l = jnp.concatenate([src, loop])
    dst_l = jnp.concatenate([dst, loop])
    # Symmetric normalization D^{-1/2} (A+I) D^{-1/2}
    deg = jnp.zeros((num_nodes,), dtype=x.dtype).at[dst_l].add(1.0)
    dinv = jnp.where(deg > 0, deg ** -0.5, 0.0)
    norm = dinv[src_l] * dinv[dst_l]
    # Linear transform, then propagate (gather -> scale -> scatter-add)
    h = x @ W
    msg = h[src_l] * norm[:, None]
    out = jnp.zeros_like(h).at[dst_l].add(msg)
    return out + b


def setup_inputs(seed: int = 0) -> dict:
    key = jax.random.key(seed)
    k1, k2, k3, k4, k5, k6 = jax.random.split(key, 6)
    X = jax.random.normal(k1, (N_NODES, D), dtype=jnp.float32)
    edges = jax.random.randint(k2, (2, N_EDGES), 0, N_NODES, dtype=jnp.int64)
    s1 = (6.0 / (D + D)) ** 0.5
    W1 = jax.random.uniform(k3, (D, D), minval=-s1, maxval=s1, dtype=jnp.float32)
    b1 = jnp.zeros((D,), dtype=jnp.float32)
    W2 = jax.random.uniform(k4, (D, D), minval=-s1, maxval=s1, dtype=jnp.float32)
    b2 = jnp.zeros((D,), dtype=jnp.float32)
    return {"X": X, "edges": edges, "W1": W1, "b1": b1, "W2": W2, "b2": b2}


def reference(X, edges, W1, b1, W2, b2):
    num_nodes = X.shape[0]
    src, dst = edges[0], edges[1]
    h = gcn_conv(X, src, dst, W1, b1, num_nodes)
    h = jax.nn.relu(h)
    h = gcn_conv(h, src, dst, W2, b2, num_nodes)
    return h

if __name__ == "__main__":
    import jax
    _d = setup_inputs()
    print(jax.jit(kernel)(*tuple(_d.values())))

</pallas_src>

<mosaic_0001>
#map = affine_map<(d0, d1) -> (0, 0)>
#map1 = affine_map<(d0, d1) -> (0)>
module attributes {stable_mosaic.version = 14 : i64} {
  func.func @_sc_degree(%arg0: i32, %arg1: i32, %arg2: memref<2560x128xi32, #tpu.memory_space<hbm>>, %arg3: memref<20000xf32, #tpu.memory_space<hbm>>, %arg4: memref<80x128xi32, #tpu.memory_space<vmem>>, %arg5: memref<128xf32, #tpu.memory_space<vmem>>, %arg6: memref<640xf32, #tpu.memory_space<vmem>>, %arg7: memref<10016xf32, #tpu.memory_space<vmem_shared>>) attributes {dimension_semantics = [#tpu.dimension_semantics<core_parallel>, #tpu.dimension_semantics<subcore_parallel>], iteration_bounds = array<i64: 2, 16>, scalar_prefetch = 0 : i64, scratch_operands = 4 : i64, tpu.core_type = #tpu.core_type<sc_vector_subcore>, window_params = [{transform_indices = #map}, {transform_indices = #map1}]} {
    %mul3A = arith.constant 2 : i32
    %mul3A_0 = arith.muli %arg1, %mul3A : i32
    %add3A = arith.addi %mul3A_0, %arg0 : i32
    %broadcast_in_dim3A = arith.constant 1.000000e+00 : f32
    %broadcast_in_dim3A_1 = vector.broadcast %broadcast_in_dim3A : f32 to vector<16xf32>
    %broadcast_in_dim3A_2 = arith.constant 0.000000e+00 : f32
    %broadcast_in_dim3A_3 = vector.broadcast %broadcast_in_dim3A_2 : f32 to vector<16xf32>
    %swap3A = arith.constant 0 : index
    %swap3A_4 = tpu.vector_load %arg5[%swap3A] {strides = array<i32>} : memref<128xf32, #tpu.memory_space<vmem>>, vector<16xf32>,
    %swap3A_5 = vector.shape_cast %swap3A_4 : vector<16xf32> to vector<16xf32>
    %swap3A_6 = vector.shape_cast %broadcast_in_dim3A_1 : vector<16xf32> to vector<16xf32>
    tpu.vector_store %arg5[%swap3A], %swap3A_6 {strides = array<i32>} : memref<128xf32, #tpu.memory_space<vmem>>, vector<16xf32>,
    %swap3A_7 = arith.constant 16 : index
    %swap3A_8 = tpu.vector_load %arg5[%swap3A_7] {strides = array<i32>} : memref<128xf32, #tpu.memory_space<vmem>>, vector<16xf32>,
    %swap3A_9 = vector.shape_cast %swap3A_8 : vector<16xf32> to vector<16xf32>
    %swap3A_10 = vector.shape_cast %broadcast_in_dim3A_1 : vector<16xf32> to vector<16xf32>
    tpu.vector_store %arg5[%swap3A_7], %swap3A_10 {strides = array<i32>} : memref<128xf32, #tpu.memory_space<vmem>>, vector<16xf32>,
    %swap3A_11 = arith.constant 32 : index
    %swap3A_12 = tpu.vector_load %arg5[%swap3A_11] {strides = array<i32>} : memref<128xf32, #tpu.memory_space<vmem>>, vector<16xf32>,
    %swap3A_13 = vector.shape_cast %swap3A_12 : vector<16xf32> to vector<16xf32>
    %swap3A_14 = vector.shape_cast %broadcast_in_dim3A_1 : vector<16xf32> to vector<16xf32>
    tpu.vector_store %arg5[%swap3A_11], %swap3A_14 {strides = array<i32>} : memref<128xf32, #tpu.memory_space<vmem>>, vector<16xf32>,
    %swap3A_15 = arith.constant 48 : index
    %swap3A_16 = tpu.vector_load %arg5[%swap3A_15] {strides = array<i32>} : memref<128xf32, #tpu.memory_space<vmem>>, vector<16xf32>,
    %swap3A_17 = vector.shape_cast %swap3A_16 : vector<16xf32> to vector<16xf32>
    %swap3A_18 = vector.shape_cast %broadcast_in_dim3A_1 : vector<16xf32> to vector<16xf32>
    tpu.vector_store %arg5[%swap3A_15], %swap3A_18 {strides = array<i32>} : memref<128xf32, #tpu.memory_space<vmem>>, vector<16xf32>,
    %swap3A_19 = arith.constant 64 : index
    %swap3A_20 = tpu.vector_load %arg5[%swap3A_19] {strides = array<i32>} : memref<128xf32, #tpu.memory_space<vmem>>, vector<16xf32>,
    %swap3A_21 = vector.shape_cast %swap3A_20 : vector<16xf32> to vector<16xf32>
    %swap3A_22 = vector.shape_cast %broadcast_in_dim3A_1 : vector<16xf32> to vector<16xf32>
    tpu.vector_store %arg5[%swap3A_19], %swap3A_22 {strides = array<i32>} : memref<128xf32, #tpu.memory_space<vmem>>, vector<16xf32>,
    %swap3A_23 = arith.constant 80 : index
    %swap3A_24 = tpu.vector_load %arg5[%swap3A_23] {strides = array<i32>} : memref<128xf32, #tpu.memory_space<vmem>>, vector<16xf32>,
    %swap3A_25 = vector.shape_cast %swap3A_24 : vector<16xf32> to vector<16xf32>
    %swap3A_26 = vector.shape_cast %broadcast_in_dim3A_1 : vector<16xf32> to vector<16xf32>
    tpu.vector_store %arg5[%swap3A_23], %swap3A_26 {strides = array<i32>} : memref<128xf32, #tpu.memory_space<vmem>>, vector<16xf32>,
    %swap3A_27 = arith.constant 96 : index
    %swap3A_28 = tpu.vector_load %arg5[%swap3A_27] {strides = array<i32>} : memref<128xf32, #tpu.memory_space<vmem>>, vector<16xf32>,
    %swap3A_29 = vector.shape_cast %swap3A_28 : vector<16xf32> to vector<16xf32>
    %swap3A_30 = vector.shape_cast %broadcast_in_dim3A_1 : vector<16xf32> to vector<16xf32>
    tpu.vector_store %arg5[%swap3A_27], %swap3A_30 {strides = array<i32>} : memref<128xf32, #tpu.memory_space<vmem>>, vector<16xf32>,
    %swap3A_31 = arith.constant 112 : index
    %swap3A_32 = tpu.vector_load %arg5[%swap3A_31] {strides = array<i32>} : memref<128xf32, #tpu.memory_space<vmem>>, vector<16xf32>,
    %swap3A_33 = vector.shape_cast %swap3A_32 : vector<16xf32> to vector<16xf32>
    %swap3A_34 = vector.shape_cast %broadcast_in_dim3A_1 : vector<16xf32> to vector<16xf32>
    tpu.vector_store %arg5[%swap3A_31], %swap3A_34 {strides = array<i32>} : memref<128xf32, #tpu.memory_space<vmem>>, vector<16xf32>,
    %swap3A_35 = arith.constant 0 : index
    %swap3A_36 = tpu.vector_load %arg6[%swap3A_35] {strides = array<i32>} : memref<640xf32, #tpu.memory_space<vmem>>, vector<16xf32>,
    %swap3A_37 = vector.shape_cast %swap3A_36 : vector<16xf32> to vector<16xf32>
    %swap3A_38 = vector.shape_cast %broadcast_in_dim3A_3 : vector<16xf32> to vector<16xf32>
    tpu.vector_store %arg6[%swap3A_35], %swap3A_38 {strides = array<i32>} : memref<640xf32, #tpu.memory_space<vmem>>, vector<16xf32>,
    %swap3A_39 = arith.constant 16 : index
    %swap3A_40 = tpu.vector_load %arg6[%swap3A_39] {strides = array<i32>} : memref<640xf32, #tpu.memory_space<vmem>>, vector<16xf32>,
    %swap3A_41 = vector.shape_cast %swap3A_40 : vector<16xf32> to vector<16xf32>
    %swap3A_42 = vector.shape_cast %broadcast_in_dim3A_3 : vector<16xf32> to vector<16xf32>
    tpu.vector_store %arg6[%swap3A_39], %swap3A_42 {strides = array<i32>} : memref<640xf32, #tpu.memory_space<vmem>>, vector<16xf32>,
    %swap3A_43 = arith.constant 32 : index
    %swap3A_44 = tpu.vector_load %arg6[%swap3A_43] {strides = array<i32>} : memref<640xf32, #tpu.memory_space<vmem>>, vector<16xf32>,
    %swap3A_45 = vector.shape_cast %swap3A_44 : vector<16xf32> to vector<16xf32>
    %swap3A_46 = vector.shape_cast %broadcast_in_dim3A_3 : vector<16xf32> to vector<16xf32>
    tpu.vector_store %arg6[%swap3A_43], %swap3A_46 {strides = array<i32>} : memref<640xf32, #tpu.memory_space<vmem>>, vector<16xf32>,
    %swap3A_47 = arith.constant 48 : index
    %swap3A_48 = tpu.vector_load %arg6[%swap3A_47] {strides = array<i32>} : memref<640xf32, #tpu.memory_space<vmem>>, vector<16xf32>,
    %swap3A_49 = vector.shape_cast %swap3A_48 : vector<16xf32> to vector<16xf32>
    %swap3A_50 = vector.shape_cast %broadcast_in_dim3A_3 : vector<16xf32> to vector<16xf32>
    tpu.vector_store %arg6[%swap3A_47], %swap3A_50 {strides = array<i32>} : memref<640xf32, #tpu.memory_space<vmem>>, vector<16xf32>,
    %swap3A_51 = arith.constant 64 : index
    %swap3A_52 = tpu.vector_load %arg6[%swap3A_51] {strides = array<i32>} : memref<640xf32, #tpu.memory_space<vmem>>, vector<16xf32>,
    %swap3A_53 = vector.shape_cast %swap3A_52 : vector<16xf32> to vector<16xf32>
    %swap3A_54 = vector.shape_cast %broadcast_in_dim3A_3 : vector<16xf32> to vector<16xf32>
    tpu.vector_store %arg6[%swap3A_51], %swap3A_54 {strides = array<i32>} : memref<640xf32, #tpu.memory_space<vmem>>, vector<16xf32>,
    %swap3A_55 = arith.constant 80 : index
    %swap3A_56 = tpu.vector_load %arg6[%swap3A_55] {strides = array<i32>} : memref<640xf32, #tpu.memory_space<vmem>>, vector<16xf32>,
    %swap3A_57 = vector.shape_cast %swap3A_56 : vector<16xf32> to vector<16xf32>
    %swap3A_58 = vector.shape_cast %broadcast_in_dim3A_3 : vector<16xf32> to vector<16xf32>
    tpu.vector_store %arg6[%swap3A_55], %swap3A_58 {strides = array<i32>} : memref<640xf32, #tpu.memory_space<vmem>>, vector<16xf32>,
    %swap3A_59 = arith.constant 96 : index
    %swap3A_60 = tpu.vector_load %arg6[%swap3A_59] {strides = array<i32>} : memref<640xf32, #tpu.memory_space<vmem>>, vector<16xf32>,
    %swap3A_61 = vector.shape_cast %swap3A_60 : vector<16xf32> to vector<16xf32>
    %swap3A_62 = vector.shape_cast %broadcast_in_dim3A_3 : vector<16xf32> to vector<16xf32>
    tpu.vector_store %arg6[%swap3A_59], %swap3A_62 {strides = array<i32>} : memref<640xf32, #tpu.memory_space<vmem>>, vector<16xf32>,
    %swap3A_63 = arith.constant 112 : index
    %swap3A_64 = tpu.vector_load %arg6[%swap3A_63] {strides = array<i32>} : memref<640xf32, #tpu.memory_space<vmem>>, vector<16xf32>,
    %swap3A_65 = vector.shape_cast %swap3A_64 : vector<16xf32> to vector<16xf32>
    %swap3A_66 = vector.shape_cast %broadcast_in_dim3A_3 : vector<16xf32> to vector<16xf32>
    tpu.vector_store %arg6[%swap3A_63], %swap3A_66 {strides = array<i32>} : memref<640xf32, #tpu.memory_space<vmem>>, vector<16xf32>,
    %swap3A_67 = arith.constant 128 : index
    %swap3A_68 = tpu.vector_load %arg6[%swap3A_67] {strides = array<i32>} : memref<640xf32, #tpu.memory_space<vmem>>, vector<16xf32>,
    %swap3A_69 = vector.shape_cast %swap3A_68 : vector<16xf32> to vector<16xf32>
    %swap3A_70 = vector.shape_cast %broadcast_in_dim3A_3 : vector<16xf32> to vector<16xf32>
    tpu.vector_store %arg6[%swap3A_67], %swap3A_70 {strides = array<i32>} : memref<640xf32, #tpu.memory_space<vmem>>, vector<16xf32>,
    %swap3A_71 = arith.constant 144 : index
    %swap3A_72 = tpu.vector_load %arg6[%swap3A_71] {strides = array<i32>} : memref<640xf32, #tpu.memory_space<vmem>>, vector<16xf32>,
    %swap3A_73 = vector.shape_cast %swap3A_72 : vector<16xf32> to vector<16xf32>
    %swap3A_74 = vector.shape_cast %broadcast_in_dim3A_3 : vector<16xf32> to vector<16xf32>
    tpu.vector_store %arg6[%swap3A_71], %swap3A_74 {strides = array<i32>} : memref<640xf32, #tpu.memory_space<vmem>>, vector<16xf32>,
    %swap3A_75 = arith.constant 160 : index
    %swap3A_76 = tpu.vector_load %arg6[%swap3A_75] {strides = array<i32>} : memref<640xf32, #tpu.memory_space<vmem>>, vector<16xf32>,
    %swap3A_77 = vector.shape_cast %swap3A_76 : vector<16xf32> to vector<16xf32>
    %swap3A_78 = vector.shape_cast %broadcast_in_dim3A_3 : vector<16xf32> to vector<16xf32>
    tpu.vector_store %arg6[%swap3A_75], %swap3A_78 {strides = array<i32>} : memref<640xf32, #tpu.memory_space<vmem>>, vector<16xf32>,
    %swap3A_79 = arith.constant 176 : index
    %swap3A_80 = tpu.vector_load %arg6[%swap3A_79] {strides = array<i32>} : memref<640xf32, #tpu.memory_space<vmem>>, vector<16xf32>,
    %swap3A_81 = vector.shape_cast %swap3A_80 : vector<16xf32> to vector<16xf32>
    %swap3A_82 = vector.shape_cast %broadcast_in_dim3A_3 : vector<16xf32> to vector<16xf32>
    tpu.vector_store %arg6[%swap3A_79], %swap3A_82 {strides = array<i32>} : memref<640xf32, #tpu.memory_space<vmem>>, vector<16xf32>,
    %swap3A_83 = arith.constant 192 : index
    %swap3A_84 = tpu.vector_load %arg6[%swap3A_83] {strides = array<i32>} : memref<640xf32, #tpu.memory_space<vmem>>, vector<16xf32>,
    %swap3A_85 = vector.shape_cast %swap3A_84 : vector<16xf32> to vector<16xf32>
    %swap3A_86 = vector.shape_cast %broadcast_in_dim3A_3 : vector<16xf32> to vector<16xf32>
    tpu.vector_store %arg6[%swap3A_83], %swap3A_86 {strides = array<i32>} : memref<640xf32, #tpu.memory_space<vmem>>, vector<16xf32>,
    %swap3A_87 = arith.constant 208 : index
    %swap3A_88 = tpu.vector_load %arg6[%swap3A_87] {strides = array<i32>} : memref<640xf32, #tpu.memory_space<vmem>>, vector<16xf32>,
    %swap3A_89 = vector.shape_cast %swap3A_88 : vector<16xf32> to vector<16xf32>
    %swap3A_90 = vector.shape_cast %broadcast_in_dim3A_3 : vector<16xf32> to vector<16xf32>
    tpu.vector_store %arg6[%swap3A_87], %swap3A_90 {strides = array<i32>} : memref<640xf32, #tpu.memory_space<vmem>>, vector<16xf32>,
    %swap3A_91 = arith.constant 224 : index
    %swap3A_92 = tpu.vector_load %arg6[%swap3A_91] {strides = array<i32>} : memref<640xf32, #tpu.memory_space<vmem>>, vector<16xf32>,
    %swap3A_93 = vector.shape_cast %swap3A_92 : vector<16xf32> to vector<16xf32>
    %swap3A_94 = vector.shape_cast %broadcast_in_dim3A_3 : vector<16xf32> to vector<16xf32>
    tpu.vector_store %arg6[%swap3A_91], %swap3A_94 {strides = array<i32>} : memref<640xf32, #tpu.memory_space<vmem>>, vector<16xf32>,
    %swap3A_95 = arith.constant 240 : index
    %swap3A_96 = tpu.vector_load %arg6[%swap3A_95] {strides = array<i32>} : memref<640xf32, #tpu.memory_space<vmem>>, vector<16xf32>,
    %swap3A_97 = vector.shape_cast %swap3A_96 : vector<16xf32> to vector<16xf32>
    %swap3A_98 = vector.shape_cast %broadcast_in_dim3A_3 : vector<16xf32> to vector<16xf32>
    tpu.vector_store %arg6[%swap3A_95], %swap3A_98 {strides = array<i32>} : memref<640xf32, #tpu.memory_space<vmem>>, vector<16xf32>,
    %swap3A_99 = arith.constant 256 : index
    %swap3A_100 = tpu.vector_load %arg6[%swap3A_99] {strides = array<i32>} : memref<640xf32, #tpu.memory_space<vmem>>, vector<16xf32>,
    %swap3A_101 = vector.shape_cast %swap3A_100 : vector<16xf32> to vector<16xf32>
    %swap3A_102 = vector.shape_cast %broadcast_in_dim3A_3 : vector<16xf32> to vector<16xf32>
    tpu.vector_store %arg6[%swap3A_99], %swap3A_102 {strides = array<i32>} : memref<640xf32, #tpu.memory_space<vmem>>, vector<16xf32>,
    %swap3A_103 = arith.constant 272 : index
    %swap3A_104 = tpu.vector_load %arg6[%swap3A_103] {strides = array<i32>} : memref<640xf32, #tpu.memory_space<vmem>>, vector<16xf32>,
    %swap3A_105 = vector.shape_cast %swap3A_104 : vector<16xf32> to vector<16xf32>
    %swap3A_106 = vector.shape_cast %broadcast_in_dim3A_3 : vector<16xf32> to vector<16xf32>
    tpu.vector_store %arg6[%swap3A_103], %swap3A_106 {strides = array<i32>} : memref<640xf32, #tpu.memory_space<vmem>>, vector<16xf32>,
    %swap3A_107 = arith.constant 288 : index
    %swap3A_108 = tpu.vector_load %arg6[%swap3A_107] {strides = array<i32>} : memref<640xf32, #tpu.memory_space<vmem>>, vector<16xf32>,
    %swap3A_109 = vector.shape_cast %swap3A_108 : vector<16xf32> to vector<16xf32>
    %swap3A_110 = vector.shape_cast %broadcast_in_dim3A_3 : vector<16xf32> to vector<16xf32>
    tpu.vector_store %arg6[%swap3A_107], %swap3A_110 {strides = array<i32>} : memref<640xf32, #tpu.memory_space<vmem>>, vector<16xf32>,
    %swap3A_111 = arith.constant 304 : index
    %swap3A_112 = tpu.vector_load %arg6[%swap3A_111] {strides = array<i32>} : memref<640xf32, #tpu.memory_space<vmem>>, vector<16xf32>,
    %swap3A_113 = vector.shape_cast %swap3A_112 : vector<16xf32> to vector<16xf32>
    %swap3A_114 = vector.shape_cast %broadcast_in_dim3A_3 : vector<16xf32> to vector<16xf32>
    tpu.vector_store %arg6[%swap3A_111], %swap3A_114 {strides = array<i32>} : memref<640xf32, #tpu.memory_space<vmem>>, vector<16xf32>,
    %swap3A_115 = arith.constant 320 : index
    %swap3A_116 = tpu.vector_load %arg6[%swap3A_115] {strides = array<i32>} : memref<640xf32, #tpu.memory_space<vmem>>, vector<16xf32>,
    %swap3A_117 = vector.shape_cast %swap3A_116 : vector<16xf32> to vector<16xf32>
    %swap3A_118 = vector.shape_cast %broadcast_in_dim3A_3 : vector<16xf32> to vector<16xf32>
    tpu.vector_store %arg6[%swap3A_115], %swap3A_118 {strides = array<i32>} : memref<640xf32, #tpu.memory_space<vmem>>, vector<16xf32>,
    %swap3A_119 = arith.constant 336 : index
    %swap3A_120 = tpu.vector_load %arg6[%swap3A_119] {strides = array<i32>} : memref<640xf32, #tpu.memory_space<vmem>>, vector<16xf32>,
    %swap3A_121 = vector.shape_cast %swap3A_120 : vector<16xf32> to vector<16xf32>
    %swap3A_122 = vector.shape_cast %broadcast_in_dim3A_3 : vector<16xf32> to vector<16xf32>
    tpu.vector_store %arg6[%swap3A_119], %swap3A_122 {strides = array<i32>} : memref<640xf32, #tpu.memory_space<vmem>>, vector<16xf32>,
    %swap3A_123 = arith.constant 352 : index
    %swap3A_124 = tpu.vector_load %arg6[%swap3A_123] {strides = array<i32>} : memref<640xf32, #tpu.memory_space<vmem>>, vector<16xf32>,
    %swap3A_125 = vector.shape_cast %swap3A_124 : vector<16xf32> to vector<16xf32>
    %swap3A_126 = vector.shape_cast %broadcast_in_dim3A_3 : vector<16xf32> to vector<16xf32>
    tpu.vector_store %arg6[%swap3A_123], %swap3A_126 {strides = array<i32>} : memref<640xf32, #tpu.memory_space<vmem>>, vector<16xf32>,
    %swap3A_127 = arith.constant 368 : index
    %swap3A_128 = tpu.vector_load %arg6[%swap3A_127] {strides = array<i32>} : memref<640xf32, #tpu.memory_space<vmem>>, vector<16xf32>,
    %swap3A_129 = vector.shape_cast %swap3A_128 : vector<16xf32> to vector<16xf32>
    %swap3A_130 = vector.shape_cast %broadcast_in_dim3A_3 : vector<16xf32> to vector<16xf32>
    tpu.vector_store %arg6[%swap3A_127], %swap3A_130 {strides = array<i32>} : memref<640xf32, #tpu.memory_space<vmem>>, vector<16xf32>,
    %swap3A_131 = arith.constant 384 : index
    %swap3A_132 = tpu.vector_load %arg6[%swap3A_131] {strides = array<i32>} : memref<640xf32, #tpu.memory_space<vmem>>, vector<16xf32>,
    %swap3A_133 = vector.shape_cast %swap3A_132 : vector<16xf32> to vector<16xf32>
    %swap3A_134 = vector.shape_cast %broadcast_in_dim3A_3 : vector<16xf32> to vector<16xf32>
    tpu.vector_store %arg6[%swap3A_131], %swap3A_134 {strides = array<i32>} : memref<640xf32, #tpu.memory_space<vmem>>, vector<16xf32>,
    %swap3A_135 = arith.constant 400 : index
    %swap3A_136 = tpu.vector_load %arg6[%swap3A_135] {strides = array<i32>} : memref<640xf32, #tpu.memory_space<vmem>>, vector<16xf32>,
    %swap3A_137 = vector.shape_cast %swap3A_136 : vector<16xf32> to vector<16xf32>
    %swap3A_138 = vector.shape_cast %broadcast_in_dim3A_3 : vector<16xf32> to vector<16xf32>
    tpu.vector_store %arg6[%swap3A_135], %swap3A_138 {strides = array<i32>} : memref<640xf32, #tpu.memory_space<vmem>>, vector<16xf32>,
    %swap3A_139 = arith.constant 416 : index
    %swap3A_140 = tpu.vector_load %arg6[%swap3A_139] {strides = array<i32>} : memref<640xf32, #tpu.memory_space<vmem>>, vector<16xf32>,
    %swap3A_141 = vector.shape_cast %swap3A_140 : vector<16xf32> to vector<16xf32>
    %swap3A_142 = vector.shape_cast %broadcast_in_dim3A_3 : vector<16xf32> to vector<16xf32>
    tpu.vector_store %arg6[%swap3A_139], %swap3A_142 {strides = array<i32>} : memref<640xf32, #tpu.memory_space<vmem>>, vector<16xf32>,
    %swap3A_143 = arith.constant 432 : index
    %swap3A_144 = tpu.vector_load %arg6[%swap3A_143] {strides = array<i32>} : memref<640xf32, #tpu.memory_space<vmem>>, vector<16xf32>,
    %swap3A_145 = vector.shape_cast %swap3A_144 : vector<16xf32> to vector<16xf32>
    %swap3A_146 = vector.shape_cast %broadcast_in_dim3A_3 : vector<16xf32> to vector<16xf32>
    tpu.vector_store %arg6[%swap3A_143], %swap3A_146 {strides = array<i32>} : memref<640xf32, #tpu.memory_space<vmem>>, vector<16xf32>,
    %swap3A_147 = arith.constant 448 : index
    %swap3A_148 = tpu.vector_load %arg6[%swap3A_147] {strides = array<i32>} : memref<640xf32, #tpu.memory_space<vmem>>, vector<16xf32>,
    %swap3A_149 = vector.shape_cast %swap3A_148 : vector<16xf32> to vector<16xf32>
    %swap3A_150 = vector.shape_cast %broadcast_in_dim3A_3 : vector<16xf32> to vector<16xf32>
    tpu.vector_store %arg6[%swap3A_147], %swap3A_150 {strides = array<i32>} : memref<640xf32, #tpu.memory_space<vmem>>, vector<16xf32>,
    %swap3A_151 = arith.constant 464 : index
    %swap3A_152 = tpu.vector_load %arg6[%swap3A_151] {strides = array<i32>} : memref<640xf32, #tpu.memory_space<vmem>>, vector<16xf32>,
    %swap3A_153 = vector.shape_cast %swap3A_152 : vector<16xf32> to vector<16xf32>
    %swap3A_154 = vector.shape_cast %broadcast_in_dim3A_3 : vector<16xf32> to vector<16xf32>
    tpu.vector_store %arg6[%swap3A_151], %swap3A_154 {strides = array<i32>} : memref<640xf32, #tpu.memory_space<vmem>>, vector<16xf32>,
    %swap3A_155 = arith.constant 480 : index
    %swap3A_156 = tpu.vector_load %arg6[%swap3A_155] {strides = array<i32>} : memref<640xf32, #tpu.memory_space<vmem>>, vector<16xf32>,
    %swap3A_157 = vector.shape_cast %swap3A_156 : vector<16xf32> to vector<16xf32>
    %swap3A_158 = vector.shape_cast %broadcast_in_dim3A_3 : vector<16xf32> to vector<16xf32>
    tpu.vector_store %arg6[%swap3A_155], %swap3A_158 {strides = array<i32>} : memref<640xf32, #tpu.memory_space<vmem>>, vector<16xf32>,
    %swap3A_159 = arith.constant 496 : index
    %swap3A_160 = tpu.vector_load %arg6[%swap3A_159] {strides = array<i32>} : memref<640xf32, #tpu.memory_space<vmem>>, vector<16xf32>,
    %swap3A_161 = vector.shape_cast %swap3A_160 : vector<16xf32> to vector<16xf32>
    %swap3A_162 = vector.shape_cast %broadcast_in_dim3A_3 : vector<16xf32> to vector<16xf32>
    tpu.vector_store %arg6[%swap3A_159], %swap3A_162 {strides = array<i32>} : memref<640xf32, #tpu.memory_space<vmem>>, vector<16xf32>,
    %swap3A_163 = arith.constant 512 : index
    %swap3A_164 = tpu.vector_load %arg6[%swap3A_163] {strides = array<i32>} : memref<640xf32, #tpu.memory_space<vmem>>, vector<16xf32>,
    %swap3A_165 = vector.shape_cast %swap3A_164 : vector<16xf32> to vector<16xf32>
    %swap3A_166 = vector.shape_cast %broadcast_in_dim3A_3 : vector<16xf32> to vector<16xf32>
    tpu.vector_store %arg6[%swap3A_163], %swap3A_166 {strides = array<i32>} : memref<640xf32, #tpu.memory_space<vmem>>, vector<16xf32>,
    %swap3A_167 = arith.constant 528 : index
    %swap3A_168 = tpu.vector_load %arg6[%swap3A_167] {strides = array<i32>} : memref<640xf32, #tpu.memory_space<vmem>>, vector<16xf32>,
    %swap3A_169 = vector.shape_cast %swap3A_168 : vector<16xf32> to vector<16xf32>
    %swap3A_170 = vector.shape_cast %broadcast_in_dim3A_3 : vector<16xf32> to vector<16xf32>
    tpu.vector_store %arg6[%swap3A_167], %swap3A_170 {strides = array<i32>} : memref<640xf32, #tpu.memory_space<vmem>>, vector<16xf32>,
    %swap3A_171 = arith.constant 544 : index
    %swap3A_172 = tpu.vector_load %arg6[%swap3A_171] {strides = array<i32>} : memref<640xf32, #tpu.memory_space<vmem>>, vector<16xf32>,
    %swap3A_173 = vector.shape_cast %swap3A_172 : vector<16xf32> to vector<16xf32>
    %swap3A_174 = vector.shape_cast %broadcast_in_dim3A_3 : vector<16xf32> to vector<16xf32>
    tpu.vector_store %arg6[%swap3A_171], %swap3A_174 {strides = array<i32>} : memref<640xf32, #tpu.memory_space<vmem>>, vector<16xf32>,
    %swap3A_175 = arith.constant 560 : index
    %swap3A_176 = tpu.vector_load %arg6[%swap3A_175] {strides = array<i32>} : memref<640xf32, #tpu.memory_space<vmem>>, vector<16xf32>,
    %swap3A_177 = vector.shape_cast %swap3A_176 : vector<16xf32> to vector<16xf32>
    %swap3A_178 = vector.shape_cast %broadcast_in_dim3A_3 : vector<16xf32> to vector<16xf32>
    tpu.vector_store %arg6[%swap3A_175], %swap3A_178 {strides = array<i32>} : memref<640xf32, #tpu.memory_space<vmem>>, vector<16xf32>,
    %swap3A_179 = arith.constant 576 : index
    %swap3A_180 = tpu.vector_load %arg6[%swap3A_179] {strides = array<i32>} : memref<640xf32, #tpu.memory_space<vmem>>, vector<16xf32>,
    %swap3A_181 = vector.shape_cast %swap3A_180 : vector<16xf32> to vector<16xf32>
    %swap3A_182 = vector.shape_cast %broadcast_in_dim3A_3 : vector<16xf32> to vector<16xf32>
    tpu.vector_store %arg6[%swap3A_179], %swap3A_182 {strides = array<i32>} : memref<640xf32, #tpu.memory_space<vmem>>, vector<16xf32>,
    %swap3A_183 = arith.constant 592 : index
    %swap3A_184 = tpu.vector_load %arg6[%swap3A_183] {strides = array<i32>} : memref<640xf32, #tpu.memory_space<vmem>>, vector<16xf32>,
    %swap3A_185 = vector.shape_cast %swap3A_184 : vector<16xf32> to vector<16xf32>
    %swap3A_186 = vector.shape_cast %broadcast_in_dim3A_3 : vector<16xf32> to vector<16xf32>
    tpu.vector_store %arg6[%swap3A_183], %swap3A_186 {strides = array<i32>} : memref<640xf32, #tpu.memory_space<vmem>>, vector<16xf32>,
    %swap3A_187 = arith.constant 608 : index
    %swap3A_188 = tpu.vector_load %arg6[%swap3A_187] {strides = array<i32>} : memref<640xf32, #tpu.memory_space<vmem>>, vector<16xf32>,
    %swap3A_189 = vector.shape_cast %swap3A_188 : vector<16xf32> to vector<16xf32>
    %swap3A_190 = vector.shape_cast %broadcast_in_dim3A_3 : vector<16xf32> to vector<16xf32>
    tpu.vector_store %arg6[%swap3A_187], %swap3A_190 {strides = array<i32>} : memref<640xf32, #tpu.memory_space<vmem>>, vector<16xf32>,
    %swap3A_191 = arith.constant 624 : index
    %swap3A_192 = tpu.vector_load %arg6[%swap3A_191] {strides = array<i32>} : memref<640xf32, #tpu.memory_space<vmem>>, vector<16xf32>,
    %swap3A_193 = vector.shape_cast %swap3A_192 : vector<16xf32> to vector<16xf32>
    %swap3A_194 = vector.shape_cast %broadcast_in_dim3A_3 : vector<16xf32> to vector<16xf32>
    tpu.vector_store %arg6[%swap3A_191], %swap3A_194 {strides = array<i32>} : memref<640xf32, #tpu.memory_space<vmem>>, vector<16xf32>,
    %mul3A_195 = arith.constant 624 : i32
    %mul3A_196 = arith.muli %arg1, %mul3A_195 : i32
    "tpu.region"() ({
      %run_scoped3A = tpu.sem_alloc : memref<!tpu.dma_semaphore, #tpu.memory_space<semaphore_mem>>
      %dma_start3A = arith.constant 0 : i32
      %dma_start3A_216 = tpu.memref_slice %arg6[%dma_start3A] : memref<640xf32, #tpu.memory_space<vmem>> -> memref<624xf32, #tpu.memory_space<vmem>>
      %dma_start3A_217 = tpu.memref_slice %arg7[%mul3A_196] : memref<10016xf32, #tpu.memory_space<vmem_shared>> -> memref<624xf32, #tpu.memory_space<vmem_shared>>
      %dma_start3A_218 = tpu.memref_slice %arg7[%mul3A_196] : memref<10016xf32, #tpu.memory_space<vmem_shared>> -> memref<624xf32, #tpu.memory_space<vmem_shared>>
      %dma_start3A_219 = arith.constant 0 : i32
      %dma_start3A_220 = tpu.memref_slice %arg6[%dma_start3A_219] : memref<640xf32, #tpu.memory_space<vmem>> -> memref<624xf32, #tpu.memory_space<vmem>>
      tpu.enqueue_dma source(%dma_start3A_220 : memref<624xf32, #tpu.memory_space<vmem>>) target(%dma_start3A_218 : memref<624xf32, #tpu.memory_space<vmem_shared>>) target_semaphore(%run_scoped3A : memref<!tpu.dma_semaphore, #tpu.memory_space<semaphore_mem>>)
      %dma_wait3A = arith.constant 0 : i32
      %dma_wait3A_221 = tpu.memref_slice %arg6[%dma_wait3A] : memref<640xf32, #tpu.memory_space<vmem>> -> memref<624xf32, #tpu.memory_space<vmem>>
      %dma_wait3A_222 = tpu.memref_slice %arg7[%mul3A_196] : memref<10016xf32, #tpu.memory_space<vmem_shared>> -> memref<624xf32, #tpu.memory_space<vmem_shared>>
      %dma_wait3A_223 = tpu.memref_slice %arg7[%mul3A_196] : memref<10016xf32, #tpu.memory_space<vmem_shared>> -> memref<624xf32, #tpu.memory_space<vmem_shared>>
      %dma_wait3A_224 = arith.constant 0 : i32
      %dma_wait3A_225 = tpu.memref_slice %arg6[%dma_wait3A_224] : memref<640xf32, #tpu.memory_space<vmem>> -> memref<624xf32, #tpu.memory_space<vmem>>
      tpu.wait_dma2 semaphore(%run_scoped3A : memref<!tpu.dma_semaphore, #tpu.memory_space<semaphore_mem>>) src(%dma_wait3A_225 : memref<624xf32, #tpu.memory_space<vmem>>) dst(%dma_wait3A_223 : memref<624xf32, #tpu.memory_space<vmem_shared>>)
      tpu.yield
    }) : () -> ()
    %eq3A = arith.constant 15 : i32
    %eq3A_197 = arith.cmpi eq, %arg1, %eq3A : i32
    %convert_element_type3A = arith.extui %eq3A_197 : i1 to i32
    %cond3A = arith.constant 0 : i32
    %cond3A_198 = arith.cmpi ne, %convert_element_type3A, %cond3A : i32
    scf.if %cond3A_198 {
      "tpu.region"() ({
        %run_scoped3A = tpu.sem_alloc : memref<!tpu.dma_semaphore, #tpu.memory_space<semaphore_mem>>
        %dma_start3A = arith.constant 0 : i32
        %dma_start3A_216 = tpu.memref_slice %arg6[%dma_start3A] : memref<640xf32, #tpu.memory_space<vmem>> -> memref<16xf32, #tpu.memory_space<vmem>>
        %dma_start3A_217 = arith.constant 9984 : i32
        %dma_start3A_218 = tpu.memref_slice %arg7[%dma_start3A_217] : memref<10016xf32, #tpu.memory_space<vmem_shared>> -> memref<16xf32, #tpu.memory_space<vmem_shared>>
        %dma_start3A_219 = arith.constant 9984 : i32
        %dma_start3A_220 = tpu.memref_slice %arg7[%dma_start3A_219] : memref<10016xf32, #tpu.memory_space<vmem_shared>> -> memref<16xf32, #tpu.memory_space<vmem_shared>>
        %dma_start3A_221 = arith.constant 0 : i32
        %dma_start3A_222 = tpu.memref_slice %arg6[%dma_start3A_221] : memref<640xf32, #tpu.memory_space<vmem>> -> memref<16xf32, #tpu.memory_space<vmem>>
        tpu.enqueue_dma source(%dma_start3A_222 : memref<16xf32, #tpu.memory_space<vmem>>) target(%dma_start3A_220 : memref<16xf32, #tpu.memory_space<vmem_shared>>) target_semaphore(%run_scoped3A : memref<!tpu.dma_semaphore, #tpu.memory_space<semaphore_mem>>)
        %dma_wait3A = arith.constant 0 : i32
        %dma_wait3A_223 = tpu.memref_slice %arg6[%dma_wait3A] : memref<640xf32, #tpu.memory_space<vmem>> -> memref<16xf32, #tpu.memory_space<vmem>>
        %dma_wait3A_224 = arith.constant 9984 : i32
        %dma_wait3A_225 = tpu.memref_slice %arg7[%dma_wait3A_224] : memref<10016xf32, #tpu.memory_space<vmem_shared>> -> memref<16xf32, #tpu.memory_space<vmem_shared>>
        %dma_wait3A_226 = arith.constant 9984 : i32
        %dma_wait3A_227 = tpu.memref_slice %arg7[%dma_wait3A_226] : memref<10016xf32, #tpu.memory_space<vmem_shared>> -> memref<16xf32, #tpu.memory_space<vmem_shared>>
        %dma_wait3A_228 = arith.constant 0 : i32
        %dma_wait3A_229 = tpu.memref_slice %arg6[%dma_wait3A_228] : memref<640xf32, #tpu.memory_space<vmem>> -> memref<16xf32, #tpu.memory_space<vmem>>
        tpu.wait_dma2 semaphore(%run_scoped3A : memref<!tpu.dma_semaphore, #tpu.memory_space<semaphore_mem>>) src(%dma_wait3A_229 : memref<16xf32, #tpu.memory_space<vmem>>) dst(%dma_wait3A_227 : memref<16xf32, #tpu.memory_space<vmem_shared>>)
        tpu.yield
      }) : () -> ()
      "tpu.region"() ({
        %run_scoped3A = tpu.sem_alloc : memref<!tpu.dma_semaphore, #tpu.memory_space<semaphore_mem>>
        %dma_start3A = arith.constant 16 : i32
        %dma_start3A_216 = tpu.memref_slice %arg6[%dma_start3A] : memref<640xf32, #tpu.memory_space<vmem>> -> memref<16xf32, #tpu.memory_space<vmem>>
        %dma_start3A_217 = arith.constant 10000 : i32
        %dma_start3A_218 = tpu.memref_slice %arg7[%dma_start3A_217] : memref<10016xf32, #tpu.memory_space<vmem_shared>> -> memref<16xf32, #tpu.memory_space<vmem_shared>>
        %dma_start3A_219 = arith.constant 10000 : i32
        %dma_start3A_220 = tpu.memref_slice %arg7[%dma_start3A_219] : memref<10016xf32, #tpu.memory_space<vmem_shared>> -> memref<16xf32, #tpu.memory_space<vmem_shared>>
        %dma_start3A_221 = arith.constant 16 : i32
        %dma_start3A_222 = tpu.memref_slice %arg6[%dma_start3A_221] : memref<640xf32, #tpu.memory_space<vmem>> -> memref<16xf32, #tpu.memory_space<vmem>>
        tpu.enqueue_dma source(%dma_start3A_222 : memref<16xf32, #tpu.memory_space<vmem>>) target(%dma_start3A_220 : memref<16xf32, #tpu.memory_space<vmem_shared>>) target_semaphore(%run_scoped3A : memref<!tpu.dma_semaphore, #tpu.memory_space<semaphore_mem>>)
        %dma_wait3A = arith.constant 16 : i32
        %dma_wait3A_223 = tpu.memref_slice %arg6[%dma_wait3A] : memref<640xf32, #tpu.memory_space<vmem>> -> memref<16xf32, #tpu.memory_space<vmem>>
        %dma_wait3A_224 = arith.constant 10000 : i32
        %dma_wait3A_225 = tpu.memref_slice %arg7[%dma_wait3A_224] : memref<10016xf32, #tpu.memory_space<vmem_shared>> -> memref<16xf32, #tpu.memory_space<vmem_shared>>
        %dma_wait3A_226 = arith.constant 10000 : i32
        %dma_wait3A_227 = tpu.memref_slice %arg7[%dma_wait3A_226] : memref<10016xf32, #tpu.memory_space<vmem_shared>> -> memref<16xf32, #tpu.memory_space<vmem_shared>>
        %dma_wait3A_228 = arith.constant 16 : i32
        %dma_wait3A_229 = tpu.memref_slice %arg6[%dma_wait3A_228] : memref<640xf32, #tpu.memory_space<vmem>> -> memref<16xf32, #tpu.memory_space<vmem>>
        tpu.wait_dma2 semaphore(%run_scoped3A : memref<!tpu.dma_semaphore, #tpu.memory_space<semaphore_mem>>) src(%dma_wait3A_229 : memref<16xf32, #tpu.memory_space<vmem>>) dst(%dma_wait3A_227 : memref<16xf32, #tpu.memory_space<vmem_shared>>)
        tpu.yield
      }) : () -> ()
    } else {
    }
    %mul3A_199 = arith.constant 80 : i32
    %mul3A_200 = arith.muli %add3A, %mul3A_199 : i32
    "tpu.region"() ({
      %run_scoped3A = tpu.sem_alloc : memref<!tpu.dma_semaphore, #tpu.memory_space<semaphore_mem>>
      %dma_start3A = arith.constant 0 : i32
      %dma_start3A_216 = tpu.memref_slice %arg2[%mul3A_200, %dma_start3A] : memref<2560x128xi32, #tpu.memory_space<hbm>> -> memref<80x128xi32, #tpu.memory_space<hbm>>
      %dma_start3A_217 = arith.constant 0 : i32
      %dma_start3A_218 = tpu.memref_slice %arg2[%mul3A_200, %dma_start3A_217] : memref<2560x128xi32, #tpu.memory_space<hbm>> -> memref<80x128xi32, #tpu.memory_space<hbm>>
      tpu.enqueue_dma source(%dma_start3A_218 : memref<80x128xi32, #tpu.memory_space<hbm>>) target(%arg4 : memref<80x128xi32, #tpu.memory_space<vmem>>) target_semaphore(%run_scoped3A : memref<!tpu.dma_semaphore, #tpu.memory_space<semaphore_mem>>)
      %dma_wait3A = arith.constant 0 : i32
      %dma_wait3A_219 = tpu.memref_slice %arg2[%mul3A_200, %dma_wait3A] : memref<2560x128xi32, #tpu.memory_space<hbm>> -> memref<80x128xi32, #tpu.memory_space<hbm>>
      %dma_wait3A_220 = arith.constant 0 : i32
      %dma_wait3A_221 = tpu.memref_slice %arg2[%mul3A_200, %dma_wait3A_220] : memref<2560x128xi32, #tpu.memory_space<hbm>> -> memref<80x128xi32, #tpu.memory_space<hbm>>
      tpu.wait_dma2 semaphore(%run_scoped3A : memref<!tpu.dma_semaphore, #tpu.memory_space<semaphore_mem>>) src(%dma_wait3A_221 : memref<80x128xi32, #tpu.memory_space<hbm>>) dst(%arg4 : memref<80x128xi32, #tpu.memory_space<vmem>>)
      tpu.yield
    }) : () -> ()
    %barrier3A = arith.constant 0 : index
    tpu.barrier barrier_id(%barrier3A)
    %scan3A = arith.constant 0 : i32
    %scan3A_201 = arith.constant 0 : i32
    %scan3A_202 = arith.constant 80 : i32
    %scan3A_203 = arith.addi %scan3A_201, %scan3A_202 : i32
    %scan3A_204 = arith.constant 1 : i32
    %scan3A_205 = scf.for %scan3A_216 = %scan3A_201 to %scan3A_203 step %scan3A_204 iter_args(%scan3A_217 = %scan3A) -> (i32)  : i32 {
      "tpu.region"() ({
        %run_scoped3A = tpu.sem_alloc : memref<!tpu.dma_semaphore, #tpu.memory_space<semaphore_mem>>
        %dma_start3A = arith.constant 0 : i32
        %dma_start3A_219 = tpu.memref_slice %arg4[%scan3A_216, %dma_start3A] : memref<80x128xi32, #tpu.memory_space<vmem>> -> memref<1x128xi32, #tpu.memory_space<vmem>>
        %dma_start3A_220 = tpu.memref_squeeze %dma_start3A_219 : memref<1x128xi32, #tpu.memory_space<vmem>> -> memref<128xi32, #tpu.memory_space<vmem>>
        %dma_start3A_221 = arith.constant 0 : i32
        %dma_start3A_222 = tpu.memref_slice %arg7[%dma_start3A_221] : memref<10016xf32, #tpu.memory_space<vmem_shared>> -> memref<10016xf32, #tpu.memory_space<vmem_shared>>
        tpu.enqueue_indirect_dma source(%arg5 : memref<128xf32, #tpu.memory_space<vmem>>) target(%dma_start3A_222 : memref<10016xf32, #tpu.memory_space<vmem_shared>>) offsets(%dma_start3A_220 : memref<128xi32, #tpu.memory_space<vmem>>) semaphore(%run_scoped3A : memref<!tpu.dma_semaphore, #tpu.memory_space<semaphore_mem>>) {add = true}
        %dma_wait3A = arith.constant 0 : i32
        %dma_wait3A_223 = tpu.memref_slice %arg4[%scan3A_216, %dma_wait3A] : memref<80x128xi32, #tpu.memory_space<vmem>> -> memref<1x128xi32, #tpu.memory_space<vmem>>
        %dma_wait3A_224 = tpu.memref_squeeze %dma_wait3A_223 : memref<1x128xi32, #tpu.memory_space<vmem>> -> memref<128xi32, #tpu.memory_space<vmem>>
        %dma_wait3A_225 = arith.constant 0 : i32
        %dma_wait3A_226 = tpu.memref_slice %arg7[%dma_wait3A_225] : memref<10016xf32, #tpu.memory_space<vmem_shared>> -> memref<10016xf32, #tpu.memory_space<vmem_shared>>
        tpu.wait_indirect_dma semaphore(%run_scoped3A : memref<!tpu.dma_semaphore, #tpu.memory_space<semaphore_mem>>) src(%arg5 : memref<128xf32, #tpu.memory_space<vmem>>) dst(%dma_wait3A_226 : memref<10016xf32, #tpu.memory_space<vmem_shared>>)
        tpu.yield
      }) : () -> ()
      %scan3A_218 = arith.constant 0 : i32
      scf.yield %scan3A_218 : i32
    }
    %scan3A_206 = arith.constant 80 : i32
    %barrier3A_207 = arith.constant 0 : index
    tpu.barrier barrier_id(%barrier3A_207)
    "tpu.region"() ({
      %run_scoped3A = tpu.sem_alloc : memref<!tpu.dma_semaphore, #tpu.memory_space<semaphore_mem>>
      %dma_start3A = arith.constant 0 : i32
      %dma_start3A_216 = tpu.memref_slice %arg6[%dma_start3A] : memref<640xf32, #tpu.memory_space<vmem>> -> memref<624xf32, #tpu.memory_space<vmem>>
      %dma_start3A_217 = tpu.memref_slice %arg7[%mul3A_196] : memref<10016xf32, #tpu.memory_space<vmem_shared>> -> memref<624xf32, #tpu.memory_space<vmem_shared>>
      %dma_start3A_218 = arith.constant 0 : i32
      %dma_start3A_219 = tpu.memref_slice %arg6[%dma_start3A_218] : memref<640xf32, #tpu.memory_space<vmem>> -> memref<624xf32, #tpu.memory_space<vmem>>
      %dma_start3A_220 = tpu.memref_slice %arg7[%mul3A_196] : memref<10016xf32, #tpu.memory_space<vmem_shared>> -> memref<624xf32, #tpu.memory_space<vmem_shared>>
      tpu.enqueue_dma source(%dma_start3A_220 : memref<624xf32, #tpu.memory_space<vmem_shared>>) target(%dma_start3A_219 : memref<624xf32, #tpu.memory_space<vmem>>) target_semaphore(%run_scoped3A : memref<!tpu.dma_semaphore, #tpu.memory_space<semaphore_mem>>)
      %dma_wait3A = arith.constant 0 : i32
      %dma_wait3A_221 = tpu.memref_slice %arg6[%dma_wait3A] : memref<640xf32, #tpu.memory_space<vmem>> -> memref<624xf32, #tpu.memory_space<vmem>>
      %dma_wait3A_222 = tpu.memref_slice %arg7[%mul3A_196] : memref<10016xf32, #tpu.memory_space<vmem_shared>> -> memref<624xf32, #tpu.memory_space<vmem_shared>>
      %dma_wait3A_223 = arith.constant 0 : i32
      %dma_wait3A_224 = tpu.memref_slice %arg6[%dma_wait3A_223] : memref<640xf32, #tpu.memory_space<vmem>> -> memref<624xf32, #tpu.memory_space<vmem>>
      %dma_wait3A_225 = tpu.memref_slice %arg7[%mul3A_196] : memref<10016xf32, #tpu.memory_space<vmem_shared>> -> memref<624xf32, #tpu.memory_space<vmem_shared>>
      tpu.wait_dma2 semaphore(%run_scoped3A : memref<!tpu.dma_semaphore, #tpu.memory_space<semaphore_mem>>) src(%dma_wait3A_225 : memref<624xf32, #tpu.memory_space<vmem_shared>>) dst(%dma_wait3A_224 : memref<624xf32, #tpu.memory_space<vmem>>)
      tpu.yield
    }) : () -> ()
    %mul3A_208 = arith.constant 10000 : i32
    %mul3A_209 = arith.muli %arg0, %mul3A_208 : i32
    %add3A_210 = arith.addi %mul3A_209, %mul3A_196 : i32
    "tpu.region"() ({
      %run_scoped3A = tpu.sem_alloc : memref<!tpu.dma_semaphore, #tpu.memory_space<semaphore_mem>>
      %dma_start3A = arith.constant 0 : i32
      %dma_start3A_216 = tpu.memref_slice %arg6[%dma_start3A] : memref<640xf32, #tpu.memory_space<vmem>> -> memref<624xf32, #tpu.memory_space<vmem>>
      %dma_start3A_217 = tpu.memref_slice %arg3[%add3A_210] : memref<20000xf32, #tpu.memory_space<hbm>> -> memref<624xf32, #tpu.memory_space<hbm>>
      %dma_start3A_218 = tpu.memref_slice %arg3[%add3A_210] : memref<20000xf32, #tpu.memory_space<hbm>> -> memref<624xf32, #tpu.memory_space<hbm>>
      %dma_start3A_219 = arith.constant 0 : i32
      %dma_start3A_220 = tpu.memref_slice %arg6[%dma_start3A_219] : memref<640xf32, #tpu.memory_space<vmem>> -> memref<624xf32, #tpu.memory_space<vmem>>
      tpu.enqueue_dma source(%dma_start3A_220 : memref<624xf32, #tpu.memory_space<vmem>>) target(%dma_start3A_218 : memref<624xf32, #tpu.memory_space<hbm>>) target_semaphore(%run_scoped3A : memref<!tpu.dma_semaphore, #tpu.memory_space<semaphore_mem>>)
      %dma_wait3A = arith.constant 0 : i32
      %dma_wait3A_221 = tpu.memref_slice %arg6[%dma_wait3A] : memref<640xf32, #tpu.memory_space<vmem>> -> memref<624xf32, #tpu.memory_space<vmem>>
      %dma_wait3A_222 = tpu.memref_slice %arg3[%add3A_210] : memref<20000xf32, #tpu.memory_space<hbm>> -> memref<624xf32, #tpu.memory_space<hbm>>
      %dma_wait3A_223 = tpu.memref_slice %arg3[%add3A_210] : memref<20000xf32, #tpu.memory_space<hbm>> -> memref<624xf32, #tpu.memory_space<hbm>>
      %dma_wait3A_224 = arith.constant 0 : i32
      %dma_wait3A_225 = tpu.memref_slice %arg6[%dma_wait3A_224] : memref<640xf32, #tpu.memory_space<vmem>> -> memref<624xf32, #tpu.memory_space<vmem>>
      tpu.wait_dma2 semaphore(%run_scoped3A : memref<!tpu.dma_semaphore, #tpu.memory_space<semaphore_mem>>) src(%dma_wait3A_225 : memref<624xf32, #tpu.memory_space<vmem>>) dst(%dma_wait3A_223 : memref<624xf32, #tpu.memory_space<hbm>>)
      tpu.yield
    }) : () -> ()
    %eq3A_211 = arith.constant 15 : i32
    %eq3A_212 = arith.cmpi eq, %arg1, %eq3A_211 : i32
    %convert_element_type3A_213 = arith.extui %eq3A_212 : i1 to i32
    %cond3A_214 = arith.constant 0 : i32
    %cond3A_215 = arith.cmpi ne, %convert_element_type3A_213, %cond3A_214 : i32
    scf.if %cond3A_215 {
      "tpu.region"() ({
        %run_scoped3A = tpu.sem_alloc : memref<!tpu.dma_semaphore, #tpu.memory_space<semaphore_mem>>
        %dma_start3A = arith.constant 624 : i32
        %dma_start3A_220 = tpu.memref_slice %arg6[%dma_start3A] : memref<640xf32, #tpu.memory_space<vmem>> -> memref<16xf32, #tpu.memory_space<vmem>>
        %dma_start3A_221 = arith.constant 9984 : i32
        %dma_start3A_222 = tpu.memref_slice %arg7[%dma_start3A_221] : memref<10016xf32, #tpu.memory_space<vmem_shared>> -> memref<16xf32, #tpu.memory_space<vmem_shared>>
        %dma_start3A_223 = arith.constant 624 : i32
        %dma_start3A_224 = tpu.memref_slice %arg6[%dma_start3A_223] : memref<640xf32, #tpu.memory_space<vmem>> -> memref<16xf32, #tpu.memory_space<vmem>>
        %dma_start3A_225 = arith.constant 9984 : i32
        %dma_start3A_226 = tpu.memref_slice %arg7[%dma_start3A_225] : memref<10016xf32, #tpu.memory_space<vmem_shared>> -> memref<16xf32, #tpu.memory_space<vmem_shared>>
        tpu.enqueue_dma source(%dma_start3A_226 : memref<16xf32, #tpu.memory_space<vmem_shared>>) target(%dma_start3A_224 : memref<16xf32, #tpu.memory_space<vmem>>) target_semaphore(%run_scoped3A : memref<!tpu.dma_semaphore, #tpu.memory_space<semaphore_mem>>)
        %dma_wait3A = arith.constant 624 : i32
        %dma_wait3A_227 = tpu.memref_slice %arg6[%dma_wait3A] : memref<640xf32, #tpu.memory_space<vmem>> -> memref<16xf32, #tpu.memory_space<vmem>>
        %dma_wait3A_228 = arith.constant 9984 : i32
        %dma_wait3A_229 = tpu.memref_slice %arg7[%dma_wait3A_228] : memref<10016xf32, #tpu.memory_space<vmem_shared>> -> memref<16xf32, #tpu.memory_space<vmem_shared>>
        %dma_wait3A_230 = arith.constant 624 : i32
        %dma_wait3A_231 = tpu.memref_slice %arg6[%dma_wait3A_230] : memref<640xf32, #tpu.memory_space<vmem>> -> memref<16xf32, #tpu.memory_space<vmem>>
        %dma_wait3A_232 = arith.constant 9984 : i32
        %dma_wait3A_233 = tpu.memref_slice %arg7[%dma_wait3A_232] : memref<10016xf32, #tpu.memory_space<vmem_shared>> -> memref<16xf32, #tpu.memory_space<vmem_shared>>
        tpu.wait_dma2 semaphore(%run_scoped3A : memref<!tpu.dma_semaphore, #tpu.memory_space<semaphore_mem>>) src(%dma_wait3A_233 : memref<16xf32, #tpu.memory_space<vmem_shared>>) dst(%dma_wait3A_231 : memref<16xf32, #tpu.memory_space<vmem>>)
        tpu.yield
      }) : () -> ()
      %mul3A_216 = arith.constant 10000 : i32
      %mul3A_217 = arith.muli %arg0, %mul3A_216 : i32
      %add3A_218 = arith.constant 9984 : i32
      %add3A_219 = arith.addi %mul3A_217, %add3A_218 : i32
      "tpu.region"() ({
        %run_scoped3A = tpu.sem_alloc : memref<!tpu.dma_semaphore, #tpu.memory_space<semaphore_mem>>
        %dma_start3A = arith.constant 624 : i32
        %dma_start3A_220 = tpu.memref_slice %arg6[%dma_start3A] : memref<640xf32, #tpu.memory_space<vmem>> -> memref<16xf32, #tpu.memory_space<vmem>>
        %dma_start3A_221 = tpu.memref_slice %arg3[%add3A_219] : memref<20000xf32, #tpu.memory_space<hbm>> -> memref<16xf32, #tpu.memory_space<hbm>>
        %dma_start3A_222 = tpu.memref_slice %arg3[%add3A_219] : memref<20000xf32, #tpu.memory_space<hbm>> -> memref<16xf32, #tpu.memory_space<hbm>>
        %dma_start3A_223 = arith.constant 624 : i32
        %dma_start3A_224 = tpu.memref_slice %arg6[%dma_start3A_223] : memref<640xf32, #tpu.memory_space<vmem>> -> memref<16xf32, #tpu.memory_space<vmem>>
        tpu.enqueue_dma source(%dma_start3A_224 : memref<16xf32, #tpu.memory_space<vmem>>) target(%dma_start3A_222 : memref<16xf32, #tpu.memory_space<hbm>>) target_semaphore(%run_scoped3A : memref<!tpu.dma_semaphore, #tpu.memory_space<semaphore_mem>>)
        %dma_wait3A = arith.constant 624 : i32
        %dma_wait3A_225 = tpu.memref_slice %arg6[%dma_wait3A] : memref<640xf32, #tpu.memory_space<vmem>> -> memref<16xf32, #tpu.memory_space<vmem>>
        %dma_wait3A_226 = tpu.memref_slice %arg3[%add3A_219] : memref<20000xf32, #tpu.memory_space<hbm>> -> memref<16xf32, #tpu.memory_space<hbm>>
        %dma_wait3A_227 = tpu.memref_slice %arg3[%add3A_219] : memref<20000xf32, #tpu.memory_space<hbm>> -> memref<16xf32, #tpu.memory_space<hbm>>
        %dma_wait3A_228 = arith.constant 624 : i32
        %dma_wait3A_229 = tpu.memref_slice %arg6[%dma_wait3A_228] : memref<640xf32, #tpu.memory_space<vmem>> -> memref<16xf32, #tpu.memory_space<vmem>>
        tpu.wait_dma2 semaphore(%run_scoped3A : memref<!tpu.dma_semaphore, #tpu.memory_space<semaphore_mem>>) src(%dma_wait3A_229 : memref<16xf32, #tpu.memory_space<vmem>>) dst(%dma_wait3A_227 : memref<16xf32, #tpu.memory_space<hbm>>)
        tpu.yield
      }) : () -> ()
    } else {
    }
    return
  }
}

#map = affine_map<(d0, d1) -> (0, 0)>
#map1 = affine_map<(d0, d1) -> (0, 0, 0)>
module attributes {stable_mosaic.version = 14 : i64} {
  func.func @_sc_propagate(%arg0: i32, %arg1: i32, %arg2: memref<10000x128xf32, #tpu.memory_space<hbm>>, %arg3: memref<2560x128xi32, #tpu.memory_space<hbm>>, %arg4: memref<2560x128xi32, #tpu.memory_space<hbm>>, %arg5: memref<2x10000x128xf32, #tpu.memory_space<hbm>>, %arg6: memref<40x128xi32, #tpu.memory_space<vmem>>, %arg7: memref<40x128xi32, #tpu.memory_space<vmem>>, %arg8: memref<128x128xf32, #tpu.memory_space<vmem>>, %arg9: memref<128x128xf32, #tpu.memory_space<vmem>>, %arg10: memref<10016x128xf32, #tpu.memory_space<vmem_shared>>, %arg11: memref<!tpu.dma_semaphore, #tpu.memory_space<semaphore_mem>>, %arg12: memref<!tpu.dma_semaphore, #tpu.memory_space<semaphore_mem>>) attributes {dimension_semantics = [#tpu.dimension_semantics<core_parallel>, #tpu.dimension_semantics<subcore_parallel>], iteration_bounds = array<i64: 2, 16>, scalar_prefetch = 0 : i64, scratch_operands = 7 : i64, tpu.core_type = #tpu.core_type<sc_vector_subcore>, window_params = [{transform_indices = #map}, {transform_indices = #map}, {transform_indices = #map}, {transform_indices = #map1}]} {
    %mul3A = arith.constant 2 : i32
    %mul3A_0 = arith.muli %arg1, %mul3A : i32
    %add3A = arith.addi %mul3A_0, %arg0 : i32
    %broadcast_in_dim3A = arith.constant 0.000000e+00 : f32
    %broadcast_in_dim3A_1 = vector.broadcast %broadcast_in_dim3A : f32 to vector<16xf32>
    %scan3A = arith.constant 0 : i32
    %scan3A_2 = arith.constant 0 : i32
    %scan3A_3 = arith.constant 128 : i32
    %scan3A_4 = arith.addi %scan3A_2, %scan3A_3 : i32
    %scan3A_5 = arith.constant 1 : i32
    %scan3A_6 = scf.for %scan3A_140 = %scan3A_2 to %scan3A_4 step %scan3A_5 iter_args(%scan3A_141 = %scan3A) -> (i32)  : i32 {
      %swap3A = arith.index_cast %scan3A_140 : i32 to index
      %swap3A_142 = arith.constant 0 : index
      %swap3A_143 = tpu.vector_load %arg8[%swap3A, %swap3A_142] {strides = array<i32>} : memref<128x128xf32, #tpu.memory_space<vmem>>, vector<1x16xf32>,
      %swap3A_144 = vector.shape_cast %swap3A_143 : vector<1x16xf32> to vector<16xf32>
      %swap3A_145 = vector.shape_cast %broadcast_in_dim3A_1 : vector<16xf32> to vector<1x16xf32>
      tpu.vector_store %arg8[%swap3A, %swap3A_142], %swap3A_145 {strides = array<i32>} : memref<128x128xf32, #tpu.memory_space<vmem>>, vector<1x16xf32>,
      %swap3A_146 = arith.index_cast %scan3A_140 : i32 to index
      %swap3A_147 = arith.constant 16 : index
      %swap3A_148 = tpu.vector_load %arg8[%swap3A_146, %swap3A_147] {strides = array<i32>} : memref<128x128xf32, #tpu.memory_space<vmem>>, vector<1x16xf32>,
      %swap3A_149 = vector.shape_cast %swap3A_148 : vector<1x16xf32> to vector<16xf32>
      %swap3A_150 = vector.shape_cast %broadcast_in_dim3A_1 : vector<16xf32> to vector<1x16xf32>
      tpu.vector_store %arg8[%swap3A_146, %swap3A_147], %swap3A_150 {strides = array<i32>} : memref<128x128xf32, #tpu.memory_space<vmem>>, vector<1x16xf32>,
      %swap3A_151 = arith.index_cast %scan3A_140 : i32 to index
      %swap3A_152 = arith.constant 32 : index
      %swap3A_153 = tpu.vector_load %arg8[%swap3A_151, %swap3A_152] {strides = array<i32>} : memref<128x128xf32, #tpu.memory_space<vmem>>, vector<1x16xf32>,
      %swap3A_154 = vector.shape_cast %swap3A_153 : vector<1x16xf32> to vector<16xf32>
      %swap3A_155 = vector.shape_cast %broadcast_in_dim3A_1 : vector<16xf32> to vector<1x16xf32>
      tpu.vector_store %arg8[%swap3A_151, %swap3A_152], %swap3A_155 {strides = array<i32>} : memref<128x128xf32, #tpu.memory_space<vmem>>, vector<1x16xf32>,
      %swap3A_156 = arith.index_cast %scan3A_140 : i32 to index
      %swap3A_157 = arith.constant 48 : index
      %swap3A_158 = tpu.vector_load %arg8[%swap3A_156, %swap3A_157] {strides = array<i32>} : memref<128x128xf32, #tpu.memory_space<vmem>>, vector<1x16xf32>,
      %swap3A_159 = vector.shape_cast %swap3A_158 : vector<1x16xf32> to vector<16xf32>
      %swap3A_160 = vector.shape_cast %broadcast_in_dim3A_1 : vector<16xf32> to vector<1x16xf32>
      tpu.vector_store %arg8[%swap3A_156, %swap3A_157], %swap3A_160 {strides = array<i32>} : memref<128x128xf32, #tpu.memory_space<vmem>>, vector<1x16xf32>,
      %swap3A_161 = arith.index_cast %scan3A_140 : i32 to index
      %swap3A_162 = arith.constant 64 : index
      %swap3A_163 = tpu.vector_load %arg8[%swap3A_161, %swap3A_162] {strides = array<i32>} : memref<128x128xf32, #tpu.memory_space<vmem>>, vector<1x16xf32>,
      %swap3A_164 = vector.shape_cast %swap3A_163 : vector<1x16xf32> to vector<16xf32>
      %swap3A_165 = vector.shape_cast %broadcast_in_dim3A_1 : vector<16xf32> to vector<1x16xf32>
      tpu.vector_store %arg8[%swap3A_161, %swap3A_162], %swap3A_165 {strides = array<i32>} : memref<128x128xf32, #tpu.memory_space<vmem>>, vector<1x16xf32>,
      %swap3A_166 = arith.index_cast %scan3A_140 : i32 to index
      %swap3A_167 = arith.constant 80 : index
      %swap3A_168 = tpu.vector_load %arg8[%swap3A_166, %swap3A_167] {strides = array<i32>} : memref<128x128xf32, #tpu.memory_space<vmem>>, vector<1x16xf32>,
      %swap3A_169 = vector.shape_cast %swap3A_168 : vector<1x16xf32> to vector<16xf32>
      %swap3A_170 = vector.shape_cast %broadcast_in_dim3A_1 : vector<16xf32> to vector<1x16xf32>
      tpu.vector_store %arg8[%swap3A_166, %swap3A_167], %swap3A_170 {strides = array<i32>} : memref<128x128xf32, #tpu.memory_space<vmem>>, vector<1x16xf32>,
      %swap3A_171 = arith.index_cast %scan3A_140 : i32 to index
      %swap3A_172 = arith.constant 96 : index
      %swap3A_173 = tpu.vector_load %arg8[%swap3A_171, %swap3A_172] {strides = array<i32>} : memref<128x128xf32, #tpu.memory_space<vmem>>, vector<1x16xf32>,
      %swap3A_174 = vector.shape_cast %swap3A_173 : vector<1x16xf32> to vector<16xf32>
      %swap3A_175 = vector.shape_cast %broadcast_in_dim3A_1 : vector<16xf32> to vector<1x16xf32>
      tpu.vector_store %arg8[%swap3A_171, %swap3A_172], %swap3A_175 {strides = array<i32>} : memref<128x128xf32, #tpu.memory_space<vmem>>, vector<1x16xf32>,
      %swap3A_176 = arith.index_cast %scan3A_140 : i32 to index
      %swap3A_177 = arith.constant 112 : index
      %swap3A_178 = tpu.vector_load %arg8[%swap3A_176, %swap3A_177] {strides = array<i32>} : memref<128x128xf32, #tpu.memory_space<vmem>>, vector<1x16xf32>,
      %swap3A_179 = vector.shape_cast %swap3A_178 : vector<1x16xf32> to vector<16xf32>
      %swap3A_180 = vector.shape_cast %broadcast_in_dim3A_1 : vector<16xf32> to vector<1x16xf32>
      tpu.vector_store %arg8[%swap3A_176, %swap3A_177], %swap3A_180 {strides = array<i32>} : memref<128x128xf32, #tpu.memory_space<vmem>>, vector<1x16xf32>,
      %scan3A_181 = arith.constant 0 : i32
      scf.yield %scan3A_181 : i32
    }
    %scan3A_7 = arith.constant 128 : i32
    %mul3A_8 = arith.constant 624 : i32
    %mul3A_9 = arith.muli %arg1, %mul3A_8 : i32
    %add3A_10 = arith.constant 0 : i32
    %add3A_11 = arith.addi %mul3A_9, %add3A_10 : i32
    "tpu.region"() ({
      %run_scoped3A_140 = tpu.sem_alloc : memref<!tpu.dma_semaphore, #tpu.memory_space<semaphore_mem>>
      %dma_start3A_141 = arith.constant 0 : i32
      %dma_start3A_142 = tpu.memref_slice %arg10[%add3A_11, %dma_start3A_141] : memref<10016x128xf32, #tpu.memory_space<vmem_shared>> -> memref<128x128xf32, #tpu.memory_space<vmem_shared>>
      %dma_start3A_143 = arith.constant 0 : i32
      %dma_start3A_144 = tpu.memref_slice %arg10[%add3A_11, %dma_start3A_143] : memref<10016x128xf32, #tpu.memory_space<vmem_shared>> -> memref<128x128xf32, #tpu.memory_space<vmem_shared>>
      tpu.enqueue_dma source(%arg8 : memref<128x128xf32, #tpu.memory_space<vmem>>) target(%dma_start3A_144 : memref<128x128xf32, #tpu.memory_space<vmem_shared>>) target_semaphore(%run_scoped3A_140 : memref<!tpu.dma_semaphore, #tpu.memory_space<semaphore_mem>>)
      %dma_wait3A_145 = arith.constant 0 : i32
      %dma_wait3A_146 = tpu.memref_slice %arg10[%add3A_11, %dma_wait3A_145] : memref<10016x128xf32, #tpu.memory_space<vmem_shared>> -> memref<128x128xf32, #tpu.memory_space<vmem_shared>>
      %dma_wait3A_147 = arith.constant 0 : i32
      %dma_wait3A_148 = tpu.memref_slice %arg10[%add3A_11, %dma_wait3A_147] : memref<10016x128xf32, #tpu.memory_space<vmem_shared>> -> memref<128x128xf32, #tpu.memory_space<vmem_shared>>
      tpu.wait_dma2 semaphore(%run_scoped3A_140 : memref<!tpu.dma_semaphore, #tpu.memory_space<semaphore_mem>>) src(%arg8 : memref<128x128xf32, #tpu.memory_space<vmem>>) dst(%dma_wait3A_148 : memref<128x128xf32, #tpu.memory_space<vmem_shared>>)
      tpu.yield
    }) : () -> ()
    %add3A_12 = arith.constant 128 : i32
    %add3A_13 = arith.addi %mul3A_9, %add3A_12 : i32
    "tpu.region"() ({
      %run_scoped3A_140 = tpu.sem_alloc : memref<!tpu.dma_semaphore, #tpu.memory_space<semaphore_mem>>
      %dma_start3A_141 = arith.constant 0 : i32
      %dma_start3A_142 = tpu.memref_slice %arg10[%add3A_13, %dma_start3A_141] : memref<10016x128xf32, #tpu.memory_space<vmem_shared>> -> memref<128x128xf32, #tpu.memory_space<vmem_shared>>
      %dma_start3A_143 = arith.constant 0 : i32
      %dma_start3A_144 = tpu.memref_slice %arg10[%add3A_13, %dma_start3A_143] : memref<10016x128xf32, #tpu.memory_space<vmem_shared>> -> memref<128x128xf32, #tpu.memory_space<vmem_shared>>
      tpu.enqueue_dma source(%arg8 : memref<128x128xf32, #tpu.memory_space<vmem>>) target(%dma_start3A_144 : memref<128x128xf32, #tpu.memory_space<vmem_shared>>) target_semaphore(%run_scoped3A_140 : memref<!tpu.dma_semaphore, #tpu.memory_space<semaphore_mem>>)
      %dma_wait3A_145 = arith.constant 0 : i32
      %dma_wait3A_146 = tpu.memref_slice %arg10[%add3A_13, %dma_wait3A_145] : memref<10016x128xf32, #tpu.memory_space<vmem_shared>> -> memref<128x128xf32, #tpu.memory_space<vmem_shared>>
      %dma_wait3A_147 = arith.constant 0 : i32
      %dma_wait3A_148 = tpu.memref_slice %arg10[%add3A_13, %dma_wait3A_147] : memref<10016x128xf32, #tpu.memory_space<vmem_shared>> -> memref<128x128xf32, #tpu.memory_space<vmem_shared>>
      tpu.wait_dma2 semaphore(%run_scoped3A_140 : memref<!tpu.dma_semaphore, #tpu.memory_space<semaphore_mem>>) src(%arg8 : memref<128x128xf32, #tpu.memory_space<vmem>>) dst(%dma_wait3A_148 : memref<128x128xf32, #tpu.memory_space<vmem_shared>>)
      tpu.yield
    }) : () -> ()
    %add3A_14 = arith.constant 256 : i32
    %add3A_15 = arith.addi %mul3A_9, %add3A_14 : i32
    "tpu.region"() ({
      %run_scoped3A_140 = tpu.sem_alloc : memref<!tpu.dma_semaphore, #tpu.memory_space<semaphore_mem>>
      %dma_start3A_141 = arith.constant 0 : i32
      %dma_start3A_142 = tpu.memref_slice %arg10[%add3A_15, %dma_start3A_141] : memref<10016x128xf32, #tpu.memory_space<vmem_shared>> -> memref<128x128xf32, #tpu.memory_space<vmem_shared>>
      %dma_start3A_143 = arith.constant 0 : i32
      %dma_start3A_144 = tpu.memref_slice %arg10[%add3A_15, %dma_start3A_143] : memref<10016x128xf32, #tpu.memory_space<vmem_shared>> -> memref<128x128xf32, #tpu.memory_space<vmem_shared>>
      tpu.enqueue_dma source(%arg8 : memref<128x128xf32, #tpu.memory_space<vmem>>) target(%dma_start3A_144 : memref<128x128xf32, #tpu.memory_space<vmem_shared>>) target_semaphore(%run_scoped3A_140 : memref<!tpu.dma_semaphore, #tpu.memory_space<semaphore_mem>>)
      %dma_wait3A_145 = arith.constant 0 : i32
      %dma_wait3A_146 = tpu.memref_slice %arg10[%add3A_15, %dma_wait3A_145] : memref<10016x128xf32, #tpu.memory_space<vmem_shared>> -> memref<128x128xf32, #tpu.memory_space<vmem_shared>>
      %dma_wait3A_147 = arith.constant 0 : i32
      %dma_wait3A_148 = tpu.memref_slice %arg10[%add3A_15, %dma_wait3A_147] : memref<10016x128xf32, #tpu.memory_space<vmem_shared>> -> memref<128x128xf32, #tpu.memory_space<vmem_shared>>
      tpu.wait_dma2 semaphore(%run_scoped3A_140 : memref<!tpu.dma_semaphore, #tpu.memory_space<semaphore_mem>>) src(%arg8 : memref<128x128xf32, #tpu.memory_space<vmem>>) dst(%dma_wait3A_148 : memref<128x128xf32, #tpu.memory_space<vmem_shared>>)
      tpu.yield
    }) : () -> ()
    %add3A_16 = arith.constant 384 : i32
    %add3A_17 = arith.addi %mul3A_9, %add3A_16 : i32
    "tpu.region"() ({
      %run_scoped3A_140 = tpu.sem_alloc : memref<!tpu.dma_semaphore, #tpu.memory_space<semaphore_mem>>
      %dma_start3A_141 = arith.constant 0 : i32
      %dma_start3A_142 = tpu.memref_slice %arg10[%add3A_17, %dma_start3A_141] : memref<10016x128xf32, #tpu.memory_space<vmem_shared>> -> memref<128x128xf32, #tpu.memory_space<vmem_shared>>
      %dma_start3A_143 = arith.constant 0 : i32
      %dma_start3A_144 = tpu.memref_slice %arg10[%add3A_17, %dma_start3A_143] : memref<10016x128xf32, #tpu.memory_space<vmem_shared>> -> memref<128x128xf32, #tpu.memory_space<vmem_shared>>
      tpu.enqueue_dma source(%arg8 : memref<128x128xf32, #tpu.memory_space<vmem>>) target(%dma_start3A_144 : memref<128x128xf32, #tpu.memory_space<vmem_shared>>) target_semaphore(%run_scoped3A_140 : memref<!tpu.dma_semaphore, #tpu.memory_space<semaphore_mem>>)
      %dma_wait3A_145 = arith.constant 0 : i32
      %dma_wait3A_146 = tpu.memref_slice %arg10[%add3A_17, %dma_wait3A_145] : memref<10016x128xf32, #tpu.memory_space<vmem_shared>> -> memref<128x128xf32, #tpu.memory_space<vmem_shared>>
      %dma_wait3A_147 = arith.constant 0 : i32
      %dma_wait3A_148 = tpu.memref_slice %arg10[%add3A_17, %dma_wait3A_147] : memref<10016x128xf32, #tpu.memory_space<vmem_shared>> -> memref<128x128xf32, #tpu.memory_space<vmem_shared>>
      tpu.wait_dma2 semaphore(%run_scoped3A_140 : memref<!tpu.dma_semaphore, #tpu.memory_space<semaphore_mem>>) src(%arg8 : memref<128x128xf32, #tpu.memory_space<vmem>>) dst(%dma_wait3A_148 : memref<128x128xf32, #tpu.memory_space<vmem_shared>>)
      tpu.yield
    }) : () -> ()
    %add3A_18 = arith.constant 624 : i32
    %add3A_19 = arith.addi %mul3A_9, %add3A_18 : i32
    %sub3A = arith.constant 112 : i32
    %sub3A_20 = arith.subi %add3A_19, %sub3A : i32
    "tpu.region"() ({
      %run_scoped3A_140 = tpu.sem_alloc : memref<!tpu.dma_semaphore, #tpu.memory_space<semaphore_mem>>
      %dma_start3A_141 = arith.constant 0 : i32
      %dma_start3A_142 = arith.constant 0 : i32
      %dma_start3A_143 = tpu.memref_slice %arg8[%dma_start3A_141, %dma_start3A_142] : memref<128x128xf32, #tpu.memory_space<vmem>> -> memref<112x128xf32, #tpu.memory_space<vmem>>
      %dma_start3A_144 = arith.constant 0 : i32
      %dma_start3A_145 = tpu.memref_slice %arg10[%sub3A_20, %dma_start3A_144] : memref<10016x128xf32, #tpu.memory_space<vmem_shared>> -> memref<112x128xf32, #tpu.memory_space<vmem_shared>>
      %dma_start3A_146 = arith.constant 0 : i32
      %dma_start3A_147 = tpu.memref_slice %arg10[%sub3A_20, %dma_start3A_146] : memref<10016x128xf32, #tpu.memory_space<vmem_shared>> -> memref<112x128xf32, #tpu.memory_space<vmem_shared>>
      %dma_start3A_148 = arith.constant 0 : i32
      %dma_start3A_149 = arith.constant 0 : i32
      %dma_start3A_150 = tpu.memref_slice %arg8[%dma_start3A_148, %dma_start3A_149] : memref<128x128xf32, #tpu.memory_space<vmem>> -> memref<112x128xf32, #tpu.memory_space<vmem>>
      tpu.enqueue_dma source(%dma_start3A_150 : memref<112x128xf32, #tpu.memory_space<vmem>>) target(%dma_start3A_147 : memref<112x128xf32, #tpu.memory_space<vmem_shared>>) target_semaphore(%run_scoped3A_140 : memref<!tpu.dma_semaphore, #tpu.memory_space<semaphore_mem>>)
      %dma_wait3A_151 = arith.constant 0 : i32
      %dma_wait3A_152 = arith.constant 0 : i32
      %dma_wait3A_153 = tpu.memref_slice %arg8[%dma_wait3A_151, %dma_wait3A_152] : memref<128x128xf32, #tpu.memory_space<vmem>> -> memref<112x128xf32, #tpu.memory_space<vmem>>
      %dma_wait3A_154 = arith.constant 0 : i32
      %dma_wait3A_155 = tpu.memref_slice %arg10[%sub3A_20, %dma_wait3A_154] : memref<10016x128xf32, #tpu.memory_space<vmem_shared>> -> memref<112x128xf32, #tpu.memory_space<vmem_shared>>
      %dma_wait3A_156 = arith.constant 0 : i32
      %dma_wait3A_157 = tpu.memref_slice %arg10[%sub3A_20, %dma_wait3A_156] : memref<10016x128xf32, #tpu.memory_space<vmem_shared>> -> memref<112x128xf32, #tpu.memory_space<vmem_shared>>
      %dma_wait3A_158 = arith.constant 0 : i32
      %dma_wait3A_159 = arith.constant 0 : i32
      %dma_wait3A_160 = tpu.memref_slice %arg8[%dma_wait3A_158, %dma_wait3A_159] : memref<128x128xf32, #tpu.memory_space<vmem>> -> memref<112x128xf32, #tpu.memory_space<vmem>>
      tpu.wait_dma2 semaphore(%run_scoped3A_140 : memref<!tpu.dma_semaphore, #tpu.memory_space<semaphore_mem>>) src(%dma_wait3A_160 : memref<112x128xf32, #tpu.memory_space<vmem>>) dst(%dma_wait3A_157 : memref<112x128xf32, #tpu.memory_space<vmem_shared>>)
      tpu.yield
    }) : () -> ()
    %eq3A = arith.constant 15 : i32
    %eq3A_21 = arith.cmpi eq, %arg1, %eq3A : i32
    %convert_element_type3A = arith.extui %eq3A_21 : i1 to i32
    %cond3A = arith.constant 0 : i32
    %cond3A_22 = arith.cmpi ne, %convert_element_type3A, %cond3A : i32
    scf.if %cond3A_22 {
      "tpu.region"() ({
        %run_scoped3A_140 = tpu.sem_alloc : memref<!tpu.dma_semaphore, #tpu.memory_space<semaphore_mem>>
        %dma_start3A_141 = arith.constant 0 : i32
        %dma_start3A_142 = arith.constant 0 : i32
        %dma_start3A_143 = tpu.memref_slice %arg8[%dma_start3A_141, %dma_start3A_142] : memref<128x128xf32, #tpu.memory_space<vmem>> -> memref<32x128xf32, #tpu.memory_space<vmem>>
        %dma_start3A_144 = arith.constant 9984 : i32
        %dma_start3A_145 = arith.constant 0 : i32
        %dma_start3A_146 = tpu.memref_slice %arg10[%dma_start3A_144, %dma_start3A_145] : memref<10016x128xf32, #tpu.memory_space<vmem_shared>> -> memref<32x128xf32, #tpu.memory_space<vmem_shared>>
        %dma_start3A_147 = arith.constant 9984 : i32
        %dma_start3A_148 = arith.constant 0 : i32
        %dma_start3A_149 = tpu.memref_slice %arg10[%dma_start3A_147, %dma_start3A_148] : memref<10016x128xf32, #tpu.memory_space<vmem_shared>> -> memref<32x128xf32, #tpu.memory_space<vmem_shared>>
        %dma_start3A_150 = arith.constant 0 : i32
        %dma_start3A_151 = arith.constant 0 : i32
        %dma_start3A_152 = tpu.memref_slice %arg8[%dma_start3A_150, %dma_start3A_151] : memref<128x128xf32, #tpu.memory_space<vmem>> -> memref<32x128xf32, #tpu.memory_space<vmem>>
        tpu.enqueue_dma source(%dma_start3A_152 : memref<32x128xf32, #tpu.memory_space<vmem>>) target(%dma_start3A_149 : memref<32x128xf32, #tpu.memory_space<vmem_shared>>) target_semaphore(%run_scoped3A_140 : memref<!tpu.dma_semaphore, #tpu.memory_space<semaphore_mem>>)
        %dma_wait3A_153 = arith.constant 0 : i32
        %dma_wait3A_154 = arith.constant 0 : i32
        %dma_wait3A_155 = tpu.memref_slice %arg8[%dma_wait3A_153, %dma_wait3A_154] : memref<128x128xf32, #tpu.memory_space<vmem>> -> memref<32x128xf32, #tpu.memory_space<vmem>>
        %dma_wait3A_156 = arith.constant 9984 : i32
        %dma_wait3A_157 = arith.constant 0 : i32
        %dma_wait3A_158 = tpu.memref_slice %arg10[%dma_wait3A_156, %dma_wait3A_157] : memref<10016x128xf32, #tpu.memory_space<vmem_shared>> -> memref<32x128xf32, #tpu.memory_space<vmem_shared>>
        %dma_wait3A_159 = arith.constant 9984 : i32
        %dma_wait3A_160 = arith.constant 0 : i32
        %dma_wait3A_161 = tpu.memref_slice %arg10[%dma_wait3A_159, %dma_wait3A_160] : memref<10016x128xf32, #tpu.memory_space<vmem_shared>> -> memref<32x128xf32, #tpu.memory_space<vmem_shared>>
        %dma_wait3A_162 = arith.constant 0 : i32
        %dma_wait3A_163 = arith.constant 0 : i32
        %dma_wait3A_164 = tpu.memref_slice %arg8[%dma_wait3A_162, %dma_wait3A_163] : memref<128x128xf32, #tpu.memory_space<vmem>> -> memref<32x128xf32, #tpu.memory_space<vmem>>
        tpu.wait_dma2 semaphore(%run_scoped3A_140 : memref<!tpu.dma_semaphore, #tpu.memory_space<semaphore_mem>>) src(%dma_wait3A_164 : memref<32x128xf32, #tpu.memory_space<vmem>>) dst(%dma_wait3A_161 : memref<32x128xf32, #tpu.memory_space<vmem_shared>>)
        tpu.yield
      }) : () -> ()
    } else {
    }
    %barrier3A = arith.constant 0 : index
    tpu.barrier barrier_id(%barrier3A)
    %mul3A_23 = arith.constant 80 : i32
    %mul3A_24 = arith.muli %add3A, %mul3A_23 : i32
    %add3A_25 = arith.constant 0 : i32
    %add3A_26 = arith.addi %mul3A_24, %add3A_25 : i32
    "tpu.region"() ({
      %run_scoped3A_140 = tpu.sem_alloc : memref<!tpu.dma_semaphore, #tpu.memory_space<semaphore_mem>>
      %dma_start3A_141 = arith.constant 0 : i32
      %dma_start3A_142 = tpu.memref_slice %arg3[%add3A_26, %dma_start3A_141] : memref<2560x128xi32, #tpu.memory_space<hbm>> -> memref<40x128xi32, #tpu.memory_space<hbm>>
      %dma_start3A_143 = arith.constant 0 : i32
      %dma_start3A_144 = tpu.memref_slice %arg3[%add3A_26, %dma_start3A_143] : memref<2560x128xi32, #tpu.memory_space<hbm>> -> memref<40x128xi32, #tpu.memory_space<hbm>>
      tpu.enqueue_dma source(%dma_start3A_144 : memref<40x128xi32, #tpu.memory_space<hbm>>) target(%arg6 : memref<40x128xi32, #tpu.memory_space<vmem>>) target_semaphore(%run_scoped3A_140 : memref<!tpu.dma_semaphore, #tpu.memory_space<semaphore_mem>>)
      %dma_wait3A_145 = arith.constant 0 : i32
      %dma_wait3A_146 = tpu.memref_slice %arg3[%add3A_26, %dma_wait3A_145] : memref<2560x128xi32, #tpu.memory_space<hbm>> -> memref<40x128xi32, #tpu.memory_space<hbm>>
      %dma_wait3A_147 = arith.constant 0 : i32
      %dma_wait3A_148 = tpu.memref_slice %arg3[%add3A_26, %dma_wait3A_147] : memref<2560x128xi32, #tpu.memory_space<hbm>> -> memref<40x128xi32, #tpu.memory_space<hbm>>
      tpu.wait_dma2 semaphore(%run_scoped3A_140 : memref<!tpu.dma_semaphore, #tpu.memory_space<semaphore_mem>>) src(%dma_wait3A_148 : memref<40x128xi32, #tpu.memory_space<hbm>>) dst(%arg6 : memref<40x128xi32, #tpu.memory_space<vmem>>)
      tpu.yield
    }) : () -> ()
    %mul3A_27 = arith.constant 80 : i32
    %mul3A_28 = arith.muli %add3A, %mul3A_27 : i32
    %add3A_29 = arith.constant 0 : i32
    %add3A_30 = arith.addi %mul3A_28, %add3A_29 : i32
    "tpu.region"() ({
      %run_scoped3A_140 = tpu.sem_alloc : memref<!tpu.dma_semaphore, #tpu.memory_space<semaphore_mem>>
      %dma_start3A_141 = arith.constant 0 : i32
      %dma_start3A_142 = tpu.memref_slice %arg4[%add3A_30, %dma_start3A_141] : memref<2560x128xi32, #tpu.memory_space<hbm>> -> memref<40x128xi32, #tpu.memory_space<hbm>>
      %dma_start3A_143 = arith.constant 0 : i32
      %dma_start3A_144 = tpu.memref_slice %arg4[%add3A_30, %dma_start3A_143] : memref<2560x128xi32, #tpu.memory_space<hbm>> -> memref<40x128xi32, #tpu.memory_space<hbm>>
      tpu.enqueue_dma source(%dma_start3A_144 : memref<40x128xi32, #tpu.memory_space<hbm>>) target(%arg7 : memref<40x128xi32, #tpu.memory_space<vmem>>) target_semaphore(%run_scoped3A_140 : memref<!tpu.dma_semaphore, #tpu.memory_space<semaphore_mem>>)
      %dma_wait3A_145 = arith.constant 0 : i32
      %dma_wait3A_146 = tpu.memref_slice %arg4[%add3A_30, %dma_wait3A_145] : memref<2560x128xi32, #tpu.memory_space<hbm>> -> memref<40x128xi32, #tpu.memory_space<hbm>>
      %dma_wait3A_147 = arith.constant 0 : i32
      %dma_wait3A_148 = tpu.memref_slice %arg4[%add3A_30, %dma_wait3A_147] : memref<2560x128xi32, #tpu.memory_space<hbm>> -> memref<40x128xi32, #tpu.memory_space<hbm>>
      tpu.wait_dma2 semaphore(%run_scoped3A_140 : memref<!tpu.dma_semaphore, #tpu.memory_space<semaphore_mem>>) src(%dma_wait3A_148 : memref<40x128xi32, #tpu.memory_space<hbm>>) dst(%arg7 : memref<40x128xi32, #tpu.memory_space<vmem>>)
      tpu.yield
    }) : () -> ()
    %dma_start3A = arith.constant 0 : i32
    %dma_start3A_31 = arith.constant 0 : i32
    %dma_start3A_32 = tpu.memref_slice %arg6[%dma_start3A, %dma_start3A_31] : memref<40x128xi32, #tpu.memory_space<vmem>> -> memref<1x128xi32, #tpu.memory_space<vmem>>
    %dma_start3A_33 = tpu.memref_squeeze %dma_start3A_32 : memref<1x128xi32, #tpu.memory_space<vmem>> -> memref<128xi32, #tpu.memory_space<vmem>>
    %dma_start3A_34 = arith.constant 0 : i32
    %dma_start3A_35 = arith.constant 0 : i32
    %dma_start3A_36 = tpu.memref_slice %arg2[%dma_start3A_34, %dma_start3A_35] : memref<10000x128xf32, #tpu.memory_space<hbm>> -> memref<10000x128xf32, #tpu.memory_space<hbm>>
    tpu.enqueue_indirect_dma source(%dma_start3A_36 : memref<10000x128xf32, #tpu.memory_space<hbm>>) target(%arg8 : memref<128x128xf32, #tpu.memory_space<vmem>>) offsets(%dma_start3A_33 : memref<128xi32, #tpu.memory_space<vmem>>) semaphore(%arg11 : memref<!tpu.dma_semaphore, #tpu.memory_space<semaphore_mem>>)
    %scan3A_37 = arith.constant 0 : i32
    %scan3A_38 = arith.constant 0 : i32
    %scan3A_39 = arith.constant 19 : i32
    %scan3A_40 = arith.addi %scan3A_38, %scan3A_39 : i32
    %scan3A_41 = arith.constant 1 : i32
    %scan3A_42 = scf.for %scan3A_140 = %scan3A_38 to %scan3A_40 step %scan3A_41 iter_args(%scan3A_141 = %scan3A_37) -> (i32)  : i32 {
      %mul3A_142 = arith.constant 2 : i32
      %mul3A_143 = arith.muli %scan3A_140, %mul3A_142 : i32
      %add3A_144 = arith.constant 0 : i32
      %add3A_145 = arith.addi %mul3A_143, %add3A_144 : i32
      %dma_wait3A_146 = arith.constant 0 : i32
      %dma_wait3A_147 = tpu.memref_slice %arg6[%add3A_145, %dma_wait3A_146] : memref<40x128xi32, #tpu.memory_space<vmem>> -> memref<1x128xi32, #tpu.memory_space<vmem>>
      %dma_wait3A_148 = tpu.memref_squeeze %dma_wait3A_147 : memref<1x128xi32, #tpu.memory_space<vmem>> -> memref<128xi32, #tpu.memory_space<vmem>>
      %dma_wait3A_149 = arith.constant 0 : i32
      %dma_wait3A_150 = arith.constant 0 : i32
      %dma_wait3A_151 = tpu.memref_slice %arg2[%dma_wait3A_149, %dma_wait3A_150] : memref<10000x128xf32, #tpu.memory_space<hbm>> -> memref<10000x128xf32, #tpu.memory_space<hbm>>
      tpu.wait_indirect_dma semaphore(%arg11 : memref<!tpu.dma_semaphore, #tpu.memory_space<semaphore_mem>>) src(%dma_wait3A_151 : memref<10000x128xf32, #tpu.memory_space<hbm>>) dst(%arg8 : memref<128x128xf32, #tpu.memory_space<vmem>>)
      %add3A_152 = arith.constant 1 : i32
      %add3A_153 = arith.addi %add3A_145, %add3A_152 : i32
      %dma_start3A_154 = arith.constant 0 : i32
      %dma_start3A_155 = tpu.memref_slice %arg6[%add3A_153, %dma_start3A_154] : memref<40x128xi32, #tpu.memory_space<vmem>> -> memref<1x128xi32, #tpu.memory_space<vmem>>
      %dma_start3A_156 = tpu.memref_squeeze %dma_start3A_155 : memref<1x128xi32, #tpu.memory_space<vmem>> -> memref<128xi32, #tpu.memory_space<vmem>>
      %dma_start3A_157 = arith.constant 0 : i32
      %dma_start3A_158 = arith.constant 0 : i32
      %dma_start3A_159 = tpu.memref_slice %arg2[%dma_start3A_157, %dma_start3A_158] : memref<10000x128xf32, #tpu.memory_space<hbm>> -> memref<10000x128xf32, #tpu.memory_space<hbm>>
      tpu.enqueue_indirect_dma source(%dma_start3A_159 : memref<10000x128xf32, #tpu.memory_space<hbm>>) target(%arg9 : memref<128x128xf32, #tpu.memory_space<vmem>>) offsets(%dma_start3A_156 : memref<128xi32, #tpu.memory_space<vmem>>) semaphore(%arg12 : memref<!tpu.dma_semaphore, #tpu.memory_space<semaphore_mem>>)
      "tpu.region"() ({
        %run_scoped3A_179 = tpu.sem_alloc : memref<!tpu.dma_semaphore, #tpu.memory_space<semaphore_mem>>
        %dma_start3A_180 = arith.constant 0 : i32
        %dma_start3A_181 = tpu.memref_slice %arg7[%add3A_145, %dma_start3A_180] : memref<40x128xi32, #tpu.memory_space<vmem>> -> memref<1x128xi32, #tpu.memory_space<vmem>>
        %dma_start3A_182 = tpu.memref_squeeze %dma_start3A_181 : memref<1x128xi32, #tpu.memory_space<vmem>> -> memref<128xi32, #tpu.memory_space<vmem>>
        %dma_start3A_183 = arith.constant 0 : i32
        %dma_start3A_184 = arith.constant 0 : i32
        %dma_start3A_185 = tpu.memref_slice %arg10[%dma_start3A_183, %dma_start3A_184] : memref<10016x128xf32, #tpu.memory_space<vmem_shared>> -> memref<10016x128xf32, #tpu.memory_space<vmem_shared>>
        tpu.enqueue_indirect_dma source(%arg8 : memref<128x128xf32, #tpu.memory_space<vmem>>) target(%dma_start3A_185 : memref<10016x128xf32, #tpu.memory_space<vmem_shared>>) offsets(%dma_start3A_182 : memref<128xi32, #tpu.memory_space<vmem>>) semaphore(%run_scoped3A_179 : memref<!tpu.dma_semaphore, #tpu.memory_space<semaphore_mem>>) {add = true}
        %dma_wait3A_186 = arith.constant 0 : i32
        %dma_wait3A_187 = tpu.memref_slice %arg7[%add3A_145, %dma_wait3A_186] : memref<40x128xi32, #tpu.memory_space<vmem>> -> memref<1x128xi32, #tpu.memory_space<vmem>>
        %dma_wait3A_188 = tpu.memref_squeeze %dma_wait3A_187 : memref<1x128xi32, #tpu.memory_space<vmem>> -> memref<128xi32, #tpu.memory_space<vmem>>
        %dma_wait3A_189 = arith.constant 0 : i32
        %dma_wait3A_190 = arith.constant 0 : i32
        %dma_wait3A_191 = tpu.memref_slice %arg10[%dma_wait3A_189, %dma_wait3A_190] : memref<10016x128xf32, #tpu.memory_space<vmem_shared>> -> memref<10016x128xf32, #tpu.memory_space<vmem_shared>>
        tpu.wait_indirect_dma semaphore(%run_scoped3A_179 : memref<!tpu.dma_semaphore, #tpu.memory_space<semaphore_mem>>) src(%arg8 : memref<128x128xf32, #tpu.memory_space<vmem>>) dst(%dma_wait3A_191 : memref<10016x128xf32, #tpu.memory_space<vmem_shared>>)
        tpu.yield
      }) : () -> ()
      %mul3A_160 = arith.constant 2 : i32
      %mul3A_161 = arith.muli %scan3A_140, %mul3A_160 : i32
      %add3A_162 = arith.constant 1 : i32
      %add3A_163 = arith.addi %mul3A_161, %add3A_162 : i32
      %dma_wait3A_164 = arith.constant 0 : i32
      %dma_wait3A_165 = tpu.memref_slice %arg6[%add3A_163, %dma_wait3A_164] : memref<40x128xi32, #tpu.memory_space<vmem>> -> memref<1x128xi32, #tpu.memory_space<vmem>>
      %dma_wait3A_166 = tpu.memref_squeeze %dma_wait3A_165 : memref<1x128xi32, #tpu.memory_space<vmem>> -> memref<128xi32, #tpu.memory_space<vmem>>
      %dma_wait3A_167 = arith.constant 0 : i32
      %dma_wait3A_168 = arith.constant 0 : i32
      %dma_wait3A_169 = tpu.memref_slice %arg2[%dma_wait3A_167, %dma_wait3A_168] : memref<10000x128xf32, #tpu.memory_space<hbm>> -> memref<10000x128xf32, #tpu.memory_space<hbm>>
      tpu.wait_indirect_dma semaphore(%arg12 : memref<!tpu.dma_semaphore, #tpu.memory_space<semaphore_mem>>) src(%dma_wait3A_169 : memref<10000x128xf32, #tpu.memory_space<hbm>>) dst(%arg9 : memref<128x128xf32, #tpu.memory_space<vmem>>)
      %add3A_170 = arith.constant 1 : i32
      %add3A_171 = arith.addi %add3A_163, %add3A_170 : i32
      %dma_start3A_172 = arith.constant 0 : i32
      %dma_start3A_173 = tpu.memref_slice %arg6[%add3A_171, %dma_start3A_172] : memref<40x128xi32, #tpu.memory_space<vmem>> -> memref<1x128xi32, #tpu.memory_space<vmem>>
      %dma_start3A_174 = tpu.memref_squeeze %dma_start3A_173 : memref<1x128xi32, #tpu.memory_space<vmem>> -> memref<128xi32, #tpu.memory_space<vmem>>
      %dma_start3A_175 = arith.constant 0 : i32
      %dma_start3A_176 = arith.constant 0 : i32
      %dma_start3A_177 = tpu.memref_slice %arg2[%dma_start3A_175, %dma_start3A_176] : memref<10000x128xf32, #tpu.memory_space<hbm>> -> memref<10000x128xf32, #tpu.memory_space<hbm>>
      tpu.enqueue_indirect_dma source(%dma_start3A_177 : memref<10000x128xf32, #tpu.memory_space<hbm>>) target(%arg8 : memref<128x128xf32, #tpu.memory_space<vmem>>) offsets(%dma_start3A_174 : memref<128xi32, #tpu.memory_space<vmem>>) semaphore(%arg11 : memref<!tpu.dma_semaphore, #tpu.memory_space<semaphore_mem>>)
      "tpu.region"() ({
        %run_scoped3A_179 = tpu.sem_alloc : memref<!tpu.dma_semaphore, #tpu.memory_space<semaphore_mem>>
        %dma_start3A_180 = arith.constant 0 : i32
        %dma_start3A_181 = tpu.memref_slice %arg7[%add3A_163, %dma_start3A_180] : memref<40x128xi32, #tpu.memory_space<vmem>> -> memref<1x128xi32, #tpu.memory_space<vmem>>
        %dma_start3A_182 = tpu.memref_squeeze %dma_start3A_181 : memref<1x128xi32, #tpu.memory_space<vmem>> -> memref<128xi32, #tpu.memory_space<vmem>>
        %dma_start3A_183 = arith.constant 0 : i32
        %dma_start3A_184 = arith.constant 0 : i32
        %dma_start3A_185 = tpu.memref_slice %arg10[%dma_start3A_183, %dma_start3A_184] : memref<10016x128xf32, #tpu.memory_space<vmem_shared>> -> memref<10016x128xf32, #tpu.memory_space<vmem_shared>>
        tpu.enqueue_indirect_dma source(%arg9 : memref<128x128xf32, #tpu.memory_space<vmem>>) target(%dma_start3A_185 : memref<10016x128xf32, #tpu.memory_space<vmem_shared>>) offsets(%dma_start3A_182 : memref<128xi32, #tpu.memory_space<vmem>>) semaphore(%run_scoped3A_179 : memref<!tpu.dma_semaphore, #tpu.memory_space<semaphore_mem>>) {add = true}
        %dma_wait3A_186 = arith.constant 0 : i32
        %dma_wait3A_187 = tpu.memref_slice %arg7[%add3A_163, %dma_wait3A_186] : memref<40x128xi32, #tpu.memory_space<vmem>> -> memref<1x128xi32, #tpu.memory_space<vmem>>
        %dma_wait3A_188 = tpu.memref_squeeze %dma_wait3A_187 : memref<1x128xi32, #tpu.memory_space<vmem>> -> memref<128xi32, #tpu.memory_space<vmem>>
        %dma_wait3A_189 = arith.constant 0 : i32
        %dma_wait3A_190 = arith.constant 0 : i32
        %dma_wait3A_191 = tpu.memref_slice %arg10[%dma_wait3A_189, %dma_wait3A_190] : memref<10016x128xf32, #tpu.memory_space<vmem_shared>> -> memref<10016x128xf32, #tpu.memory_space<vmem_shared>>
        tpu.wait_indirect_dma semaphore(%run_scoped3A_179 : memref<!tpu.dma_semaphore, #tpu.memory_space<semaphore_mem>>) src(%arg9 : memref<128x128xf32, #tpu.memory_space<vmem>>) dst(%dma_wait3A_191 : memref<10016x128xf32, #tpu.memory_space<vmem_shared>>)
        tpu.yield
      }) : () -> ()
      %scan3A_178 = arith.constant 0 : i32
      scf.yield %scan3A_178 : i32
    }
    %scan3A_43 = arith.constant 19 : i32
    %dma_wait3A = arith.constant 38 : i32
    %dma_wait3A_44 = arith.constant 0 : i32
    %dma_wait3A_45 = tpu.memref_slice %arg6[%dma_wait3A, %dma_wait3A_44] : memref<40x128xi32, #tpu.memory_space<vmem>> -> memref<1x128xi32, #tpu.memory_space<vmem>>
    %dma_wait3A_46 = tpu.memref_squeeze %dma_wait3A_45 : memref<1x128xi32, #tpu.memory_space<vmem>> -> memref<128xi32, #tpu.memory_space<vmem>>
    %dma_wait3A_47 = arith.constant 0 : i32
    %dma_wait3A_48 = arith.constant 0 : i32
    %dma_wait3A_49 = tpu.memref_slice %arg2[%dma_wait3A_47, %dma_wait3A_48] : memref<10000x128xf32, #tpu.memory_space<hbm>> -> memref<10000x128xf32, #tpu.memory_space<hbm>>
    tpu.wait_indirect_dma semaphore(%arg11 : memref<!tpu.dma_semaphore, #tpu.memory_space<semaphore_mem>>) src(%dma_wait3A_49 : memref<10000x128xf32, #tpu.memory_space<hbm>>) dst(%arg8 : memref<128x128xf32, #tpu.memory_space<vmem>>)
    %dma_start3A_50 = arith.constant 39 : i32
    %dma_start3A_51 = arith.constant 0 : i32
    %dma_start3A_52 = tpu.memref_slice %arg6[%dma_start3A_50, %dma_start3A_51] : memref<40x128xi32, #tpu.memory_space<vmem>> -> memref<1x128xi32, #tpu.memory_space<vmem>>
    %dma_start3A_53 = tpu.memref_squeeze %dma_start3A_52 : memref<1x128xi32, #tpu.memory_space<vmem>> -> memref<128xi32, #tpu.memory_space<vmem>>
    %dma_start3A_54 = arith.constant 0 : i32
    %dma_start3A_55 = arith.constant 0 : i32
    %dma_start3A_56 = tpu.memref_slice %arg2[%dma_start3A_54, %dma_start3A_55] : memref<10000x128xf32, #tpu.memory_space<hbm>> -> memref<10000x128xf32, #tpu.memory_space<hbm>>
    tpu.enqueue_indirect_dma source(%dma_start3A_56 : memref<10000x128xf32, #tpu.memory_space<hbm>>) target(%arg9 : memref<128x128xf32, #tpu.memory_space<vmem>>) offsets(%dma_start3A_53 : memref<128xi32, #tpu.memory_space<vmem>>) semaphore(%arg12 : memref<!tpu.dma_semaphore, #tpu.memory_space<semaphore_mem>>)
    %run_scoped3A = arith.constant 38 : i32
    "tpu.region"() ({
      %run_scoped3A_140 = tpu.sem_alloc : memref<!tpu.dma_semaphore, #tpu.memory_space<semaphore_mem>>
      %dma_start3A_141 = arith.constant 0 : i32
      %dma_start3A_142 = tpu.memref_slice %arg7[%run_scoped3A, %dma_start3A_141] : memref<40x128xi32, #tpu.memory_space<vmem>> -> memref<1x128xi32, #tpu.memory_space<vmem>>
      %dma_start3A_143 = tpu.memref_squeeze %dma_start3A_142 : memref<1x128xi32, #tpu.memory_space<vmem>> -> memref<128xi32, #tpu.memory_space<vmem>>
      %dma_start3A_144 = arith.constant 0 : i32
      %dma_start3A_145 = arith.constant 0 : i32
      %dma_start3A_146 = tpu.memref_slice %arg10[%dma_start3A_144, %dma_start3A_145] : memref<10016x128xf32, #tpu.memory_space<vmem_shared>> -> memref<10016x128xf32, #tpu.memory_space<vmem_shared>>
      tpu.enqueue_indirect_dma source(%arg8 : memref<128x128xf32, #tpu.memory_space<vmem>>) target(%dma_start3A_146 : memref<10016x128xf32, #tpu.memory_space<vmem_shared>>) offsets(%dma_start3A_143 : memref<128xi32, #tpu.memory_space<vmem>>) semaphore(%run_scoped3A_140 : memref<!tpu.dma_semaphore, #tpu.memory_space<semaphore_mem>>) {add = true}
      %dma_wait3A_147 = arith.constant 0 : i32
      %dma_wait3A_148 = tpu.memref_slice %arg7[%run_scoped3A, %dma_wait3A_147] : memref<40x128xi32, #tpu.memory_space<vmem>> -> memref<1x128xi32, #tpu.memory_space<vmem>>
      %dma_wait3A_149 = tpu.memref_squeeze %dma_wait3A_148 : memref<1x128xi32, #tpu.memory_space<vmem>> -> memref<128xi32, #tpu.memory_space<vmem>>
      %dma_wait3A_150 = arith.constant 0 : i32
      %dma_wait3A_151 = arith.constant 0 : i32
      %dma_wait3A_152 = tpu.memref_slice %arg10[%dma_wait3A_150, %dma_wait3A_151] : memref<10016x128xf32, #tpu.memory_space<vmem_shared>> -> memref<10016x128xf32, #tpu.memory_space<vmem_shared>>
      tpu.wait_indirect_dma semaphore(%run_scoped3A_140 : memref<!tpu.dma_semaphore, #tpu.memory_space<semaphore_mem>>) src(%arg8 : memref<128x128xf32, #tpu.memory_space<vmem>>) dst(%dma_wait3A_152 : memref<10016x128xf32, #tpu.memory_space<vmem_shared>>)
      tpu.yield
    }) : () -> ()
    %dma_wait3A_57 = arith.constant 39 : i32
    %dma_wait3A_58 = arith.constant 0 : i32
    %dma_wait3A_59 = tpu.memref_slice %arg6[%dma_wait3A_57, %dma_wait3A_58] : memref<40x128xi32, #tpu.memory_space<vmem>> -> memref<1x128xi32, #tpu.memory_space<vmem>>
    %dma_wait3A_60 = tpu.memref_squeeze %dma_wait3A_59 : memref<1x128xi32, #tpu.memory_space<vmem>> -> memref<128xi32, #tpu.memory_space<vmem>>
    %dma_wait3A_61 = arith.constant 0 : i32
    %dma_wait3A_62 = arith.constant 0 : i32
    %dma_wait3A_63 = tpu.memref_slice %arg2[%dma_wait3A_61, %dma_wait3A_62] : memref<10000x128xf32, #tpu.memory_space<hbm>> -> memref<10000x128xf32, #tpu.memory_space<hbm>>
    tpu.wait_indirect_dma semaphore(%arg12 : memref<!tpu.dma_semaphore, #tpu.memory_space<semaphore_mem>>) src(%dma_wait3A_63 : memref<10000x128xf32, #tpu.memory_space<hbm>>) dst(%arg9 : memref<128x128xf32, #tpu.memory_space<vmem>>)
    %run_scoped3A_64 = arith.constant 39 : i32
    "tpu.region"() ({
      %run_scoped3A_140 = tpu.sem_alloc : memref<!tpu.dma_semaphore, #tpu.memory_space<semaphore_mem>>
      %dma_start3A_141 = arith.constant 0 : i32
      %dma_start3A_142 = tpu.memref_slice %arg7[%run_scoped3A_64, %dma_start3A_141] : memref<40x128xi32, #tpu.memory_space<vmem>> -> memref<1x128xi32, #tpu.memory_space<vmem>>
      %dma_start3A_143 = tpu.memref_squeeze %dma_start3A_142 : memref<1x128xi32, #tpu.memory_space<vmem>> -> memref<128xi32, #tpu.memory_space<vmem>>
      %dma_start3A_144 = arith.constant 0 : i32
      %dma_start3A_145 = arith.constant 0 : i32
      %dma_start3A_146 = tpu.memref_slice %arg10[%dma_start3A_144, %dma_start3A_145] : memref<10016x128xf32, #tpu.memory_space<vmem_shared>> -> memref<10016x128xf32, #tpu.memory_space<vmem_shared>>
      tpu.enqueue_indirect_dma source(%arg9 : memref<128x128xf32, #tpu.memory_space<vmem>>) target(%dma_start3A_146 : memref<10016x128xf32, #tpu.memory_space<vmem_shared>>) offsets(%dma_start3A_143 : memref<128xi32, #tpu.memory_space<vmem>>) semaphore(%run_scoped3A_140 : memref<!tpu.dma_semaphore, #tpu.memory_space<semaphore_mem>>) {add = true}
      %dma_wait3A_147 = arith.constant 0 : i32
      %dma_wait3A_148 = tpu.memref_slice %arg7[%run_scoped3A_64, %dma_wait3A_147] : memref<40x128xi32, #tpu.memory_space<vmem>> -> memref<1x128xi32, #tpu.memory_space<vmem>>
      %dma_wait3A_149 = tpu.memref_squeeze %dma_wait3A_148 : memref<1x128xi32, #tpu.memory_space<vmem>> -> memref<128xi32, #tpu.memory_space<vmem>>
      %dma_wait3A_150 = arith.constant 0 : i32
      %dma_wait3A_151 = arith.constant 0 : i32
      %dma_wait3A_152 = tpu.memref_slice %arg10[%dma_wait3A_150, %dma_wait3A_151] : memref<10016x128xf32, #tpu.memory_space<vmem_shared>> -> memref<10016x128xf32, #tpu.memory_space<vmem_shared>>
      tpu.wait_indirect_dma semaphore(%run_scoped3A_140 : memref<!tpu.dma_semaphore, #tpu.memory_space<semaphore_mem>>) src(%arg9 : memref<128x128xf32, #tpu.memory_space<vmem>>) dst(%dma_wait3A_152 : memref<10016x128xf32, #tpu.memory_space<vmem_shared>>)
      tpu.yield
    }) : () -> ()
    %mul3A_65 = arith.constant 80 : i32
    %mul3A_66 = arith.muli %add3A, %mul3A_65 : i32
    %add3A_67 = arith.constant 40 : i32
    %add3A_68 = arith.addi %mul3A_66, %add3A_67 : i32
    "tpu.region"() ({
      %run_scoped3A_140 = tpu.sem_alloc : memref<!tpu.dma_semaphore, #tpu.memory_space<semaphore_mem>>
      %dma_start3A_141 = arith.constant 0 : i32
      %dma_start3A_142 = tpu.memref_slice %arg3[%add3A_68, %dma_start3A_141] : memref<2560x128xi32, #tpu.memory_space<hbm>> -> memref<40x128xi32, #tpu.memory_space<hbm>>
      %dma_start3A_143 = arith.constant 0 : i32
      %dma_start3A_144 = tpu.memref_slice %arg3[%add3A_68, %dma_start3A_143] : memref<2560x128xi32, #tpu.memory_space<hbm>> -> memref<40x128xi32, #tpu.memory_space<hbm>>
      tpu.enqueue_dma source(%dma_start3A_144 : memref<40x128xi32, #tpu.memory_space<hbm>>) target(%arg6 : memref<40x128xi32, #tpu.memory_space<vmem>>) target_semaphore(%run_scoped3A_140 : memref<!tpu.dma_semaphore, #tpu.memory_space<semaphore_mem>>)
      %dma_wait3A_145 = arith.constant 0 : i32
      %dma_wait3A_146 = tpu.memref_slice %arg3[%add3A_68, %dma_wait3A_145] : memref<2560x128xi32, #tpu.memory_space<hbm>> -> memref<40x128xi32, #tpu.memory_space<hbm>>
      %dma_wait3A_147 = arith.constant 0 : i32
      %dma_wait3A_148 = tpu.memref_slice %arg3[%add3A_68, %dma_wait3A_147] : memref<2560x128xi32, #tpu.memory_space<hbm>> -> memref<40x128xi32, #tpu.memory_space<hbm>>
      tpu.wait_dma2 semaphore(%run_scoped3A_140 : memref<!tpu.dma_semaphore, #tpu.memory_space<semaphore_mem>>) src(%dma_wait3A_148 : memref<40x128xi32, #tpu.memory_space<hbm>>) dst(%arg6 : memref<40x128xi32, #tpu.memory_space<vmem>>)
      tpu.yield
    }) : () -> ()
    %mul3A_69 = arith.constant 80 : i32
    %mul3A_70 = arith.muli %add3A, %mul3A_69 : i32
    %add3A_71 = arith.constant 40 : i32
    %add3A_72 = arith.addi %mul3A_70, %add3A_71 : i32
    "tpu.region"() ({
      %run_scoped3A_140 = tpu.sem_alloc : memref<!tpu.dma_semaphore, #tpu.memory_space<semaphore_mem>>
      %dma_start3A_141 = arith.constant 0 : i32
      %dma_start3A_142 = tpu.memref_slice %arg4[%add3A_72, %dma_start3A_141] : memref<2560x128xi32, #tpu.memory_space<hbm>> -> memref<40x128xi32, #tpu.memory_space<hbm>>
      %dma_start3A_143 = arith.constant 0 : i32
      %dma_start3A_144 = tpu.memref_slice %arg4[%add3A_72, %dma_start3A_143] : memref<2560x128xi32, #tpu.memory_space<hbm>> -> memref<40x128xi32, #tpu.memory_space<hbm>>
      tpu.enqueue_dma source(%dma_start3A_144 : memref<40x128xi32, #tpu.memory_space<hbm>>) target(%arg7 : memref<40x128xi32, #tpu.memory_space<vmem>>) target_semaphore(%run_scoped3A_140 : memref<!tpu.dma_semaphore, #tpu.memory_space<semaphore_mem>>)
      %dma_wait3A_145 = arith.constant 0 : i32
      %dma_wait3A_146 = tpu.memref_slice %arg4[%add3A_72, %dma_wait3A_145] : memref<2560x128xi32, #tpu.memory_space<hbm>> -> memref<40x128xi32, #tpu.memory_space<hbm>>
      %dma_wait3A_147 = arith.constant 0 : i32
      %dma_wait3A_148 = tpu.memref_slice %arg4[%add3A_72, %dma_wait3A_147] : memref<2560x128xi32, #tpu.memory_space<hbm>> -> memref<40x128xi32, #tpu.memory_space<hbm>>
      tpu.wait_dma2 semaphore(%run_scoped3A_140 : memref<!tpu.dma_semaphore, #tpu.memory_space<semaphore_mem>>) src(%dma_wait3A_148 : memref<40x128xi32, #tpu.memory_space<hbm>>) dst(%arg7 : memref<40x128xi32, #tpu.memory_space<vmem>>)
      tpu.yield
    }) : () -> ()
    %dma_start3A_73 = arith.constant 0 : i32
    %dma_start3A_74 = arith.constant 0 : i32
    %dma_start3A_75 = tpu.memref_slice %arg6[%dma_start3A_73, %dma_start3A_74] : memref<40x128xi32, #tpu.memory_space<vmem>> -> memref<1x128xi32, #tpu.memory_space<vmem>>
    %dma_start3A_76 = tpu.memref_squeeze %dma_start3A_75 : memref<1x128xi32, #tpu.memory_space<vmem>> -> memref<128xi32, #tpu.memory_space<vmem>>
    %dma_start3A_77 = arith.constant 0 : i32
    %dma_start3A_78 = arith.constant 0 : i32
    %dma_start3A_79 = tpu.memref_slice %arg2[%dma_start3A_77, %dma_start3A_78] : memref<10000x128xf32, #tpu.memory_space<hbm>> -> memref<10000x128xf32, #tpu.memory_space<hbm>>
    tpu.enqueue_indirect_dma source(%dma_start3A_79 : memref<10000x128xf32, #tpu.memory_space<hbm>>) target(%arg8 : memref<128x128xf32, #tpu.memory_space<vmem>>) offsets(%dma_start3A_76 : memref<128xi32, #tpu.memory_space<vmem>>) semaphore(%arg11 : memref<!tpu.dma_semaphore, #tpu.memory_space<semaphore_mem>>)
    %scan3A_80 = arith.constant 0 : i32
    %scan3A_81 = arith.constant 0 : i32
    %scan3A_82 = arith.constant 19 : i32
    %scan3A_83 = arith.addi %scan3A_81, %scan3A_82 : i32
    %scan3A_84 = arith.constant 1 : i32
    %scan3A_85 = scf.for %scan3A_140 = %scan3A_81 to %scan3A_83 step %scan3A_84 iter_args(%scan3A_141 = %scan3A_80) -> (i32)  : i32 {
      %mul3A_142 = arith.constant 2 : i32
      %mul3A_143 = arith.muli %scan3A_140, %mul3A_142 : i32
      %add3A_144 = arith.constant 0 : i32
      %add3A_145 = arith.addi %mul3A_143, %add3A_144 : i32
      %dma_wait3A_146 = arith.constant 0 : i32
      %dma_wait3A_147 = tpu.memref_slice %arg6[%add3A_145, %dma_wait3A_146] : memref<40x128xi32, #tpu.memory_space<vmem>> -> memref<1x128xi32, #tpu.memory_space<vmem>>
      %dma_wait3A_148 = tpu.memref_squeeze %dma_wait3A_147 : memref<1x128xi32, #tpu.memory_space<vmem>> -> memref<128xi32, #tpu.memory_space<vmem>>
      %dma_wait3A_149 = arith.constant 0 : i32
      %dma_wait3A_150 = arith.constant 0 : i32
      %dma_wait3A_151 = tpu.memref_slice %arg2[%dma_wait3A_149, %dma_wait3A_150] : memref<10000x128xf32, #tpu.memory_space<hbm>> -> memref<10000x128xf32, #tpu.memory_space<hbm>>
      tpu.wait_indirect_dma semaphore(%arg11 : memref<!tpu.dma_semaphore, #tpu.memory_space<semaphore_mem>>) src(%dma_wait3A_151 : memref<10000x128xf32, #tpu.memory_space<hbm>>) dst(%arg8 : memref<128x128xf32, #tpu.memory_space<vmem>>)
      %add3A_152 = arith.constant 1 : i32
      %add3A_153 = arith.addi %add3A_145, %add3A_152 : i32
      %dma_start3A_154 = arith.constant 0 : i32
      %dma_start3A_155 = tpu.memref_slice %arg6[%add3A_153, %dma_start3A_154] : memref<40x128xi32, #tpu.memory_space<vmem>> -> memref<1x128xi32, #tpu.memory_space<vmem>>
      %dma_start3A_156 = tpu.memref_squeeze %dma_start3A_155 : memref<1x128xi32, #tpu.memory_space<vmem>> -> memref<128xi32, #tpu.memory_space<vmem>>
      %dma_start3A_157 = arith.constant 0 : i32
      %dma_start3A_158 = arith.constant 0 : i32
      %dma_start3A_159 = tpu.memref_slice %arg2[%dma_start3A_157, %dma_start3A_158] : memref<10000x128xf32, #tpu.memory_space<hbm>> -> memref<10000x128xf32, #tpu.memory_space<hbm>>
      tpu.enqueue_indirect_dma source(%dma_start3A_159 : memref<10000x128xf32, #tpu.memory_space<hbm>>) target(%arg9 : memref<128x128xf32, #tpu.memory_space<vmem>>) offsets(%dma_start3A_156 : memref<128xi32, #tpu.memory_space<vmem>>) semaphore(%arg12 : memref<!tpu.dma_semaphore, #tpu.memory_space<semaphore_mem>>)
      "tpu.region"() ({
        %run_scoped3A_179 = tpu.sem_alloc : memref<!tpu.dma_semaphore, #tpu.memory_space<semaphore_mem>>
        %dma_start3A_180 = arith.constant 0 : i32
        %dma_start3A_181 = tpu.memref_slice %arg7[%add3A_145, %dma_start3A_180] : memref<40x128xi32, #tpu.memory_space<vmem>> -> memref<1x128xi32, #tpu.memory_space<vmem>>
        %dma_start3A_182 = tpu.memref_squeeze %dma_start3A_181 : memref<1x128xi32, #tpu.memory_space<vmem>> -> memref<128xi32, #tpu.memory_space<vmem>>
        %dma_start3A_183 = arith.constant 0 : i32
        %dma_start3A_184 = arith.constant 0 : i32
        %dma_start3A_185 = tpu.memref_slice %arg10[%dma_start3A_183, %dma_start3A_184] : memref<10016x128xf32, #tpu.memory_space<vmem_shared>> -> memref<10016x128xf32, #tpu.memory_space<vmem_shared>>
        tpu.enqueue_indirect_dma source(%arg8 : memref<128x128xf32, #tpu.memory_space<vmem>>) target(%dma_start3A_185 : memref<10016x128xf32, #tpu.memory_space<vmem_shared>>) offsets(%dma_start3A_182 : memref<128xi32, #tpu.memory_space<vmem>>) semaphore(%run_scoped3A_179 : memref<!tpu.dma_semaphore, #tpu.memory_space<semaphore_mem>>) {add = true}
        %dma_wait3A_186 = arith.constant 0 : i32
        %dma_wait3A_187 = tpu.memref_slice %arg7[%add3A_145, %dma_wait3A_186] : memref<40x128xi32, #tpu.memory_space<vmem>> -> memref<1x128xi32, #tpu.memory_space<vmem>>
        %dma_wait3A_188 = tpu.memref_squeeze %dma_wait3A_187 : memref<1x128xi32, #tpu.memory_space<vmem>> -> memref<128xi32, #tpu.memory_space<vmem>>
        %dma_wait3A_189 = arith.constant 0 : i32
        %dma_wait3A_190 = arith.constant 0 : i32
        %dma_wait3A_191 = tpu.memref_slice %arg10[%dma_wait3A_189, %dma_wait3A_190] : memref<10016x128xf32, #tpu.memory_space<vmem_shared>> -> memref<10016x128xf32, #tpu.memory_space<vmem_shared>>
        tpu.wait_indirect_dma semaphore(%run_scoped3A_179 : memref<!tpu.dma_semaphore, #tpu.memory_space<semaphore_mem>>) src(%arg8 : memref<128x128xf32, #tpu.memory_space<vmem>>) dst(%dma_wait3A_191 : memref<10016x128xf32, #tpu.memory_space<vmem_shared>>)
        tpu.yield
      }) : () -> ()
      %mul3A_160 = arith.constant 2 : i32
      %mul3A_161 = arith.muli %scan3A_140, %mul3A_160 : i32
      %add3A_162 = arith.constant 1 : i32
      %add3A_163 = arith.addi %mul3A_161, %add3A_162 : i32
      %dma_wait3A_164 = arith.constant 0 : i32
      %dma_wait3A_165 = tpu.memref_slice %arg6[%add3A_163, %dma_wait3A_164] : memref<40x128xi32, #tpu.memory_space<vmem>> -> memref<1x128xi32, #tpu.memory_space<vmem>>
      %dma_wait3A_166 = tpu.memref_squeeze %dma_wait3A_165 : memref<1x128xi32, #tpu.memory_space<vmem>> -> memref<128xi32, #tpu.memory_space<vmem>>
      %dma_wait3A_167 = arith.constant 0 : i32
      %dma_wait3A_168 = arith.constant 0 : i32
      %dma_wait3A_169 = tpu.memref_slice %arg2[%dma_wait3A_167, %dma_wait3A_168] : memref<10000x128xf32, #tpu.memory_space<hbm>> -> memref<10000x128xf32, #tpu.memory_space<hbm>>
      tpu.wait_indirect_dma semaphore(%arg12 : memref<!tpu.dma_semaphore, #tpu.memory_space<semaphore_mem>>) src(%dma_wait3A_169 : memref<10000x128xf32, #tpu.memory_space<hbm>>) dst(%arg9 : memref<128x128xf32, #tpu.memory_space<vmem>>)
      %add3A_170 = arith.constant 1 : i32
      %add3A_171 = arith.addi %add3A_163, %add3A_170 : i32
      %dma_start3A_172 = arith.constant 0 : i32
      %dma_start3A_173 = tpu.memref_slice %arg6[%add3A_171, %dma_start3A_172] : memref<40x128xi32, #tpu.memory_space<vmem>> -> memref<1x128xi32, #tpu.memory_space<vmem>>
      %dma_start3A_174 = tpu.memref_squeeze %dma_start3A_173 : memref<1x128xi32, #tpu.memory_space<vmem>> -> memref<128xi32, #tpu.memory_space<vmem>>
      %dma_start3A_175 = arith.constant 0 : i32
      %dma_start3A_176 = arith.constant 0 : i32
      %dma_start3A_177 = tpu.memref_slice %arg2[%dma_start3A_175, %dma_start3A_176] : memref<10000x128xf32, #tpu.memory_space<hbm>> -> memref<10000x128xf32, #tpu.memory_space<hbm>>
      tpu.enqueue_indirect_dma source(%dma_start3A_177 : memref<10000x128xf32, #tpu.memory_space<hbm>>) target(%arg8 : memref<128x128xf32, #tpu.memory_space<vmem>>) offsets(%dma_start3A_174 : memref<128xi32, #tpu.memory_space<vmem>>) semaphore(%arg11 : memref<!tpu.dma_semaphore, #tpu.memory_space<semaphore_mem>>)
      "tpu.region"() ({
        %run_scoped3A_179 = tpu.sem_alloc : memref<!tpu.dma_semaphore, #tpu.memory_space<semaphore_mem>>
        %dma_start3A_180 = arith.constant 0 : i32
        %dma_start3A_181 = tpu.memref_slice %arg7[%add3A_163, %dma_start3A_180] : memref<40x128xi32, #tpu.memory_space<vmem>> -> memref<1x128xi32, #tpu.memory_space<vmem>>
        %dma_start3A_182 = tpu.memref_squeeze %dma_start3A_181 : memref<1x128xi32, #tpu.memory_space<vmem>> -> memref<128xi32, #tpu.memory_space<vmem>>
        %dma_start3A_183 = arith.constant 0 : i32
        %dma_start3A_184 = arith.constant 0 : i32
        %dma_start3A_185 = tpu.memref_slice %arg10[%dma_start3A_183, %dma_start3A_184] : memref<10016x128xf32, #tpu.memory_space<vmem_shared>> -> memref<10016x128xf32, #tpu.memory_space<vmem_shared>>
        tpu.enqueue_indirect_dma source(%arg9 : memref<128x128xf32, #tpu.memory_space<vmem>>) target(%dma_start3A_185 : memref<10016x128xf32, #tpu.memory_space<vmem_shared>>) offsets(%dma_start3A_182 : memref<128xi32, #tpu.memory_space<vmem>>) semaphore(%run_scoped3A_179 : memref<!tpu.dma_semaphore, #tpu.memory_space<semaphore_mem>>) {add = true}
        %dma_wait3A_186 = arith.constant 0 : i32
        %dma_wait3A_187 = tpu.memref_slice %arg7[%add3A_163, %dma_wait3A_186] : memref<40x128xi32, #tpu.memory_space<vmem>> -> memref<1x128xi32, #tpu.memory_space<vmem>>
        %dma_wait3A_188 = tpu.memref_squeeze %dma_wait3A_187 : memref<1x128xi32, #tpu.memory_space<vmem>> -> memref<128xi32, #tpu.memory_space<vmem>>
        %dma_wait3A_189 = arith.constant 0 : i32
        %dma_wait3A_190 = arith.constant 0 : i32
        %dma_wait3A_191 = tpu.memref_slice %arg10[%dma_wait3A_189, %dma_wait3A_190] : memref<10016x128xf32, #tpu.memory_space<vmem_shared>> -> memref<10016x128xf32, #tpu.memory_space<vmem_shared>>
        tpu.wait_indirect_dma semaphore(%run_scoped3A_179 : memref<!tpu.dma_semaphore, #tpu.memory_space<semaphore_mem>>) src(%arg9 : memref<128x128xf32, #tpu.memory_space<vmem>>) dst(%dma_wait3A_191 : memref<10016x128xf32, #tpu.memory_space<vmem_shared>>)
        tpu.yield
      }) : () -> ()
      %scan3A_178 = arith.constant 0 : i32
      scf.yield %scan3A_178 : i32
    }
    %scan3A_86 = arith.constant 19 : i32
    %dma_wait3A_87 = arith.constant 38 : i32
    %dma_wait3A_88 = arith.constant 0 : i32
    %dma_wait3A_89 = tpu.memref_slice %arg6[%dma_wait3A_87, %dma_wait3A_88] : memref<40x128xi32, #tpu.memory_space<vmem>> -> memref<1x128xi32, #tpu.memory_space<vmem>>
    %dma_wait3A_90 = tpu.memref_squeeze %dma_wait3A_89 : memref<1x128xi32, #tpu.memory_space<vmem>> -> memref<128xi32, #tpu.memory_space<vmem>>
    %dma_wait3A_91 = arith.constant 0 : i32
    %dma_wait3A_92 = arith.constant 0 : i32
    %dma_wait3A_93 = tpu.memref_slice %arg2[%dma_wait3A_91, %dma_wait3A_92] : memref<10000x128xf32, #tpu.memory_space<hbm>> -> memref<10000x128xf32, #tpu.memory_space<hbm>>
    tpu.wait_indirect_dma semaphore(%arg11 : memref<!tpu.dma_semaphore, #tpu.memory_space<semaphore_mem>>) src(%dma_wait3A_93 : memref<10000x128xf32, #tpu.memory_space<hbm>>) dst(%arg8 : memref<128x128xf32, #tpu.memory_space<vmem>>)
    %dma_start3A_94 = arith.constant 39 : i32
    %dma_start3A_95 = arith.constant 0 : i32
    %dma_start3A_96 = tpu.memref_slice %arg6[%dma_start3A_94, %dma_start3A_95] : memref<40x128xi32, #tpu.memory_space<vmem>> -> memref<1x128xi32, #tpu.memory_space<vmem>>
    %dma_start3A_97 = tpu.memref_squeeze %dma_start3A_96 : memref<1x128xi32, #tpu.memory_space<vmem>> -> memref<128xi32, #tpu.memory_space<vmem>>
    %dma_start3A_98 = arith.constant 0 : i32
    %dma_start3A_99 = arith.constant 0 : i32
    %dma_start3A_100 = tpu.memref_slice %arg2[%dma_start3A_98, %dma_start3A_99] : memref<10000x128xf32, #tpu.memory_space<hbm>> -> memref<10000x128xf32, #tpu.memory_space<hbm>>
    tpu.enqueue_indirect_dma source(%dma_start3A_100 : memref<10000x128xf32, #tpu.memory_space<hbm>>) target(%arg9 : memref<128x128xf32, #tpu.memory_space<vmem>>) offsets(%dma_start3A_97 : memref<128xi32, #tpu.memory_space<vmem>>) semaphore(%arg12 : memref<!tpu.dma_semaphore, #tpu.memory_space<semaphore_mem>>)
    %run_scoped3A_101 = arith.constant 38 : i32
    "tpu.region"() ({
      %run_scoped3A_140 = tpu.sem_alloc : memref<!tpu.dma_semaphore, #tpu.memory_space<semaphore_mem>>
      %dma_start3A_141 = arith.constant 0 : i32
      %dma_start3A_142 = tpu.memref_slice %arg7[%run_scoped3A_101, %dma_start3A_141] : memref<40x128xi32, #tpu.memory_space<vmem>> -> memref<1x128xi32, #tpu.memory_space<vmem>>
      %dma_start3A_143 = tpu.memref_squeeze %dma_start3A_142 : memref<1x128xi32, #tpu.memory_space<vmem>> -> memref<128xi32, #tpu.memory_space<vmem>>
      %dma_start3A_144 = arith.constant 0 : i32
      %dma_start3A_145 = arith.constant 0 : i32
      %dma_start3A_146 = tpu.memref_slice %arg10[%dma_start3A_144, %dma_start3A_145] : memref<10016x128xf32, #tpu.memory_space<vmem_shared>> -> memref<10016x128xf32, #tpu.memory_space<vmem_shared>>
      tpu.enqueue_indirect_dma source(%arg8 : memref<128x128xf32, #tpu.memory_space<vmem>>) target(%dma_start3A_146 : memref<10016x128xf32, #tpu.memory_space<vmem_shared>>) offsets(%dma_start3A_143 : memref<128xi32, #tpu.memory_space<vmem>>) semaphore(%run_scoped3A_140 : memref<!tpu.dma_semaphore, #tpu.memory_space<semaphore_mem>>) {add = true}
      %dma_wait3A_147 = arith.constant 0 : i32
      %dma_wait3A_148 = tpu.memref_slice %arg7[%run_scoped3A_101, %dma_wait3A_147] : memref<40x128xi32, #tpu.memory_space<vmem>> -> memref<1x128xi32, #tpu.memory_space<vmem>>
      %dma_wait3A_149 = tpu.memref_squeeze %dma_wait3A_148 : memref<1x128xi32, #tpu.memory_space<vmem>> -> memref<128xi32, #tpu.memory_space<vmem>>
      %dma_wait3A_150 = arith.constant 0 : i32
      %dma_wait3A_151 = arith.constant 0 : i32
      %dma_wait3A_152 = tpu.memref_slice %arg10[%dma_wait3A_150, %dma_wait3A_151] : memref<10016x128xf32, #tpu.memory_space<vmem_shared>> -> memref<10016x128xf32, #tpu.memory_space<vmem_shared>>
      tpu.wait_indirect_dma semaphore(%run_scoped3A_140 : memref<!tpu.dma_semaphore, #tpu.memory_space<semaphore_mem>>) src(%arg8 : memref<128x128xf32, #tpu.memory_space<vmem>>) dst(%dma_wait3A_152 : memref<10016x128xf32, #tpu.memory_space<vmem_shared>>)
      tpu.yield
    }) : () -> ()
    %dma_wait3A_102 = arith.constant 39 : i32
    %dma_wait3A_103 = arith.constant 0 : i32
    %dma_wait3A_104 = tpu.memref_slice %arg6[%dma_wait3A_102, %dma_wait3A_103] : memref<40x128xi32, #tpu.memory_space<vmem>> -> memref<1x128xi32, #tpu.memory_space<vmem>>
    %dma_wait3A_105 = tpu.memref_squeeze %dma_wait3A_104 : memref<1x128xi32, #tpu.memory_space<vmem>> -> memref<128xi32, #tpu.memory_space<vmem>>
    %dma_wait3A_106 = arith.constant 0 : i32
    %dma_wait3A_107 = arith.constant 0 : i32
    %dma_wait3A_108 = tpu.memref_slice %arg2[%dma_wait3A_106, %dma_wait3A_107] : memref<10000x128xf32, #tpu.memory_space<hbm>> -> memref<10000x128xf32, #tpu.memory_space<hbm>>
    tpu.wait_indirect_dma semaphore(%arg12 : memref<!tpu.dma_semaphore, #tpu.memory_space<semaphore_mem>>) src(%dma_wait3A_108 : memref<10000x128xf32, #tpu.memory_space<hbm>>) dst(%arg9 : memref<128x128xf32, #tpu.memory_space<vmem>>)
    %run_scoped3A_109 = arith.constant 39 : i32
    "tpu.region"() ({
      %run_scoped3A_140 = tpu.sem_alloc : memref<!tpu.dma_semaphore, #tpu.memory_space<semaphore_mem>>
      %dma_start3A_141 = arith.constant 0 : i32
      %dma_start3A_142 = tpu.memref_slice %arg7[%run_scoped3A_109, %dma_start3A_141] : memref<40x128xi32, #tpu.memory_space<vmem>> -> memref<1x128xi32, #tpu.memory_space<vmem>>
      %dma_start3A_143 = tpu.memref_squeeze %dma_start3A_142 : memref<1x128xi32, #tpu.memory_space<vmem>> -> memref<128xi32, #tpu.memory_space<vmem>>
      %dma_start3A_144 = arith.constant 0 : i32
      %dma_start3A_145 = arith.constant 0 : i32
      %dma_start3A_146 = tpu.memref_slice %arg10[%dma_start3A_144, %dma_start3A_145] : memref<10016x128xf32, #tpu.memory_space<vmem_shared>> -> memref<10016x128xf32, #tpu.memory_space<vmem_shared>>
      tpu.enqueue_indirect_dma source(%arg9 : memref<128x128xf32, #tpu.memory_space<vmem>>) target(%dma_start3A_146 : memref<10016x128xf32, #tpu.memory_space<vmem_shared>>) offsets(%dma_start3A_143 : memref<128xi32, #tpu.memory_space<vmem>>) semaphore(%run_scoped3A_140 : memref<!tpu.dma_semaphore, #tpu.memory_space<semaphore_mem>>) {add = true}
      %dma_wait3A_147 = arith.constant 0 : i32
      %dma_wait3A_148 = tpu.memref_slice %arg7[%run_scoped3A_109, %dma_wait3A_147] : memref<40x128xi32, #tpu.memory_space<vmem>> -> memref<1x128xi32, #tpu.memory_space<vmem>>
      %dma_wait3A_149 = tpu.memref_squeeze %dma_wait3A_148 : memref<1x128xi32, #tpu.memory_space<vmem>> -> memref<128xi32, #tpu.memory_space<vmem>>
      %dma_wait3A_150 = arith.constant 0 : i32
      %dma_wait3A_151 = arith.constant 0 : i32
      %dma_wait3A_152 = tpu.memref_slice %arg10[%dma_wait3A_150, %dma_wait3A_151] : memref<10016x128xf32, #tpu.memory_space<vmem_shared>> -> memref<10016x128xf32, #tpu.memory_space<vmem_shared>>
      tpu.wait_indirect_dma semaphore(%run_scoped3A_140 : memref<!tpu.dma_semaphore, #tpu.memory_space<semaphore_mem>>) src(%arg9 : memref<128x128xf32, #tpu.memory_space<vmem>>) dst(%dma_wait3A_152 : memref<10016x128xf32, #tpu.memory_space<vmem_shared>>)
      tpu.yield
    }) : () -> ()
    %barrier3A_110 = arith.constant 0 : index
    tpu.barrier barrier_id(%barrier3A_110)
    %add3A_111 = arith.constant 0 : i32
    %add3A_112 = arith.addi %mul3A_9, %add3A_111 : i32
    "tpu.region"() ({
      %run_scoped3A_140 = tpu.sem_alloc : memref<!tpu.dma_semaphore, #tpu.memory_space<semaphore_mem>>
      %dma_start3A_141 = arith.constant 0 : i32
      %dma_start3A_142 = tpu.memref_slice %arg10[%add3A_112, %dma_start3A_141] : memref<10016x128xf32, #tpu.memory_space<vmem_shared>> -> memref<128x128xf32, #tpu.memory_space<vmem_shared>>
      %dma_start3A_143 = arith.constant 0 : i32
      %dma_start3A_144 = tpu.memref_slice %arg10[%add3A_112, %dma_start3A_143] : memref<10016x128xf32, #tpu.memory_space<vmem_shared>> -> memref<128x128xf32, #tpu.memory_space<vmem_shared>>
      tpu.enqueue_dma source(%dma_start3A_144 : memref<128x128xf32, #tpu.memory_space<vmem_shared>>) target(%arg8 : memref<128x128xf32, #tpu.memory_space<vmem>>) target_semaphore(%run_scoped3A_140 : memref<!tpu.dma_semaphore, #tpu.memory_space<semaphore_mem>>)
      %dma_wait3A_145 = arith.constant 0 : i32
      %dma_wait3A_146 = tpu.memref_slice %arg10[%add3A_112, %dma_wait3A_145] : memref<10016x128xf32, #tpu.memory_space<vmem_shared>> -> memref<128x128xf32, #tpu.memory_space<vmem_shared>>
      %dma_wait3A_147 = arith.constant 0 : i32
      %dma_wait3A_148 = tpu.memref_slice %arg10[%add3A_112, %dma_wait3A_147] : memref<10016x128xf32, #tpu.memory_space<vmem_shared>> -> memref<128x128xf32, #tpu.memory_space<vmem_shared>>
      tpu.wait_dma2 semaphore(%run_scoped3A_140 : memref<!tpu.dma_semaphore, #tpu.memory_space<semaphore_mem>>) src(%dma_wait3A_148 : memref<128x128xf32, #tpu.memory_space<vmem_shared>>) dst(%arg8 : memref<128x128xf32, #tpu.memory_space<vmem>>)
      tpu.yield
    }) : () -> ()
    %add3A_113 = arith.constant 0 : i32
    %add3A_114 = arith.addi %mul3A_9, %add3A_113 : i32
    "tpu.region"() ({
      %run_scoped3A_140 = tpu.sem_alloc : memref<!tpu.dma_semaphore, #tpu.memory_space<semaphore_mem>>
      %dma_start3A_141 = arith.constant 0 : i32
      %dma_start3A_142 = tpu.memref_slice %arg5[%arg0, %add3A_114, %dma_start3A_141] : memref<2x10000x128xf32, #tpu.memory_space<hbm>> -> memref<1x128x128xf32, #tpu.memory_space<hbm>>
      %dma_start3A_143 = tpu.memref_squeeze %dma_start3A_142 : memref<1x128x128xf32, #tpu.memory_space<hbm>> -> memref<128x128xf32, #tpu.memory_space<hbm>>
      %dma_start3A_144 = arith.constant 0 : i32
      %dma_start3A_145 = tpu.memref_slice %arg5[%arg0, %add3A_114, %dma_start3A_144] : memref<2x10000x128xf32, #tpu.memory_space<hbm>> -> memref<1x128x128xf32, #tpu.memory_space<hbm>>
      %dma_start3A_146 = tpu.memref_squeeze %dma_start3A_145 : memref<1x128x128xf32, #tpu.memory_space<hbm>> -> memref<128x128xf32, #tpu.memory_space<hbm>>
      tpu.enqueue_dma source(%arg8 : memref<128x128xf32, #tpu.memory_space<vmem>>) target(%dma_start3A_146 : memref<128x128xf32, #tpu.memory_space<hbm>>) target_semaphore(%run_scoped3A_140 : memref<!tpu.dma_semaphore, #tpu.memory_space<semaphore_mem>>)
      %dma_wait3A_147 = arith.constant 0 : i32
      %dma_wait3A_148 = tpu.memref_slice %arg5[%arg0, %add3A_114, %dma_wait3A_147] : memref<2x10000x128xf32, #tpu.memory_space<hbm>> -> memref<1x128x128xf32, #tpu.memory_space<hbm>>
      %dma_wait3A_149 = tpu.memref_squeeze %dma_wait3A_148 : memref<1x128x128xf32, #tpu.memory_space<hbm>> -> memref<128x128xf32, #tpu.memory_space<hbm>>
      %dma_wait3A_150 = arith.constant 0 : i32
      %dma_wait3A_151 = tpu.memref_slice %arg5[%arg0, %add3A_114, %dma_wait3A_150] : memref<2x10000x128xf32, #tpu.memory_space<hbm>> -> memref<1x128x128xf32, #tpu.memory_space<hbm>>
      %dma_wait3A_152 = tpu.memref_squeeze %dma_wait3A_151 : memref<1x128x128xf32, #tpu.memory_space<hbm>> -> memref<128x128xf32, #tpu.memory_space<hbm>>
      tpu.wait_dma2 semaphore(%run_scoped3A_140 : memref<!tpu.dma_semaphore, #tpu.memory_space<semaphore_mem>>) src(%arg8 : memref<128x128xf32, #tpu.memory_space<vmem>>) dst(%dma_wait3A_152 : memref<128x128xf32, #tpu.memory_space<hbm>>)
      tpu.yield
    }) : () -> ()
    %add3A_115 = arith.constant 128 : i32
    %add3A_116 = arith.addi %mul3A_9, %add3A_115 : i32
    "tpu.region"() ({
      %run_scoped3A_140 = tpu.sem_alloc : memref<!tpu.dma_semaphore, #tpu.memory_space<semaphore_mem>>
      %dma_start3A_141 = arith.constant 0 : i32
      %dma_start3A_142 = tpu.memref_slice %arg10[%add3A_116, %dma_start3A_141] : memref<10016x128xf32, #tpu.memory_space<vmem_shared>> -> memref<128x128xf32, #tpu.memory_space<vmem_shared>>
      %dma_start3A_143 = arith.constant 0 : i32
      %dma_start3A_144 = tpu.memref_slice %arg10[%add3A_116, %dma_start3A_143] : memref<10016x128xf32, #tpu.memory_space<vmem_shared>> -> memref<128x128xf32, #tpu.memory_space<vmem_shared>>
      tpu.enqueue_dma source(%dma_start3A_144 : memref<128x128xf32, #tpu.memory_space<vmem_shared>>) target(%arg8 : memref<128x128xf32, #tpu.memory_space<vmem>>) target_semaphore(%run_scoped3A_140 : memref<!tpu.dma_semaphore, #tpu.memory_space<semaphore_mem>>)
      %dma_wait3A_145 = arith.constant 0 : i32
      %dma_wait3A_146 = tpu.memref_slice %arg10[%add3A_116, %dma_wait3A_145] : memref<10016x128xf32, #tpu.memory_space<vmem_shared>> -> memref<128x128xf32, #tpu.memory_space<vmem_shared>>
      %dma_wait3A_147 = arith.constant 0 : i32
      %dma_wait3A_148 = tpu.memref_slice %arg10[%add3A_116, %dma_wait3A_147] : memref<10016x128xf32, #tpu.memory_space<vmem_shared>> -> memref<128x128xf32, #tpu.memory_space<vmem_shared>>
      tpu.wait_dma2 semaphore(%run_scoped3A_140 : memref<!tpu.dma_semaphore, #tpu.memory_space<semaphore_mem>>) src(%dma_wait3A_148 : memref<128x128xf32, #tpu.memory_space<vmem_shared>>) dst(%arg8 : memref<128x128xf32, #tpu.memory_space<vmem>>)
      tpu.yield
    }) : () -> ()
    %add3A_117 = arith.constant 128 : i32
    %add3A_118 = arith.addi %mul3A_9, %add3A_117 : i32
    "tpu.region"() ({
      %run_scoped3A_140 = tpu.sem_alloc : memref<!tpu.dma_semaphore, #tpu.memory_space<semaphore_mem>>
      %dma_start3A_141 = arith.constant 0 : i32
      %dma_start3A_142 = tpu.memref_slice %arg5[%arg0, %add3A_118, %dma_start3A_141] : memref<2x10000x128xf32, #tpu.memory_space<hbm>> -> memref<1x128x128xf32, #tpu.memory_space<hbm>>
      %dma_start3A_143 = tpu.memref_squeeze %dma_start3A_142 : memref<1x128x128xf32, #tpu.memory_space<hbm>> -> memref<128x128xf32, #tpu.memory_space<hbm>>
      %dma_start3A_144 = arith.constant 0 : i32
      %dma_start3A_145 = tpu.memref_slice %arg5[%arg0, %add3A_118, %dma_start3A_144] : memref<2x10000x128xf32, #tpu.memory_space<hbm>> -> memref<1x128x128xf32, #tpu.memory_space<hbm>>
      %dma_start3A_146 = tpu.memref_squeeze %dma_start3A_145 : memref<1x128x128xf32, #tpu.memory_space<hbm>> -> memref<128x128xf32, #tpu.memory_space<hbm>>
      tpu.enqueue_dma source(%arg8 : memref<128x128xf32, #tpu.memory_space<vmem>>) target(%dma_start3A_146 : memref<128x128xf32, #tpu.memory_space<hbm>>) target_semaphore(%run_scoped3A_140 : memref<!tpu.dma_semaphore, #tpu.memory_space<semaphore_mem>>)
      %dma_wait3A_147 = arith.constant 0 : i32
      %dma_wait3A_148 = tpu.memref_slice %arg5[%arg0, %add3A_118, %dma_wait3A_147] : memref<2x10000x128xf32, #tpu.memory_space<hbm>> -> memref<1x128x128xf32, #tpu.memory_space<hbm>>
      %dma_wait3A_149 = tpu.memref_squeeze %dma_wait3A_148 : memref<1x128x128xf32, #tpu.memory_space<hbm>> -> memref<128x128xf32, #tpu.memory_space<hbm>>
      %dma_wait3A_150 = arith.constant 0 : i32
      %dma_wait3A_151 = tpu.memref_slice %arg5[%arg0, %add3A_118, %dma_wait3A_150] : memref<2x10000x128xf32, #tpu.memory_space<hbm>> -> memref<1x128x128xf32, #tpu.memory_space<hbm>>
      %dma_wait3A_152 = tpu.memref_squeeze %dma_wait3A_151 : memref<1x128x128xf32, #tpu.memory_space<hbm>> -> memref<128x128xf32, #tpu.memory_space<hbm>>
      tpu.wait_dma2 semaphore(%run_scoped3A_140 : memref<!tpu.dma_semaphore, #tpu.memory_space<semaphore_mem>>) src(%arg8 : memref<128x128xf32, #tpu.memory_space<vmem>>) dst(%dma_wait3A_152 : memref<128x128xf32, #tpu.memory_space<hbm>>)
      tpu.yield
    }) : () -> ()
    %add3A_119 = arith.constant 256 : i32
    %add3A_120 = arith.addi %mul3A_9, %add3A_119 : i32
    "tpu.region"() ({
      %run_scoped3A_140 = tpu.sem_alloc : memref<!tpu.dma_semaphore, #tpu.memory_space<semaphore_mem>>
      %dma_start3A_141 = arith.constant 0 : i32
      %dma_start3A_142 = tpu.memref_slice %arg10[%add3A_120, %dma_start3A_141] : memref<10016x128xf32, #tpu.memory_space<vmem_shared>> -> memref<128x128xf32, #tpu.memory_space<vmem_shared>>
      %dma_start3A_143 = arith.constant 0 : i32
      %dma_start3A_144 = tpu.memref_slice %arg10[%add3A_120, %dma_start3A_143] : memref<10016x128xf32, #tpu.memory_space<vmem_shared>> -> memref<128x128xf32, #tpu.memory_space<vmem_shared>>
      tpu.enqueue_dma source(%dma_start3A_144 : memref<128x128xf32, #tpu.memory_space<vmem_shared>>) target(%arg8 : memref<128x128xf32, #tpu.memory_space<vmem>>) target_semaphore(%run_scoped3A_140 : memref<!tpu.dma_semaphore, #tpu.memory_space<semaphore_mem>>)
      %dma_wait3A_145 = arith.constant 0 : i32
      %dma_wait3A_146 = tpu.memref_slice %arg10[%add3A_120, %dma_wait3A_145] : memref<10016x128xf32, #tpu.memory_space<vmem_shared>> -> memref<128x128xf32, #tpu.memory_space<vmem_shared>>
      %dma_wait3A_147 = arith.constant 0 : i32
      %dma_wait3A_148 = tpu.memref_slice %arg10[%add3A_120, %dma_wait3A_147] : memref<10016x128xf32, #tpu.memory_space<vmem_shared>> -> memref<128x128xf32, #tpu.memory_space<vmem_shared>>
      tpu.wait_dma2 semaphore(%run_scoped3A_140 : memref<!tpu.dma_semaphore, #tpu.memory_space<semaphore_mem>>) src(%dma_wait3A_148 : memref<128x128xf32, #tpu.memory_space<vmem_shared>>) dst(%arg8 : memref<128x128xf32, #tpu.memory_space<vmem>>)
      tpu.yield
    }) : () -> ()
    %add3A_121 = arith.constant 256 : i32
    %add3A_122 = arith.addi %mul3A_9, %add3A_121 : i32
    "tpu.region"() ({
      %run_scoped3A_140 = tpu.sem_alloc : memref<!tpu.dma_semaphore, #tpu.memory_space<semaphore_mem>>
      %dma_start3A_141 = arith.constant 0 : i32
      %dma_start3A_142 = tpu.memref_slice %arg5[%arg0, %add3A_122, %dma_start3A_141] : memref<2x10000x128xf32, #tpu.memory_space<hbm>> -> memref<1x128x128xf32, #tpu.memory_space<hbm>>
      %dma_start3A_143 = tpu.memref_squeeze %dma_start3A_142 : memref<1x128x128xf32, #tpu.memory_space<hbm>> -> memref<128x128xf32, #tpu.memory_space<hbm>>
      %dma_start3A_144 = arith.constant 0 : i32
      %dma_start3A_145 = tpu.memref_slice %arg5[%arg0, %add3A_122, %dma_start3A_144] : memref<2x10000x128xf32, #tpu.memory_space<hbm>> -> memref<1x128x128xf32, #tpu.memory_space<hbm>>
      %dma_start3A_146 = tpu.memref_squeeze %dma_start3A_145 : memref<1x128x128xf32, #tpu.memory_space<hbm>> -> memref<128x128xf32, #tpu.memory_space<hbm>>
      tpu.enqueue_dma source(%arg8 : memref<128x128xf32, #tpu.memory_space<vmem>>) target(%dma_start3A_146 : memref<128x128xf32, #tpu.memory_space<hbm>>) target_semaphore(%run_scoped3A_140 : memref<!tpu.dma_semaphore, #tpu.memory_space<semaphore_mem>>)
      %dma_wait3A_147 = arith.constant 0 : i32
      %dma_wait3A_148 = tpu.memref_slice %arg5[%arg0, %add3A_122, %dma_wait3A_147] : memref<2x10000x128xf32, #tpu.memory_space<hbm>> -> memref<1x128x128xf32, #tpu.memory_space<hbm>>
      %dma_wait3A_149 = tpu.memref_squeeze %dma_wait3A_148 : memref<1x128x128xf32, #tpu.memory_space<hbm>> -> memref<128x128xf32, #tpu.memory_space<hbm>>
      %dma_wait3A_150 = arith.constant 0 : i32
      %dma_wait3A_151 = tpu.memref_slice %arg5[%arg0, %add3A_122, %dma_wait3A_150] : memref<2x10000x128xf32, #tpu.memory_space<hbm>> -> memref<1x128x128xf32, #tpu.memory_space<hbm>>
      %dma_wait3A_152 = tpu.memref_squeeze %dma_wait3A_151 : memref<1x128x128xf32, #tpu.memory_space<hbm>> -> memref<128x128xf32, #tpu.memory_space<hbm>>
      tpu.wait_dma2 semaphore(%run_scoped3A_140 : memref<!tpu.dma_semaphore, #tpu.memory_space<semaphore_mem>>) src(%arg8 : memref<128x128xf32, #tpu.memory_space<vmem>>) dst(%dma_wait3A_152 : memref<128x128xf32, #tpu.memory_space<hbm>>)
      tpu.yield
    }) : () -> ()
    %add3A_123 = arith.constant 384 : i32
    %add3A_124 = arith.addi %mul3A_9, %add3A_123 : i32
    "tpu.region"() ({
      %run_scoped3A_140 = tpu.sem_alloc : memref<!tpu.dma_semaphore, #tpu.memory_space<semaphore_mem>>
      %dma_start3A_141 = arith.constant 0 : i32
      %dma_start3A_142 = tpu.memref_slice %arg10[%add3A_124, %dma_start3A_141] : memref<10016x128xf32, #tpu.memory_space<vmem_shared>> -> memref<128x128xf32, #tpu.memory_space<vmem_shared>>
      %dma_start3A_143 = arith.constant 0 : i32
      %dma_start3A_144 = tpu.memref_slice %arg10[%add3A_124, %dma_start3A_143] : memref<10016x128xf32, #tpu.memory_space<vmem_shared>> -> memref<128x128xf32, #tpu.memory_space<vmem_shared>>
      tpu.enqueue_dma source(%dma_start3A_144 : memref<128x128xf32, #tpu.memory_space<vmem_shared>>) target(%arg8 : memref<128x128xf32, #tpu.memory_space<vmem>>) target_semaphore(%run_scoped3A_140 : memref<!tpu.dma_semaphore, #tpu.memory_space<semaphore_mem>>)
      %dma_wait3A_145 = arith.constant 0 : i32
      %dma_wait3A_146 = tpu.memref_slice %arg10[%add3A_124, %dma_wait3A_145] : memref<10016x128xf32, #tpu.memory_space<vmem_shared>> -> memref<128x128xf32, #tpu.memory_space<vmem_shared>>
      %dma_wait3A_147 = arith.constant 0 : i32
      %dma_wait3A_148 = tpu.memref_slice %arg10[%add3A_124, %dma_wait3A_147] : memref<10016x128xf32, #tpu.memory_space<vmem_shared>> -> memref<128x128xf32, #tpu.memory_space<vmem_shared>>
      tpu.wait_dma2 semaphore(%run_scoped3A_140 : memref<!tpu.dma_semaphore, #tpu.memory_space<semaphore_mem>>) src(%dma_wait3A_148 : memref<128x128xf32, #tpu.memory_space<vmem_shared>>) dst(%arg8 : memref<128x128xf32, #tpu.memory_space<vmem>>)
      tpu.yield
    }) : () -> ()
    %add3A_125 = arith.constant 384 : i32
    %add3A_126 = arith.addi %mul3A_9, %add3A_125 : i32
    "tpu.region"() ({
      %run_scoped3A_140 = tpu.sem_alloc : memref<!tpu.dma_semaphore, #tpu.memory_space<semaphore_mem>>
      %dma_start3A_141 = arith.constant 0 : i32
      %dma_start3A_142 = tpu.memref_slice %arg5[%arg0, %add3A_126, %dma_start3A_141] : memref<2x10000x128xf32, #tpu.memory_space<hbm>> -> memref<1x128x128xf32, #tpu.memory_space<hbm>>
      %dma_start3A_143 = tpu.memref_squeeze %dma_start3A_142 : memref<1x128x128xf32, #tpu.memory_space<hbm>> -> memref<128x128xf32, #tpu.memory_space<hbm>>
      %dma_start3A_144 = arith.constant 0 : i32
      %dma_start3A_145 = tpu.memref_slice %arg5[%arg0, %add3A_126, %dma_start3A_144] : memref<2x10000x128xf32, #tpu.memory_space<hbm>> -> memref<1x128x128xf32, #tpu.memory_space<hbm>>
      %dma_start3A_146 = tpu.memref_squeeze %dma_start3A_145 : memref<1x128x128xf32, #tpu.memory_space<hbm>> -> memref<128x128xf32, #tpu.memory_space<hbm>>
      tpu.enqueue_dma source(%arg8 : memref<128x128xf32, #tpu.memory_space<vmem>>) target(%dma_start3A_146 : memref<128x128xf32, #tpu.memory_space<hbm>>) target_semaphore(%run_scoped3A_140 : memref<!tpu.dma_semaphore, #tpu.memory_space<semaphore_mem>>)
      %dma_wait3A_147 = arith.constant 0 : i32
      %dma_wait3A_148 = tpu.memref_slice %arg5[%arg0, %add3A_126, %dma_wait3A_147] : memref<2x10000x128xf32, #tpu.memory_space<hbm>> -> memref<1x128x128xf32, #tpu.memory_space<hbm>>
      %dma_wait3A_149 = tpu.memref_squeeze %dma_wait3A_148 : memref<1x128x128xf32, #tpu.memory_space<hbm>> -> memref<128x128xf32, #tpu.memory_space<hbm>>
      %dma_wait3A_150 = arith.constant 0 : i32
      %dma_wait3A_151 = tpu.memref_slice %arg5[%arg0, %add3A_126, %dma_wait3A_150] : memref<2x10000x128xf32, #tpu.memory_space<hbm>> -> memref<1x128x128xf32, #tpu.memory_space<hbm>>
      %dma_wait3A_152 = tpu.memref_squeeze %dma_wait3A_151 : memref<1x128x128xf32, #tpu.memory_space<hbm>> -> memref<128x128xf32, #tpu.memory_space<hbm>>
      tpu.wait_dma2 semaphore(%run_scoped3A_140 : memref<!tpu.dma_semaphore, #tpu.memory_space<semaphore_mem>>) src(%arg8 : memref<128x128xf32, #tpu.memory_space<vmem>>) dst(%dma_wait3A_152 : memref<128x128xf32, #tpu.memory_space<hbm>>)
      tpu.yield
    }) : () -> ()
    %add3A_127 = arith.constant 624 : i32
    %add3A_128 = arith.addi %mul3A_9, %add3A_127 : i32
    %sub3A_129 = arith.constant 112 : i32
    %sub3A_130 = arith.subi %add3A_128, %sub3A_129 : i32
    "tpu.region"() ({
      %run_scoped3A_140 = tpu.sem_alloc : memref<!tpu.dma_semaphore, #tpu.memory_space<semaphore_mem>>
      %dma_start3A_141 = arith.constant 0 : i32
      %dma_start3A_142 = arith.constant 0 : i32
      %dma_start3A_143 = tpu.memref_slice %arg9[%dma_start3A_141, %dma_start3A_142] : memref<128x128xf32, #tpu.memory_space<vmem>> -> memref<112x128xf32, #tpu.memory_space<vmem>>
      %dma_start3A_144 = arith.constant 0 : i32
      %dma_start3A_145 = tpu.memref_slice %arg10[%sub3A_130, %dma_start3A_144] : memref<10016x128xf32, #tpu.memory_space<vmem_shared>> -> memref<112x128xf32, #tpu.memory_space<vmem_shared>>
      %dma_start3A_146 = arith.constant 0 : i32
      %dma_start3A_147 = arith.constant 0 : i32
      %dma_start3A_148 = tpu.memref_slice %arg9[%dma_start3A_146, %dma_start3A_147] : memref<128x128xf32, #tpu.memory_space<vmem>> -> memref<112x128xf32, #tpu.memory_space<vmem>>
      %dma_start3A_149 = arith.constant 0 : i32
      %dma_start3A_150 = tpu.memref_slice %arg10[%sub3A_130, %dma_start3A_149] : memref<10016x128xf32, #tpu.memory_space<vmem_shared>> -> memref<112x128xf32, #tpu.memory_space<vmem_shared>>
      tpu.enqueue_dma source(%dma_start3A_150 : memref<112x128xf32, #tpu.memory_space<vmem_shared>>) target(%dma_start3A_148 : memref<112x128xf32, #tpu.memory_space<vmem>>) target_semaphore(%run_scoped3A_140 : memref<!tpu.dma_semaphore, #tpu.memory_space<semaphore_mem>>)
      %dma_wait3A_151 = arith.constant 0 : i32
      %dma_wait3A_152 = arith.constant 0 : i32
      %dma_wait3A_153 = tpu.memref_slice %arg9[%dma_wait3A_151, %dma_wait3A_152] : memref<128x128xf32, #tpu.memory_space<vmem>> -> memref<112x128xf32, #tpu.memory_space<vmem>>
      %dma_wait3A_154 = arith.constant 0 : i32
      %dma_wait3A_155 = tpu.memref_slice %arg10[%sub3A_130, %dma_wait3A_154] : memref<10016x128xf32, #tpu.memory_space<vmem_shared>> -> memref<112x128xf32, #tpu.memory_space<vmem_shared>>
      %dma_wait3A_156 = arith.constant 0 : i32
      %dma_wait3A_157 = arith.constant 0 : i32
      %dma_wait3A_158 = tpu.memref_slice %arg9[%dma_wait3A_156, %dma_wait3A_157] : memref<128x128xf32, #tpu.memory_space<vmem>> -> memref<112x128xf32, #tpu.memory_space<vmem>>
      %dma_wait3A_159 = arith.constant 0 : i32
      %dma_wait3A_160 = tpu.memref_slice %arg10[%sub3A_130, %dma_wait3A_159] : memref<10016x128xf32, #tpu.memory_space<vmem_shared>> -> memref<112x128xf32, #tpu.memory_space<vmem_shared>>
      tpu.wait_dma2 semaphore(%run_scoped3A_140 : memref<!tpu.dma_semaphore, #tpu.memory_space<semaphore_mem>>) src(%dma_wait3A_160 : memref<112x128xf32, #tpu.memory_space<vmem_shared>>) dst(%dma_wait3A_158 : memref<112x128xf32, #tpu.memory_space<vmem>>)
      tpu.yield
    }) : () -> ()
    %add3A_131 = arith.constant 624 : i32
    %add3A_132 = arith.addi %mul3A_9, %add3A_131 : i32
    %sub3A_133 = arith.constant 112 : i32
    %sub3A_134 = arith.subi %add3A_132, %sub3A_133 : i32
    "tpu.region"() ({
      %run_scoped3A_140 = tpu.sem_alloc : memref<!tpu.dma_semaphore, #tpu.memory_space<semaphore_mem>>
      %dma_start3A_141 = arith.constant 0 : i32
      %dma_start3A_142 = arith.constant 0 : i32
      %dma_start3A_143 = tpu.memref_slice %arg9[%dma_start3A_141, %dma_start3A_142] : memref<128x128xf32, #tpu.memory_space<vmem>> -> memref<112x128xf32, #tpu.memory_space<vmem>>
      %dma_start3A_144 = arith.constant 0 : i32
      %dma_start3A_145 = tpu.memref_slice %arg5[%arg0, %sub3A_134, %dma_start3A_144] : memref<2x10000x128xf32, #tpu.memory_space<hbm>> -> memref<1x112x128xf32, #tpu.memory_space<hbm>>
      %dma_start3A_146 = tpu.memref_squeeze %dma_start3A_145 : memref<1x112x128xf32, #tpu.memory_space<hbm>> -> memref<112x128xf32, #tpu.memory_space<hbm>>
      %dma_start3A_147 = arith.constant 0 : i32
      %dma_start3A_148 = tpu.memref_slice %arg5[%arg0, %sub3A_134, %dma_start3A_147] : memref<2x10000x128xf32, #tpu.memory_space<hbm>> -> memref<1x112x128xf32, #tpu.memory_space<hbm>>
      %dma_start3A_149 = tpu.memref_squeeze %dma_start3A_148 : memref<1x112x128xf32, #tpu.memory_space<hbm>> -> memref<112x128xf32, #tpu.memory_space<hbm>>
      %dma_start3A_150 = arith.constant 0 : i32
      %dma_start3A_151 = arith.constant 0 : i32
      %dma_start3A_152 = tpu.memref_slice %arg9[%dma_start3A_150, %dma_start3A_151] : memref<128x128xf32, #tpu.memory_space<vmem>> -> memref<112x128xf32, #tpu.memory_space<vmem>>
      tpu.enqueue_dma source(%dma_start3A_152 : memref<112x128xf32, #tpu.memory_space<vmem>>) target(%dma_start3A_149 : memref<112x128xf32, #tpu.memory_space<hbm>>) target_semaphore(%run_scoped3A_140 : memref<!tpu.dma_semaphore, #tpu.memory_space<semaphore_mem>>)
      %dma_wait3A_153 = arith.constant 0 : i32
      %dma_wait3A_154 = arith.constant 0 : i32
      %dma_wait3A_155 = tpu.memref_slice %arg9[%dma_wait3A_153, %dma_wait3A_154] : memref<128x128xf32, #tpu.memory_space<vmem>> -> memref<112x128xf32, #tpu.memory_space<vmem>>
      %dma_wait3A_156 = arith.constant 0 : i32
      %dma_wait3A_157 = tpu.memref_slice %arg5[%arg0, %sub3A_134, %dma_wait3A_156] : memref<2x10000x128xf32, #tpu.memory_space<hbm>> -> memref<1x112x128xf32, #tpu.memory_space<hbm>>
      %dma_wait3A_158 = tpu.memref_squeeze %dma_wait3A_157 : memref<1x112x128xf32, #tpu.memory_space<hbm>> -> memref<112x128xf32, #tpu.memory_space<hbm>>
      %dma_wait3A_159 = arith.constant 0 : i32
      %dma_wait3A_160 = tpu.memref_slice %arg5[%arg0, %sub3A_134, %dma_wait3A_159] : memref<2x10000x128xf32, #tpu.memory_space<hbm>> -> memref<1x112x128xf32, #tpu.memory_space<hbm>>
      %dma_wait3A_161 = tpu.memref_squeeze %dma_wait3A_160 : memref<1x112x128xf32, #tpu.memory_space<hbm>> -> memref<112x128xf32, #tpu.memory_space<hbm>>
      %dma_wait3A_162 = arith.constant 0 : i32
      %dma_wait3A_163 = arith.constant 0 : i32
      %dma_wait3A_164 = tpu.memref_slice %arg9[%dma_wait3A_162, %dma_wait3A_163] : memref<128x128xf32, #tpu.memory_space<vmem>> -> memref<112x128xf32, #tpu.memory_space<vmem>>
      tpu.wait_dma2 semaphore(%run_scoped3A_140 : memref<!tpu.dma_semaphore, #tpu.memory_space<semaphore_mem>>) src(%dma_wait3A_164 : memref<112x128xf32, #tpu.memory_space<vmem>>) dst(%dma_wait3A_161 : memref<112x128xf32, #tpu.memory_space<hbm>>)
      tpu.yield
    }) : () -> ()
    %eq3A_135 = arith.constant 15 : i32
    %eq3A_136 = arith.cmpi eq, %arg1, %eq3A_135 : i32
    %convert_element_type3A_137 = arith.extui %eq3A_136 : i1 to i32
    %cond3A_138 = arith.constant 0 : i32
    %cond3A_139 = arith.cmpi ne, %convert_element_type3A_137, %cond3A_138 : i32
    scf.if %cond3A_139 {
      "tpu.region"() ({
        %run_scoped3A_140 = tpu.sem_alloc : memref<!tpu.dma_semaphore, #tpu.memory_space<semaphore_mem>>
        %dma_start3A_141 = arith.constant 112 : i32
        %dma_start3A_142 = arith.constant 0 : i32
        %dma_start3A_143 = tpu.memref_slice %arg9[%dma_start3A_141, %dma_start3A_142] : memref<128x128xf32, #tpu.memory_space<vmem>> -> memref<16x128xf32, #tpu.memory_space<vmem>>
        %dma_start3A_144 = arith.constant 9984 : i32
        %dma_start3A_145 = arith.constant 0 : i32
        %dma_start3A_146 = tpu.memref_slice %arg10[%dma_start3A_144, %dma_start3A_145] : memref<10016x128xf32, #tpu.memory_space<vmem_shared>> -> memref<16x128xf32, #tpu.memory_space<vmem_shared>>
        %dma_start3A_147 = arith.constant 112 : i32
        %dma_start3A_148 = arith.constant 0 : i32
        %dma_start3A_149 = tpu.memref_slice %arg9[%dma_start3A_147, %dma_start3A_148] : memref<128x128xf32, #tpu.memory_space<vmem>> -> memref<16x128xf32, #tpu.memory_space<vmem>>
        %dma_start3A_150 = arith.constant 9984 : i32
        %dma_start3A_151 = arith.constant 0 : i32
        %dma_start3A_152 = tpu.memref_slice %arg10[%dma_start3A_150, %dma_start3A_151] : memref<10016x128xf32, #tpu.memory_space<vmem_shared>> -> memref<16x128xf32, #tpu.memory_space<vmem_shared>>
        tpu.enqueue_dma source(%dma_start3A_152 : memref<16x128xf32, #tpu.memory_space<vmem_shared>>) target(%dma_start3A_149 : memref<16x128xf32, #tpu.memory_space<vmem>>) target_semaphore(%run_scoped3A_140 : memref<!tpu.dma_semaphore, #tpu.memory_space<semaphore_mem>>)
        %dma_wait3A_153 = arith.constant 112 : i32
        %dma_wait3A_154 = arith.constant 0 : i32
        %dma_wait3A_155 = tpu.memref_slice %arg9[%dma_wait3A_153, %dma_wait3A_154] : memref<128x128xf32, #tpu.memory_space<vmem>> -> memref<16x128xf32, #tpu.memory_space<vmem>>
        %dma_wait3A_156 = arith.constant 9984 : i32
        %dma_wait3A_157 = arith.constant 0 : i32
        %dma_wait3A_158 = tpu.memref_slice %arg10[%dma_wait3A_156, %dma_wait3A_157] : memref<10016x128xf32, #tpu.memory_space<vmem_shared>> -> memref<16x128xf32, #tpu.memory_space<vmem_shared>>
        %dma_wait3A_159 = arith.constant 112 : i32
        %dma_wait3A_160 = arith.constant 0 : i32
        %dma_wait3A_161 = tpu.memref_slice %arg9[%dma_wait3A_159, %dma_wait3A_160] : memref<128x128xf32, #tpu.memory_space<vmem>> -> memref<16x128xf32, #tpu.memory_space<vmem>>
        %dma_wait3A_162 = arith.constant 9984 : i32
        %dma_wait3A_163 = arith.constant 0 : i32
        %dma_wait3A_164 = tpu.memref_slice %arg10[%dma_wait3A_162, %dma_wait3A_163] : memref<10016x128xf32, #tpu.memory_space<vmem_shared>> -> memref<16x128xf32, #tpu.memory_space<vmem_shared>>
        tpu.wait_dma2 semaphore(%run_scoped3A_140 : memref<!tpu.dma_semaphore, #tpu.memory_space<semaphore_mem>>) src(%dma_wait3A_164 : memref<16x128xf32, #tpu.memory_space<vmem_shared>>) dst(%dma_wait3A_161 : memref<16x128xf32, #tpu.memory_space<vmem>>)
        tpu.yield
      }) : () -> ()
      "tpu.region"() ({
        %run_scoped3A_140 = tpu.sem_alloc : memref<!tpu.dma_semaphore, #tpu.memory_space<semaphore_mem>>
        %dma_start3A_141 = arith.constant 112 : i32
        %dma_start3A_142 = arith.constant 0 : i32
        %dma_start3A_143 = tpu.memref_slice %arg9[%dma_start3A_141, %dma_start3A_142] : memref<128x128xf32, #tpu.memory_space<vmem>> -> memref<16x128xf32, #tpu.memory_space<vmem>>
        %dma_start3A_144 = arith.constant 9984 : i32
        %dma_start3A_145 = arith.constant 0 : i32
        %dma_start3A_146 = tpu.memref_slice %arg5[%arg0, %dma_start3A_144, %dma_start3A_145] : memref<2x10000x128xf32, #tpu.memory_space<hbm>> -> memref<1x16x128xf32, #tpu.memory_space<hbm>>
        %dma_start3A_147 = tpu.memref_squeeze %dma_start3A_146 : memref<1x16x128xf32, #tpu.memory_space<hbm>> -> memref<16x128xf32, #tpu.memory_space<hbm>>
        %dma_start3A_148 = arith.constant 9984 : i32
        %dma_start3A_149 = arith.constant 0 : i32
        %dma_start3A_150 = tpu.memref_slice %arg5[%arg0, %dma_start3A_148, %dma_start3A_149] : memref<2x10000x128xf32, #tpu.memory_space<hbm>> -> memref<1x16x128xf32, #tpu.memory_space<hbm>>
        %dma_start3A_151 = tpu.memref_squeeze %dma_start3A_150 : memref<1x16x128xf32, #tpu.memory_space<hbm>> -> memref<16x128xf32, #tpu.memory_space<hbm>>
        %dma_start3A_152 = arith.constant 112 : i32
        %dma_start3A_153 = arith.constant 0 : i32
        %dma_start3A_154 = tpu.memref_slice %arg9[%dma_start3A_152, %dma_start3A_153] : memref<128x128xf32, #tpu.memory_space<vmem>> -> memref<16x128xf32, #tpu.memory_space<vmem>>
        tpu.enqueue_dma source(%dma_start3A_154 : memref<16x128xf32, #tpu.memory_space<vmem>>) target(%dma_start3A_151 : memref<16x128xf32, #tpu.memory_space<hbm>>) target_semaphore(%run_scoped3A_140 : memref<!tpu.dma_semaphore, #tpu.memory_space<semaphore_mem>>)
        %dma_wait3A_155 = arith.constant 112 : i32
        %dma_wait3A_156 = arith.constant 0 : i32
        %dma_wait3A_157 = tpu.memref_slice %arg9[%dma_wait3A_155, %dma_wait3A_156] : memref<128x128xf32, #tpu.memory_space<vmem>> -> memref<16x128xf32, #tpu.memory_space<vmem>>
        %dma_wait3A_158 = arith.constant 9984 : i32
        %dma_wait3A_159 = arith.constant 0 : i32
        %dma_wait3A_160 = tpu.memref_slice %arg5[%arg0, %dma_wait3A_158, %dma_wait3A_159] : memref<2x10000x128xf32, #tpu.memory_space<hbm>> -> memref<1x16x128xf32, #tpu.memory_space<hbm>>
        %dma_wait3A_161 = tpu.memref_squeeze %dma_wait3A_160 : memref<1x16x128xf32, #tpu.memory_space<hbm>> -> memref<16x128xf32, #tpu.memory_space<hbm>>
        %dma_wait3A_162 = arith.constant 9984 : i32
        %dma_wait3A_163 = arith.constant 0 : i32
        %dma_wait3A_164 = tpu.memref_slice %arg5[%arg0, %dma_wait3A_162, %dma_wait3A_163] : memref<2x10000x128xf32, #tpu.memory_space<hbm>> -> memref<1x16x128xf32, #tpu.memory_space<hbm>>
        %dma_wait3A_165 = tpu.memref_squeeze %dma_wait3A_164 : memref<1x16x128xf32, #tpu.memory_space<hbm>> -> memref<16x128xf32, #tpu.memory_space<hbm>>
        %dma_wait3A_166 = arith.constant 112 : i32
        %dma_wait3A_167 = arith.constant 0 : i32
        %dma_wait3A_168 = tpu.memref_slice %arg9[%dma_wait3A_166, %dma_wait3A_167] : memref<128x128xf32, #tpu.memory_space<vmem>> -> memref<16x128xf32, #tpu.memory_space<vmem>>
        tpu.wait_dma2 semaphore(%run_scoped3A_140 : memref<!tpu.dma_semaphore, #tpu.memory_space<semaphore_mem>>) src(%dma_wait3A_168 : memref<16x128xf32, #tpu.memory_space<vmem>>) dst(%dma_wait3A_165 : memref<16x128xf32, #tpu.memory_space<hbm>>)
        tpu.yield
      }) : () -> ()
    } else {
    }
    return
  }
}

#map = affine_map<(d0, d1) -> (0, 0)>
#map1 = affine_map<(d0, d1) -> (0, 0, 0)>
module attributes {stable_mosaic.version = 14 : i64} {
  func.func @_sc_propagate(%arg0: i32, %arg1: i32, %arg2: memref<10000x128xf32, #tpu.memory_space<hbm>>, %arg3: memref<2560x128xi32, #tpu.memory_space<hbm>>, %arg4: memref<2560x128xi32, #tpu.memory_space<hbm>>, %arg5: memref<2x10000x128xf32, #tpu.memory_space<hbm>>, %arg6: memref<40x128xi32, #tpu.memory_space<vmem>>, %arg7: memref<40x128xi32, #tpu.memory_space<vmem>>, %arg8: memref<128x128xf32, #tpu.memory_space<vmem>>, %arg9: memref<128x128xf32, #tpu.memory_space<vmem>>, %arg10: memref<10016x128xf32, #tpu.memory_space<vmem_shared>>, %arg11: memref<!tpu.dma_semaphore, #tpu.memory_space<semaphore_mem>>, %arg12: memref<!tpu.dma_semaphore, #tpu.memory_space<semaphore_mem>>) attributes {dimension_semantics = [#tpu.dimension_semantics<core_parallel>, #tpu.dimension_semantics<subcore_parallel>], iteration_bounds = array<i64: 2, 16>, scalar_prefetch = 0 : i64, scratch_operands = 7 : i64, tpu.core_type = #tpu.core_type<sc_vector_subcore>, window_params = [{transform_indices = #map}, {transform_indices = #map}, {transform_indices = #map}, {transform_indices = #map1}]} {
    %mul3A = arith.constant 2 : i32
    %mul3A_0 = arith.muli %arg1, %mul3A : i32
    %add3A = arith.addi %mul3A_0, %arg0 : i32
    %broadcast_in_dim3A = arith.constant 0.000000e+00 : f32
    %broadcast_in_dim3A_1 = vector.broadcast %broadcast_in_dim3A : f32 to vector<16xf32>
    %scan3A = arith.constant 0 : i32
    %scan3A_2 = arith.constant 0 : i32
    %scan3A_3 = arith.constant 128 : i32
    %scan3A_4 = arith.addi %scan3A_2, %scan3A_3 : i32
    %scan3A_5 = arith.constant 1 : i32
    %scan3A_6 = scf.for %scan3A_140 = %scan3A_2 to %scan3A_4 step %scan3A_5 iter_args(%scan3A_141 = %scan3A) -> (i32)  : i32 {
      %swap3A = arith.index_cast %scan3A_140 : i32 to index
      %swap3A_142 = arith.constant 0 : index
      %swap3A_143 = tpu.vector_load %arg8[%swap3A, %swap3A_142] {strides = array<i32>} : memref<128x128xf32, #tpu.memory_space<vmem>>, vector<1x16xf32>,
      %swap3A_144 = vector.shape_cast %swap3A_143 : vector<1x16xf32> to vector<16xf32>
      %swap3A_145 = vector.shape_cast %broadcast_in_dim3A_1 : vector<16xf32> to vector<1x16xf32>
      tpu.vector_store %arg8[%swap3A, %swap3A_142], %swap3A_145 {strides = array<i32>} : memref<128x128xf32, #tpu.memory_space<vmem>>, vector<1x16xf32>,
      %swap3A_146 = arith.index_cast %scan3A_140 : i32 to index
      %swap3A_147 = arith.constant 16 : index
      %swap3A_148 = tpu.vector_load %arg8[%swap3A_146, %swap3A_147] {strides = array<i32>} : memref<128x128xf32, #tpu.memory_space<vmem>>, vector<1x16xf32>,
      %swap3A_149 = vector.shape_cast %swap3A_148 : vector<1x16xf32> to vector<16xf32>
      %swap3A_150 = vector.shape_cast %broadcast_in_dim3A_1 : vector<16xf32> to vector<1x16xf32>
      tpu.vector_store %arg8[%swap3A_146, %swap3A_147], %swap3A_150 {strides = array<i32>} : memref<128x128xf32, #tpu.memory_space<vmem>>, vector<1x16xf32>,
      %swap3A_151 = arith.index_cast %scan3A_140 : i32 to index
      %swap3A_152 = arith.constant 32 : index
      %swap3A_153 = tpu.vector_load %arg8[%swap3A_151, %swap3A_152] {strides = array<i32>} : memref<128x128xf32, #tpu.memory_space<vmem>>, vector<1x16xf32>,
      %swap3A_154 = vector.shape_cast %swap3A_153 : vector<1x16xf32> to vector<16xf32>
      %swap3A_155 = vector.shape_cast %broadcast_in_dim3A_1 : vector<16xf32> to vector<1x16xf32>
      tpu.vector_store %arg8[%swap3A_151, %swap3A_152], %swap3A_155 {strides = array<i32>} : memref<128x128xf32, #tpu.memory_space<vmem>>, vector<1x16xf32>,
      %swap3A_156 = arith.index_cast %scan3A_140 : i32 to index
      %swap3A_157 = arith.constant 48 : index
      %swap3A_158 = tpu.vector_load %arg8[%swap3A_156, %swap3A_157] {strides = array<i32>} : memref<128x128xf32, #tpu.memory_space<vmem>>, vector<1x16xf32>,
      %swap3A_159 = vector.shape_cast %swap3A_158 : vector<1x16xf32> to vector<16xf32>
      %swap3A_160 = vector.shape_cast %broadcast_in_dim3A_1 : vector<16xf32> to vector<1x16xf32>
      tpu.vector_store %arg8[%swap3A_156, %swap3A_157], %swap3A_160 {strides = array<i32>} : memref<128x128xf32, #tpu.memory_space<vmem>>, vector<1x16xf32>,
      %swap3A_161 = arith.index_cast %scan3A_140 : i32 to index
      %swap3A_162 = arith.constant 64 : index
      %swap3A_163 = tpu.vector_load %arg8[%swap3A_161, %swap3A_162] {strides = array<i32>} : memref<128x128xf32, #tpu.memory_space<vmem>>, vector<1x16xf32>,
      %swap3A_164 = vector.shape_cast %swap3A_163 : vector<1x16xf32> to vector<16xf32>
      %swap3A_165 = vector.shape_cast %broadcast_in_dim3A_1 : vector<16xf32> to vector<1x16xf32>
      tpu.vector_store %arg8[%swap3A_161, %swap3A_162], %swap3A_165 {strides = array<i32>} : memref<128x128xf32, #tpu.memory_space<vmem>>, vector<1x16xf32>,
      %swap3A_166 = arith.index_cast %scan3A_140 : i32 to index
      %swap3A_167 = arith.constant 80 : index
      %swap3A_168 = tpu.vector_load %arg8[%swap3A_166, %swap3A_167] {strides = array<i32>} : memref<128x128xf32, #tpu.memory_space<vmem>>, vector<1x16xf32>,
      %swap3A_169 = vector.shape_cast %swap3A_168 : vector<1x16xf32> to vector<16xf32>
      %swap3A_170 = vector.shape_cast %broadcast_in_dim3A_1 : vector<16xf32> to vector<1x16xf32>
      tpu.vector_store %arg8[%swap3A_166, %swap3A_167], %swap3A_170 {strides = array<i32>} : memref<128x128xf32, #tpu.memory_space<vmem>>, vector<1x16xf32>,
      %swap3A_171 = arith.index_cast %scan3A_140 : i32 to index
      %swap3A_172 = arith.constant 96 : index
      %swap3A_173 = tpu.vector_load %arg8[%swap3A_171, %swap3A_172] {strides = array<i32>} : memref<128x128xf32, #tpu.memory_space<vmem>>, vector<1x16xf32>,
      %swap3A_174 = vector.shape_cast %swap3A_173 : vector<1x16xf32> to vector<16xf32>
      %swap3A_175 = vector.shape_cast %broadcast_in_dim3A_1 : vector<16xf32> to vector<1x16xf32>
      tpu.vector_store %arg8[%swap3A_171, %swap3A_172], %swap3A_175 {strides = array<i32>} : memref<128x128xf32, #tpu.memory_space<vmem>>, vector<1x16xf32>,
      %swap3A_176 = arith.index_cast %scan3A_140 : i32 to index
      %swap3A_177 = arith.constant 112 : index
      %swap3A_178 = tpu.vector_load %arg8[%swap3A_176, %swap3A_177] {strides = array<i32>} : memref<128x128xf32, #tpu.memory_space<vmem>>, vector<1x16xf32>,
      %swap3A_179 = vector.shape_cast %swap3A_178 : vector<1x16xf32> to vector<16xf32>
      %swap3A_180 = vector.shape_cast %broadcast_in_dim3A_1 : vector<16xf32> to vector<1x16xf32>
      tpu.vector_store %arg8[%swap3A_176, %swap3A_177], %swap3A_180 {strides = array<i32>} : memref<128x128xf32, #tpu.memory_space<vmem>>, vector<1x16xf32>,
      %scan3A_181 = arith.constant 0 : i32
      scf.yield %scan3A_181 : i32
    }
    %scan3A_7 = arith.constant 128 : i32
    %mul3A_8 = arith.constant 624 : i32
    %mul3A_9 = arith.muli %arg1, %mul3A_8 : i32
    %add3A_10 = arith.constant 0 : i32
    %add3A_11 = arith.addi %mul3A_9, %add3A_10 : i32
    "tpu.region"() ({
      %run_scoped3A_140 = tpu.sem_alloc : memref<!tpu.dma_semaphore, #tpu.memory_space<semaphore_mem>>
      %dma_start3A_141 = arith.constant 0 : i32
      %dma_start3A_142 = tpu.memref_slice %arg10[%add3A_11, %dma_start3A_141] : memref<10016x128xf32, #tpu.memory_space<vmem_shared>> -> memref<128x128xf32, #tpu.memory_space<vmem_shared>>
      %dma_start3A_143 = arith.constant 0 : i32
      %dma_start3A_144 = tpu.memref_slice %arg10[%add3A_11, %dma_start3A_143] : memref<10016x128xf32, #tpu.memory_space<vmem_shared>> -> memref<128x128xf32, #tpu.memory_space<vmem_shared>>
      tpu.enqueue_dma source(%arg8 : memref<128x128xf32, #tpu.memory_space<vmem>>) target(%dma_start3A_144 : memref<128x128xf32, #tpu.memory_space<vmem_shared>>) target_semaphore(%run_scoped3A_140 : memref<!tpu.dma_semaphore, #tpu.memory_space<semaphore_mem>>)
      %dma_wait3A_145 = arith.constant 0 : i32
      %dma_wait3A_146 = tpu.memref_slice %arg10[%add3A_11, %dma_wait3A_145] : memref<10016x128xf32, #tpu.memory_space<vmem_shared>> -> memref<128x128xf32, #tpu.memory_space<vmem_shared>>
      %dma_wait3A_147 = arith.constant 0 : i32
      %dma_wait3A_148 = tpu.memref_slice %arg10[%add3A_11, %dma_wait3A_147] : memref<10016x128xf32, #tpu.memory_space<vmem_shared>> -> memref<128x128xf32, #tpu.memory_space<vmem_shared>>
      tpu.wait_dma2 semaphore(%run_scoped3A_140 : memref<!tpu.dma_semaphore, #tpu.memory_space<semaphore_mem>>) src(%arg8 : memref<128x128xf32, #tpu.memory_space<vmem>>) dst(%dma_wait3A_148 : memref<128x128xf32, #tpu.memory_space<vmem_shared>>)
      tpu.yield
    }) : () -> ()
    %add3A_12 = arith.constant 128 : i32
    %add3A_13 = arith.addi %mul3A_9, %add3A_12 : i32
    "tpu.region"() ({
      %run_scoped3A_140 = tpu.sem_alloc : memref<!tpu.dma_semaphore, #tpu.memory_space<semaphore_mem>>
      %dma_start3A_141 = arith.constant 0 : i32
      %dma_start3A_142 = tpu.memref_slice %arg10[%add3A_13, %dma_start3A_141] : memref<10016x128xf32, #tpu.memory_space<vmem_shared>> -> memref<128x128xf32, #tpu.memory_space<vmem_shared>>
      %dma_start3A_143 = arith.constant 0 : i32
      %dma_start3A_144 = tpu.memref_slice %arg10[%add3A_13, %dma_start3A_143] : memref<10016x128xf32, #tpu.memory_space<vmem_shared>> -> memref<128x128xf32, #tpu.memory_space<vmem_shared>>
      tpu.enqueue_dma source(%arg8 : memref<128x128xf32, #tpu.memory_space<vmem>>) target(%dma_start3A_144 : memref<128x128xf32, #tpu.memory_space<vmem_shared>>) target_semaphore(%run_scoped3A_140 : memref<!tpu.dma_semaphore, #tpu.memory_space<semaphore_mem>>)
      %dma_wait3A_145 = arith.constant 0 : i32
      %dma_wait3A_146 = tpu.memref_slice %arg10[%add3A_13, %dma_wait3A_145] : memref<10016x128xf32, #tpu.memory_space<vmem_shared>> -> memref<128x128xf32, #tpu.memory_space<vmem_shared>>
      %dma_wait3A_147 = arith.constant 0 : i32
      %dma_wait3A_148 = tpu.memref_slice %arg10[%add3A_13, %dma_wait3A_147] : memref<10016x128xf32, #tpu.memory_space<vmem_shared>> -> memref<128x128xf32, #tpu.memory_space<vmem_shared>>
      tpu.wait_dma2 semaphore(%run_scoped3A_140 : memref<!tpu.dma_semaphore, #tpu.memory_space<semaphore_mem>>) src(%arg8 : memref<128x128xf32, #tpu.memory_space<vmem>>) dst(%dma_wait3A_148 : memref<128x128xf32, #tpu.memory_space<vmem_shared>>)
      tpu.yield
    }) : () -> ()
    %add3A_14 = arith.constant 256 : i32
    %add3A_15 = arith.addi %mul3A_9, %add3A_14 : i32
    "tpu.region"() ({
      %run_scoped3A_140 = tpu.sem_alloc : memref<!tpu.dma_semaphore, #tpu.memory_space<semaphore_mem>>
      %dma_start3A_141 = arith.constant 0 : i32
      %dma_start3A_142 = tpu.memref_slice %arg10[%add3A_15, %dma_start3A_141] : memref<10016x128xf32, #tpu.memory_space<vmem_shared>> -> memref<128x128xf32, #tpu.memory_space<vmem_shared>>
      %dma_start3A_143 = arith.constant 0 : i32
      %dma_start3A_144 = tpu.memref_slice %arg10[%add3A_15, %dma_start3A_143] : memref<10016x128xf32, #tpu.memory_space<vmem_shared>> -> memref<128x128xf32, #tpu.memory_space<vmem_shared>>
      tpu.enqueue_dma source(%arg8 : memref<128x128xf32, #tpu.memory_space<vmem>>) target(%dma_start3A_144 : memref<128x128xf32, #tpu.memory_space<vmem_shared>>) target_semaphore(%run_scoped3A_140 : memref<!tpu.dma_semaphore, #tpu.memory_space<semaphore_mem>>)
      %dma_wait3A_145 = arith.constant 0 : i32
      %dma_wait3A_146 = tpu.memref_slice %arg10[%add3A_15, %dma_wait3A_145] : memref<10016x128xf32, #tpu.memory_space<vmem_shared>> -> memref<128x128xf32, #tpu.memory_space<vmem_shared>>
      %dma_wait3A_147 = arith.constant 0 : i32
      %dma_wait3A_148 = tpu.memref_slice %arg10[%add3A_15, %dma_wait3A_147] : memref<10016x128xf32, #tpu.memory_space<vmem_shared>> -> memref<128x128xf32, #tpu.memory_space<vmem_shared>>
      tpu.wait_dma2 semaphore(%run_scoped3A_140 : memref<!tpu.dma_semaphore, #tpu.memory_space<semaphore_mem>>) src(%arg8 : memref<128x128xf32, #tpu.memory_space<vmem>>) dst(%dma_wait3A_148 : memref<128x128xf32, #tpu.memory_space<vmem_shared>>)
      tpu.yield
    }) : () -> ()
    %add3A_16 = arith.constant 384 : i32
    %add3A_17 = arith.addi %mul3A_9, %add3A_16 : i32
    "tpu.region"() ({
      %run_scoped3A_140 = tpu.sem_alloc : memref<!tpu.dma_semaphore, #tpu.memory_space<semaphore_mem>>
      %dma_start3A_141 = arith.constant 0 : i32
      %dma_start3A_142 = tpu.memref_slice %arg10[%add3A_17, %dma_start3A_141] : memref<10016x128xf32, #tpu.memory_space<vmem_shared>> -> memref<128x128xf32, #tpu.memory_space<vmem_shared>>
      %dma_start3A_143 = arith.constant 0 : i32
      %dma_start3A_144 = tpu.memref_slice %arg10[%add3A_17, %dma_start3A_143] : memref<10016x128xf32, #tpu.memory_space<vmem_shared>> -> memref<128x128xf32, #tpu.memory_space<vmem_shared>>
      tpu.enqueue_dma source(%arg8 : memref<128x128xf32, #tpu.memory_space<vmem>>) target(%dma_start3A_144 : memref<128x128xf32, #tpu.memory_space<vmem_shared>>) target_semaphore(%run_scoped3A_140 : memref<!tpu.dma_semaphore, #tpu.memory_space<semaphore_mem>>)
      %dma_wait3A_145 = arith.constant 0 : i32
      %dma_wait3A_146 = tpu.memref_slice %arg10[%add3A_17, %dma_wait3A_145] : memref<10016x128xf32, #tpu.memory_space<vmem_shared>> -> memref<128x128xf32, #tpu.memory_space<vmem_shared>>
      %dma_wait3A_147 = arith.constant 0 : i32
      %dma_wait3A_148 = tpu.memref_slice %arg10[%add3A_17, %dma_wait3A_147] : memref<10016x128xf32, #tpu.memory_space<vmem_shared>> -> memref<128x128xf32, #tpu.memory_space<vmem_shared>>
      tpu.wait_dma2 semaphore(%run_scoped3A_140 : memref<!tpu.dma_semaphore, #tpu.memory_space<semaphore_mem>>) src(%arg8 : memref<128x128xf32, #tpu.memory_space<vmem>>) dst(%dma_wait3A_148 : memref<128x128xf32, #tpu.memory_space<vmem_shared>>)
      tpu.yield
    }) : () -> ()
    %add3A_18 = arith.constant 624 : i32
    %add3A_19 = arith.addi %mul3A_9, %add3A_18 : i32
    %sub3A = arith.constant 112 : i32
    %sub3A_20 = arith.subi %add3A_19, %sub3A : i32
    "tpu.region"() ({
      %run_scoped3A_140 = tpu.sem_alloc : memref<!tpu.dma_semaphore, #tpu.memory_space<semaphore_mem>>
      %dma_start3A_141 = arith.constant 0 : i32
      %dma_start3A_142 = arith.constant 0 : i32
      %dma_start3A_143 = tpu.memref_slice %arg8[%dma_start3A_141, %dma_start3A_142] : memref<128x128xf32, #tpu.memory_space<vmem>> -> memref<112x128xf32, #tpu.memory_space<vmem>>
      %dma_start3A_144 = arith.constant 0 : i32
      %dma_start3A_145 = tpu.memref_slice %arg10[%sub3A_20, %dma_start3A_144] : memref<10016x128xf32, #tpu.memory_space<vmem_shared>> -> memref<112x128xf32, #tpu.memory_space<vmem_shared>>
      %dma_start3A_146 = arith.constant 0 : i32
      %dma_start3A_147 = tpu.memref_slice %arg10[%sub3A_20, %dma_start3A_146] : memref<10016x128xf32, #tpu.memory_space<vmem_shared>> -> memref<112x128xf32, #tpu.memory_space<vmem_shared>>
      %dma_start3A_148 = arith.constant 0 : i32
      %dma_start3A_149 = arith.constant 0 : i32
      %dma_start3A_150 = tpu.memref_slice %arg8[%dma_start3A_148, %dma_start3A_149] : memref<128x128xf32, #tpu.memory_space<vmem>> -> memref<112x128xf32, #tpu.memory_space<vmem>>
      tpu.enqueue_dma source(%dma_start3A_150 : memref<112x128xf32, #tpu.memory_space<vmem>>) target(%dma_start3A_147 : memref<112x128xf32, #tpu.memory_space<vmem_shared>>) target_semaphore(%run_scoped3A_140 : memref<!tpu.dma_semaphore, #tpu.memory_space<semaphore_mem>>)
      %dma_wait3A_151 = arith.constant 0 : i32
      %dma_wait3A_152 = arith.constant 0 : i32
      %dma_wait3A_153 = tpu.memref_slice %arg8[%dma_wait3A_151, %dma_wait3A_152] : memref<128x128xf32, #tpu.memory_space<vmem>> -> memref<112x128xf32, #tpu.memory_space<vmem>>
      %dma_wait3A_154 = arith.constant 0 : i32
      %dma_wait3A_155 = tpu.memref_slice %arg10[%sub3A_20, %dma_wait3A_154] : memref<10016x128xf32, #tpu.memory_space<vmem_shared>> -> memref<112x128xf32, #tpu.memory_space<vmem_shared>>
      %dma_wait3A_156 = arith.constant 0 : i32
      %dma_wait3A_157 = tpu.memref_slice %arg10[%sub3A_20, %dma_wait3A_156] : memref<10016x128xf32, #tpu.memory_space<vmem_shared>> -> memref<112x128xf32, #tpu.memory_space<vmem_shared>>
      %dma_wait3A_158 = arith.constant 0 : i32
      %dma_wait3A_159 = arith.constant 0 : i32
      %dma_wait3A_160 = tpu.memref_slice %arg8[%dma_wait3A_158, %dma_wait3A_159] : memref<128x128xf32, #tpu.memory_space<vmem>> -> memref<112x128xf32, #tpu.memory_space<vmem>>
      tpu.wait_dma2 semaphore(%run_scoped3A_140 : memref<!tpu.dma_semaphore, #tpu.memory_space<semaphore_mem>>) src(%dma_wait3A_160 : memref<112x128xf32, #tpu.memory_space<vmem>>) dst(%dma_wait3A_157 : memref<112x128xf32, #tpu.memory_space<vmem_shared>>)
      tpu.yield
    }) : () -> ()
    %eq3A = arith.constant 15 : i32
    %eq3A_21 = arith.cmpi eq, %arg1, %eq3A : i32
    %convert_element_type3A = arith.extui %eq3A_21 : i1 to i32
    %cond3A = arith.constant 0 : i32
    %cond3A_22 = arith.cmpi ne, %convert_element_type3A, %cond3A : i32
    scf.if %cond3A_22 {
      "tpu.region"() ({
        %run_scoped3A_140 = tpu.sem_alloc : memref<!tpu.dma_semaphore, #tpu.memory_space<semaphore_mem>>
        %dma_start3A_141 = arith.constant 0 : i32
        %dma_start3A_142 = arith.constant 0 : i32
        %dma_start3A_143 = tpu.memref_slice %arg8[%dma_start3A_141, %dma_start3A_142] : memref<128x128xf32, #tpu.memory_space<vmem>> -> memref<32x128xf32, #tpu.memory_space<vmem>>
        %dma_start3A_144 = arith.constant 9984 : i32
        %dma_start3A_145 = arith.constant 0 : i32
        %dma_start3A_146 = tpu.memref_slice %arg10[%dma_start3A_144, %dma_start3A_145] : memref<10016x128xf32, #tpu.memory_space<vmem_shared>> -> memref<32x128xf32, #tpu.memory_space<vmem_shared>>
        %dma_start3A_147 = arith.constant 9984 : i32
        %dma_start3A_148 = arith.constant 0 : i32
        %dma_start3A_149 = tpu.memref_slice %arg10[%dma_start3A_147, %dma_start3A_148] : memref<10016x128xf32, #tpu.memory_space<vmem_shared>> -> memref<32x128xf32, #tpu.memory_space<vmem_shared>>
        %dma_start3A_150 = arith.constant 0 : i32
        %dma_start3A_151 = arith.constant 0 : i32
        %dma_start3A_152 = tpu.memref_slice %arg8[%dma_start3A_150, %dma_start3A_151] : memref<128x128xf32, #tpu.memory_space<vmem>> -> memref<32x128xf32, #tpu.memory_space<vmem>>
        tpu.enqueue_dma source(%dma_start3A_152 : memref<32x128xf32, #tpu.memory_space<vmem>>) target(%dma_start3A_149 : memref<32x128xf32, #tpu.memory_space<vmem_shared>>) target_semaphore(%run_scoped3A_140 : memref<!tpu.dma_semaphore, #tpu.memory_space<semaphore_mem>>)
        %dma_wait3A_153 = arith.constant 0 : i32
        %dma_wait3A_154 = arith.constant 0 : i32
        %dma_wait3A_155 = tpu.memref_slice %arg8[%dma_wait3A_153, %dma_wait3A_154] : memref<128x128xf32, #tpu.memory_space<vmem>> -> memref<32x128xf32, #tpu.memory_space<vmem>>
        %dma_wait3A_156 = arith.constant 9984 : i32
        %dma_wait3A_157 = arith.constant 0 : i32
        %dma_wait3A_158 = tpu.memref_slice %arg10[%dma_wait3A_156, %dma_wait3A_157] : memref<10016x128xf32, #tpu.memory_space<vmem_shared>> -> memref<32x128xf32, #tpu.memory_space<vmem_shared>>
        %dma_wait3A_159 = arith.constant 9984 : i32
        %dma_wait3A_160 = arith.constant 0 : i32
        %dma_wait3A_161 = tpu.memref_slice %arg10[%dma_wait3A_159, %dma_wait3A_160] : memref<10016x128xf32, #tpu.memory_space<vmem_shared>> -> memref<32x128xf32, #tpu.memory_space<vmem_shared>>
        %dma_wait3A_162 = arith.constant 0 : i32
        %dma_wait3A_163 = arith.constant 0 : i32
        %dma_wait3A_164 = tpu.memref_slice %arg8[%dma_wait3A_162, %dma_wait3A_163] : memref<128x128xf32, #tpu.memory_space<vmem>> -> memref<32x128xf32, #tpu.memory_space<vmem>>
        tpu.wait_dma2 semaphore(%run_scoped3A_140 : memref<!tpu.dma_semaphore, #tpu.memory_space<semaphore_mem>>) src(%dma_wait3A_164 : memref<32x128xf32, #tpu.memory_space<vmem>>) dst(%dma_wait3A_161 : memref<32x128xf32, #tpu.memory_space<vmem_shared>>)
        tpu.yield
      }) : () -> ()
    } else {
    }
    %barrier3A = arith.constant 0 : index
    tpu.barrier barrier_id(%barrier3A)
    %mul3A_23 = arith.constant 80 : i32
    %mul3A_24 = arith.muli %add3A, %mul3A_23 : i32
    %add3A_25 = arith.constant 0 : i32
    %add3A_26 = arith.addi %mul3A_24, %add3A_25 : i32
    "tpu.region"() ({
      %run_scoped3A_140 = tpu.sem_alloc : memref<!tpu.dma_semaphore, #tpu.memory_space<semaphore_mem>>
      %dma_start3A_141 = arith.constant 0 : i32
      %dma_start3A_142 = tpu.memref_slice %arg3[%add3A_26, %dma_start3A_141] : memref<2560x128xi32, #tpu.memory_space<hbm>> -> memref<40x128xi32, #tpu.memory_space<hbm>>
      %dma_start3A_143 = arith.constant 0 : i32
      %dma_start3A_144 = tpu.memref_slice %arg3[%add3A_26, %dma_start3A_143] : memref<2560x128xi32, #tpu.memory_space<hbm>> -> memref<40x128xi32, #tpu.memory_space<hbm>>
      tpu.enqueue_dma source(%dma_start3A_144 : memref<40x128xi32, #tpu.memory_space<hbm>>) target(%arg6 : memref<40x128xi32, #tpu.memory_space<vmem>>) target_semaphore(%run_scoped3A_140 : memref<!tpu.dma_semaphore, #tpu.memory_space<semaphore_mem>>)
      %dma_wait3A_145 = arith.constant 0 : i32
      %dma_wait3A_146 = tpu.memref_slice %arg3[%add3A_26, %dma_wait3A_145] : memref<2560x128xi32, #tpu.memory_space<hbm>> -> memref<40x128xi32, #tpu.memory_space<hbm>>
      %dma_wait3A_147 = arith.constant 0 : i32
      %dma_wait3A_148 = tpu.memref_slice %arg3[%add3A_26, %dma_wait3A_147] : memref<2560x128xi32, #tpu.memory_space<hbm>> -> memref<40x128xi32, #tpu.memory_space<hbm>>
      tpu.wait_dma2 semaphore(%run_scoped3A_140 : memref<!tpu.dma_semaphore, #tpu.memory_space<semaphore_mem>>) src(%dma_wait3A_148 : memref<40x128xi32, #tpu.memory_space<hbm>>) dst(%arg6 : memref<40x128xi32, #tpu.memory_space<vmem>>)
      tpu.yield
    }) : () -> ()
    %mul3A_27 = arith.constant 80 : i32
    %mul3A_28 = arith.muli %add3A, %mul3A_27 : i32
    %add3A_29 = arith.constant 0 : i32
    %add3A_30 = arith.addi %mul3A_28, %add3A_29 : i32
    "tpu.region"() ({
      %run_scoped3A_140 = tpu.sem_alloc : memref<!tpu.dma_semaphore, #tpu.memory_space<semaphore_mem>>
      %dma_start3A_141 = arith.constant 0 : i32
      %dma_start3A_142 = tpu.memref_slice %arg4[%add3A_30, %dma_start3A_141] : memref<2560x128xi32, #tpu.memory_space<hbm>> -> memref<40x128xi32, #tpu.memory_space<hbm>>
      %dma_start3A_143 = arith.constant 0 : i32
      %dma_start3A_144 = tpu.memref_slice %arg4[%add3A_30, %dma_start3A_143] : memref<2560x128xi32, #tpu.memory_space<hbm>> -> memref<40x128xi32, #tpu.memory_space<hbm>>
      tpu.enqueue_dma source(%dma_start3A_144 : memref<40x128xi32, #tpu.memory_space<hbm>>) target(%arg7 : memref<40x128xi32, #tpu.memory_space<vmem>>) target_semaphore(%run_scoped3A_140 : memref<!tpu.dma_semaphore, #tpu.memory_space<semaphore_mem>>)
      %dma_wait3A_145 = arith.constant 0 : i32
      %dma_wait3A_146 = tpu.memref_slice %arg4[%add3A_30, %dma_wait3A_145] : memref<2560x128xi32, #tpu.memory_space<hbm>> -> memref<40x128xi32, #tpu.memory_space<hbm>>
      %dma_wait3A_147 = arith.constant 0 : i32
      %dma_wait3A_148 = tpu.memref_slice %arg4[%add3A_30, %dma_wait3A_147] : memref<2560x128xi32, #tpu.memory_space<hbm>> -> memref<40x128xi32, #tpu.memory_space<hbm>>
      tpu.wait_dma2 semaphore(%run_scoped3A_140 : memref<!tpu.dma_semaphore, #tpu.memory_space<semaphore_mem>>) src(%dma_wait3A_148 : memref<40x128xi32, #tpu.memory_space<hbm>>) dst(%arg7 : memref<40x128xi32, #tpu.memory_space<vmem>>)
      tpu.yield
    }) : () -> ()
    %dma_start3A = arith.constant 0 : i32
    %dma_start3A_31 = arith.constant 0 : i32
    %dma_start3A_32 = tpu.memref_slice %arg6[%dma_start3A, %dma_start3A_31] : memref<40x128xi32, #tpu.memory_space<vmem>> -> memref<1x128xi32, #tpu.memory_space<vmem>>
    %dma_start3A_33 = tpu.memref_squeeze %dma_start3A_32 : memref<1x128xi32, #tpu.memory_space<vmem>> -> memref<128xi32, #tpu.memory_space<vmem>>
    %dma_start3A_34 = arith.constant 0 : i32
    %dma_start3A_35 = arith.constant 0 : i32
    %dma_start3A_36 = tpu.memref_slice %arg2[%dma_start3A_34, %dma_start3A_35] : memref<10000x128xf32, #tpu.memory_space<hbm>> -> memref<10000x128xf32, #tpu.memory_space<hbm>>
    tpu.enqueue_indirect_dma source(%dma_start3A_36 : memref<10000x128xf32, #tpu.memory_space<hbm>>) target(%arg8 : memref<128x128xf32, #tpu.memory_space<vmem>>) offsets(%dma_start3A_33 : memref<128xi32, #tpu.memory_space<vmem>>) semaphore(%arg11 : memref<!tpu.dma_semaphore, #tpu.memory_space<semaphore_mem>>)
    %scan3A_37 = arith.constant 0 : i32
    %scan3A_38 = arith.constant 0 : i32
    %scan3A_39 = arith.constant 19 : i32
    %scan3A_40 = arith.addi %scan3A_38, %scan3A_39 : i32
    %scan3A_41 = arith.constant 1 : i32
    %scan3A_42 = scf.for %scan3A_140 = %scan3A_38 to %scan3A_40 step %scan3A_41 iter_args(%scan3A_141 = %scan3A_37) -> (i32)  : i32 {
      %mul3A_142 = arith.constant 2 : i32
      %mul3A_143 = arith.muli %scan3A_140, %mul3A_142 : i32
      %add3A_144 = arith.constant 0 : i32
      %add3A_145 = arith.addi %mul3A_143, %add3A_144 : i32
      %dma_wait3A_146 = arith.constant 0 : i32
      %dma_wait3A_147 = tpu.memref_slice %arg6[%add3A_145, %dma_wait3A_146] : memref<40x128xi32, #tpu.memory_space<vmem>> -> memref<1x128xi32, #tpu.memory_space<vmem>>
      %dma_wait3A_148 = tpu.memref_squeeze %dma_wait3A_147 : memref<1x128xi32, #tpu.memory_space<vmem>> -> memref<128xi32, #tpu.memory_space<vmem>>
      %dma_wait3A_149 = arith.constant 0 : i32
      %dma_wait3A_150 = arith.constant 0 : i32
      %dma_wait3A_151 = tpu.memref_slice %arg2[%dma_wait3A_149, %dma_wait3A_150] : memref<10000x128xf32, #tpu.memory_space<hbm>> -> memref<10000x128xf32, #tpu.memory_space<hbm>>
      tpu.wait_indirect_dma semaphore(%arg11 : memref<!tpu.dma_semaphore, #tpu.memory_space<semaphore_mem>>) src(%dma_wait3A_151 : memref<10000x128xf32, #tpu.memory_space<hbm>>) dst(%arg8 : memref<128x128xf32, #tpu.memory_space<vmem>>)
      %add3A_152 = arith.constant 1 : i32
      %add3A_153 = arith.addi %add3A_145, %add3A_152 : i32
      %dma_start3A_154 = arith.constant 0 : i32
      %dma_start3A_155 = tpu.memref_slice %arg6[%add3A_153, %dma_start3A_154] : memref<40x128xi32, #tpu.memory_space<vmem>> -> memref<1x128xi32, #tpu.memory_space<vmem>>
      %dma_start3A_156 = tpu.memref_squeeze %dma_start3A_155 : memref<1x128xi32, #tpu.memory_space<vmem>> -> memref<128xi32, #tpu.memory_space<vmem>>
      %dma_start3A_157 = arith.constant 0 : i32
      %dma_start3A_158 = arith.constant 0 : i32
      %dma_start3A_159 = tpu.memref_slice %arg2[%dma_start3A_157, %dma_start3A_158] : memref<10000x128xf32, #tpu.memory_space<hbm>> -> memref<10000x128xf32, #tpu.memory_space<hbm>>
      tpu.enqueue_indirect_dma source(%dma_start3A_159 : memref<10000x128xf32, #tpu.memory_space<hbm>>) target(%arg9 : memref<128x128xf32, #tpu.memory_space<vmem>>) offsets(%dma_start3A_156 : memref<128xi32, #tpu.memory_space<vmem>>) semaphore(%arg12 : memref<!tpu.dma_semaphore, #tpu.memory_space<semaphore_mem>>)
      "tpu.region"() ({
        %run_scoped3A_179 = tpu.sem_alloc : memref<!tpu.dma_semaphore, #tpu.memory_space<semaphore_mem>>
        %dma_start3A_180 = arith.constant 0 : i32
        %dma_start3A_181 = tpu.memref_slice %arg7[%add3A_145, %dma_start3A_180] : memref<40x128xi32, #tpu.memory_space<vmem>> -> memref<1x128xi32, #tpu.memory_space<vmem>>
        %dma_start3A_182 = tpu.memref_squeeze %dma_start3A_181 : memref<1x128xi32, #tpu.memory_space<vmem>> -> memref<128xi32, #tpu.memory_space<vmem>>
        %dma_start3A_183 = arith.constant 0 : i32
        %dma_start3A_184 = arith.constant 0 : i32
        %dma_start3A_185 = tpu.memref_slice %arg10[%dma_start3A_183, %dma_start3A_184] : memref<10016x128xf32, #tpu.memory_space<vmem_shared>> -> memref<10016x128xf32, #tpu.memory_space<vmem_shared>>
        tpu.enqueue_indirect_dma source(%arg8 : memref<128x128xf32, #tpu.memory_space<vmem>>) target(%dma_start3A_185 : memref<10016x128xf32, #tpu.memory_space<vmem_shared>>) offsets(%dma_start3A_182 : memref<128xi32, #tpu.memory_space<vmem>>) semaphore(%run_scoped3A_179 : memref<!tpu.dma_semaphore, #tpu.memory_space<semaphore_mem>>) {add = true}
        %dma_wait3A_186 = arith.constant 0 : i32
        %dma_wait3A_187 = tpu.memref_slice %arg7[%add3A_145, %dma_wait3A_186] : memref<40x128xi32, #tpu.memory_space<vmem>> -> memref<1x128xi32, #tpu.memory_space<vmem>>
        %dma_wait3A_188 = tpu.memref_squeeze %dma_wait3A_187 : memref<1x128xi32, #tpu.memory_space<vmem>> -> memref<128xi32, #tpu.memory_space<vmem>>
        %dma_wait3A_189 = arith.constant 0 : i32
        %dma_wait3A_190 = arith.constant 0 : i32
        %dma_wait3A_191 = tpu.memref_slice %arg10[%dma_wait3A_189, %dma_wait3A_190] : memref<10016x128xf32, #tpu.memory_space<vmem_shared>> -> memref<10016x128xf32, #tpu.memory_space<vmem_shared>>
        tpu.wait_indirect_dma semaphore(%run_scoped3A_179 : memref<!tpu.dma_semaphore, #tpu.memory_space<semaphore_mem>>) src(%arg8 : memref<128x128xf32, #tpu.memory_space<vmem>>) dst(%dma_wait3A_191 : memref<10016x128xf32, #tpu.memory_space<vmem_shared>>)
        tpu.yield
      }) : () -> ()
      %mul3A_160 = arith.constant 2 : i32
      %mul3A_161 = arith.muli %scan3A_140, %mul3A_160 : i32
      %add3A_162 = arith.constant 1 : i32
      %add3A_163 = arith.addi %mul3A_161, %add3A_162 : i32
      %dma_wait3A_164 = arith.constant 0 : i32
      %dma_wait3A_165 = tpu.memref_slice %arg6[%add3A_163, %dma_wait3A_164] : memref<40x128xi32, #tpu.memory_space<vmem>> -> memref<1x128xi32, #tpu.memory_space<vmem>>
      %dma_wait3A_166 = tpu.memref_squeeze %dma_wait3A_165 : memref<1x128xi32, #tpu.memory_space<vmem>> -> memref<128xi32, #tpu.memory_space<vmem>>
      %dma_wait3A_167 = arith.constant 0 : i32
      %dma_wait3A_168 = arith.constant 0 : i32
      %dma_wait3A_169 = tpu.memref_slice %arg2[%dma_wait3A_167, %dma_wait3A_168] : memref<10000x128xf32, #tpu.memory_space<hbm>> -> memref<10000x128xf32, #tpu.memory_space<hbm>>
      tpu.wait_indirect_dma semaphore(%arg12 : memref<!tpu.dma_semaphore, #tpu.memory_space<semaphore_mem>>) src(%dma_wait3A_169 : memref<10000x128xf32, #tpu.memory_space<hbm>>) dst(%arg9 : memref<128x128xf32, #tpu.memory_space<vmem>>)
      %add3A_170 = arith.constant 1 : i32
      %add3A_171 = arith.addi %add3A_163, %add3A_170 : i32
      %dma_start3A_172 = arith.constant 0 : i32
      %dma_start3A_173 = tpu.memref_slice %arg6[%add3A_171, %dma_start3A_172] : memref<40x128xi32, #tpu.memory_space<vmem>> -> memref<1x128xi32, #tpu.memory_space<vmem>>
      %dma_start3A_174 = tpu.memref_squeeze %dma_start3A_173 : memref<1x128xi32, #tpu.memory_space<vmem>> -> memref<128xi32, #tpu.memory_space<vmem>>
      %dma_start3A_175 = arith.constant 0 : i32
      %dma_start3A_176 = arith.constant 0 : i32
      %dma_start3A_177 = tpu.memref_slice %arg2[%dma_start3A_175, %dma_start3A_176] : memref<10000x128xf32, #tpu.memory_space<hbm>> -> memref<10000x128xf32, #tpu.memory_space<hbm>>
      tpu.enqueue_indirect_dma source(%dma_start3A_177 : memref<10000x128xf32, #tpu.memory_space<hbm>>) target(%arg8 : memref<128x128xf32, #tpu.memory_space<vmem>>) offsets(%dma_start3A_174 : memref<128xi32, #tpu.memory_space<vmem>>) semaphore(%arg11 : memref<!tpu.dma_semaphore, #tpu.memory_space<semaphore_mem>>)
      "tpu.region"() ({
        %run_scoped3A_179 = tpu.sem_alloc : memref<!tpu.dma_semaphore, #tpu.memory_space<semaphore_mem>>
        %dma_start3A_180 = arith.constant 0 : i32
        %dma_start3A_181 = tpu.memref_slice %arg7[%add3A_163, %dma_start3A_180] : memref<40x128xi32, #tpu.memory_space<vmem>> -> memref<1x128xi32, #tpu.memory_space<vmem>>
        %dma_start3A_182 = tpu.memref_squeeze %dma_start3A_181 : memref<1x128xi32, #tpu.memory_space<vmem>> -> memref<128xi32, #tpu.memory_space<vmem>>
        %dma_start3A_183 = arith.constant 0 : i32
        %dma_start3A_184 = arith.constant 0 : i32
        %dma_start3A_185 = tpu.memref_slice %arg10[%dma_start3A_183, %dma_start3A_184] : memref<10016x128xf32, #tpu.memory_space<vmem_shared>> -> memref<10016x128xf32, #tpu.memory_space<vmem_shared>>
        tpu.enqueue_indirect_dma source(%arg9 : memref<128x128xf32, #tpu.memory_space<vmem>>) target(%dma_start3A_185 : memref<10016x128xf32, #tpu.memory_space<vmem_shared>>) offsets(%dma_start3A_182 : memref<128xi32, #tpu.memory_space<vmem>>) semaphore(%run_scoped3A_179 : memref<!tpu.dma_semaphore, #tpu.memory_space<semaphore_mem>>) {add = true}
        %dma_wait3A_186 = arith.constant 0 : i32
        %dma_wait3A_187 = tpu.memref_slice %arg7[%add3A_163, %dma_wait3A_186] : memref<40x128xi32, #tpu.memory_space<vmem>> -> memref<1x128xi32, #tpu.memory_space<vmem>>
        %dma_wait3A_188 = tpu.memref_squeeze %dma_wait3A_187 : memref<1x128xi32, #tpu.memory_space<vmem>> -> memref<128xi32, #tpu.memory_space<vmem>>
        %dma_wait3A_189 = arith.constant 0 : i32
        %dma_wait3A_190 = arith.constant 0 : i32
        %dma_wait3A_191 = tpu.memref_slice %arg10[%dma_wait3A_189, %dma_wait3A_190] : memref<10016x128xf32, #tpu.memory_space<vmem_shared>> -> memref<10016x128xf32, #tpu.memory_space<vmem_shared>>
        tpu.wait_indirect_dma semaphore(%run_scoped3A_179 : memref<!tpu.dma_semaphore, #tpu.memory_space<semaphore_mem>>) src(%arg9 : memref<128x128xf32, #tpu.memory_space<vmem>>) dst(%dma_wait3A_191 : memref<10016x128xf32, #tpu.memory_space<vmem_shared>>)
        tpu.yield
      }) : () -> ()
      %scan3A_178 = arith.constant 0 : i32
      scf.yield %scan3A_178 : i32
    }
    %scan3A_43 = arith.constant 19 : i32
    %dma_wait3A = arith.constant 38 : i32
    %dma_wait3A_44 = arith.constant 0 : i32
    %dma_wait3A_45 = tpu.memref_slice %arg6[%dma_wait3A, %dma_wait3A_44] : memref<40x128xi32, #tpu.memory_space<vmem>> -> memref<1x128xi32, #tpu.memory_space<vmem>>
    %dma_wait3A_46 = tpu.memref_squeeze %dma_wait3A_45 : memref<1x128xi32, #tpu.memory_space<vmem>> -> memref<128xi32, #tpu.memory_space<vmem>>
    %dma_wait3A_47 = arith.constant 0 : i32
    %dma_wait3A_48 = arith.constant 0 : i32
    %dma_wait3A_49 = tpu.memref_slice %arg2[%dma_wait3A_47, %dma_wait3A_48] : memref<10000x128xf32, #tpu.memory_space<hbm>> -> memref<10000x128xf32, #tpu.memory_space<hbm>>
    tpu.wait_indirect_dma semaphore(%arg11 : memref<!tpu.dma_semaphore, #tpu.memory_space<semaphore_mem>>) src(%dma_wait3A_49 : memref<10000x128xf32, #tpu.memory_space<hbm>>) dst(%arg8 : memref<128x128xf32, #tpu.memory_space<vmem>>)
    %dma_start3A_50 = arith.constant 39 : i32
    %dma_start3A_51 = arith.constant 0 : i32
    %dma_start3A_52 = tpu.memref_slice %arg6[%dma_start3A_50, %dma_start3A_51] : memref<40x128xi32, #tpu.memory_space<vmem>> -> memref<1x128xi32, #tpu.memory_space<vmem>>
    %dma_start3A_53 = tpu.memref_squeeze %dma_start3A_52 : memref<1x128xi32, #tpu.memory_space<vmem>> -> memref<128xi32, #tpu.memory_space<vmem>>
    %dma_start3A_54 = arith.constant 0 : i32
    %dma_start3A_55 = arith.constant 0 : i32
    %dma_start3A_56 = tpu.memref_slice %arg2[%dma_start3A_54, %dma_start3A_55] : memref<10000x128xf32, #tpu.memory_space<hbm>> -> memref<10000x128xf32, #tpu.memory_space<hbm>>
    tpu.enqueue_indirect_dma source(%dma_start3A_56 : memref<10000x128xf32, #tpu.memory_space<hbm>>) target(%arg9 : memref<128x128xf32, #tpu.memory_space<vmem>>) offsets(%dma_start3A_53 : memref<128xi32, #tpu.memory_space<vmem>>) semaphore(%arg12 : memref<!tpu.dma_semaphore, #tpu.memory_space<semaphore_mem>>)
    %run_scoped3A = arith.constant 38 : i32
    "tpu.region"() ({
      %run_scoped3A_140 = tpu.sem_alloc : memref<!tpu.dma_semaphore, #tpu.memory_space<semaphore_mem>>
      %dma_start3A_141 = arith.constant 0 : i32
      %dma_start3A_142 = tpu.memref_slice %arg7[%run_scoped3A, %dma_start3A_141] : memref<40x128xi32, #tpu.memory_space<vmem>> -> memref<1x128xi32, #tpu.memory_space<vmem>>
      %dma_start3A_143 = tpu.memref_squeeze %dma_start3A_142 : memref<1x128xi32, #tpu.memory_space<vmem>> -> memref<128xi32, #tpu.memory_space<vmem>>
      %dma_start3A_144 = arith.constant 0 : i32
      %dma_start3A_145 = arith.constant 0 : i32
      %dma_start3A_146 = tpu.memref_slice %arg10[%dma_start3A_144, %dma_start3A_145] : memref<10016x128xf32, #tpu.memory_space<vmem_shared>> -> memref<10016x128xf32, #tpu.memory_space<vmem_shared>>
      tpu.enqueue_indirect_dma source(%arg8 : memref<128x128xf32, #tpu.memory_space<vmem>>) target(%dma_start3A_146 : memref<10016x128xf32, #tpu.memory_space<vmem_shared>>) offsets(%dma_start3A_143 : memref<128xi32, #tpu.memory_space<vmem>>) semaphore(%run_scoped3A_140 : memref<!tpu.dma_semaphore, #tpu.memory_space<semaphore_mem>>) {add = true}
      %dma_wait3A_147 = arith.constant 0 : i32
      %dma_wait3A_148 = tpu.memref_slice %arg7[%run_scoped3A, %dma_wait3A_147] : memref<40x128xi32, #tpu.memory_space<vmem>> -> memref<1x128xi32, #tpu.memory_space<vmem>>
      %dma_wait3A_149 = tpu.memref_squeeze %dma_wait3A_148 : memref<1x128xi32, #tpu.memory_space<vmem>> -> memref<128xi32, #tpu.memory_space<vmem>>
      %dma_wait3A_150 = arith.constant 0 : i32
      %dma_wait3A_151 = arith.constant 0 : i32
      %dma_wait3A_152 = tpu.memref_slice %arg10[%dma_wait3A_150, %dma_wait3A_151] : memref<10016x128xf32, #tpu.memory_space<vmem_shared>> -> memref<10016x128xf32, #tpu.memory_space<vmem_shared>>
      tpu.wait_indirect_dma semaphore(%run_scoped3A_140 : memref<!tpu.dma_semaphore, #tpu.memory_space<semaphore_mem>>) src(%arg8 : memref<128x128xf32, #tpu.memory_space<vmem>>) dst(%dma_wait3A_152 : memref<10016x128xf32, #tpu.memory_space<vmem_shared>>)
      tpu.yield
    }) : () -> ()
    %dma_wait3A_57 = arith.constant 39 : i32
    %dma_wait3A_58 = arith.constant 0 : i32
    %dma_wait3A_59 = tpu.memref_slice %arg6[%dma_wait3A_57, %dma_wait3A_58] : memref<40x128xi32, #tpu.memory_space<vmem>> -> memref<1x128xi32, #tpu.memory_space<vmem>>
    %dma_wait3A_60 = tpu.memref_squeeze %dma_wait3A_59 : memref<1x128xi32, #tpu.memory_space<vmem>> -> memref<128xi32, #tpu.memory_space<vmem>>
    %dma_wait3A_61 = arith.constant 0 : i32
    %dma_wait3A_62 = arith.constant 0 : i32
    %dma_wait3A_63 = tpu.memref_slice %arg2[%dma_wait3A_61, %dma_wait3A_62] : memref<10000x128xf32, #tpu.memory_space<hbm>> -> memref<10000x128xf32, #tpu.memory_space<hbm>>
    tpu.wait_indirect_dma semaphore(%arg12 : memref<!tpu.dma_semaphore, #tpu.memory_space<semaphore_mem>>) src(%dma_wait3A_63 : memref<10000x128xf32, #tpu.memory_space<hbm>>) dst(%arg9 : memref<128x128xf32, #tpu.memory_space<vmem>>)
    %run_scoped3A_64 = arith.constant 39 : i32
    "tpu.region"() ({
      %run_scoped3A_140 = tpu.sem_alloc : memref<!tpu.dma_semaphore, #tpu.memory_space<semaphore_mem>>
      %dma_start3A_141 = arith.constant 0 : i32
      %dma_start3A_142 = tpu.memref_slice %arg7[%run_scoped3A_64, %dma_start3A_141] : memref<40x128xi32, #tpu.memory_space<vmem>> -> memref<1x128xi32, #tpu.memory_space<vmem>>
      %dma_start3A_143 = tpu.memref_squeeze %dma_start3A_142 : memref<1x128xi32, #tpu.memory_space<vmem>> -> memref<128xi32, #tpu.memory_space<vmem>>
      %dma_start3A_144 = arith.constant 0 : i32
      %dma_start3A_145 = arith.constant 0 : i32
      %dma_start3A_146 = tpu.memref_slice %arg10[%dma_start3A_144, %dma_start3A_145] : memref<10016x128xf32, #tpu.memory_space<vmem_shared>> -> memref<10016x128xf32, #tpu.memory_space<vmem_shared>>
      tpu.enqueue_indirect_dma source(%arg9 : memref<128x128xf32, #tpu.memory_space<vmem>>) target(%dma_start3A_146 : memref<10016x128xf32, #tpu.memory_space<vmem_shared>>) offsets(%dma_start3A_143 : memref<128xi32, #tpu.memory_space<vmem>>) semaphore(%run_scoped3A_140 : memref<!tpu.dma_semaphore, #tpu.memory_space<semaphore_mem>>) {add = true}
      %dma_wait3A_147 = arith.constant 0 : i32
      %dma_wait3A_148 = tpu.memref_slice %arg7[%run_scoped3A_64, %dma_wait3A_147] : memref<40x128xi32, #tpu.memory_space<vmem>> -> memref<1x128xi32, #tpu.memory_space<vmem>>
      %dma_wait3A_149 = tpu.memref_squeeze %dma_wait3A_148 : memref<1x128xi32, #tpu.memory_space<vmem>> -> memref<128xi32, #tpu.memory_space<vmem>>
      %dma_wait3A_150 = arith.constant 0 : i32
      %dma_wait3A_151 = arith.constant 0 : i32
      %dma_wait3A_152 = tpu.memref_slice %arg10[%dma_wait3A_150, %dma_wait3A_151] : memref<10016x128xf32, #tpu.memory_space<vmem_shared>> -> memref<10016x128xf32, #tpu.memory_space<vmem_shared>>
      tpu.wait_indirect_dma semaphore(%run_scoped3A_140 : memref<!tpu.dma_semaphore, #tpu.memory_space<semaphore_mem>>) src(%arg9 : memref<128x128xf32, #tpu.memory_space<vmem>>) dst(%dma_wait3A_152 : memref<10016x128xf32, #tpu.memory_space<vmem_shared>>)
      tpu.yield
    }) : () -> ()
    %mul3A_65 = arith.constant 80 : i32
    %mul3A_66 = arith.muli %add3A, %mul3A_65 : i32
    %add3A_67 = arith.constant 40 : i32
    %add3A_68 = arith.addi %mul3A_66, %add3A_67 : i32
    "tpu.region"() ({
      %run_scoped3A_140 = tpu.sem_alloc : memref<!tpu.dma_semaphore, #tpu.memory_space<semaphore_mem>>
      %dma_start3A_141 = arith.constant 0 : i32
      %dma_start3A_142 = tpu.memref_slice %arg3[%add3A_68, %dma_start3A_141] : memref<2560x128xi32, #tpu.memory_space<hbm>> -> memref<40x128xi32, #tpu.memory_space<hbm>>
      %dma_start3A_143 = arith.constant 0 : i32
      %dma_start3A_144 = tpu.memref_slice %arg3[%add3A_68, %dma_start3A_143] : memref<2560x128xi32, #tpu.memory_space<hbm>> -> memref<40x128xi32, #tpu.memory_space<hbm>>
      tpu.enqueue_dma source(%dma_start3A_144 : memref<40x128xi32, #tpu.memory_space<hbm>>) target(%arg6 : memref<40x128xi32, #tpu.memory_space<vmem>>) target_semaphore(%run_scoped3A_140 : memref<!tpu.dma_semaphore, #tpu.memory_space<semaphore_mem>>)
      %dma_wait3A_145 = arith.constant 0 : i32
      %dma_wait3A_146 = tpu.memref_slice %arg3[%add3A_68, %dma_wait3A_145] : memref<2560x128xi32, #tpu.memory_space<hbm>> -> memref<40x128xi32, #tpu.memory_space<hbm>>
      %dma_wait3A_147 = arith.constant 0 : i32
      %dma_wait3A_148 = tpu.memref_slice %arg3[%add3A_68, %dma_wait3A_147] : memref<2560x128xi32, #tpu.memory_space<hbm>> -> memref<40x128xi32, #tpu.memory_space<hbm>>
      tpu.wait_dma2 semaphore(%run_scoped3A_140 : memref<!tpu.dma_semaphore, #tpu.memory_space<semaphore_mem>>) src(%dma_wait3A_148 : memref<40x128xi32, #tpu.memory_space<hbm>>) dst(%arg6 : memref<40x128xi32, #tpu.memory_space<vmem>>)
      tpu.yield
    }) : () -> ()
    %mul3A_69 = arith.constant 80 : i32
    %mul3A_70 = arith.muli %add3A, %mul3A_69 : i32
    %add3A_71 = arith.constant 40 : i32
    %add3A_72 = arith.addi %mul3A_70, %add3A_71 : i32
    "tpu.region"() ({
      %run_scoped3A_140 = tpu.sem_alloc : memref<!tpu.dma_semaphore, #tpu.memory_space<semaphore_mem>>
      %dma_start3A_141 = arith.constant 0 : i32
      %dma_start3A_142 = tpu.memref_slice %arg4[%add3A_72, %dma_start3A_141] : memref<2560x128xi32, #tpu.memory_space<hbm>> -> memref<40x128xi32, #tpu.memory_space<hbm>>
      %dma_start3A_143 = arith.constant 0 : i32
      %dma_start3A_144 = tpu.memref_slice %arg4[%add3A_72, %dma_start3A_143] : memref<2560x128xi32, #tpu.memory_space<hbm>> -> memref<40x128xi32, #tpu.memory_space<hbm>>
      tpu.enqueue_dma source(%dma_start3A_144 : memref<40x128xi32, #tpu.memory_space<hbm>>) target(%arg7 : memref<40x128xi32, #tpu.memory_space<vmem>>) target_semaphore(%run_scoped3A_140 : memref<!tpu.dma_semaphore, #tpu.memory_space<semaphore_mem>>)
      %dma_wait3A_145 = arith.constant 0 : i32
      %dma_wait3A_146 = tpu.memref_slice %arg4[%add3A_72, %dma_wait3A_145] : memref<2560x128xi32, #tpu.memory_space<hbm>> -> memref<40x128xi32, #tpu.memory_space<hbm>>
      %dma_wait3A_147 = arith.constant 0 : i32
      %dma_wait3A_148 = tpu.memref_slice %arg4[%add3A_72, %dma_wait3A_147] : memref<2560x128xi32, #tpu.memory_space<hbm>> -> memref<40x128xi32, #tpu.memory_space<hbm>>
      tpu.wait_dma2 semaphore(%run_scoped3A_140 : memref<!tpu.dma_semaphore, #tpu.memory_space<semaphore_mem>>) src(%dma_wait3A_148 : memref<40x128xi32, #tpu.memory_space<hbm>>) dst(%arg7 : memref<40x128xi32, #tpu.memory_space<vmem>>)
      tpu.yield
    }) : () -> ()
    %dma_start3A_73 = arith.constant 0 : i32
    %dma_start3A_74 = arith.constant 0 : i32
    %dma_start3A_75 = tpu.memref_slice %arg6[%dma_start3A_73, %dma_start3A_74] : memref<40x128xi32, #tpu.memory_space<vmem>> -> memref<1x128xi32, #tpu.memory_space<vmem>>
    %dma_start3A_76 = tpu.memref_squeeze %dma_start3A_75 : memref<1x128xi32, #tpu.memory_space<vmem>> -> memref<128xi32, #tpu.memory_space<vmem>>
    %dma_start3A_77 = arith.constant 0 : i32
    %dma_start3A_78 = arith.constant 0 : i32
    %dma_start3A_79 = tpu.memref_slice %arg2[%dma_start3A_77, %dma_start3A_78] : memref<10000x128xf32, #tpu.memory_space<hbm>> -> memref<10000x128xf32, #tpu.memory_space<hbm>>
    tpu.enqueue_indirect_dma source(%dma_start3A_79 : memref<10000x128xf32, #tpu.memory_space<hbm>>) target(%arg8 : memref<128x128xf32, #tpu.memory_space<vmem>>) offsets(%dma_start3A_76 : memref<128xi32, #tpu.memory_space<vmem>>) semaphore(%arg11 : memref<!tpu.dma_semaphore, #tpu.memory_space<semaphore_mem>>)
    %scan3A_80 = arith.constant 0 : i32
    %scan3A_81 = arith.constant 0 : i32
    %scan3A_82 = arith.constant 19 : i32
    %scan3A_83 = arith.addi %scan3A_81, %scan3A_82 : i32
    %scan3A_84 = arith.constant 1 : i32
    %scan3A_85 = scf.for %scan3A_140 = %scan3A_81 to %scan3A_83 step %scan3A_84 iter_args(%scan3A_141 = %scan3A_80) -> (i32)  : i32 {
      %mul3A_142 = arith.constant 2 : i32
      %mul3A_143 = arith.muli %scan3A_140, %mul3A_142 : i32
      %add3A_144 = arith.constant 0 : i32
      %add3A_145 = arith.addi %mul3A_143, %add3A_144 : i32
      %dma_wait3A_146 = arith.constant 0 : i32
      %dma_wait3A_147 = tpu.memref_slice %arg6[%add3A_145, %dma_wait3A_146] : memref<40x128xi32, #tpu.memory_space<vmem>> -> memref<1x128xi32, #tpu.memory_space<vmem>>
      %dma_wait3A_148 = tpu.memref_squeeze %dma_wait3A_147 : memref<1x128xi32, #tpu.memory_space<vmem>> -> memref<128xi32, #tpu.memory_space<vmem>>
      %dma_wait3A_149 = arith.constant 0 : i32
      %dma_wait3A_150 = arith.constant 0 : i32
      %dma_wait3A_151 = tpu.memref_slice %arg2[%dma_wait3A_149, %dma_wait3A_150] : memref<10000x128xf32, #tpu.memory_space<hbm>> -> memref<10000x128xf32, #tpu.memory_space<hbm>>
      tpu.wait_indirect_dma semaphore(%arg11 : memref<!tpu.dma_semaphore, #tpu.memory_space<semaphore_mem>>) src(%dma_wait3A_151 : memref<10000x128xf32, #tpu.memory_space<hbm>>) dst(%arg8 : memref<128x128xf32, #tpu.memory_space<vmem>>)
      %add3A_152 = arith.constant 1 : i32
      %add3A_153 = arith.addi %add3A_145, %add3A_152 : i32
      %dma_start3A_154 = arith.constant 0 : i32
      %dma_start3A_155 = tpu.memref_slice %arg6[%add3A_153, %dma_start3A_154] : memref<40x128xi32, #tpu.memory_space<vmem>> -> memref<1x128xi32, #tpu.memory_space<vmem>>
      %dma_start3A_156 = tpu.memref_squeeze %dma_start3A_155 : memref<1x128xi32, #tpu.memory_space<vmem>> -> memref<128xi32, #tpu.memory_space<vmem>>
      %dma_start3A_157 = arith.constant 0 : i32
      %dma_start3A_158 = arith.constant 0 : i32
      %dma_start3A_159 = tpu.memref_slice %arg2[%dma_start3A_157, %dma_start3A_158] : memref<10000x128xf32, #tpu.memory_space<hbm>> -> memref<10000x128xf32, #tpu.memory_space<hbm>>
      tpu.enqueue_indirect_dma source(%dma_start3A_159 : memref<10000x128xf32, #tpu.memory_space<hbm>>) target(%arg9 : memref<128x128xf32, #tpu.memory_space<vmem>>) offsets(%dma_start3A_156 : memref<128xi32, #tpu.memory_space<vmem>>) semaphore(%arg12 : memref<!tpu.dma_semaphore, #tpu.memory_space<semaphore_mem>>)
      "tpu.region"() ({
        %run_scoped3A_179 = tpu.sem_alloc : memref<!tpu.dma_semaphore, #tpu.memory_space<semaphore_mem>>
        %dma_start3A_180 = arith.constant 0 : i32
        %dma_start3A_181 = tpu.memref_slice %arg7[%add3A_145, %dma_start3A_180] : memref<40x128xi32, #tpu.memory_space<vmem>> -> memref<1x128xi32, #tpu.memory_space<vmem>>
        %dma_start3A_182 = tpu.memref_squeeze %dma_start3A_181 : memref<1x128xi32, #tpu.memory_space<vmem>> -> memref<128xi32, #tpu.memory_space<vmem>>
        %dma_start3A_183 = arith.constant 0 : i32
        %dma_start3A_184 = arith.constant 0 : i32
        %dma_start3A_185 = tpu.memref_slice %arg10[%dma_start3A_183, %dma_start3A_184] : memref<10016x128xf32, #tpu.memory_space<vmem_shared>> -> memref<10016x128xf32, #tpu.memory_space<vmem_shared>>
        tpu.enqueue_indirect_dma source(%arg8 : memref<128x128xf32, #tpu.memory_space<vmem>>) target(%dma_start3A_185 : memref<10016x128xf32, #tpu.memory_space<vmem_shared>>) offsets(%dma_start3A_182 : memref<128xi32, #tpu.memory_space<vmem>>) semaphore(%run_scoped3A_179 : memref<!tpu.dma_semaphore, #tpu.memory_space<semaphore_mem>>) {add = true}
        %dma_wait3A_186 = arith.constant 0 : i32
        %dma_wait3A_187 = tpu.memref_slice %arg7[%add3A_145, %dma_wait3A_186] : memref<40x128xi32, #tpu.memory_space<vmem>> -> memref<1x128xi32, #tpu.memory_space<vmem>>
        %dma_wait3A_188 = tpu.memref_squeeze %dma_wait3A_187 : memref<1x128xi32, #tpu.memory_space<vmem>> -> memref<128xi32, #tpu.memory_space<vmem>>
        %dma_wait3A_189 = arith.constant 0 : i32
        %dma_wait3A_190 = arith.constant 0 : i32
        %dma_wait3A_191 = tpu.memref_slice %arg10[%dma_wait3A_189, %dma_wait3A_190] : memref<10016x128xf32, #tpu.memory_space<vmem_shared>> -> memref<10016x128xf32, #tpu.memory_space<vmem_shared>>
        tpu.wait_indirect_dma semaphore(%run_scoped3A_179 : memref<!tpu.dma_semaphore, #tpu.memory_space<semaphore_mem>>) src(%arg8 : memref<128x128xf32, #tpu.memory_space<vmem>>) dst(%dma_wait3A_191 : memref<10016x128xf32, #tpu.memory_space<vmem_shared>>)
        tpu.yield
      }) : () -> ()
      %mul3A_160 = arith.constant 2 : i32
      %mul3A_161 = arith.muli %scan3A_140, %mul3A_160 : i32
      %add3A_162 = arith.constant 1 : i32
      %add3A_163 = arith.addi %mul3A_161, %add3A_162 : i32
      %dma_wait3A_164 = arith.constant 0 : i32
      %dma_wait3A_165 = tpu.memref_slice %arg6[%add3A_163, %dma_wait3A_164] : memref<40x128xi32, #tpu.memory_space<vmem>> -> memref<1x128xi32, #tpu.memory_space<vmem>>
      %dma_wait3A_166 = tpu.memref_squeeze %dma_wait3A_165 : memref<1x128xi32, #tpu.memory_space<vmem>> -> memref<128xi32, #tpu.memory_space<vmem>>
      %dma_wait3A_167 = arith.constant 0 : i32
      %dma_wait3A_168 = arith.constant 0 : i32
      %dma_wait3A_169 = tpu.memref_slice %arg2[%dma_wait3A_167, %dma_wait3A_168] : memref<10000x128xf32, #tpu.memory_space<hbm>> -> memref<10000x128xf32, #tpu.memory_space<hbm>>
      tpu.wait_indirect_dma semaphore(%arg12 : memref<!tpu.dma_semaphore, #tpu.memory_space<semaphore_mem>>) src(%dma_wait3A_169 : memref<10000x128xf32, #tpu.memory_space<hbm>>) dst(%arg9 : memref<128x128xf32, #tpu.memory_space<vmem>>)
      %add3A_170 = arith.constant 1 : i32
      %add3A_171 = arith.addi %add3A_163, %add3A_170 : i32
      %dma_start3A_172 = arith.constant 0 : i32
      %dma_start3A_173 = tpu.memref_slice %arg6[%add3A_171, %dma_start3A_172] : memref<40x128xi32, #tpu.memory_space<vmem>> -> memref<1x128xi32, #tpu.memory_space<vmem>>
      %dma_start3A_174 = tpu.memref_squeeze %dma_start3A_173 : memref<1x128xi32, #tpu.memory_space<vmem>> -> memref<128xi32, #tpu.memory_space<vmem>>
      %dma_start3A_175 = arith.constant 0 : i32
      %dma_start3A_176 = arith.constant 0 : i32
      %dma_start3A_177 = tpu.memref_slice %arg2[%dma_start3A_175, %dma_start3A_176] : memref<10000x128xf32, #tpu.memory_space<hbm>> -> memref<10000x128xf32, #tpu.memory_space<hbm>>
      tpu.enqueue_indirect_dma source(%dma_start3A_177 : memref<10000x128xf32, #tpu.memory_space<hbm>>) target(%arg8 : memref<128x128xf32, #tpu.memory_space<vmem>>) offsets(%dma_start3A_174 : memref<128xi32, #tpu.memory_space<vmem>>) semaphore(%arg11 : memref<!tpu.dma_semaphore, #tpu.memory_space<semaphore_mem>>)
      "tpu.region"() ({
        %run_scoped3A_179 = tpu.sem_alloc : memref<!tpu.dma_semaphore, #tpu.memory_space<semaphore_mem>>
        %dma_start3A_180 = arith.constant 0 : i32
        %dma_start3A_181 = tpu.memref_slice %arg7[%add3A_163, %dma_start3A_180] : memref<40x128xi32, #tpu.memory_space<vmem>> -> memref<1x128xi32, #tpu.memory_space<vmem>>
        %dma_start3A_182 = tpu.memref_squeeze %dma_start3A_181 : memref<1x128xi32, #tpu.memory_space<vmem>> -> memref<128xi32, #tpu.memory_space<vmem>>
        %dma_start3A_183 = arith.constant 0 : i32
        %dma_start3A_184 = arith.constant 0 : i32
        %dma_start3A_185 = tpu.memref_slice %arg10[%dma_start3A_183, %dma_start3A_184] : memref<10016x128xf32, #tpu.memory_space<vmem_shared>> -> memref<10016x128xf32, #tpu.memory_space<vmem_shared>>
        tpu.enqueue_indirect_dma source(%arg9 : memref<128x128xf32, #tpu.memory_space<vmem>>) target(%dma_start3A_185 : memref<10016x128xf32, #tpu.memory_space<vmem_shared>>) offsets(%dma_start3A_182 : memref<128xi32, #tpu.memory_space<vmem>>) semaphore(%run_scoped3A_179 : memref<!tpu.dma_semaphore, #tpu.memory_space<semaphore_mem>>) {add = true}
        %dma_wait3A_186 = arith.constant 0 : i32
        %dma_wait3A_187 = tpu.memref_slice %arg7[%add3A_163, %dma_wait3A_186] : memref<40x128xi32, #tpu.memory_space<vmem>> -> memref<1x128xi32, #tpu.memory_space<vmem>>
        %dma_wait3A_188 = tpu.memref_squeeze %dma_wait3A_187 : memref<1x128xi32, #tpu.memory_space<vmem>> -> memref<128xi32, #tpu.memory_space<vmem>>
        %dma_wait3A_189 = arith.constant 0 : i32
        %dma_wait3A_190 = arith.constant 0 : i32
        %dma_wait3A_191 = tpu.memref_slice %arg10[%dma_wait3A_189, %dma_wait3A_190] : memref<10016x128xf32, #tpu.memory_space<vmem_shared>> -> memref<10016x128xf32, #tpu.memory_space<vmem_shared>>
        tpu.wait_indirect_dma semaphore(%run_scoped3A_179 : memref<!tpu.dma_semaphore, #tpu.memory_space<semaphore_mem>>) src(%arg9 : memref<128x128xf32, #tpu.memory_space<vmem>>) dst(%dma_wait3A_191 : memref<10016x128xf32, #tpu.memory_space<vmem_shared>>)
        tpu.yield
      }) : () -> ()
      %scan3A_178 = arith.constant 0 : i32
      scf.yield %scan3A_178 : i32
    }
    %scan3A_86 = arith.constant 19 : i32
    %dma_wait3A_87 = arith.constant 38 : i32
    %dma_wait3A_88 = arith.constant 0 : i32
    %dma_wait3A_89 = tpu.memref_slice %arg6[%dma_wait3A_87, %dma_wait3A_88] : memref<40x128xi32, #tpu.memory_space<vmem>> -> memref<1x128xi32, #tpu.memory_space<vmem>>
    %dma_wait3A_90 = tpu.memref_squeeze %dma_wait3A_89 : memref<1x128xi32, #tpu.memory_space<vmem>> -> memref<128xi32, #tpu.memory_space<vmem>>
    %dma_wait3A_91 = arith.constant 0 : i32
    %dma_wait3A_92 = arith.constant 0 : i32
    %dma_wait3A_93 = tpu.memref_slice %arg2[%dma_wait3A_91, %dma_wait3A_92] : memref<10000x128xf32, #tpu.memory_space<hbm>> -> memref<10000x128xf32, #tpu.memory_space<hbm>>
    tpu.wait_indirect_dma semaphore(%arg11 : memref<!tpu.dma_semaphore, #tpu.memory_space<semaphore_mem>>) src(%dma_wait3A_93 : memref<10000x128xf32, #tpu.memory_space<hbm>>) dst(%arg8 : memref<128x128xf32, #tpu.memory_space<vmem>>)
    %dma_start3A_94 = arith.constant 39 : i32
    %dma_start3A_95 = arith.constant 0 : i32
    %dma_start3A_96 = tpu.memref_slice %arg6[%dma_start3A_94, %dma_start3A_95] : memref<40x128xi32, #tpu.memory_space<vmem>> -> memref<1x128xi32, #tpu.memory_space<vmem>>
    %dma_start3A_97 = tpu.memref_squeeze %dma_start3A_96 : memref<1x128xi32, #tpu.memory_space<vmem>> -> memref<128xi32, #tpu.memory_space<vmem>>
    %dma_start3A_98 = arith.constant 0 : i32
    %dma_start3A_99 = arith.constant 0 : i32
    %dma_start3A_100 = tpu.memref_slice %arg2[%dma_start3A_98, %dma_start3A_99] : memref<10000x128xf32, #tpu.memory_space<hbm>> -> memref<10000x128xf32, #tpu.memory_space<hbm>>
    tpu.enqueue_indirect_dma source(%dma_start3A_100 : memref<10000x128xf32, #tpu.memory_space<hbm>>) target(%arg9 : memref<128x128xf32, #tpu.memory_space<vmem>>) offsets(%dma_start3A_97 : memref<128xi32, #tpu.memory_space<vmem>>) semaphore(%arg12 : memref<!tpu.dma_semaphore, #tpu.memory_space<semaphore_mem>>)
    %run_scoped3A_101 = arith.constant 38 : i32
    "tpu.region"() ({
      %run_scoped3A_140 = tpu.sem_alloc : memref<!tpu.dma_semaphore, #tpu.memory_space<semaphore_mem>>
      %dma_start3A_141 = arith.constant 0 : i32
      %dma_start3A_142 = tpu.memref_slice %arg7[%run_scoped3A_101, %dma_start3A_141] : memref<40x128xi32, #tpu.memory_space<vmem>> -> memref<1x128xi32, #tpu.memory_space<vmem>>
      %dma_start3A_143 = tpu.memref_squeeze %dma_start3A_142 : memref<1x128xi32, #tpu.memory_space<vmem>> -> memref<128xi32, #tpu.memory_space<vmem>>
      %dma_start3A_144 = arith.constant 0 : i32
      %dma_start3A_145 = arith.constant 0 : i32
      %dma_start3A_146 = tpu.memref_slice %arg10[%dma_start3A_144, %dma_start3A_145] : memref<10016x128xf32, #tpu.memory_space<vmem_shared>> -> memref<10016x128xf32, #tpu.memory_space<vmem_shared>>
      tpu.enqueue_indirect_dma source(%arg8 : memref<128x128xf32, #tpu.memory_space<vmem>>) target(%dma_start3A_146 : memref<10016x128xf32, #tpu.memory_space<vmem_shared>>) offsets(%dma_start3A_143 : memref<128xi32, #tpu.memory_space<vmem>>) semaphore(%run_scoped3A_140 : memref<!tpu.dma_semaphore, #tpu.memory_space<semaphore_mem>>) {add = true}
      %dma_wait3A_147 = arith.constant 0 : i32
      %dma_wait3A_148 = tpu.memref_slice %arg7[%run_scoped3A_101, %dma_wait3A_147] : memref<40x128xi32, #tpu.memory_space<vmem>> -> memref<1x128xi32, #tpu.memory_space<vmem>>
      %dma_wait3A_149 = tpu.memref_squeeze %dma_wait3A_148 : memref<1x128xi32, #tpu.memory_space<vmem>> -> memref<128xi32, #tpu.memory_space<vmem>>
      %dma_wait3A_150 = arith.constant 0 : i32
      %dma_wait3A_151 = arith.constant 0 : i32
      %dma_wait3A_152 = tpu.memref_slice %arg10[%dma_wait3A_150, %dma_wait3A_151] : memref<10016x128xf32, #tpu.memory_space<vmem_shared>> -> memref<10016x128xf32, #tpu.memory_space<vmem_shared>>
      tpu.wait_indirect_dma semaphore(%run_scoped3A_140 : memref<!tpu.dma_semaphore, #tpu.memory_space<semaphore_mem>>) src(%arg8 : memref<128x128xf32, #tpu.memory_space<vmem>>) dst(%dma_wait3A_152 : memref<10016x128xf32, #tpu.memory_space<vmem_shared>>)
      tpu.yield
    }) : () -> ()
    %dma_wait3A_102 = arith.constant 39 : i32
    %dma_wait3A_103 = arith.constant 0 : i32
    %dma_wait3A_104 = tpu.memref_slice %arg6[%dma_wait3A_102, %dma_wait3A_103] : memref<40x128xi32, #tpu.memory_space<vmem>> -> memref<1x128xi32, #tpu.memory_space<vmem>>
    %dma_wait3A_105 = tpu.memref_squeeze %dma_wait3A_104 : memref<1x128xi32, #tpu.memory_space<vmem>> -> memref<128xi32, #tpu.memory_space<vmem>>
    %dma_wait3A_106 = arith.constant 0 : i32
    %dma_wait3A_107 = arith.constant 0 : i32
    %dma_wait3A_108 = tpu.memref_slice %arg2[%dma_wait3A_106, %dma_wait3A_107] : memref<10000x128xf32, #tpu.memory_space<hbm>> -> memref<10000x128xf32, #tpu.memory_space<hbm>>
    tpu.wait_indirect_dma semaphore(%arg12 : memref<!tpu.dma_semaphore, #tpu.memory_space<semaphore_mem>>) src(%dma_wait3A_108 : memref<10000x128xf32, #tpu.memory_space<hbm>>) dst(%arg9 : memref<128x128xf32, #tpu.memory_space<vmem>>)
    %run_scoped3A_109 = arith.constant 39 : i32
    "tpu.region"() ({
      %run_scoped3A_140 = tpu.sem_alloc : memref<!tpu.dma_semaphore, #tpu.memory_space<semaphore_mem>>
      %dma_start3A_141 = arith.constant 0 : i32
      %dma_start3A_142 = tpu.memref_slice %arg7[%run_scoped3A_109, %dma_start3A_141] : memref<40x128xi32, #tpu.memory_space<vmem>> -> memref<1x128xi32, #tpu.memory_space<vmem>>
      %dma_start3A_143 = tpu.memref_squeeze %dma_start3A_142 : memref<1x128xi32, #tpu.memory_space<vmem>> -> memref<128xi32, #tpu.memory_space<vmem>>
      %dma_start3A_144 = arith.constant 0 : i32
      %dma_start3A_145 = arith.constant 0 : i32
      %dma_start3A_146 = tpu.memref_slice %arg10[%dma_start3A_144, %dma_start3A_145] : memref<10016x128xf32, #tpu.memory_space<vmem_shared>> -> memref<10016x128xf32, #tpu.memory_space<vmem_shared>>
      tpu.enqueue_indirect_dma source(%arg9 : memref<128x128xf32, #tpu.memory_space<vmem>>) target(%dma_start3A_146 : memref<10016x128xf32, #tpu.memory_space<vmem_shared>>) offsets(%dma_start3A_143 : memref<128xi32, #tpu.memory_space<vmem>>) semaphore(%run_scoped3A_140 : memref<!tpu.dma_semaphore, #tpu.memory_space<semaphore_mem>>) {add = true}
      %dma_wait3A_147 = arith.constant 0 : i32
      %dma_wait3A_148 = tpu.memref_slice %arg7[%run_scoped3A_109, %dma_wait3A_147] : memref<40x128xi32, #tpu.memory_space<vmem>> -> memref<1x128xi32, #tpu.memory_space<vmem>>
      %dma_wait3A_149 = tpu.memref_squeeze %dma_wait3A_148 : memref<1x128xi32, #tpu.memory_space<vmem>> -> memref<128xi32, #tpu.memory_space<vmem>>
      %dma_wait3A_150 = arith.constant 0 : i32
      %dma_wait3A_151 = arith.constant 0 : i32
      %dma_wait3A_152 = tpu.memref_slice %arg10[%dma_wait3A_150, %dma_wait3A_151] : memref<10016x128xf32, #tpu.memory_space<vmem_shared>> -> memref<10016x128xf32, #tpu.memory_space<vmem_shared>>
      tpu.wait_indirect_dma semaphore(%run_scoped3A_140 : memref<!tpu.dma_semaphore, #tpu.memory_space<semaphore_mem>>) src(%arg9 : memref<128x128xf32, #tpu.memory_space<vmem>>) dst(%dma_wait3A_152 : memref<10016x128xf32, #tpu.memory_space<vmem_shared>>)
      tpu.yield
    }) : () -> ()
    %barrier3A_110 = arith.constant 0 : index
    tpu.barrier barrier_id(%barrier3A_110)
    %add3A_111 = arith.constant 0 : i32
    %add3A_112 = arith.addi %mul3A_9, %add3A_111 : i32
    "tpu.region"() ({
      %run_scoped3A_140 = tpu.sem_alloc : memref<!tpu.dma_semaphore, #tpu.memory_space<semaphore_mem>>
      %dma_start3A_141 = arith.constant 0 : i32
      %dma_start3A_142 = tpu.memref_slice %arg10[%add3A_112, %dma_start3A_141] : memref<10016x128xf32, #tpu.memory_space<vmem_shared>> -> memref<128x128xf32, #tpu.memory_space<vmem_shared>>
      %dma_start3A_143 = arith.constant 0 : i32
      %dma_start3A_144 = tpu.memref_slice %arg10[%add3A_112, %dma_start3A_143] : memref<10016x128xf32, #tpu.memory_space<vmem_shared>> -> memref<128x128xf32, #tpu.memory_space<vmem_shared>>
      tpu.enqueue_dma source(%dma_start3A_144 : memref<128x128xf32, #tpu.memory_space<vmem_shared>>) target(%arg8 : memref<128x128xf32, #tpu.memory_space<vmem>>) target_semaphore(%run_scoped3A_140 : memref<!tpu.dma_semaphore, #tpu.memory_space<semaphore_mem>>)
      %dma_wait3A_145 = arith.constant 0 : i32
      %dma_wait3A_146 = tpu.memref_slice %arg10[%add3A_112, %dma_wait3A_145] : memref<10016x128xf32, #tpu.memory_space<vmem_shared>> -> memref<128x128xf32, #tpu.memory_space<vmem_shared>>
      %dma_wait3A_147 = arith.constant 0 : i32
      %dma_wait3A_148 = tpu.memref_slice %arg10[%add3A_112, %dma_wait3A_147] : memref<10016x128xf32, #tpu.memory_space<vmem_shared>> -> memref<128x128xf32, #tpu.memory_space<vmem_shared>>
      tpu.wait_dma2 semaphore(%run_scoped3A_140 : memref<!tpu.dma_semaphore, #tpu.memory_space<semaphore_mem>>) src(%dma_wait3A_148 : memref<128x128xf32, #tpu.memory_space<vmem_shared>>) dst(%arg8 : memref<128x128xf32, #tpu.memory_space<vmem>>)
      tpu.yield
    }) : () -> ()
    %add3A_113 = arith.constant 0 : i32
    %add3A_114 = arith.addi %mul3A_9, %add3A_113 : i32
    "tpu.region"() ({
      %run_scoped3A_140 = tpu.sem_alloc : memref<!tpu.dma_semaphore, #tpu.memory_space<semaphore_mem>>
      %dma_start3A_141 = arith.constant 0 : i32
      %dma_start3A_142 = tpu.memref_slice %arg5[%arg0, %add3A_114, %dma_start3A_141] : memref<2x10000x128xf32, #tpu.memory_space<hbm>> -> memref<1x128x128xf32, #tpu.memory_space<hbm>>
      %dma_start3A_143 = tpu.memref_squeeze %dma_start3A_142 : memref<1x128x128xf32, #tpu.memory_space<hbm>> -> memref<128x128xf32, #tpu.memory_space<hbm>>
      %dma_start3A_144 = arith.constant 0 : i32
      %dma_start3A_145 = tpu.memref_slice %arg5[%arg0, %add3A_114, %dma_start3A_144] : memref<2x10000x128xf32, #tpu.memory_space<hbm>> -> memref<1x128x128xf32, #tpu.memory_space<hbm>>
      %dma_start3A_146 = tpu.memref_squeeze %dma_start3A_145 : memref<1x128x128xf32, #tpu.memory_space<hbm>> -> memref<128x128xf32, #tpu.memory_space<hbm>>
      tpu.enqueue_dma source(%arg8 : memref<128x128xf32, #tpu.memory_space<vmem>>) target(%dma_start3A_146 : memref<128x128xf32, #tpu.memory_space<hbm>>) target_semaphore(%run_scoped3A_140 : memref<!tpu.dma_semaphore, #tpu.memory_space<semaphore_mem>>)
      %dma_wait3A_147 = arith.constant 0 : i32
      %dma_wait3A_148 = tpu.memref_slice %arg5[%arg0, %add3A_114, %dma_wait3A_147] : memref<2x10000x128xf32, #tpu.memory_space<hbm>> -> memref<1x128x128xf32, #tpu.memory_space<hbm>>
      %dma_wait3A_149 = tpu.memref_squeeze %dma_wait3A_148 : memref<1x128x128xf32, #tpu.memory_space<hbm>> -> memref<128x128xf32, #tpu.memory_space<hbm>>
      %dma_wait3A_150 = arith.constant 0 : i32
      %dma_wait3A_151 = tpu.memref_slice %arg5[%arg0, %add3A_114, %dma_wait3A_150] : memref<2x10000x128xf32, #tpu.memory_space<hbm>> -> memref<1x128x128xf32, #tpu.memory_space<hbm>>
      %dma_wait3A_152 = tpu.memref_squeeze %dma_wait3A_151 : memref<1x128x128xf32, #tpu.memory_space<hbm>> -> memref<128x128xf32, #tpu.memory_space<hbm>>
      tpu.wait_dma2 semaphore(%run_scoped3A_140 : memref<!tpu.dma_semaphore, #tpu.memory_space<semaphore_mem>>) src(%arg8 : memref<128x128xf32, #tpu.memory_space<vmem>>) dst(%dma_wait3A_152 : memref<128x128xf32, #tpu.memory_space<hbm>>)
      tpu.yield
    }) : () -> ()
    %add3A_115 = arith.constant 128 : i32
    %add3A_116 = arith.addi %mul3A_9, %add3A_115 : i32
    "tpu.region"() ({
      %run_scoped3A_140 = tpu.sem_alloc : memref<!tpu.dma_semaphore, #tpu.memory_space<semaphore_mem>>
      %dma_start3A_141 = arith.constant 0 : i32
      %dma_start3A_142 = tpu.memref_slice %arg10[%add3A_116, %dma_start3A_141] : memref<10016x128xf32, #tpu.memory_space<vmem_shared>> -> memref<128x128xf32, #tpu.memory_space<vmem_shared>>
      %dma_start3A_143 = arith.constant 0 : i32
      %dma_start3A_144 = tpu.memref_slice %arg10[%add3A_116, %dma_start3A_143] : memref<10016x128xf32, #tpu.memory_space<vmem_shared>> -> memref<128x128xf32, #tpu.memory_space<vmem_shared>>
      tpu.enqueue_dma source(%dma_start3A_144 : memref<128x128xf32, #tpu.memory_space<vmem_shared>>) target(%arg8 : memref<128x128xf32, #tpu.memory_space<vmem>>) target_semaphore(%run_scoped3A_140 : memref<!tpu.dma_semaphore, #tpu.memory_space<semaphore_mem>>)
      %dma_wait3A_145 = arith.constant 0 : i32
      %dma_wait3A_146 = tpu.memref_slice %arg10[%add3A_116, %dma_wait3A_145] : memref<10016x128xf32, #tpu.memory_space<vmem_shared>> -> memref<128x128xf32, #tpu.memory_space<vmem_shared>>
      %dma_wait3A_147 = arith.constant 0 : i32
      %dma_wait3A_148 = tpu.memref_slice %arg10[%add3A_116, %dma_wait3A_147] : memref<10016x128xf32, #tpu.memory_space<vmem_shared>> -> memref<128x128xf32, #tpu.memory_space<vmem_shared>>
      tpu.wait_dma2 semaphore(%run_scoped3A_140 : memref<!tpu.dma_semaphore, #tpu.memory_space<semaphore_mem>>) src(%dma_wait3A_148 : memref<128x128xf32, #tpu.memory_space<vmem_shared>>) dst(%arg8 : memref<128x128xf32, #tpu.memory_space<vmem>>)
      tpu.yield
    }) : () -> ()
    %add3A_117 = arith.constant 128 : i32
    %add3A_118 = arith.addi %mul3A_9, %add3A_117 : i32
    "tpu.region"() ({
      %run_scoped3A_140 = tpu.sem_alloc : memref<!tpu.dma_semaphore, #tpu.memory_space<semaphore_mem>>
      %dma_start3A_141 = arith.constant 0 : i32
      %dma_start3A_142 = tpu.memref_slice %arg5[%arg0, %add3A_118, %dma_start3A_141] : memref<2x10000x128xf32, #tpu.memory_space<hbm>> -> memref<1x128x128xf32, #tpu.memory_space<hbm>>
      %dma_start3A_143 = tpu.memref_squeeze %dma_start3A_142 : memref<1x128x128xf32, #tpu.memory_space<hbm>> -> memref<128x128xf32, #tpu.memory_space<hbm>>
      %dma_start3A_144 = arith.constant 0 : i32
      %dma_start3A_145 = tpu.memref_slice %arg5[%arg0, %add3A_118, %dma_start3A_144] : memref<2x10000x128xf32, #tpu.memory_space<hbm>> -> memref<1x128x128xf32, #tpu.memory_space<hbm>>
      %dma_start3A_146 = tpu.memref_squeeze %dma_start3A_145 : memref<1x128x128xf32, #tpu.memory_space<hbm>> -> memref<128x128xf32, #tpu.memory_space<hbm>>
      tpu.enqueue_dma source(%arg8 : memref<128x128xf32, #tpu.memory_space<vmem>>) target(%dma_start3A_146 : memref<128x128xf32, #tpu.memory_space<hbm>>) target_semaphore(%run_scoped3A_140 : memref<!tpu.dma_semaphore, #tpu.memory_space<semaphore_mem>>)
      %dma_wait3A_147 = arith.constant 0 : i32
      %dma_wait3A_148 = tpu.memref_slice %arg5[%arg0, %add3A_118, %dma_wait3A_147] : memref<2x10000x128xf32, #tpu.memory_space<hbm>> -> memref<1x128x128xf32, #tpu.memory_space<hbm>>
      %dma_wait3A_149 = tpu.memref_squeeze %dma_wait3A_148 : memref<1x128x128xf32, #tpu.memory_space<hbm>> -> memref<128x128xf32, #tpu.memory_space<hbm>>
      %dma_wait3A_150 = arith.constant 0 : i32
      %dma_wait3A_151 = tpu.memref_slice %arg5[%arg0, %add3A_118, %dma_wait3A_150] : memref<2x10000x128xf32, #tpu.memory_space<hbm>> -> memref<1x128x128xf32, #tpu.memory_space<hbm>>
      %dma_wait3A_152 = tpu.memref_squeeze %dma_wait3A_151 : memref<1x128x128xf32, #tpu.memory_space<hbm>> -> memref<128x128xf32, #tpu.memory_space<hbm>>
      tpu.wait_dma2 semaphore(%run_scoped3A_140 : memref<!tpu.dma_semaphore, #tpu.memory_space<semaphore_mem>>) src(%arg8 : memref<128x128xf32, #tpu.memory_space<vmem>>) dst(%dma_wait3A_152 : memref<128x128xf32, #tpu.memory_space<hbm>>)
      tpu.yield
    }) : () -> ()
    %add3A_119 = arith.constant 256 : i32
    %add3A_120 = arith.addi %mul3A_9, %add3A_119 : i32
    "tpu.region"() ({
      %run_scoped3A_140 = tpu.sem_alloc : memref<!tpu.dma_semaphore, #tpu.memory_space<semaphore_mem>>
      %dma_start3A_141 = arith.constant 0 : i32
      %dma_start3A_142 = tpu.memref_slice %arg10[%add3A_120, %dma_start3A_141] : memref<10016x128xf32, #tpu.memory_space<vmem_shared>> -> memref<128x128xf32, #tpu.memory_space<vmem_shared>>
      %dma_start3A_143 = arith.constant 0 : i32
      %dma_start3A_144 = tpu.memref_slice %arg10[%add3A_120, %dma_start3A_143] : memref<10016x128xf32, #tpu.memory_space<vmem_shared>> -> memref<128x128xf32, #tpu.memory_space<vmem_shared>>
      tpu.enqueue_dma source(%dma_start3A_144 : memref<128x128xf32, #tpu.memory_space<vmem_shared>>) target(%arg8 : memref<128x128xf32, #tpu.memory_space<vmem>>) target_semaphore(%run_scoped3A_140 : memref<!tpu.dma_semaphore, #tpu.memory_space<semaphore_mem>>)
      %dma_wait3A_145 = arith.constant 0 : i32
      %dma_wait3A_146 = tpu.memref_slice %arg10[%add3A_120, %dma_wait3A_145] : memref<10016x128xf32, #tpu.memory_space<vmem_shared>> -> memref<128x128xf32, #tpu.memory_space<vmem_shared>>
      %dma_wait3A_147 = arith.constant 0 : i32
      %dma_wait3A_148 = tpu.memref_slice %arg10[%add3A_120, %dma_wait3A_147] : memref<10016x128xf32, #tpu.memory_space<vmem_shared>> -> memref<128x128xf32, #tpu.memory_space<vmem_shared>>
      tpu.wait_dma2 semaphore(%run_scoped3A_140 : memref<!tpu.dma_semaphore, #tpu.memory_space<semaphore_mem>>) src(%dma_wait3A_148 : memref<128x128xf32, #tpu.memory_space<vmem_shared>>) dst(%arg8 : memref<128x128xf32, #tpu.memory_space<vmem>>)
      tpu.yield
    }) : () -> ()
    %add3A_121 = arith.constant 256 : i32
    %add3A_122 = arith.addi %mul3A_9, %add3A_121 : i32
    "tpu.region"() ({
      %run_scoped3A_140 = tpu.sem_alloc : memref<!tpu.dma_semaphore, #tpu.memory_space<semaphore_mem>>
      %dma_start3A_141 = arith.constant 0 : i32
      %dma_start3A_142 = tpu.memref_slice %arg5[%arg0, %add3A_122, %dma_start3A_141] : memref<2x10000x128xf32, #tpu.memory_space<hbm>> -> memref<1x128x128xf32, #tpu.memory_space<hbm>>
      %dma_start3A_143 = tpu.memref_squeeze %dma_start3A_142 : memref<1x128x128xf32, #tpu.memory_space<hbm>> -> memref<128x128xf32, #tpu.memory_space<hbm>>
      %dma_start3A_144 = arith.constant 0 : i32
      %dma_start3A_145 = tpu.memref_slice %arg5[%arg0, %add3A_122, %dma_start3A_144] : memref<2x10000x128xf32, #tpu.memory_space<hbm>> -> memref<1x128x128xf32, #tpu.memory_space<hbm>>
      %dma_start3A_146 = tpu.memref_squeeze %dma_start3A_145 : memref<1x128x128xf32, #tpu.memory_space<hbm>> -> memref<128x128xf32, #tpu.memory_space<hbm>>
      tpu.enqueue_dma source(%arg8 : memref<128x128xf32, #tpu.memory_space<vmem>>) target(%dma_start3A_146 : memref<128x128xf32, #tpu.memory_space<hbm>>) target_semaphore(%run_scoped3A_140 : memref<!tpu.dma_semaphore, #tpu.memory_space<semaphore_mem>>)
      %dma_wait3A_147 = arith.constant 0 : i32
      %dma_wait3A_148 = tpu.memref_slice %arg5[%arg0, %add3A_122, %dma_wait3A_147] : memref<2x10000x128xf32, #tpu.memory_space<hbm>> -> memref<1x128x128xf32, #tpu.memory_space<hbm>>
      %dma_wait3A_149 = tpu.memref_squeeze %dma_wait3A_148 : memref<1x128x128xf32, #tpu.memory_space<hbm>> -> memref<128x128xf32, #tpu.memory_space<hbm>>
      %dma_wait3A_150 = arith.constant 0 : i32
      %dma_wait3A_151 = tpu.memref_slice %arg5[%arg0, %add3A_122, %dma_wait3A_150] : memref<2x10000x128xf32, #tpu.memory_space<hbm>> -> memref<1x128x128xf32, #tpu.memory_space<hbm>>
      %dma_wait3A_152 = tpu.memref_squeeze %dma_wait3A_151 : memref<1x128x128xf32, #tpu.memory_space<hbm>> -> memref<128x128xf32, #tpu.memory_space<hbm>>
      tpu.wait_dma2 semaphore(%run_scoped3A_140 : memref<!tpu.dma_semaphore, #tpu.memory_space<semaphore_mem>>) src(%arg8 : memref<128x128xf32, #tpu.memory_space<vmem>>) dst(%dma_wait3A_152 : memref<128x128xf32, #tpu.memory_space<hbm>>)
      tpu.yield
    }) : () -> ()
    %add3A_123 = arith.constant 384 : i32
    %add3A_124 = arith.addi %mul3A_9, %add3A_123 : i32
    "tpu.region"() ({
      %run_scoped3A_140 = tpu.sem_alloc : memref<!tpu.dma_semaphore, #tpu.memory_space<semaphore_mem>>
      %dma_start3A_141 = arith.constant 0 : i32
      %dma_start3A_142 = tpu.memref_slice %arg10[%add3A_124, %dma_start3A_141] : memref<10016x128xf32, #tpu.memory_space<vmem_shared>> -> memref<128x128xf32, #tpu.memory_space<vmem_shared>>
      %dma_start3A_143 = arith.constant 0 : i32
      %dma_start3A_144 = tpu.memref_slice %arg10[%add3A_124, %dma_start3A_143] : memref<10016x128xf32, #tpu.memory_space<vmem_shared>> -> memref<128x128xf32, #tpu.memory_space<vmem_shared>>
      tpu.enqueue_dma source(%dma_start3A_144 : memref<128x128xf32, #tpu.memory_space<vmem_shared>>) target(%arg8 : memref<128x128xf32, #tpu.memory_space<vmem>>) target_semaphore(%run_scoped3A_140 : memref<!tpu.dma_semaphore, #tpu.memory_space<semaphore_mem>>)
      %dma_wait3A_145 = arith.constant 0 : i32
      %dma_wait3A_146 = tpu.memref_slice %arg10[%add3A_124, %dma_wait3A_145] : memref<10016x128xf32, #tpu.memory_space<vmem_shared>> -> memref<128x128xf32, #tpu.memory_space<vmem_shared>>
      %dma_wait3A_147 = arith.constant 0 : i32
      %dma_wait3A_148 = tpu.memref_slice %arg10[%add3A_124, %dma_wait3A_147] : memref<10016x128xf32, #tpu.memory_space<vmem_shared>> -> memref<128x128xf32, #tpu.memory_space<vmem_shared>>
      tpu.wait_dma2 semaphore(%run_scoped3A_140 : memref<!tpu.dma_semaphore, #tpu.memory_space<semaphore_mem>>) src(%dma_wait3A_148 : memref<128x128xf32, #tpu.memory_space<vmem_shared>>) dst(%arg8 : memref<128x128xf32, #tpu.memory_space<vmem>>)
      tpu.yield
    }) : () -> ()
    %add3A_125 = arith.constant 384 : i32
    %add3A_126 = arith.addi %mul3A_9, %add3A_125 : i32
    "tpu.region"() ({
      %run_scoped3A_140 = tpu.sem_alloc : memref<!tpu.dma_semaphore, #tpu.memory_space<semaphore_mem>>
      %dma_start3A_141 = arith.constant 0 : i32
      %dma_start3A_142 = tpu.memref_slice %arg5[%arg0, %add3A_126, %dma_start3A_141] : memref<2x10000x128xf32, #tpu.memory_space<hbm>> -> memref<1x128x128xf32, #tpu.memory_space<hbm>>
      %dma_start3A_143 = tpu.memref_squeeze %dma_start3A_142 : memref<1x128x128xf32, #tpu.memory_space<hbm>> -> memref<128x128xf32, #tpu.memory_space<hbm>>
      %dma_start3A_144 = arith.constant 0 : i32
      %dma_start3A_145 = tpu.memref_slice %arg5[%arg0, %add3A_126, %dma_start3A_144] : memref<2x10000x128xf32, #tpu.memory_space<hbm>> -> memref<1x128x128xf32, #tpu.memory_space<hbm>>
      %dma_start3A_146 = tpu.memref_squeeze %dma_start3A_145 : memref<1x128x128xf32, #tpu.memory_space<hbm>> -> memref<128x128xf32, #tpu.memory_space<hbm>>
      tpu.enqueue_dma source(%arg8 : memref<128x128xf32, #tpu.memory_space<vmem>>) target(%dma_start3A_146 : memref<128x128xf32, #tpu.memory_space<hbm>>) target_semaphore(%run_scoped3A_140 : memref<!tpu.dma_semaphore, #tpu.memory_space<semaphore_mem>>)
      %dma_wait3A_147 = arith.constant 0 : i32
      %dma_wait3A_148 = tpu.memref_slice %arg5[%arg0, %add3A_126, %dma_wait3A_147] : memref<2x10000x128xf32, #tpu.memory_space<hbm>> -> memref<1x128x128xf32, #tpu.memory_space<hbm>>
      %dma_wait3A_149 = tpu.memref_squeeze %dma_wait3A_148 : memref<1x128x128xf32, #tpu.memory_space<hbm>> -> memref<128x128xf32, #tpu.memory_space<hbm>>
      %dma_wait3A_150 = arith.constant 0 : i32
      %dma_wait3A_151 = tpu.memref_slice %arg5[%arg0, %add3A_126, %dma_wait3A_150] : memref<2x10000x128xf32, #tpu.memory_space<hbm>> -> memref<1x128x128xf32, #tpu.memory_space<hbm>>
      %dma_wait3A_152 = tpu.memref_squeeze %dma_wait3A_151 : memref<1x128x128xf32, #tpu.memory_space<hbm>> -> memref<128x128xf32, #tpu.memory_space<hbm>>
      tpu.wait_dma2 semaphore(%run_scoped3A_140 : memref<!tpu.dma_semaphore, #tpu.memory_space<semaphore_mem>>) src(%arg8 : memref<128x128xf32, #tpu.memory_space<vmem>>) dst(%dma_wait3A_152 : memref<128x128xf32, #tpu.memory_space<hbm>>)
      tpu.yield
    }) : () -> ()
    %add3A_127 = arith.constant 624 : i32
    %add3A_128 = arith.addi %mul3A_9, %add3A_127 : i32
    %sub3A_129 = arith.constant 112 : i32
    %sub3A_130 = arith.subi %add3A_128, %sub3A_129 : i32
    "tpu.region"() ({
      %run_scoped3A_140 = tpu.sem_alloc : memref<!tpu.dma_semaphore, #tpu.memory_space<semaphore_mem>>
      %dma_start3A_141 = arith.constant 0 : i32
      %dma_start3A_142 = arith.constant 0 : i32
      %dma_start3A_143 = tpu.memref_slice %arg9[%dma_start3A_141, %dma_start3A_142] : memref<128x128xf32, #tpu.memory_space<vmem>> -> memref<112x128xf32, #tpu.memory_space<vmem>>
      %dma_start3A_144 = arith.constant 0 : i32
      %dma_start3A_145 = tpu.memref_slice %arg10[%sub3A_130, %dma_start3A_144] : memref<10016x128xf32, #tpu.memory_space<vmem_shared>> -> memref<112x128xf32, #tpu.memory_space<vmem_shared>>
      %dma_start3A_146 = arith.constant 0 : i32
      %dma_start3A_147 = arith.constant 0 : i32
      %dma_start3A_148 = tpu.memref_slice %arg9[%dma_start3A_146, %dma_start3A_147] : memref<128x128xf32, #tpu.memory_space<vmem>> -> memref<112x128xf32, #tpu.memory_space<vmem>>
      %dma_start3A_149 = arith.constant 0 : i32
      %dma_start3A_150 = tpu.memref_slice %arg10[%sub3A_130, %dma_start3A_149] : memref<10016x128xf32, #tpu.memory_space<vmem_shared>> -> memref<112x128xf32, #tpu.memory_space<vmem_shared>>
      tpu.enqueue_dma source(%dma_start3A_150 : memref<112x128xf32, #tpu.memory_space<vmem_shared>>) target(%dma_start3A_148 : memref<112x128xf32, #tpu.memory_space<vmem>>) target_semaphore(%run_scoped3A_140 : memref<!tpu.dma_semaphore, #tpu.memory_space<semaphore_mem>>)
      %dma_wait3A_151 = arith.constant 0 : i32
      %dma_wait3A_152 = arith.constant 0 : i32
      %dma_wait3A_153 = tpu.memref_slice %arg9[%dma_wait3A_151, %dma_wait3A_152] : memref<128x128xf32, #tpu.memory_space<vmem>> -> memref<112x128xf32, #tpu.memory_space<vmem>>
      %dma_wait3A_154 = arith.constant 0 : i32
      %dma_wait3A_155 = tpu.memref_slice %arg10[%sub3A_130, %dma_wait3A_154] : memref<10016x128xf32, #tpu.memory_space<vmem_shared>> -> memref<112x128xf32, #tpu.memory_space<vmem_shared>>
      %dma_wait3A_156 = arith.constant 0 : i32
      %dma_wait3A_157 = arith.constant 0 : i32
      %dma_wait3A_158 = tpu.memref_slice %arg9[%dma_wait3A_156, %dma_wait3A_157] : memref<128x128xf32, #tpu.memory_space<vmem>> -> memref<112x128xf32, #tpu.memory_space<vmem>>
      %dma_wait3A_159 = arith.constant 0 : i32
      %dma_wait3A_160 = tpu.memref_slice %arg10[%sub3A_130, %dma_wait3A_159] : memref<10016x128xf32, #tpu.memory_space<vmem_shared>> -> memref<112x128xf32, #tpu.memory_space<vmem_shared>>
      tpu.wait_dma2 semaphore(%run_scoped3A_140 : memref<!tpu.dma_semaphore, #tpu.memory_space<semaphore_mem>>) src(%dma_wait3A_160 : memref<112x128xf32, #tpu.memory_space<vmem_shared>>) dst(%dma_wait3A_158 : memref<112x128xf32, #tpu.memory_space<vmem>>)
      tpu.yield
    }) : () -> ()
    %add3A_131 = arith.constant 624 : i32
    %add3A_132 = arith.addi %mul3A_9, %add3A_131 : i32
    %sub3A_133 = arith.constant 112 : i32
    %sub3A_134 = arith.subi %add3A_132, %sub3A_133 : i32
    "tpu.region"() ({
      %run_scoped3A_140 = tpu.sem_alloc : memref<!tpu.dma_semaphore, #tpu.memory_space<semaphore_mem>>
      %dma_start3A_141 = arith.constant 0 : i32
      %dma_start3A_142 = arith.constant 0 : i32
      %dma_start3A_143 = tpu.memref_slice %arg9[%dma_start3A_141, %dma_start3A_142] : memref<128x128xf32, #tpu.memory_space<vmem>> -> memref<112x128xf32, #tpu.memory_space<vmem>>
      %dma_start3A_144 = arith.constant 0 : i32
      %dma_start3A_145 = tpu.memref_slice %arg5[%arg0, %sub3A_134, %dma_start3A_144] : memref<2x10000x128xf32, #tpu.memory_space<hbm>> -> memref<1x112x128xf32, #tpu.memory_space<hbm>>
      %dma_start3A_146 = tpu.memref_squeeze %dma_start3A_145 : memref<1x112x128xf32, #tpu.memory_space<hbm>> -> memref<112x128xf32, #tpu.memory_space<hbm>>
      %dma_start3A_147 = arith.constant 0 : i32
      %dma_start3A_148 = tpu.memref_slice %arg5[%arg0, %sub3A_134, %dma_start3A_147] : memref<2x10000x128xf32, #tpu.memory_space<hbm>> -> memref<1x112x128xf32, #tpu.memory_space<hbm>>
      %dma_start3A_149 = tpu.memref_squeeze %dma_start3A_148 : memref<1x112x128xf32, #tpu.memory_space<hbm>> -> memref<112x128xf32, #tpu.memory_space<hbm>>
      %dma_start3A_150 = arith.constant 0 : i32
      %dma_start3A_151 = arith.constant 0 : i32
      %dma_start3A_152 = tpu.memref_slice %arg9[%dma_start3A_150, %dma_start3A_151] : memref<128x128xf32, #tpu.memory_space<vmem>> -> memref<112x128xf32, #tpu.memory_space<vmem>>
      tpu.enqueue_dma source(%dma_start3A_152 : memref<112x128xf32, #tpu.memory_space<vmem>>) target(%dma_start3A_149 : memref<112x128xf32, #tpu.memory_space<hbm>>) target_semaphore(%run_scoped3A_140 : memref<!tpu.dma_semaphore, #tpu.memory_space<semaphore_mem>>)
      %dma_wait3A_153 = arith.constant 0 : i32
      %dma_wait3A_154 = arith.constant 0 : i32
      %dma_wait3A_155 = tpu.memref_slice %arg9[%dma_wait3A_153, %dma_wait3A_154] : memref<128x128xf32, #tpu.memory_space<vmem>> -> memref<112x128xf32, #tpu.memory_space<vmem>>
      %dma_wait3A_156 = arith.constant 0 : i32
      %dma_wait3A_157 = tpu.memref_slice %arg5[%arg0, %sub3A_134, %dma_wait3A_156] : memref<2x10000x128xf32, #tpu.memory_space<hbm>> -> memref<1x112x128xf32, #tpu.memory_space<hbm>>
      %dma_wait3A_158 = tpu.memref_squeeze %dma_wait3A_157 : memref<1x112x128xf32, #tpu.memory_space<hbm>> -> memref<112x128xf32, #tpu.memory_space<hbm>>
      %dma_wait3A_159 = arith.constant 0 : i32
      %dma_wait3A_160 = tpu.memref_slice %arg5[%arg0, %sub3A_134, %dma_wait3A_159] : memref<2x10000x128xf32, #tpu.memory_space<hbm>> -> memref<1x112x128xf32, #tpu.memory_space<hbm>>
      %dma_wait3A_161 = tpu.memref_squeeze %dma_wait3A_160 : memref<1x112x128xf32, #tpu.memory_space<hbm>> -> memref<112x128xf32, #tpu.memory_space<hbm>>
      %dma_wait3A_162 = arith.constant 0 : i32
      %dma_wait3A_163 = arith.constant 0 : i32
      %dma_wait3A_164 = tpu.memref_slice %arg9[%dma_wait3A_162, %dma_wait3A_163] : memref<128x128xf32, #tpu.memory_space<vmem>> -> memref<112x128xf32, #tpu.memory_space<vmem>>
      tpu.wait_dma2 semaphore(%run_scoped3A_140 : memref<!tpu.dma_semaphore, #tpu.memory_space<semaphore_mem>>) src(%dma_wait3A_164 : memref<112x128xf32, #tpu.memory_space<vmem>>) dst(%dma_wait3A_161 : memref<112x128xf32, #tpu.memory_space<hbm>>)
      tpu.yield
    }) : () -> ()
    %eq3A_135 = arith.constant 15 : i32
    %eq3A_136 = arith.cmpi eq, %arg1, %eq3A_135 : i32
    %convert_element_type3A_137 = arith.extui %eq3A_136 : i1 to i32
    %cond3A_138 = arith.constant 0 : i32
    %cond3A_139 = arith.cmpi ne, %convert_element_type3A_137, %cond3A_138 : i32
    scf.if %cond3A_139 {
      "tpu.region"() ({
        %run_scoped3A_140 = tpu.sem_alloc : memref<!tpu.dma_semaphore, #tpu.memory_space<semaphore_mem>>
        %dma_start3A_141 = arith.constant 112 : i32
        %dma_start3A_142 = arith.constant 0 : i32
        %dma_start3A_143 = tpu.memref_slice %arg9[%dma_start3A_141, %dma_start3A_142] : memref<128x128xf32, #tpu.memory_space<vmem>> -> memref<16x128xf32, #tpu.memory_space<vmem>>
        %dma_start3A_144 = arith.constant 9984 : i32
        %dma_start3A_145 = arith.constant 0 : i32
        %dma_start3A_146 = tpu.memref_slice %arg10[%dma_start3A_144, %dma_start3A_145] : memref<10016x128xf32, #tpu.memory_space<vmem_shared>> -> memref<16x128xf32, #tpu.memory_space<vmem_shared>>
        %dma_start3A_147 = arith.constant 112 : i32
        %dma_start3A_148 = arith.constant 0 : i32
        %dma_start3A_149 = tpu.memref_slice %arg9[%dma_start3A_147, %dma_start3A_148] : memref<128x128xf32, #tpu.memory_space<vmem>> -> memref<16x128xf32, #tpu.memory_space<vmem>>
        %dma_start3A_150 = arith.constant 9984 : i32
        %dma_start3A_151 = arith.constant 0 : i32
        %dma_start3A_152 = tpu.memref_slice %arg10[%dma_start3A_150, %dma_start3A_151] : memref<10016x128xf32, #tpu.memory_space<vmem_shared>> -> memref<16x128xf32, #tpu.memory_space<vmem_shared>>
        tpu.enqueue_dma source(%dma_start3A_152 : memref<16x128xf32, #tpu.memory_space<vmem_shared>>) target(%dma_start3A_149 : memref<16x128xf32, #tpu.memory_space<vmem>>) target_semaphore(%run_scoped3A_140 : memref<!tpu.dma_semaphore, #tpu.memory_space<semaphore_mem>>)
        %dma_wait3A_153 = arith.constant 112 : i32
        %dma_wait3A_154 = arith.constant 0 : i32
        %dma_wait3A_155 = tpu.memref_slice %arg9[%dma_wait3A_153, %dma_wait3A_154] : memref<128x128xf32, #tpu.memory_space<vmem>> -> memref<16x128xf32, #tpu.memory_space<vmem>>
        %dma_wait3A_156 = arith.constant 9984 : i32
        %dma_wait3A_157 = arith.constant 0 : i32
        %dma_wait3A_158 = tpu.memref_slice %arg10[%dma_wait3A_156, %dma_wait3A_157] : memref<10016x128xf32, #tpu.memory_space<vmem_shared>> -> memref<16x128xf32, #tpu.memory_space<vmem_shared>>
        %dma_wait3A_159 = arith.constant 112 : i32
        %dma_wait3A_160 = arith.constant 0 : i32
        %dma_wait3A_161 = tpu.memref_slice %arg9[%dma_wait3A_159, %dma_wait3A_160] : memref<128x128xf32, #tpu.memory_space<vmem>> -> memref<16x128xf32, #tpu.memory_space<vmem>>
        %dma_wait3A_162 = arith.constant 9984 : i32
        %dma_wait3A_163 = arith.constant 0 : i32
        %dma_wait3A_164 = tpu.memref_slice %arg10[%dma_wait3A_162, %dma_wait3A_163] : memref<10016x128xf32, #tpu.memory_space<vmem_shared>> -> memref<16x128xf32, #tpu.memory_space<vmem_shared>>
        tpu.wait_dma2 semaphore(%run_scoped3A_140 : memref<!tpu.dma_semaphore, #tpu.memory_space<semaphore_mem>>) src(%dma_wait3A_164 : memref<16x128xf32, #tpu.memory_space<vmem_shared>>) dst(%dma_wait3A_161 : memref<16x128xf32, #tpu.memory_space<vmem>>)
        tpu.yield
      }) : () -> ()
      "tpu.region"() ({
        %run_scoped3A_140 = tpu.sem_alloc : memref<!tpu.dma_semaphore, #tpu.memory_space<semaphore_mem>>
        %dma_start3A_141 = arith.constant 112 : i32
        %dma_start3A_142 = arith.constant 0 : i32
        %dma_start3A_143 = tpu.memref_slice %arg9[%dma_start3A_141, %dma_start3A_142] : memref<128x128xf32, #tpu.memory_space<vmem>> -> memref<16x128xf32, #tpu.memory_space<vmem>>
        %dma_start3A_144 = arith.constant 9984 : i32
        %dma_start3A_145 = arith.constant 0 : i32
        %dma_start3A_146 = tpu.memref_slice %arg5[%arg0, %dma_start3A_144, %dma_start3A_145] : memref<2x10000x128xf32, #tpu.memory_space<hbm>> -> memref<1x16x128xf32, #tpu.memory_space<hbm>>
        %dma_start3A_147 = tpu.memref_squeeze %dma_start3A_146 : memref<1x16x128xf32, #tpu.memory_space<hbm>> -> memref<16x128xf32, #tpu.memory_space<hbm>>
        %dma_start3A_148 = arith.constant 9984 : i32
        %dma_start3A_149 = arith.constant 0 : i32
        %dma_start3A_150 = tpu.memref_slice %arg5[%arg0, %dma_start3A_148, %dma_start3A_149] : memref<2x10000x128xf32, #tpu.memory_space<hbm>> -> memref<1x16x128xf32, #tpu.memory_space<hbm>>
        %dma_start3A_151 = tpu.memref_squeeze %dma_start3A_150 : memref<1x16x128xf32, #tpu.memory_space<hbm>> -> memref<16x128xf32, #tpu.memory_space<hbm>>
        %dma_start3A_152 = arith.constant 112 : i32
        %dma_start3A_153 = arith.constant 0 : i32
        %dma_start3A_154 = tpu.memref_slice %arg9[%dma_start3A_152, %dma_start3A_153] : memref<128x128xf32, #tpu.memory_space<vmem>> -> memref<16x128xf32, #tpu.memory_space<vmem>>
        tpu.enqueue_dma source(%dma_start3A_154 : memref<16x128xf32, #tpu.memory_space<vmem>>) target(%dma_start3A_151 : memref<16x128xf32, #tpu.memory_space<hbm>>) target_semaphore(%run_scoped3A_140 : memref<!tpu.dma_semaphore, #tpu.memory_space<semaphore_mem>>)
        %dma_wait3A_155 = arith.constant 112 : i32
        %dma_wait3A_156 = arith.constant 0 : i32
        %dma_wait3A_157 = tpu.memref_slice %arg9[%dma_wait3A_155, %dma_wait3A_156] : memref<128x128xf32, #tpu.memory_space<vmem>> -> memref<16x128xf32, #tpu.memory_space<vmem>>
        %dma_wait3A_158 = arith.constant 9984 : i32
        %dma_wait3A_159 = arith.constant 0 : i32
        %dma_wait3A_160 = tpu.memref_slice %arg5[%arg0, %dma_wait3A_158, %dma_wait3A_159] : memref<2x10000x128xf32, #tpu.memory_space<hbm>> -> memref<1x16x128xf32, #tpu.memory_space<hbm>>
        %dma_wait3A_161 = tpu.memref_squeeze %dma_wait3A_160 : memref<1x16x128xf32, #tpu.memory_space<hbm>> -> memref<16x128xf32, #tpu.memory_space<hbm>>
        %dma_wait3A_162 = arith.constant 9984 : i32
        %dma_wait3A_163 = arith.constant 0 : i32
        %dma_wait3A_164 = tpu.memref_slice %arg5[%arg0, %dma_wait3A_162, %dma_wait3A_163] : memref<2x10000x128xf32, #tpu.memory_space<hbm>> -> memref<1x16x128xf32, #tpu.memory_space<hbm>>
        %dma_wait3A_165 = tpu.memref_squeeze %dma_wait3A_164 : memref<1x16x128xf32, #tpu.memory_space<hbm>> -> memref<16x128xf32, #tpu.memory_space<hbm>>
        %dma_wait3A_166 = arith.constant 112 : i32
        %dma_wait3A_167 = arith.constant 0 : i32
        %dma_wait3A_168 = tpu.memref_slice %arg9[%dma_wait3A_166, %dma_wait3A_167] : memref<128x128xf32, #tpu.memory_space<vmem>> -> memref<16x128xf32, #tpu.memory_space<vmem>>
        tpu.wait_dma2 semaphore(%run_scoped3A_140 : memref<!tpu.dma_semaphore, #tpu.memory_space<semaphore_mem>>) src(%dma_wait3A_168 : memref<16x128xf32, #tpu.memory_space<vmem>>) dst(%dma_wait3A_165 : memref<16x128xf32, #tpu.memory_space<hbm>>)
        tpu.yield
      }) : () -> ()
    } else {
    }
    return
  }
}

module attributes {stable_mosaic.version = 14 : i64} {
  func.func @_tc1_body(%arg0: i32, %arg1: memref<1000x128xf32, #tpu.memory_space<vmem>>, %arg2: memref<128x128xf32, #tpu.memory_space<vmem>>, %arg3: memref<1000x1xf32, #tpu.memory_space<vmem>>, %arg4: memref<1000x1xf32, #tpu.memory_space<vmem>>, %arg5: memref<1000x128xf32, #tpu.memory_space<vmem>>, %arg6: memref<1000x1xf32, #tpu.memory_space<vmem>>) attributes {dimension_semantics = [#tpu.dimension_semantics<arbitrary>], iteration_bounds = array<i64: 10>, scalar_prefetch = 0 : i64, scratch_operands = 0 : i64, tpu.core_type = #tpu.core_type<tc>, window_params = [{transform_indices = @transform_0, window_bounds = array<i64: 1000, 128>}, {pipeline_mode = #tpu.pipeline_mode<synchronous>, transform_indices = @transform_1, window_bounds = array<i64: 128, 128>}, {transform_indices = @transform_2, window_bounds = array<i64: 1000, 1>}, {transform_indices = @transform_3, window_bounds = array<i64: 1000, 1>}, {transform_indices = @transform_4, window_bounds = array<i64: 1000, 128>}, {transform_indices = @transform_5, window_bounds = array<i64: 1000, 1>}]} {
    %get3A = arith.constant 0 : index
    %get3A_0 = arith.constant 0 : index
    %get3A_1 = vector.load %arg3[%get3A, %get3A_0] : memref<1000x1xf32, #tpu.memory_space<vmem>>, vector<1000x1xf32>
    %get3A_2 = arith.constant 0 : index
    %get3A_3 = arith.constant 0 : index
    %get3A_4 = vector.load %arg4[%get3A_2, %get3A_3] : memref<1000x1xf32, #tpu.memory_space<vmem>>, vector<1000x1xf32>
    %add3A = arith.addf %get3A_1, %get3A_4 : vector<1000x1xf32>
    %add3A_5 = arith.constant 1.000000e+00 : f32
    %add3A_6 = vector.broadcast %add3A_5 : f32 to vector<1000x1xf32>
    %add3A_7 = arith.addf %add3A, %add3A_6 : vector<1000x1xf32>
    %rsqrt3A = math.rsqrt %add3A_7 : vector<1000x1xf32>
    %swap3A = arith.constant 0 : index
    %swap3A_8 = arith.constant 0 : index
    %swap3A_9 = vector.load %arg6[%swap3A, %swap3A_8] : memref<1000x1xf32, #tpu.memory_space<vmem>>, vector<1000x1xf32>
    tpu.vector_store %arg6[%swap3A, %swap3A_8], %rsqrt3A {strides = array<i32>} : memref<1000x1xf32, #tpu.memory_space<vmem>>, vector<1000x1xf32>,
    %get3A_10 = arith.constant 0 : index
    %get3A_11 = arith.constant 0 : index
    %get3A_12 = vector.load %arg1[%get3A_10, %get3A_11] : memref<1000x128xf32, #tpu.memory_space<vmem>>, vector<1000x128xf32>
    %get3A_13 = arith.constant 0 : index
    %get3A_14 = arith.constant 0 : index
    %get3A_15 = vector.load %arg2[%get3A_13, %get3A_14] : memref<128x128xf32, #tpu.memory_space<vmem>>, vector<128x128xf32>
    %dot_general3A = arith.constant dense<0.000000e+00> : vector<1000x128xf32>
    %dot_general3A_16 = tpu.matmul %get3A_12, %get3A_15, %dot_general3A {dimension_numbers = #tpu.dot_dimension_numbers<[1], [0], [0], [1], [0, 0, 1, 1], [], []>, transpose_lhs_hint = false} : vector<1000x128xf32>, vector<128x128xf32>, vector<1000x128xf32> -> vector<1000x128xf32>
    %mul3A = vector.broadcast %rsqrt3A : vector<1000x1xf32> to vector<1000x128xf32>
    %mul3A_17 = arith.mulf %dot_general3A_16, %mul3A : vector<1000x128xf32>
    %swap3A_18 = arith.constant 0 : index
    %swap3A_19 = arith.constant 0 : index
    %swap3A_20 = vector.load %arg5[%swap3A_18, %swap3A_19] : memref<1000x128xf32, #tpu.memory_space<vmem>>, vector<1000x128xf32>
    tpu.vector_store %arg5[%swap3A_18, %swap3A_19], %mul3A_17 {strides = array<i32>} : memref<1000x128xf32, #tpu.memory_space<vmem>>, vector<1000x128xf32>,
    return
  }
  func.func @transform_0(%arg0: i32) -> (i32, i32) {
    %c0_i32 = arith.constant 0 : i32
    %c0_i32_0 = arith.constant 0 : i32
    return %arg0, %c0_i32 : i32, i32
  }
  func.func @transform_1(%arg0: i32) -> (i32, i32) {
    %c0_i32 = arith.constant 0 : i32
    %c0_i32_0 = arith.constant 0 : i32
    %c0_i32_1 = arith.constant 0 : i32
    return %c0_i32, %c0_i32_0 : i32, i32
  }
  func.func @transform_2(%arg0: i32) -> (i32, i32) {
    %c0_i32 = arith.constant 0 : i32
    %c0_i32_0 = arith.constant 0 : i32
    return %arg0, %c0_i32 : i32, i32
  }
  func.func @transform_3(%arg0: i32) -> (i32, i32) {
    %c0_i32 = arith.constant 0 : i32
    %c0_i32_0 = arith.constant 0 : i32
    return %arg0, %c0_i32 : i32, i32
  }
  func.func @transform_4(%arg0: i32) -> (i32, i32) {
    %c0_i32 = arith.constant 0 : i32
    %c0_i32_0 = arith.constant 0 : i32
    return %arg0, %c0_i32 : i32, i32
  }
  func.func @transform_5(%arg0: i32) -> (i32, i32) {
    %c0_i32 = arith.constant 0 : i32
    %c0_i32_0 = arith.constant 0 : i32
    return %arg0, %c0_i32 : i32, i32
  }
}

module attributes {stable_mosaic.version = 14 : i64} {
  func.func @_tc2_body(%arg0: i32, %arg1: memref<1000x128xf32, #tpu.memory_space<vmem>>, %arg2: memref<1000x128xf32, #tpu.memory_space<vmem>>, %arg3: memref<1000x128xf32, #tpu.memory_space<vmem>>, %arg4: memref<1000x1xf32, #tpu.memory_space<vmem>>, %arg5: memref<1x128xf32, #tpu.memory_space<vmem>>, %arg6: memref<128x128xf32, #tpu.memory_space<vmem>>, %arg7: memref<1000x128xf32, #tpu.memory_space<vmem>>) attributes {dimension_semantics = [#tpu.dimension_semantics<arbitrary>], iteration_bounds = array<i64: 10>, scalar_prefetch = 0 : i64, scratch_operands = 0 : i64, tpu.core_type = #tpu.core_type<tc>, window_params = [{transform_indices = @transform_0, window_bounds = array<i64: 1000, 128>}, {transform_indices = @transform_1, window_bounds = array<i64: 1000, 128>}, {transform_indices = @transform_2, window_bounds = array<i64: 1000, 128>}, {transform_indices = @transform_3, window_bounds = array<i64: 1000, 1>}, {pipeline_mode = #tpu.pipeline_mode<synchronous>, transform_indices = @transform_4, window_bounds = array<i64: 1, 128>}, {pipeline_mode = #tpu.pipeline_mode<synchronous>, transform_indices = @transform_5, window_bounds = array<i64: 128, 128>}, {transform_indices = @transform_6, window_bounds = array<i64: 1000, 128>}]} {
    %get3A = arith.constant 0 : index
    %get3A_0 = arith.constant 0 : index
    %get3A_1 = vector.load %arg4[%get3A, %get3A_0] : memref<1000x1xf32, #tpu.memory_space<vmem>>, vector<1000x1xf32>
    %get3A_2 = arith.constant 0 : index
    %get3A_3 = arith.constant 0 : index
    %get3A_4 = vector.load %arg1[%get3A_2, %get3A_3] : memref<1000x128xf32, #tpu.memory_space<vmem>>, vector<1000x128xf32>
    %get3A_5 = arith.constant 0 : index
    %get3A_6 = arith.constant 0 : index
    %get3A_7 = vector.load %arg2[%get3A_5, %get3A_6] : memref<1000x128xf32, #tpu.memory_space<vmem>>, vector<1000x128xf32>
    %add3A = arith.addf %get3A_4, %get3A_7 : vector<1000x128xf32>
    %get3A_8 = arith.constant 0 : index
    %get3A_9 = arith.constant 0 : index
    %get3A_10 = vector.load %arg3[%get3A_8, %get3A_9] : memref<1000x128xf32, #tpu.memory_space<vmem>>, vector<1000x128xf32>
    %add3A_11 = arith.addf %add3A, %get3A_10 : vector<1000x128xf32>
    %mul3A = vector.broadcast %get3A_1 : vector<1000x1xf32> to vector<1000x128xf32>
    %mul3A_12 = arith.mulf %mul3A, %add3A_11 : vector<1000x128xf32>
    %get3A_13 = arith.constant 0 : index
    %get3A_14 = arith.constant 0 : index
    %get3A_15 = vector.load %arg5[%get3A_13, %get3A_14] : memref<1x128xf32, #tpu.memory_space<vmem>>, vector<1x128xf32>
    %add3A_16 = vector.broadcast %get3A_15 : vector<1x128xf32> to vector<1000x128xf32>
    %add3A_17 = arith.addf %mul3A_12, %add3A_16 : vector<1000x128xf32>
    %max3A = arith.constant 0.000000e+00 : f32
    %max3A_18 = vector.broadcast %max3A : f32 to vector<1000x128xf32>
    %max3A_19 = arith.maximumf %add3A_17, %max3A_18 : vector<1000x128xf32>
    %get3A_20 = arith.constant 0 : index
    %get3A_21 = arith.constant 0 : index
    %get3A_22 = vector.load %arg6[%get3A_20, %get3A_21] : memref<128x128xf32, #tpu.memory_space<vmem>>, vector<128x128xf32>
    %dot_general3A = arith.constant dense<0.000000e+00> : vector<1000x128xf32>
    %dot_general3A_23 = tpu.matmul %max3A_19, %get3A_22, %dot_general3A {dimension_numbers = #tpu.dot_dimension_numbers<[1], [0], [0], [1], [0, 0, 1, 1], [], []>, transpose_lhs_hint = false} : vector<1000x128xf32>, vector<128x128xf32>, vector<1000x128xf32> -> vector<1000x128xf32>
    %mul3A_24 = vector.broadcast %get3A_1 : vector<1000x1xf32> to vector<1000x128xf32>
    %mul3A_25 = arith.mulf %dot_general3A_23, %mul3A_24 : vector<1000x128xf32>
    %swap3A = arith.constant 0 : index
    %swap3A_26 = arith.constant 0 : index
    %swap3A_27 = vector.load %arg7[%swap3A, %swap3A_26] : memref<1000x128xf32, #tpu.memory_space<vmem>>, vector<1000x128xf32>
    tpu.vector_store %arg7[%swap3A, %swap3A_26], %mul3A_25 {strides = array<i32>} : memref<1000x128xf32, #tpu.memory_space<vmem>>, vector<1000x128xf32>,
    return
  }
  func.func @transform_0(%arg0: i32) -> (i32, i32) {
    %c0_i32 = arith.constant 0 : i32
    %c0_i32_0 = arith.constant 0 : i32
    return %arg0, %c0_i32 : i32, i32
  }
  func.func @transform_1(%arg0: i32) -> (i32, i32) {
    %c0_i32 = arith.constant 0 : i32
    %c0_i32_0 = arith.constant 0 : i32
    return %arg0, %c0_i32 : i32, i32
  }
  func.func @transform_2(%arg0: i32) -> (i32, i32) {
    %c0_i32 = arith.constant 0 : i32
    %c0_i32_0 = arith.constant 0 : i32
    return %arg0, %c0_i32 : i32, i32
  }
  func.func @transform_3(%arg0: i32) -> (i32, i32) {
    %c0_i32 = arith.constant 0 : i32
    %c0_i32_0 = arith.constant 0 : i32
    return %arg0, %c0_i32 : i32, i32
  }
  func.func @transform_4(%arg0: i32) -> (i32, i32) {
    %c0_i32 = arith.constant 0 : i32
    %c0_i32_0 = arith.constant 0 : i32
    %c0_i32_1 = arith.constant 0 : i32
    return %c0_i32, %c0_i32_0 : i32, i32
  }
  func.func @transform_5(%arg0: i32) -> (i32, i32) {
    %c0_i32 = arith.constant 0 : i32
    %c0_i32_0 = arith.constant 0 : i32
    %c0_i32_1 = arith.constant 0 : i32
    return %c0_i32, %c0_i32_0 : i32, i32
  }
  func.func @transform_6(%arg0: i32) -> (i32, i32) {
    %c0_i32 = arith.constant 0 : i32
    %c0_i32_0 = arith.constant 0 : i32
    return %arg0, %c0_i32 : i32, i32
  }
}

module attributes {stable_mosaic.version = 14 : i64} {
  func.func @_tc3_body(%arg0: i32, %arg1: memref<1000x128xf32, #tpu.memory_space<vmem>>, %arg2: memref<1000x128xf32, #tpu.memory_space<vmem>>, %arg3: memref<1000x128xf32, #tpu.memory_space<vmem>>, %arg4: memref<1000x1xf32, #tpu.memory_space<vmem>>, %arg5: memref<1x128xf32, #tpu.memory_space<vmem>>, %arg6: memref<1000x128xf32, #tpu.memory_space<vmem>>) attributes {dimension_semantics = [#tpu.dimension_semantics<arbitrary>], iteration_bounds = array<i64: 10>, scalar_prefetch = 0 : i64, scratch_operands = 0 : i64, tpu.core_type = #tpu.core_type<tc>, window_params = [{transform_indices = @transform_0, window_bounds = array<i64: 1000, 128>}, {transform_indices = @transform_1, window_bounds = array<i64: 1000, 128>}, {transform_indices = @transform_2, window_bounds = array<i64: 1000, 128>}, {transform_indices = @transform_3, window_bounds = array<i64: 1000, 1>}, {pipeline_mode = #tpu.pipeline_mode<synchronous>, transform_indices = @transform_4, window_bounds = array<i64: 1, 128>}, {transform_indices = @transform_5, window_bounds = array<i64: 1000, 128>}]} {
    %get3A = arith.constant 0 : index
    %get3A_0 = arith.constant 0 : index
    %get3A_1 = vector.load %arg4[%get3A, %get3A_0] : memref<1000x1xf32, #tpu.memory_space<vmem>>, vector<1000x1xf32>
    %get3A_2 = arith.constant 0 : index
    %get3A_3 = arith.constant 0 : index
    %get3A_4 = vector.load %arg1[%get3A_2, %get3A_3] : memref<1000x128xf32, #tpu.memory_space<vmem>>, vector<1000x128xf32>
    %get3A_5 = arith.constant 0 : index
    %get3A_6 = arith.constant 0 : index
    %get3A_7 = vector.load %arg2[%get3A_5, %get3A_6] : memref<1000x128xf32, #tpu.memory_space<vmem>>, vector<1000x128xf32>
    %add3A = arith.addf %get3A_4, %get3A_7 : vector<1000x128xf32>
    %get3A_8 = arith.constant 0 : index
    %get3A_9 = arith.constant 0 : index
    %get3A_10 = vector.load %arg3[%get3A_8, %get3A_9] : memref<1000x128xf32, #tpu.memory_space<vmem>>, vector<1000x128xf32>
    %add3A_11 = arith.addf %add3A, %get3A_10 : vector<1000x128xf32>
    %mul3A = vector.broadcast %get3A_1 : vector<1000x1xf32> to vector<1000x128xf32>
    %mul3A_12 = arith.mulf %mul3A, %add3A_11 : vector<1000x128xf32>
    %get3A_13 = arith.constant 0 : index
    %get3A_14 = arith.constant 0 : index
    %get3A_15 = vector.load %arg5[%get3A_13, %get3A_14] : memref<1x128xf32, #tpu.memory_space<vmem>>, vector<1x128xf32>
    %add3A_16 = vector.broadcast %get3A_15 : vector<1x128xf32> to vector<1000x128xf32>
    %add3A_17 = arith.addf %mul3A_12, %add3A_16 : vector<1000x128xf32>
    %swap3A = arith.constant 0 : index
    %swap3A_18 = arith.constant 0 : index
    %swap3A_19 = vector.load %arg6[%swap3A, %swap3A_18] : memref<1000x128xf32, #tpu.memory_space<vmem>>, vector<1000x128xf32>
    tpu.vector_store %arg6[%swap3A, %swap3A_18], %add3A_17 {strides = array<i32>} : memref<1000x128xf32, #tpu.memory_space<vmem>>, vector<1000x128xf32>,
    return
  }
  func.func @transform_0(%arg0: i32) -> (i32, i32) {
    %c0_i32 = arith.constant 0 : i32
    %c0_i32_0 = arith.constant 0 : i32
    return %arg0, %c0_i32 : i32, i32
  }
  func.func @transform_1(%arg0: i32) -> (i32, i32) {
    %c0_i32 = arith.constant 0 : i32
    %c0_i32_0 = arith.constant 0 : i32
    return %arg0, %c0_i32 : i32, i32
  }
  func.func @transform_2(%arg0: i32) -> (i32, i32) {
    %c0_i32 = arith.constant 0 : i32
    %c0_i32_0 = arith.constant 0 : i32
    return %arg0, %c0_i32 : i32, i32
  }
  func.func @transform_3(%arg0: i32) -> (i32, i32) {
    %c0_i32 = arith.constant 0 : i32
    %c0_i32_0 = arith.constant 0 : i32
    return %arg0, %c0_i32 : i32, i32
  }
  func.func @transform_4(%arg0: i32) -> (i32, i32) {
    %c0_i32 = arith.constant 0 : i32
    %c0_i32_0 = arith.constant 0 : i32
    %c0_i32_1 = arith.constant 0 : i32
    return %c0_i32, %c0_i32_0 : i32, i32
  }
  func.func @transform_5(%arg0: i32) -> (i32, i32) {
    %c0_i32 = arith.constant 0 : i32
    %c0_i32_0 = arith.constant 0 : i32
    return %arg0, %c0_i32 : i32, i32
  }
}

</mosaic_0001>

<sc_bundles>
// kernel: kernel.11.cloned.1.call-start
scs
__scs_entry_jumppad:
0x0: {  	(pc) =	sbr.rel $0x88, $3  }
0x1: {  	(tag) =	ssettag $0x0;
	lr =	simm.s32 $0x1  }
0x2: {  	[smem:$0x3F9B] =	sst lr;
	_ =	strace $0xD0000000  }
0x3: {  	_ = 	snop  }
0x4: {  	_ = 	snop  }
0x5: {  	_ = 	snop  }
0x6: {  	_ = 	snop  }
0x7: {  	_ = 	snop  }
__scs_overlays_trampoline_lowered:
0x8: {  	[smem:$0x3FAA] =	sst s0  }
0x9: {  	[smem:$0x3FAB] =	sst s1  }
0xa: {  	[smem:$0x3FAC] =	sst s2  }
0xb: {  	[smem:$0x3FAD] =	sst s3  }
0xc: {  	[smem:$0x3FAE] =	sst s4  }
0xd: {  	[smem:$0x3FAF] =	sst s5  }
0xe: {  	[smem:$0x3FB0] =	sst s6  }
0xf: {  	[smem:$0x3FB1] =	sst s7  }
0x10: {  	[smem:$0x3FB2] =	sst s8  }
0x11: {  	[smem:$0x3FB3] =	sst s9;
	s0 =	simm.s32 @!p0 $0x0  }
0x12: {  	s1 =	sld [smem:$0x3F99];
	s0 =	simm.s32 @p0 $0x1  }
0x13: {  	[smem:$0x3FB4] =	sst s0;
	s0 =	simm.s32 @!p1 $0x0  }
0x14: {  	s2 =	sld [smem:$0x3F98];
	s0 =	simm.s32 @p1 $0x1  }
0x15: {  	[smem:$0x3FB5] =	sst s0;
	s0 =	simm.s32 @!p2 $0x0  }
0x16: {  	s3 =	sld [smem:$0x3FDB];
	s0 =	simm.s32 @p2 $0x1  }
0x17: {  	s4 =	simm.s32 $0x1BF5;
	[smem:$0x3FB7] =	sst s0  }
0x18: {  	s0 =	sld [smem:$0x3F9A];
	_ =	swait.ge [sflag:s4], $0x0  }
0x19: {  	s7 =	sld [smem:$0x3F9B]  }
0x1a: {  	s8 =	sadd.s32 $0xFFFFE003, lr  }
0x1b: {  	s9 =	sadd.s32 $0xFFFFFEF7, lr;
	s5 =	simm.s32 $0xFFFFFFFF;
	p2 =	slt.u32 s8, $0xFFFFF086  }
0x1c: {  	p1 =	slt.u32 s9, $0xF7A;
	s5 =	simm.s32 @!p2 $0x0  }
0x1d: {  	s5 =	simm.s32 @p1 $0x1;
	p0 =	seq.s32 s7, s2  }
0x1e: {  	s7 =	smul.u32 @!p0 $0xF7A, s2;
	p2 =	seq.s32 @!p0 s5, $0x0  }
0x1f: {  	s9 =	smul.u32 $0xF7A, s1;
	s8 =	simm.s32 @!p0 $0x1BF5;
	p2 =	por !p2, p0  }
0x20: {  	[sflag:s8] =	ssyncset.s32 @!p0 $0xFFFFF086;
	s6 =	sadd.s32 @!p0 s3, s7;
	s7 =	simm.s32 @!p0 $0x108  }
0x21: {  	s3 =	sadd.s32 s3, s9;
	s6 =	sadd.s32 @!p0 $0x88, s6;
	s7 =	simm.s32 @p2 $0x1082  }
0x22: {  	[simem:s7], [sflag:s8] =	dma.local @!p0 [hbm:s6], $0xF7A  }
0x23: {  	s9 =	sor.u32 $0xD0000000, s2;
	s6 =	simm.s32 $0x108;
	_ =	swait.ge @!p0 [sflag:s8], $0x0  }
0x24: {  	s3 =	sadd.s32 $0x88, s3;
	s6 =	simm.s32 @!p1 $0x1082;
	[sflag:s4] =	ssyncset.s32 $0xFFFFF086  }
0x25: {  	[simem:s6], [sflag:s4] =	dma.local [hbm:s3], $0xF7A  }
0x26: {  	[smem:$0x3F9B] =	sst s1;
	(tag) =	ssettag s2;
	_ =	strace s9  }
0x27: {  	s1 =	sld [smem:$0x3FAB]  }
0x28: {  	s2 =	sld [smem:$0x3FAC]  }
0x29: {  	s4 =	sld [smem:$0x3FAE]  }
0x2a: {  	p0 =	seq.s32 s5, $0x0;
	s5 =	sld [smem:$0x3FAF]  }
0x2b: {  	s6 =	sld [smem:$0x3FB0]  }
0x2c: {  	s7 =	sld [smem:$0x3FB1]  }
0x2d: {  	s3 =	simm.s32 $0x108;
	s8 =	sld [smem:$0x3FB2]  }
0x2e: {  	s3 =	simm.s32 @!p0 $0x1082;
	s9 =	sld [smem:$0x3FB3]  }
0x2f: {  	lr =	sadd.s32 s0, s3;
	s0 =	sld [smem:$0x3FAA]  }
0x30: {  	s3 =	sld [smem:$0x3FAD]  }
0x31: {  	[smem:$0x3FB6] =	sst s10  }
0x32: {  	s10 =	sld [smem:$0x3FB4];
	_ =	sdelay $0x3  }
0x33: {  	p0 =	seq.s32 s10, $0x1;
	s10 =	sld [smem:$0x3FB6];
	_ =	sdelay $0x3  }
0x34: {  	[smem:$0x3FB6] =	sst s10  }
0x35: {  	s10 =	sld [smem:$0x3FB5];
	_ =	sdelay $0x3  }
0x36: {  	p1 =	seq.s32 s10, $0x1;
	s10 =	sld [smem:$0x3FB6];
	_ =	sdelay $0x3  }
0x37: {  	[smem:$0x3FB6] =	sst s10  }
0x38: {  	s10 =	sld [smem:$0x3FB7]  }
0x39: {  	_ = 	snop;
	(pc) =	sbr.ind lr, $3  }
0x3a: {  	_ = 	snop  }
0x3b: {  	_ = 	snop  }
0x3c: {  	p2 =	seq.s32 s10, $0x1;
	s10 =	sld [smem:$0x3FB6]  }
0x3d: {  	_ =	shalt  }
0x3e: {  	_ =	shalt  }
0x3f: {  	_ =	shalt  }
0x40: {  	_ =	shalt  }
0x41: {  	_ =	shalt  }
0x42: {  	_ =	shalt  }
0x43: {  	_ =	shalt  }
0x44: {  	_ =	shalt  }
0x45: {  	_ =	shalt  }
0x46: {  	_ =	shalt  }
0x47: {  	_ =	shalt  }
0x48: {  	_ =	shalt  }
0x49: {  	_ =	shalt  }
0x4a: {  	_ =	shalt  }
0x4b: {  	_ =	shalt  }
0x4c: {  	_ =	shalt  }
0x4d: {  	_ =	shalt  }
0x4e: {  	_ =	shalt  }
0x4f: {  	_ =	shalt  }
0x50: {  	_ =	shalt  }
0x51: {  	_ =	shalt  }
0x52: {  	_ =	shalt  }
0x53: {  	_ =	shalt  }
0x54: {  	_ =	shalt  }
0x55: {  	_ =	shalt  }
0x56: {  	_ =	shalt  }
0x57: {  	_ =	shalt  }
0x58: {  	_ =	shalt  }
0x59: {  	_ =	shalt  }
0x5a: {  	_ =	shalt  }
0x5b: {  	_ =	shalt  }
0x5c: {  	_ =	shalt  }
0x5d: {  	_ =	shalt  }
0x5e: {  	_ =	shalt  }
0x5f: {  	_ =	shalt  }
0x60: {  	_ =	shalt  }
0x61: {  	_ =	shalt  }
0x62: {  	_ =	shalt  }
0x63: {  	_ =	shalt  }
0x64: {  	_ =	shalt  }
0x65: {  	_ =	shalt  }
0x66: {  	_ =	shalt  }
0x67: {  	_ =	shalt  }
0x68: {  	_ =	shalt  }
0x69: {  	_ =	shalt  }
0x6a: {  	_ =	shalt  }
0x6b: {  	_ =	shalt  }
0x6c: {  	_ =	shalt  }
0x6d: {  	_ =	shalt  }
0x6e: {  	_ =	shalt  }
0x6f: {  	_ =	shalt  }
0x70: {  	_ =	shalt  }
0x71: {  	_ =	shalt  }
0x72: {  	_ =	shalt  }
0x73: {  	_ =	shalt  }
0x74: {  	_ =	shalt  }
0x75: {  	_ =	shalt  }
0x76: {  	_ =	shalt  }
0x77: {  	_ =	shalt  }
0x78: {  	_ =	shalt  }
0x79: {  	_ =	shalt  }
0x7a: {  	_ =	shalt  }
0x7b: {  	_ =	shalt  }
0x7c: {  	_ =	shalt  }
0x7d: {  	_ =	shalt  }
0x7e: {  	_ =	shalt  }
0x7f: {  	_ =	shalt  }
0x80: {  	_ =	shalt  }
0x81: {  	_ =	shalt  }
0x82: {  	_ =	shalt  }
0x83: {  	_ =	shalt  }
0x84: {  	_ =	shalt  }
0x85: {  	_ =	shalt  }
0x86: {  	_ =	shalt  }
0x87: {  	_ =	shalt  }
.Lfunc_end0:
.L_simem_size_0:
called_computation.1_lowered:
.L_overlay_start_0:
0x88: {  	s2 =	sld [smem:$0x3FD9]  }
0x89: {  	s3 =	sld [smem:$0x3FFE];
	_ =	sdelay $0x1  }
0x8a: {  	s1 =	srdreg.scid  }
0x8b: {  	s0 =	sand.u32 $0x1, s1  }
0x8c: {  	s17 =	sshll.u32 s0, $0xA;
	s2 =	sadd.s32 s3, s2  }
0x8d: {  	s2 =	sadd.s32 s2, s17  }
0x8e: {  	[smem:$0x3FC2] =	sst s2  }
0x8f: {  	_ = 	snop  }
0x90: {  	s2 =	sld [smem:$0x3FD0];
	(tm) =	ssettm $0x1  }
0x91: {  	s18 =	sld [smem:$0x3FFB];
	_ =	sdelay $0x3  }
0x92: {  	_ =	strace s18  }
0x93: {  	s3 =	sld [smem:$0x3FFC];
	_ =	sdelay $0x3  }
0x94: {  	_ =	strace s3  }
0x95: {  	s3 =	sld [smem:$0x3FFD];
	_ =	sdelay $0x3  }
0x96: {  	_ =	strace s3  }
0x97: {  	_ =	strace $0x8FFFFFFF  }
0x98: {  	s19 =	sld [smem:$0x3FDB];
	_ =	sdelay $0x1  }
0x99: {  	s4 =	simm.s32 $_scs_section_size  }
0x9a: {  	s5 =	simm.s32 $_size__tile_overlayer_lowered;
	s6 =	simm.s32 $_tile_overlayer_lowered  }
0x9b: {  	s22 =	simm.s32 $0x1BFF;
	s21 =	sshll.u32 s6, $0x1;
	s3 =	sadd.s32 s4, s19  }
0x9c: {  	s7 =	simm.s32 $0x0;
	s20 =	sshll.u32 s5, $0x1;
	s5 =	sadd.s32 s21, s3  }
0x9d: {  	[timem:s7], [sflag:s22] =	dma.local [hbm:s5], s20  }
0x9e: {  	_ =	swait.ge [sflag:s22], s20  }
0x9f: {  	s4 =	ssub.s32 $0x0, s20;
	[sflag:s22] =	ssyncset.done $0x0  }
0xa0: {  	[sflag:s22] =	ssyncadd.s32 s4;
	_ =	sdelay $0x1  }
0xa1: {  	s23 =	simm.s32 $0x1B8B  }
0xa2: {  	_ =	swait.ge [sflag:s23], $0x1  }
0xa3: {  	[sflag:s23] =	ssyncset.done $0x0  }
0xa4: {  	s25 =	simm.s32 $0x1B8E;
	s24 =	sld [smem:$0x3FFE];
	[sflag:s23] =	ssyncadd.s32 $0xFFFFFFFF  }
0xa5: {  	s26 =	simm.s32 $execute0_lowered;
	[smem:$0x3FD2] =	sst s25  }
0xa6: {  	s5 =	sshll.u32 s26, $0x1;
	_ =	strace $0x80000049;
	[dreg:$0x1] =	wrdreg $0xFFFFFFFF  }
0xa7: {  	s28 =	simm.s32 $_size_execute0_lowered;
	s3 =	sadd.s32 s3, s5;
	[dreg:$0x0] =	wrdreg $0x0  }
0xa8: {  	s5 =	sshll.u32 s28, $0x1;
	[dreg:$0x2] =	wrdreg s3  }
0xa9: {  	[dreg:$0x3] =	wrdreg s5  }
0xaa: {  	[dreg:$0x4] =	wrdreg $0xC0  }
0xab: {  	_ =	task [dreg:s7], $0x5FFFF  }
0xac: {  	[dreg:$0x1] =	wrdreg $0xFFFFFFFF  }
0xad: {  	[dreg:$0x0] =	wrdreg $0x60  }
0xae: {  	[dreg:$0x2] =	wrdreg s2  }
0xaf: {  	[dreg:$0x3] =	wrdreg s24  }
0xb0: {  	[dreg:$0x4] =	wrdreg $0xA8000  }
0xb1: {  	[dreg:$0x5] =	wrdreg $0x9  }
0xb2: {  	_ =	task.clear_ibuf [dreg:s7], $0x6FFFF;
	_ =	strace $0x90000049  }
0xb3: {  	s29 =	simm.s32 $0x9;
	_ =	strace $0x8000004B  }
0xb4: {  	_ =	swait.ge [sflag:s29], $0x1  }
0xb5: {  	[sflag:s29] =	ssyncadd.s32 $0xFFFFFFFF  }
0xb6: {  	_ =	strace $0x9000004B  }
0xb7: {  	_ =	sfence  }
0xb8: {  	s30 =	sld [smem:$0x0];
	_ =	sdelay $0x2  }
0xb9: {  	s31 =	sshll.u32 s1, $0xD;
	s1 =	sshrl.u32 s1, $0x2  }
0xba: {  	s3 =	sand.u32 $0x4000, s31;
	s1 =	sadd.s32 s1, s30  }
0xbb: {  	s0 =	sor.u32 s3, s0;
	s1 =	sshll.u32 s1, $0x11  }
0xbc: {  	s0 =	sor.u32 s1, s0  }
0xbd: {  	s0 =	sadd.s32 $0x8F2B, s0  }
0xbe: {  	[sflag:s0] =	ssyncadd.remote.s32 $0x1  }
0xbf: {  	_ =	sfence.sel $0xFFFF  }
0xc0: {  	[dreg:$0x0] =	wrdreg $0xFFFFFFFF;
	(pc) =	sbr.abs _section_cstart, $3  }
0xc1: {  	[dreg:$0x1] =	wrdreg $0xFFFFFFFF  }
0xc2: {  	_ =	task.clear_ibuf [dreg:s7], $0x2FFFF;
	_ =	strace $0x9FFFFFFF  }
0xc3: {  	(tm) =	ssettm $0x7FFFFFFF  }
tec
execute0_lowered:
.L_overlay_start_1:
0x0: {  	(tag) =	ssettag $0x1  }
0x1: {  	s1 =	rddreg [dreg:$0x0]  }
0x2: {  	s0 =	rddreg [dreg:$0x1]  }
0x3: {  	s2 =	rddreg [dreg:$0x2];
	s3 =	simm.s32 $0x0  }
0x4: {  	s4 =	srdreg.scid;
	s22 =	stileid.u32;
	s28 =	simm.s32 $0x6800  }
0x5: {  	s29 =	simm.s32 $0x2;
	s30 =	simm.s32 $0x1380;
	s31 =	simm.s32 $0x2700  }
0x6: {  	[smem:$0x7FF] =	sst s3;
	s11 =	sadd.s32 $0x3600, s0;
	s4 =	sand.u32 $0x1, s4  }
0x7: {  	s12 =	sadd.s32 $0xD600, s0;
	s6 =	smul.u32 $0x4E000, s22;
	s8 =	sshll.u32 s22, $0x1  }
0x8: {  	s15 =	smul.u32 $0x13800, s22;
	s0 =	sadd.s32 $0x3E800, s0;
	p0 =	sne.s32 s22, $0xF  }
0x9: {  	s22 =	simm.s32 $0x2800;
	_ =	strace $0x8000004A;
	s5 =	ssub.s32 $0x2, s4  }
0xa: {  	s10 =	sor.u32 s4, s8;
	s4 =	smul.u32 $0x138800, s4;
	s7 =	sshrl.u32 s5, $0x1  }
0xb: {  	s9 =	sshrl.u32 s6, $0x2;
	s16 =	sadd.s32 $0x4000, s15;
	s17 =	sadd.s32 $0x8000, s15  }
0xc: {  	s18 =	sadd.s32 $0xC000, s15;
	s19 =	sadd.s32 $0x10000, s15;
	s13 =	smul.u32 $0x2800, s10  }
0xd: {  	s14 =	smul.u32 $0x500, s10;
	s10 =	sadd.s32 $0x138000, s2;
	s21 =	ssub.s32 s5, s7  }
0xe: {  	s5 =	sadd.s32 s9, s2;
	s6 =	sadd.s32 s16, s2;
	s7 =	sadd.s32 s17, s2  }
0xf: {  	s8 =	sadd.s32 s18, s2;
	s9 =	sadd.s32 s19, s2;
	s15 =	sadd.s32 s15, s4  }
0x10: {  	s16 =	sadd.s32 s4, s16;
	s17 =	sadd.s32 s4, s17;
	s24 =	sadd.s32 s4, s18  }
0x11: {  	s25 =	sadd.s32 s4, s19;
	s4 =	sshrl.u32 s4, $0x3;
	s13 =	sshrl.u32 s13, $0x3  }
0x12: {  	s20 =	sadd.s32 s11, s14;
	s14 =	sadd.s32 s12, s14;
	s23 =	sshrl.u32 s17, $0x3  }
0x13: {  	s26 =	sshrl.u32 s25, $0x3;
	s4 =	sadd.s32 s0, s4;
	[dreg:$0x4] =	wrdreg s20  }
0x14: {  	s21 =	smax.u32 s21, $0x1;
	s25 =	simm.s32 $0x80;
	[dreg:$0x5] =	wrdreg s14  }
0x15: {  	s13 =	sadd.s32 $0x280, s13;
	s20 =	sshrl.u32 s16, $0x3;
	s17 =	sadd.s32 s0, s23  }
0x16: {  	s19 =	sadd.s32 s0, s26;
	s23 =	simm.s32 $0x3;
	s26 =	simm.s32 $0x1  }
0x17: {  	s11 =	sadd.s32 s11, s13;
	s14 =	sadd.s32 s12, s13;
	s16 =	sadd.s32 s0, s20  }
0x18: {  	s20 =	sadd.s32 $0x27000, s4;
	[dreg:$0x6] =	wrdreg s11;
	s11 =	sshrl.u32 s15, $0x3  }
0x19: {  	s4 =	simm.s32 $0x0;
	s15 =	sadd.s32 s0, s11;
	s11 =	sshrl.u32 s24, $0x3  }
0x1a: {  	v0 =	vimm.f32 $0.0e+00;
	s24 =	simm.s32 $0x1400;
	s18 =	sadd.s32 s0, s11;
	s0 =	simm.s32 $0x2780  }
.LBB2_1:
0x1b: {  	s11 =	simm.s32 $0x0;
	s12 =	simm.s32 $0x200  }
.LBB2_2:
0x1c: {  	p1 =	sne.s32 s12, $0xFE00;
	[tilespmem:s11+$0x2870] =	vst v0  }
0x1d: {  	[tilespmem:s11+$0x2800] =	vst v0  }
0x1e: {  	[tilespmem:s11+$0x2810] =	vst v0  }
.Ltmp0:
0x1f: {  	[tilespmem:s11+$0x2820] =	vst v0;
	(pc) =	sbr.rel @p1 .LBB2_2-.Ltmp0, $4  }
0x20: {  	[tilespmem:s11+$0x2830] =	vst v0  }
0x21: {  	[tilespmem:s11+$0x2840] =	vst v0  }
0x22: {  	[tilespmem:s11+$0x2850] =	vst v0  }
0x23: {  	[tilespmem:s11+$0x2860] =	vst v0;
	s11 =	sshra.s32 s12, $0x2;
	s12 =	sadd.s32 $0x200, s12  }
0x24: {  	[tilespmem:s11+$0x2870] =	vst v0  }
0x25: {  	[tilespmem:s11+$0x2800] =	vst v0  }
0x26: {  	[tilespmem:s11+$0x2810] =	vst v0  }
0x27: {  	[tilespmem:s11+$0x2820] =	vst v0  }
0x28: {  	[tilespmem:s11+$0x2830] =	vst v0  }
0x29: {  	[tilespmem:s11+$0x2840] =	vst v0  }
0x2a: {  	[tilespmem:s11+$0x2850] =	vst v0  }
0x2b: {  	[tilespmem:s11+$0x2860] =	vst v0  }
0x2c: {  	[spmem:s5] =	stream.linear.scatter [tilespmem:s22], [sflag:$0x3], $0x4000, $0x38;
	[tilespmem:$0x1E100] =	vst v63  }
0x2d: {  	_ =	swait.ge [sflag:s23], $0x4000  }
0x2e: {  	[sflag:s23] =	ssyncset.done $0x0  }
0x2f: {  	[sflag:s23] =	ssyncadd.s32 $0xFFFFC000  }
0x30: {  	[spmem:s6] =	stream.linear.scatter [tilespmem:s22], [sflag:$0x3], $0x4000, $0x38;
	[tilespmem:$0x1E100] =	vst v63  }
0x31: {  	_ =	swait.ge [sflag:s23], $0x4000  }
0x32: {  	[sflag:s23] =	ssyncset.done $0x0  }
0x33: {  	[sflag:s23] =	ssyncadd.s32 $0xFFFFC000  }
0x34: {  	[spmem:s7] =	stream.linear.scatter [tilespmem:s22], [sflag:$0x3], $0x4000, $0x38;
	[tilespmem:$0x1E100] =	vst v63  }
0x35: {  	_ =	swait.ge [sflag:s23], $0x4000  }
0x36: {  	[sflag:s23] =	ssyncset.done $0x0  }
0x37: {  	[sflag:s23] =	ssyncadd.s32 $0xFFFFC000  }
0x38: {  	[spmem:s8] =	stream.linear.scatter [tilespmem:s22], [sflag:$0x3], $0x4000, $0x38;
	[tilespmem:$0x1E100] =	vst v63  }
0x39: {  	_ =	swait.ge [sflag:s23], $0x4000  }
0x3a: {  	[sflag:s23] =	ssyncset.done $0x0  }
0x3b: {  	[sflag:s23] =	ssyncadd.s32 $0xFFFFC000  }
0x3c: {  	[spmem:s9] =	stream.linear.scatter [tilespmem:s22], [sflag:$0x3], $0x3800, $0x38;
	[tilespmem:$0x1E100] =	vst v63  }
0x3d: {  	_ =	swait.ge [sflag:s23], $0x3800  }
0x3e: {  	[sflag:s23] =	ssyncset.done $0x0  }
0x3f: {  	s11 =	simm.s32 @!p0 $0x2800;
	[sflag:s23] =	ssyncadd.s32 $0xFFFFC800  }
0x40: {  	[spmem:s10] =	stream.linear.scatter @!p0 [tilespmem:s11], [sflag:$0x3], $0x1000, $0x38;
	[tilespmem:$0x1E100] =	vst v63  }
0x41: {  	s11 =	simm.s32 @!p0 $0x3  }
0x42: {  	_ =	swait.ge @!p0 [sflag:s11], $0x1000  }
0x43: {  	[sflag:s11] =	ssyncset.done @!p0 $0x0  }
0x44: {  	[sflag:s11] =	ssyncadd.s32 @!p0 $0xFFFFF000  }
0x45: {  	[bflag:$0x0] =	sbarrier.arrive $0xFFFF  }
0x46: {  	s11 =	simm.s32 $0x0;
	s12 =	rddreg [dreg:$0x4]  }
0x47: {  	[tilespmem:s11], [sflag:$0x3] =	stream.linear.gather [hbm4b:s12+s11], $0x1400, $0x38;
	[tilespmem:$0x1E100] =	vst v63  }
0x48: {  	_ =	swait.ge [sflag:s23], $0x1400  }
0x49: {  	[sflag:s23] =	ssyncset.done $0x0  }
0x4a: {  	s13 =	rddreg [dreg:$0x5];
	[sflag:s23] =	ssyncadd.s32 $0xFFFFEC00  }
0x4b: {  	[tilespmem:s24], [sflag:$0x3] =	stream.linear.gather [hbm4b:s13+s11], $0x1400, $0x38;
	[tilespmem:$0x1E100] =	vst v63  }
0x4c: {  	_ =	swait.ge [sflag:s23], $0x1400  }
0x4d: {  	[sflag:s23] =	ssyncset.done $0x0  }
0x4e: {  	[sflag:s23] =	ssyncadd.s32 $0xFFFFEC00  }
0x4f: {  	[tilespmem:s22], [sflag:$0x1] =	stream.indirect.gather [hbm4b:s1+s25], $0x80, s11, s25, $0xb8;
	[tilespmem:$0x1E100] =	vst v63  }
0x50: {  	_ =	swait.ge [sflag:s26], $0x4000  }
0x51: {  	[sflag:s26] =	ssyncset.done $0x0  }
0x52: {  	s12 =	simm.s32 $0x80;
	[sflag:s26] =	ssyncadd.s32 $0xFFFFC000  }
0x53: {  	[tilespmem:s28], [sflag:$0x2] =	stream.indirect.gather [hbm4b:s1+s25], $0x80, s12, s25, $0xb8;
	[tilespmem:$0x1E100] =	vst v63  }
0x54: {  	s13 =	simm.s32 $0x1400  }
0x55: {  	[spmem:s2] =	stream.indirect.scatter.add.f32 [tilespmem:s22], [sflag:$0x3], $0x80, s13, s25, $0xb8;
	[tilespmem:$0x1E100] =	vst v63  }
0x56: {  	_ =	swait.ge [sflag:s23], $0x4000  }
0x57: {  	[sflag:s23] =	ssyncset.done $0x0  }
0x58: {  	[sflag:s23] =	ssyncadd.s32 $0xFFFFC000  }
0x59: {  	_ =	swait.ge [sflag:s29], $0x4000  }
0x5a: {  	[sflag:s29] =	ssyncset.done $0x0  }
0x5b: {  	s12 =	simm.s32 $0x100;
	[sflag:s29] =	ssyncadd.s32 $0xFFFFC000  }
0x5c: {  	[tilespmem:s22], [sflag:$0x1] =	stream.indirect.gather [hbm4b:s1+s25], $0x80, s12, s25, $0xb8;
	[tilespmem:$0x1E100] =	vst v63  }
0x5d: {  	s13 =	simm.s32 $0x1480  }
0x5e: {  	[spmem:s2] =	stream.indirect.scatter.add.f32 [tilespmem:s28], [sflag:$0x3], $0x80, s13, s25, $0xb8;
	[tilespmem:$0x1E100] =	vst v63  }
0x5f: {  	_ =	swait.ge [sflag:s23], $0x4000  }
0x60: {  	s11 =	simm.s32 $0x400;
	[sflag:s23] =	ssyncset.done $0x0  }
.LBB2_4:
0x61: {  	p1 =	sne.s32 s11, $0x4800  }
0x62: {  	[sflag:s23] =	ssyncadd.s32 $0xFFFFC000;
	s12 =	smov.u32 s11;
	s11 =	sadd.s32 $0x400, s11  }
0x63: {  	_ = 	snop  }
0x64: {  	_ =	swait.ge [sflag:s26], $0x4000  }
0x65: {  	s12 =	sshra.s32 s12, $0x2;
	[sflag:s26] =	ssyncset.done $0x0  }
0x66: {  	s13 =	sadd.s32 $0x80, s12;
	[sflag:s26] =	ssyncadd.s32 $0xFFFFC000  }
0x67: {  	[tilespmem:s28], [sflag:$0x2] =	stream.indirect.gather [hbm4b:s1+s25], $0x80, s13, s25, $0xb8;
	[tilespmem:$0x1E100] =	vst v63  }
0x68: {  	s13 =	sadd.s32 $0x1400, s12  }
0x69: {  	[spmem:s2] =	stream.indirect.scatter.add.f32 [tilespmem:s22], [sflag:$0x3], $0x80, s13, s25, $0xb8;
	[tilespmem:$0x1E100] =	vst v63  }
0x6a: {  	_ =	swait.ge [sflag:s23], $0x4000  }
0x6b: {  	[sflag:s23] =	ssyncset.done $0x0  }
0x6c: {  	[sflag:s23] =	ssyncadd.s32 $0xFFFFC000  }
0x6d: {  	_ =	swait.ge [sflag:s29], $0x4000  }
0x6e: {  	[sflag:s29] =	ssyncset.done $0x0  }
0x6f: {  	s13 =	sadd.s32 $0x100, s12;
	[sflag:s29] =	ssyncadd.s32 $0xFFFFC000  }
0x70: {  	[tilespmem:s22], [sflag:$0x1] =	stream.indirect.gather [hbm4b:s1+s25], $0x80, s13, s25, $0xb8;
	[tilespmem:$0x1E100] =	vst v63  }
.Ltmp1:
0x71: {  	_ = 	snop;
	(pc) =	sbr.rel @p1 .LBB2_4-.Ltmp1, $4  }
0x72: {  	s12 =	sadd.s32 $0x1480, s12  }
0x73: {  	[spmem:s2] =	stream.indirect.scatter.add.f32 [tilespmem:s28], [sflag:$0x3], $0x80, s12, s25, $0xb8;
	[tilespmem:$0x1E100] =	vst v63  }
0x74: {  	_ =	swait.ge [sflag:s23], $0x4000  }
0x75: {  	[sflag:s23] =	ssyncset.done $0x0  }
0x76: {  	[sflag:s23] =	ssyncadd.s32 $0xFFFFC000  }
0x77: {  	_ =	swait.ge [sflag:s26], $0x4000  }
0x78: {  	[sflag:s26] =	ssyncset.done $0x0  }
0x79: {  	[sflag:s26] =	ssyncadd.s32 $0xFFFFC000  }
0x7a: {  	[tilespmem:s28], [sflag:$0x2] =	stream.indirect.gather [hbm4b:s1+s25], $0x80, s30, s25, $0xb8;
	[tilespmem:$0x1E100] =	vst v63  }
0x7b: {  	_ = 	snop  }
0x7c: {  	[spmem:s2] =	stream.indirect.scatter.add.f32 [tilespmem:s22], [sflag:$0x3], $0x80, s31, s25, $0xb8;
	[tilespmem:$0x1E100] =	vst v63  }
0x7d: {  	_ =	swait.ge [sflag:s23], $0x4000  }
0x7e: {  	[sflag:s23] =	ssyncset.done $0x0  }
0x7f: {  	[sflag:s23] =	ssyncadd.s32 $0xFFFFC000  }
0x80: {  	_ =	swait.ge [sflag:s29], $0x4000  }
0x81: {  	[sflag:s29] =	ssyncset.done $0x0  }
0x82: {  	[sflag:s29] =	ssyncadd.s32 $0xFFFFC000  }
0x83: {  	[spmem:s2] =	stream.indirect.scatter.add.f32 [tilespmem:s28], [sflag:$0x3], $0x80, s0, s25, $0xb8;
	[tilespmem:$0x1E100] =	vst v63  }
0x84: {  	_ =	swait.ge [sflag:s23], $0x4000  }
0x85: {  	[sflag:s23] =	ssyncset.done $0x0  }
0x86: {  	s11 =	simm.s32 $0x0;
	s12 =	rddreg [dreg:$0x6];
	[sflag:s23] =	ssyncadd.s32 $0xFFFFC000  }
0x87: {  	[tilespmem:s11], [sflag:$0x3] =	stream.linear.gather [hbm4b:s12+s11], $0x1400, $0x38;
	[tilespmem:$0x1E100] =	vst v63  }
0x88: {  	_ =	swait.ge [sflag:s23], $0x1400  }
0x89: {  	[sflag:s23] =	ssyncset.done $0x0  }
0x8a: {  	[sflag:s23] =	ssyncadd.s32 $0xFFFFEC00  }
0x8b: {  	[tilespmem:s24], [sflag:$0x3] =	stream.linear.gather [hbm4b:s14+s11], $0x1400, $0x38;
	[tilespmem:$0x1E100] =	vst v63  }
0x8c: {  	_ =	swait.ge [sflag:s23], $0x1400  }
0x8d: {  	[sflag:s23] =	ssyncset.done $0x0  }
0x8e: {  	[sflag:s23] =	ssyncadd.s32 $0xFFFFEC00  }
0x8f: {  	[tilespmem:s22], [sflag:$0x1] =	stream.indirect.gather [hbm4b:s1+s25], $0x80, s11, s25, $0xb8;
	[tilespmem:$0x1E100] =	vst v63  }
0x90: {  	_ =	swait.ge [sflag:s26], $0x4000  }
0x91: {  	[sflag:s26] =	ssyncset.done $0x0  }
0x92: {  	s12 =	simm.s32 $0x80;
	[sflag:s26] =	ssyncadd.s32 $0xFFFFC000  }
0x93: {  	[tilespmem:s28], [sflag:$0x2] =	stream.indirect.gather [hbm4b:s1+s25], $0x80, s12, s25, $0xb8;
	[tilespmem:$0x1E100] =	vst v63  }
0x94: {  	s13 =	simm.s32 $0x1400  }
0x95: {  	[spmem:s2] =	stream.indirect.scatter.add.f32 [tilespmem:s22], [sflag:$0x3], $0x80, s13, s25, $0xb8;
	[tilespmem:$0x1E100] =	vst v63  }
0x96: {  	_ =	swait.ge [sflag:s23], $0x4000  }
0x97: {  	[sflag:s23] =	ssyncset.done $0x0  }
0x98: {  	[sflag:s23] =	ssyncadd.s32 $0xFFFFC000  }
0x99: {  	_ =	swait.ge [sflag:s29], $0x4000  }
0x9a: {  	[sflag:s29] =	ssyncset.done $0x0  }
0x9b: {  	s12 =	simm.s32 $0x100;
	[sflag:s29] =	ssyncadd.s32 $0xFFFFC000  }
0x9c: {  	[tilespmem:s22], [sflag:$0x1] =	stream.indirect.gather [hbm4b:s1+s25], $0x80, s12, s25, $0xb8;
	[tilespmem:$0x1E100] =	vst v63  }
0x9d: {  	s13 =	simm.s32 $0x1480  }
0x9e: {  	[spmem:s2] =	stream.indirect.scatter.add.f32 [tilespmem:s28], [sflag:$0x3], $0x80, s13, s25, $0xb8;
	[tilespmem:$0x1E100] =	vst v63  }
0x9f: {  	_ =	swait.ge [sflag:s23], $0x4000  }
0xa0: {  	s11 =	simm.s32 $0x400;
	[sflag:s23] =	ssyncset.done $0x0  }
.LBB2_6:
0xa1: {  	p1 =	sne.s32 s11, $0x4800  }
0xa2: {  	[sflag:s23] =	ssyncadd.s32 $0xFFFFC000;
	s12 =	smov.u32 s11;
	s11 =	sadd.s32 $0x400, s11  }
0xa3: {  	_ = 	snop  }
0xa4: {  	_ =	swait.ge [sflag:s26], $0x4000  }
0xa5: {  	s12 =	sshra.s32 s12, $0x2;
	[sflag:s26] =	ssyncset.done $0x0  }
0xa6: {  	s13 =	sadd.s32 $0x80, s12;
	[sflag:s26] =	ssyncadd.s32 $0xFFFFC000  }
0xa7: {  	[tilespmem:s28], [sflag:$0x2] =	stream.indirect.gather [hbm4b:s1+s25], $0x80, s13, s25, $0xb8;
	[tilespmem:$0x1E100] =	vst v63  }
0xa8: {  	s13 =	sadd.s32 $0x1400, s12  }
0xa9: {  	[spmem:s2] =	stream.indirect.scatter.add.f32 [tilespmem:s22], [sflag:$0x3], $0x80, s13, s25, $0xb8;
	[tilespmem:$0x1E100] =	vst v63  }
0xaa: {  	_ =	swait.ge [sflag:s23], $0x4000  }
0xab: {  	[sflag:s23] =	ssyncset.done $0x0  }
0xac: {  	[sflag:s23] =	ssyncadd.s32 $0xFFFFC000  }
0xad: {  	_ =	swait.ge [sflag:s29], $0x4000  }
0xae: {  	[sflag:s29] =	ssyncset.done $0x0  }
0xaf: {  	s13 =	sadd.s32 $0x100, s12;
	[sflag:s29] =	ssyncadd.s32 $0xFFFFC000  }
0xb0: {  	[tilespmem:s22], [sflag:$0x1] =	stream.indirect.gather [hbm4b:s1+s25], $0x80, s13, s25, $0xb8;
	[tilespmem:$0x1E100] =	vst v63  }
.Ltmp2:
0xb1: {  	_ = 	snop;
	(pc) =	sbr.rel @p1 .LBB2_6-.Ltmp2, $4  }
0xb2: {  	s12 =	sadd.s32 $0x1480, s12  }
0xb3: {  	[spmem:s2] =	stream.indirect.scatter.add.f32 [tilespmem:s28], [sflag:$0x3], $0x80, s12, s25, $0xb8;
	[tilespmem:$0x1E100] =	vst v63  }
0xb4: {  	_ =	swait.ge [sflag:s23], $0x4000  }
0xb5: {  	[sflag:s23] =	ssyncset.done $0x0  }
0xb6: {  	[sflag:s23] =	ssyncadd.s32 $0xFFFFC000  }
0xb7: {  	_ =	swait.ge [sflag:s26], $0x4000  }
0xb8: {  	[sflag:s26] =	ssyncset.done $0x0  }
0xb9: {  	[sflag:s26] =	ssyncadd.s32 $0xFFFFC000  }
0xba: {  	[tilespmem:s28], [sflag:$0x2] =	stream.indirect.gather [hbm4b:s1+s25], $0x80, s30, s25, $0xb8;
	[tilespmem:$0x1E100] =	vst v63  }
0xbb: {  	_ = 	snop  }
0xbc: {  	[spmem:s2] =	stream.indirect.scatter.add.f32 [tilespmem:s22], [sflag:$0x3], $0x80, s31, s25, $0xb8;
	[tilespmem:$0x1E100] =	vst v63  }
0xbd: {  	_ =	swait.ge [sflag:s23], $0x4000  }
0xbe: {  	[sflag:s23] =	ssyncset.done $0x0  }
0xbf: {  	[sflag:s23] =	ssyncadd.s32 $0xFFFFC000  }
0xc0: {  	_ =	swait.ge [sflag:s29], $0x4000  }
0xc1: {  	[sflag:s29] =	ssyncset.done $0x0  }
0xc2: {  	[sflag:s29] =	ssyncadd.s32 $0xFFFFC000  }
0xc3: {  	[spmem:s2] =	stream.indirect.scatter.add.f32 [tilespmem:s28], [sflag:$0x3], $0x80, s0, s25, $0xb8;
	[tilespmem:$0x1E100] =	vst v63  }
0xc4: {  	_ =	swait.ge [sflag:s23], $0x4000  }
0xc5: {  	[sflag:s23] =	ssyncset.done $0x0  }
0xc6: {  	[sflag:s23] =	ssyncadd.s32 $0xFFFFC000  }
0xc7: {  	[bflag:$0x0] =	sbarrier.arrive $0xFFFF  }
0xc8: {  	[tilespmem:s22], [sflag:$0x3] =	stream.linear.gather [spmem:s5], $0x4000, $0x38;
	[tilespmem:$0x1E100] =	vst v63  }
0xc9: {  	_ =	swait.ge [sflag:s23], $0x4000  }
0xca: {  	[sflag:s23] =	ssyncset.done $0x0  }
0xcb: {  	[sflag:s23] =	ssyncadd.s32 $0xFFFFC000  }
0xcc: {  	[hbm4b:s15+s3] =	stream.linear.scatter [tilespmem:s22], [sflag:$0x3], $0x4000, $0x38;
	[tilespmem:$0x1E100] =	vst v63  }
0xcd: {  	_ =	swait.ge [sflag:s23], $0x4000  }
0xce: {  	[sflag:s23] =	ssyncset.done $0x0  }
0xcf: {  	[sflag:s23] =	ssyncadd.s32 $0xFFFFC000  }
0xd0: {  	[tilespmem:s22], [sflag:$0x3] =	stream.linear.gather [spmem:s6], $0x4000, $0x38;
	[tilespmem:$0x1E100] =	vst v63  }
0xd1: {  	_ =	swait.ge [sflag:s23], $0x4000  }
0xd2: {  	[sflag:s23] =	ssyncset.done $0x0  }
0xd3: {  	[sflag:s23] =	ssyncadd.s32 $0xFFFFC000  }
0xd4: {  	[hbm4b:s16+s3] =	stream.linear.scatter [tilespmem:s22], [sflag:$0x3], $0x4000, $0x38;
	[tilespmem:$0x1E100] =	vst v63  }
0xd5: {  	_ =	swait.ge [sflag:s23], $0x4000  }
0xd6: {  	[sflag:s23] =	ssyncset.done $0x0  }
0xd7: {  	[sflag:s23] =	ssyncadd.s32 $0xFFFFC000  }
0xd8: {  	[tilespmem:s22], [sflag:$0x3] =	stream.linear.gather [spmem:s7], $0x4000, $0x38;
	[tilespmem:$0x1E100] =	vst v63  }
0xd9: {  	_ =	swait.ge [sflag:s23], $0x4000  }
0xda: {  	[sflag:s23] =	ssyncset.done $0x0  }
0xdb: {  	[sflag:s23] =	ssyncadd.s32 $0xFFFFC000  }
0xdc: {  	[hbm4b:s17+s3] =	stream.linear.scatter [tilespmem:s22], [sflag:$0x3], $0x4000, $0x38;
	[tilespmem:$0x1E100] =	vst v63  }
0xdd: {  	_ =	swait.ge [sflag:s23], $0x4000  }
0xde: {  	[sflag:s23] =	ssyncset.done $0x0  }
0xdf: {  	[sflag:s23] =	ssyncadd.s32 $0xFFFFC000  }
0xe0: {  	[tilespmem:s22], [sflag:$0x3] =	stream.linear.gather [spmem:s8], $0x4000, $0x38;
	[tilespmem:$0x1E100] =	vst v63  }
0xe1: {  	_ =	swait.ge [sflag:s23], $0x4000  }
0xe2: {  	[sflag:s23] =	ssyncset.done $0x0  }
0xe3: {  	[sflag:s23] =	ssyncadd.s32 $0xFFFFC000  }
0xe4: {  	[hbm4b:s18+s3] =	stream.linear.scatter [tilespmem:s22], [sflag:$0x3], $0x4000, $0x38;
	[tilespmem:$0x1E100] =	vst v63  }
0xe5: {  	_ =	swait.ge [sflag:s23], $0x4000  }
0xe6: {  	[sflag:s23] =	ssyncset.done $0x0  }
0xe7: {  	[sflag:s23] =	ssyncadd.s32 $0xFFFFC000  }
0xe8: {  	[tilespmem:s28], [sflag:$0x3] =	stream.linear.gather [spmem:s9], $0x3800, $0x38;
	[tilespmem:$0x1E100] =	vst v63  }
0xe9: {  	_ =	swait.ge [sflag:s23], $0x3800  }
0xea: {  	[sflag:s23] =	ssyncset.done $0x0  }
0xeb: {  	[sflag:s23] =	ssyncadd.s32 $0xFFFFC800  }
0xec: {  	[hbm4b:s19+s3] =	stream.linear.scatter [tilespmem:s28], [sflag:$0x3], $0x3800, $0x38;
	[tilespmem:$0x1E100] =	vst v63  }
0xed: {  	_ =	swait.ge [sflag:s23], $0x3800  }
0xee: {  	[sflag:s23] =	ssyncset.done $0x0  }
0xef: {  	s11 =	simm.s32 @!p0 $0xA000;
	s12 =	simm.s32 @!p0 $0x3;
	[sflag:s23] =	ssyncadd.s32 $0xFFFFC800  }
0xf0: {  	[tilespmem:s11], [sflag:$0x3] =	stream.linear.gather @!p0 [spmem:s10], $0x800, $0x38;
	[tilespmem:$0x1E100] =	vst v63  }
0xf1: {  	s4 =	sadd.s32 $0x1, s4;
	_ =	swait.ge @!p0 [sflag:s12], $0x800  }
0xf2: {  	p1 =	sne.s32 s4, s21;
	[sflag:s12] =	ssyncset.done @!p0 $0x0  }
.Ltmp3:
0xf3: {  	s13 =	simm.s32 @!p0 $0x0;
	[sflag:s12] =	ssyncadd.s32 @!p0 $0xFFFFF800;
	(pc) =	sbr.rel @p1 .LBB2_1-.Ltmp3, $4  }
0xf4: {  	[hbm4b:s20+s13] =	stream.linear.scatter @!p0 [tilespmem:s11], [sflag:$0x3], $0x800, $0x38;
	[tilespmem:$0x1E100] =	vst v63  }
0xf5: {  	_ =	swait.ge @!p0 [sflag:s12], $0x800  }
0xf6: {  	[sflag:s12] =	ssyncset.done @!p0 $0x0  }
0xf7: {  	[sflag:s12] =	ssyncadd.s32 @!p0 $0xFFFFF800  }
0xf8: {  	_ =	sfence.sel $0x180000  }
0xf9: {  	[bflag:$0x0] =	sbarrier.arrive $0xFFFF  }
0xfa: {  	_ =	strace $0x9000004A  }
0xfb: {  	s0 =	stileid.u32;
	[bflag:$0x2] =	sbarrier.arrive $0xFFFF  }
0xfc: {  	p0 =	sne.s32 s0, $0x0;
	s0 =	rddreg [dreg:$0x3]  }
0xfd: {  	s0 =	sadd.s32 @!p0 $0x100000, s0  }
0xfe: {  	[sflag:s0] =	ssyncadd.tile.s32 @!p0 $0x1;
	_ =	shalt  }
.Lfunc_end2:
_tile_overlayer_lowered:
.L_overlay_start_2:
0xff: {  	(tag) =	ssettag $0x2  }
0x100: {  	s0 =	rddreg [dreg:$0x0];
	s2 =	stileid.u32  }
0x101: {  	s1 =	rddreg [dreg:$0x1];
	p0 =	sne.s32 s2, $0x0  }
0x102: {  	s3 =	rddreg [dreg:$0x2];
	[bflag:$0x3] =	sbarrier.arrive $0xFFFF;
	s2 =	simm.s32 @!p0 $0x1C03  }
0x103: {  	[timem:s3], [sflag:s2] =	dma.local @!p0 [hbm:s0], s1  }
0x104: {  	s0 =	simm.s32 @!p0 $0x3  }
0x105: {  	_ =	swait.ge @!p0 [sflag:s0], s1  }
0x106: {  	s1 =	ssub.s32 @!p0 $0x0, s1;
	[sflag:s0] =	ssyncset.done @!p0 $0x0  }
0x107: {  	[sflag:s0] =	ssyncadd.s32 @!p0 s1  }
0x108: {  	[bflag:$0x3] =	sbarrier.arrive $0xFFFF  }
0x109: {  	_ =	shalt  }

// kernel: kernel.14.cloned.1.call-start
scs
__scs_entry_jumppad:
0x0: {  	(pc) =	sbr.rel $0x88, $3  }
0x1: {  	(tag) =	ssettag $0x0;
	lr =	simm.s32 $0x1  }
0x2: {  	[smem:$0x3F9B] =	sst lr;
	_ =	strace $0xD0000000  }
0x3: {  	_ = 	snop  }
0x4: {  	_ = 	snop  }
0x5: {  	_ = 	snop  }
0x6: {  	_ = 	snop  }
0x7: {  	_ = 	snop  }
__scs_overlays_trampoline_lowered:
0x8: {  	[smem:$0x3FAA] =	sst s0  }
0x9: {  	[smem:$0x3FAB] =	sst s1  }
0xa: {  	[smem:$0x3FAC] =	sst s2  }
0xb: {  	[smem:$0x3FAD] =	sst s3  }
0xc: {  	[smem:$0x3FAE] =	sst s4  }
0xd: {  	[smem:$0x3FAF] =	sst s5  }
0xe: {  	[smem:$0x3FB0] =	sst s6  }
0xf: {  	[smem:$0x3FB1] =	sst s7  }
0x10: {  	[smem:$0x3FB2] =	sst s8  }
0x11: {  	[smem:$0x3FB3] =	sst s9;
	s0 =	simm.s32 @!p0 $0x0  }
0x12: {  	s1 =	sld [smem:$0x3F99];
	s0 =	simm.s32 @p0 $0x1  }
0x13: {  	[smem:$0x3FB4] =	sst s0;
	s0 =	simm.s32 @!p1 $0x0  }
0x14: {  	s2 =	sld [smem:$0x3F98];
	s0 =	simm.s32 @p1 $0x1  }
0x15: {  	[smem:$0x3FB5] =	sst s0;
	s0 =	simm.s32 @!p2 $0x0  }
0x16: {  	s3 =	sld [smem:$0x3FDB];
	s0 =	simm.s32 @p2 $0x1  }
0x17: {  	s4 =	simm.s32 $0x1BF5;
	[smem:$0x3FB7] =	sst s0  }
0x18: {  	s0 =	sld [smem:$0x3F9A];
	_ =	swait.ge [sflag:s4], $0x0  }
0x19: {  	s7 =	sld [smem:$0x3F9B]  }
0x1a: {  	s8 =	sadd.s32 $0xFFFFE003, lr  }
0x1b: {  	s9 =	sadd.s32 $0xFFFFFEF7, lr;
	s5 =	simm.s32 $0xFFFFFFFF;
	p2 =	slt.u32 s8, $0xFFFFF086  }
0x1c: {  	p1 =	slt.u32 s9, $0xF7A;
	s5 =	simm.s32 @!p2 $0x0  }
0x1d: {  	s5 =	simm.s32 @p1 $0x1;
	p0 =	seq.s32 s7, s2  }
0x1e: {  	s7 =	smul.u32 @!p0 $0xF7A, s2;
	p2 =	seq.s32 @!p0 s5, $0x0  }
0x1f: {  	s9 =	smul.u32 $0xF7A, s1;
	s8 =	simm.s32 @!p0 $0x1BF5;
	p2 =	por !p2, p0  }
0x20: {  	[sflag:s8] =	ssyncset.s32 @!p0 $0xFFFFF086;
	s6 =	sadd.s32 @!p0 s3, s7;
	s7 =	simm.s32 @!p0 $0x108  }
0x21: {  	s3 =	sadd.s32 s3, s9;
	s6 =	sadd.s32 @!p0 $0x88, s6;
	s7 =	simm.s32 @p2 $0x1082  }
0x22: {  	[simem:s7], [sflag:s8] =	dma.local @!p0 [hbm:s6], $0xF7A  }
0x23: {  	s9 =	sor.u32 $0xD0000000, s2;
	s6 =	simm.s32 $0x108;
	_ =	swait.ge @!p0 [sflag:s8], $0x0  }
0x24: {  	s3 =	sadd.s32 $0x88, s3;
	s6 =	simm.s32 @!p1 $0x1082;
	[sflag:s4] =	ssyncset.s32 $0xFFFFF086  }
0x25: {  	[simem:s6], [sflag:s4] =	dma.local [hbm:s3], $0xF7A  }
0x26: {  	[smem:$0x3F9B] =	sst s1;
	(tag) =	ssettag s2;
	_ =	strace s9  }
0x27: {  	s1 =	sld [smem:$0x3FAB]  }
0x28: {  	s2 =	sld [smem:$0x3FAC]  }
0x29: {  	s4 =	sld [smem:$0x3FAE]  }
0x2a: {  	p0 =	seq.s32 s5, $0x0;
	s5 =	sld [smem:$0x3FAF]  }
0x2b: {  	s6 =	sld [smem:$0x3FB0]  }
0x2c: {  	s7 =	sld [smem:$0x3FB1]  }
0x2d: {  	s3 =	simm.s32 $0x108;
	s8 =	sld [smem:$0x3FB2]  }
0x2e: {  	s3 =	simm.s32 @!p0 $0x1082;
	s9 =	sld [smem:$0x3FB3]  }
0x2f: {  	lr =	sadd.s32 s0, s3;
	s0 =	sld [smem:$0x3FAA]  }
0x30: {  	s3 =	sld [smem:$0x3FAD]  }
0x31: {  	[smem:$0x3FB6] =	sst s10  }
0x32: {  	s10 =	sld [smem:$0x3FB4];
	_ =	sdelay $0x3  }
0x33: {  	p0 =	seq.s32 s10, $0x1;
	s10 =	sld [smem:$0x3FB6];
	_ =	sdelay $0x3  }
0x34: {  	[smem:$0x3FB6] =	sst s10  }
0x35: {  	s10 =	sld [smem:$0x3FB5];
	_ =	sdelay $0x3  }
0x36: {  	p1 =	seq.s32 s10, $0x1;
	s10 =	sld [smem:$0x3FB6];
	_ =	sdelay $0x3  }
0x37: {  	[smem:$0x3FB6] =	sst s10  }
0x38: {  	s10 =	sld [smem:$0x3FB7]  }
0x39: {  	_ = 	snop;
	(pc) =	sbr.ind lr, $3  }
0x3a: {  	_ = 	snop  }
0x3b: {  	_ = 	snop  }
0x3c: {  	p2 =	seq.s32 s10, $0x1;
	s10 =	sld [smem:$0x3FB6]  }
0x3d: {  	_ =	shalt  }
0x3e: {  	_ =	shalt  }
0x3f: {  	_ =	shalt  }
0x40: {  	_ =	shalt  }
0x41: {  	_ =	shalt  }
0x42: {  	_ =	shalt  }
0x43: {  	_ =	shalt  }
0x44: {  	_ =	shalt  }
0x45: {  	_ =	shalt  }
0x46: {  	_ =	shalt  }
0x47: {  	_ =	shalt  }
0x48: {  	_ =	shalt  }
0x49: {  	_ =	shalt  }
0x4a: {  	_ =	shalt  }
0x4b: {  	_ =	shalt  }
0x4c: {  	_ =	shalt  }
0x4d: {  	_ =	shalt  }
0x4e: {  	_ =	shalt  }
0x4f: {  	_ =	shalt  }
0x50: {  	_ =	shalt  }
0x51: {  	_ =	shalt  }
0x52: {  	_ =	shalt  }
0x53: {  	_ =	shalt  }
0x54: {  	_ =	shalt  }
0x55: {  	_ =	shalt  }
0x56: {  	_ =	shalt  }
0x57: {  	_ =	shalt  }
0x58: {  	_ =	shalt  }
0x59: {  	_ =	shalt  }
0x5a: {  	_ =	shalt  }
0x5b: {  	_ =	shalt  }
0x5c: {  	_ =	shalt  }
0x5d: {  	_ =	shalt  }
0x5e: {  	_ =	shalt  }
0x5f: {  	_ =	shalt  }
0x60: {  	_ =	shalt  }
0x61: {  	_ =	shalt  }
0x62: {  	_ =	shalt  }
0x63: {  	_ =	shalt  }
0x64: {  	_ =	shalt  }
0x65: {  	_ =	shalt  }
0x66: {  	_ =	shalt  }
0x67: {  	_ =	shalt  }
0x68: {  	_ =	shalt  }
0x69: {  	_ =	shalt  }
0x6a: {  	_ =	shalt  }
0x6b: {  	_ =	shalt  }
0x6c: {  	_ =	shalt  }
0x6d: {  	_ =	shalt  }
0x6e: {  	_ =	shalt  }
0x6f: {  	_ =	shalt  }
0x70: {  	_ =	shalt  }
0x71: {  	_ =	shalt  }
0x72: {  	_ =	shalt  }
0x73: {  	_ =	shalt  }
0x74: {  	_ =	shalt  }
0x75: {  	_ =	shalt  }
0x76: {  	_ =	shalt  }
0x77: {  	_ =	shalt  }
0x78: {  	_ =	shalt  }
0x79: {  	_ =	shalt  }
0x7a: {  	_ =	shalt  }
0x7b: {  	_ =	shalt  }
0x7c: {  	_ =	shalt  }
0x7d: {  	_ =	shalt  }
0x7e: {  	_ =	shalt  }
0x7f: {  	_ =	shalt  }
0x80: {  	_ =	shalt  }
0x81: {  	_ =	shalt  }
0x82: {  	_ =	shalt  }
0x83: {  	_ =	shalt  }
0x84: {  	_ =	shalt  }
0x85: {  	_ =	shalt  }
0x86: {  	_ =	shalt  }
0x87: {  	_ =	shalt  }
.Lfunc_end0:
.L_simem_size_0:
called_computation.2_lowered:
.L_overlay_start_0:
0x88: {  	s2 =	sld [smem:$0x3FD9]  }
0x89: {  	s3 =	sld [smem:$0x3FFE];
	_ =	sdelay $0x1  }
0x8a: {  	s1 =	srdreg.scid  }
0x8b: {  	s0 =	sand.u32 $0x1, s1  }
0x8c: {  	s17 =	sshll.u32 s0, $0xA;
	s2 =	sadd.s32 s3, s2  }
0x8d: {  	s2 =	sadd.s32 s2, s17  }
0x8e: {  	[smem:$0x3FC2] =	sst s2  }
0x8f: {  	_ = 	snop  }
0x90: {  	s2 =	sld [smem:$0x3FD0];
	(tm) =	ssettm $0x1  }
0x91: {  	s18 =	sld [smem:$0x3FFB];
	_ =	sdelay $0x3  }
0x92: {  	_ =	strace s18  }
0x93: {  	s3 =	sld [smem:$0x3FFC];
	_ =	sdelay $0x3  }
0x94: {  	_ =	strace s3  }
0x95: {  	s3 =	sld [smem:$0x3FFD];
	_ =	sdelay $0x3  }
0x96: {  	_ =	strace s3  }
0x97: {  	_ =	strace $0x8FFFFFFF  }
0x98: {  	s19 =	sld [smem:$0x3FDB];
	_ =	sdelay $0x1  }
0x99: {  	s4 =	simm.s32 $_scs_section_size  }
0x9a: {  	s5 =	simm.s32 $_size__tile_overlayer_lowered;
	s6 =	simm.s32 $_tile_overlayer_lowered  }
0x9b: {  	s22 =	simm.s32 $0x1BFF;
	s21 =	sshll.u32 s6, $0x1;
	s3 =	sadd.s32 s4, s19  }
0x9c: {  	s7 =	simm.s32 $0x0;
	s20 =	sshll.u32 s5, $0x1;
	s5 =	sadd.s32 s21, s3  }
0x9d: {  	[timem:s7], [sflag:s22] =	dma.local [hbm:s5], s20  }
0x9e: {  	_ =	swait.ge [sflag:s22], s20  }
0x9f: {  	s4 =	ssub.s32 $0x0, s20;
	[sflag:s22] =	ssyncset.done $0x0  }
0xa0: {  	[sflag:s22] =	ssyncadd.s32 s4;
	_ =	sdelay $0x1  }
0xa1: {  	s23 =	simm.s32 $0x1B8B  }
0xa2: {  	_ =	swait.ge [sflag:s23], $0x1  }
0xa3: {  	[sflag:s23] =	ssyncset.done $0x0  }
0xa4: {  	s25 =	simm.s32 $0x1B8E;
	s24 =	sld [smem:$0x3FFE];
	[sflag:s23] =	ssyncadd.s32 $0xFFFFFFFF  }
0xa5: {  	s26 =	simm.s32 $execute0_lowered;
	[smem:$0x3FD2] =	sst s25  }
0xa6: {  	s5 =	sshll.u32 s26, $0x1;
	_ =	strace $0x8000004C;
	[dreg:$0x1] =	wrdreg $0xFFFFFFFF  }
0xa7: {  	s28 =	simm.s32 $_size_execute0_lowered;
	s3 =	sadd.s32 s3, s5;
	[dreg:$0x0] =	wrdreg $0x0  }
0xa8: {  	s5 =	sshll.u32 s28, $0x1;
	[dreg:$0x2] =	wrdreg s3  }
0xa9: {  	[dreg:$0x3] =	wrdreg s5  }
0xaa: {  	[dreg:$0x4] =	wrdreg $0xC0  }
0xab: {  	_ =	task [dreg:s7], $0x5FFFF  }
0xac: {  	[dreg:$0x1] =	wrdreg $0xFFFFFFFF  }
0xad: {  	[dreg:$0x0] =	wrdreg $0x60  }
0xae: {  	[dreg:$0x2] =	wrdreg s2  }
0xaf: {  	[dreg:$0x3] =	wrdreg s24  }
0xb0: {  	[dreg:$0x4] =	wrdreg $0xA8000  }
0xb1: {  	[dreg:$0x5] =	wrdreg $0x9  }
0xb2: {  	_ =	task.clear_ibuf [dreg:s7], $0x6FFFF;
	_ =	strace $0x9000004C  }
0xb3: {  	s29 =	simm.s32 $0x9;
	_ =	strace $0x8000004E  }
0xb4: {  	_ =	swait.ge [sflag:s29], $0x1  }
0xb5: {  	[sflag:s29] =	ssyncadd.s32 $0xFFFFFFFF  }
0xb6: {  	_ =	strace $0x9000004E  }
0xb7: {  	_ =	sfence  }
0xb8: {  	s30 =	sld [smem:$0x0];
	_ =	sdelay $0x2  }
0xb9: {  	s31 =	sshll.u32 s1, $0xD;
	s1 =	sshrl.u32 s1, $0x2  }
0xba: {  	s3 =	sand.u32 $0x4000, s31;
	s1 =	sadd.s32 s1, s30  }
0xbb: {  	s0 =	sor.u32 s3, s0;
	s1 =	sshll.u32 s1, $0x11  }
0xbc: {  	s0 =	sor.u32 s1, s0  }
0xbd: {  	s0 =	sadd.s32 $0x8F2B, s0  }
0xbe: {  	[sflag:s0] =	ssyncadd.remote.s32 $0x1  }
0xbf: {  	_ =	sfence.sel $0xFFFF  }
0xc0: {  	[dreg:$0x0] =	wrdreg $0xFFFFFFFF;
	(pc) =	sbr.abs _section_cstart, $3  }
0xc1: {  	[dreg:$0x1] =	wrdreg $0xFFFFFFFF  }
0xc2: {  	_ =	task.clear_ibuf [dreg:s7], $0x2FFFF;
	_ =	strace $0x9FFFFFFF  }
0xc3: {  	(tm) =	ssettm $0x7FFFFFFF  }
tec
execute0_lowered:
.L_overlay_start_1:
0x0: {  	(tag) =	ssettag $0x1  }
0x1: {  	s1 =	rddreg [dreg:$0x0]  }
0x2: {  	s0 =	rddreg [dreg:$0x1]  }
0x3: {  	s2 =	rddreg [dreg:$0x2];
	s3 =	simm.s32 $0x0  }
0x4: {  	s4 =	srdreg.scid;
	s22 =	stileid.u32;
	s28 =	simm.s32 $0x6800  }
0x5: {  	s29 =	simm.s32 $0x2;
	s30 =	simm.s32 $0x1380;
	s31 =	simm.s32 $0x2700  }
0x6: {  	[smem:$0x7FF] =	sst s3;
	s11 =	sadd.s32 $0x3600, s0;
	s4 =	sand.u32 $0x1, s4  }
0x7: {  	s12 =	sadd.s32 $0xD600, s0;
	s6 =	smul.u32 $0x4E000, s22;
	s8 =	sshll.u32 s22, $0x1  }
0x8: {  	s15 =	smul.u32 $0x13800, s22;
	s0 =	sadd.s32 $0x3E800, s0;
	p0 =	sne.s32 s22, $0xF  }
0x9: {  	s22 =	simm.s32 $0x2800;
	_ =	strace $0x8000004D;
	s5 =	ssub.s32 $0x2, s4  }
0xa: {  	s10 =	sor.u32 s4, s8;
	s4 =	smul.u32 $0x138800, s4;
	s7 =	sshrl.u32 s5, $0x1  }
0xb: {  	s9 =	sshrl.u32 s6, $0x2;
	s16 =	sadd.s32 $0x4000, s15;
	s17 =	sadd.s32 $0x8000, s15  }
0xc: {  	s18 =	sadd.s32 $0xC000, s15;
	s19 =	sadd.s32 $0x10000, s15;
	s13 =	smul.u32 $0x2800, s10  }
0xd: {  	s14 =	smul.u32 $0x500, s10;
	s10 =	sadd.s32 $0x138000, s2;
	s21 =	ssub.s32 s5, s7  }
0xe: {  	s5 =	sadd.s32 s9, s2;
	s6 =	sadd.s32 s16, s2;
	s7 =	sadd.s32 s17, s2  }
0xf: {  	s8 =	sadd.s32 s18, s2;
	s9 =	sadd.s32 s19, s2;
	s15 =	sadd.s32 s15, s4  }
0x10: {  	s16 =	sadd.s32 s4, s16;
	s17 =	sadd.s32 s4, s17;
	s24 =	sadd.s32 s4, s18  }
0x11: {  	s25 =	sadd.s32 s4, s19;
	s4 =	sshrl.u32 s4, $0x3;
	s13 =	sshrl.u32 s13, $0x3  }
0x12: {  	s20 =	sadd.s32 s11, s14;
	s14 =	sadd.s32 s12, s14;
	s23 =	sshrl.u32 s17, $0x3  }
0x13: {  	s26 =	sshrl.u32 s25, $0x3;
	s4 =	sadd.s32 s0, s4;
	[dreg:$0x4] =	wrdreg s20  }
0x14: {  	s21 =	smax.u32 s21, $0x1;
	s25 =	simm.s32 $0x80;
	[dreg:$0x5] =	wrdreg s14  }
0x15: {  	s13 =	sadd.s32 $0x280, s13;
	s20 =	sshrl.u32 s16, $0x3;
	s17 =	sadd.s32 s0, s23  }
0x16: {  	s19 =	sadd.s32 s0, s26;
	s23 =	simm.s32 $0x3;
	s26 =	simm.s32 $0x1  }
0x17: {  	s11 =	sadd.s32 s11, s13;
	s14 =	sadd.s32 s12, s13;
	s16 =	sadd.s32 s0, s20  }
0x18: {  	s20 =	sadd.s32 $0x27000, s4;
	[dreg:$0x6] =	wrdreg s11;
	s11 =	sshrl.u32 s15, $0x3  }
0x19: {  	s4 =	simm.s32 $0x0;
	s15 =	sadd.s32 s0, s11;
	s11 =	sshrl.u32 s24, $0x3  }
0x1a: {  	v0 =	vimm.f32 $0.0e+00;
	s24 =	simm.s32 $0x1400;
	s18 =	sadd.s32 s0, s11;
	s0 =	simm.s32 $0x2780  }
.LBB2_1:
0x1b: {  	s11 =	simm.s32 $0x0;
	s12 =	simm.s32 $0x200  }
.LBB2_2:
0x1c: {  	p1 =	sne.s32 s12, $0xFE00;
	[tilespmem:s11+$0x2870] =	vst v0  }
0x1d: {  	[tilespmem:s11+$0x2800] =	vst v0  }
0x1e: {  	[tilespmem:s11+$0x2810] =	vst v0  }
.Ltmp0:
0x1f: {  	[tilespmem:s11+$0x2820] =	vst v0;
	(pc) =	sbr.rel @p1 .LBB2_2-.Ltmp0, $4  }
0x20: {  	[tilespmem:s11+$0x2830] =	vst v0  }
0x21: {  	[tilespmem:s11+$0x2840] =	vst v0  }
0x22: {  	[tilespmem:s11+$0x2850] =	vst v0  }
0x23: {  	[tilespmem:s11+$0x2860] =	vst v0;
	s11 =	sshra.s32 s12, $0x2;
	s12 =	sadd.s32 $0x200, s12  }
0x24: {  	[tilespmem:s11+$0x2870] =	vst v0  }
0x25: {  	[tilespmem:s11+$0x2800] =	vst v0  }
0x26: {  	[tilespmem:s11+$0x2810] =	vst v0  }
0x27: {  	[tilespmem:s11+$0x2820] =	vst v0  }
0x28: {  	[tilespmem:s11+$0x2830] =	vst v0  }
0x29: {  	[tilespmem:s11+$0x2840] =	vst v0  }
0x2a: {  	[tilespmem:s11+$0x2850] =	vst v0  }
0x2b: {  	[tilespmem:s11+$0x2860] =	vst v0  }
0x2c: {  	[spmem:s5] =	stream.linear.scatter [tilespmem:s22], [sflag:$0x3], $0x4000, $0x38;
	[tilespmem:$0x1E100] =	vst v63  }
0x2d: {  	_ =	swait.ge [sflag:s23], $0x4000  }
0x2e: {  	[sflag:s23] =	ssyncset.done $0x0  }
0x2f: {  	[sflag:s23] =	ssyncadd.s32 $0xFFFFC000  }
0x30: {  	[spmem:s6] =	stream.linear.scatter [tilespmem:s22], [sflag:$0x3], $0x4000, $0x38;
	[tilespmem:$0x1E100] =	vst v63  }
0x31: {  	_ =	swait.ge [sflag:s23], $0x4000  }
0x32: {  	[sflag:s23] =	ssyncset.done $0x0  }
0x33: {  	[sflag:s23] =	ssyncadd.s32 $0xFFFFC000  }
0x34: {  	[spmem:s7] =	stream.linear.scatter [tilespmem:s22], [sflag:$0x3], $0x4000, $0x38;
	[tilespmem:$0x1E100] =	vst v63  }
0x35: {  	_ =	swait.ge [sflag:s23], $0x4000  }
0x36: {  	[sflag:s23] =	ssyncset.done $0x0  }
0x37: {  	[sflag:s23] =	ssyncadd.s32 $0xFFFFC000  }
0x38: {  	[spmem:s8] =	stream.linear.scatter [tilespmem:s22], [sflag:$0x3], $0x4000, $0x38;
	[tilespmem:$0x1E100] =	vst v63  }
0x39: {  	_ =	swait.ge [sflag:s23], $0x4000  }
0x3a: {  	[sflag:s23] =	ssyncset.done $0x0  }
0x3b: {  	[sflag:s23] =	ssyncadd.s32 $0xFFFFC000  }
0x3c: {  	[spmem:s9] =	stream.linear.scatter [tilespmem:s22], [sflag:$0x3], $0x3800, $0x38;
	[tilespmem:$0x1E100] =	vst v63  }
0x3d: {  	_ =	swait.ge [sflag:s23], $0x3800  }
0x3e: {  	[sflag:s23] =	ssyncset.done $0x0  }
0x3f: {  	s11 =	simm.s32 @!p0 $0x2800;
	[sflag:s23] =	ssyncadd.s32 $0xFFFFC800  }
0x40: {  	[spmem:s10] =	stream.linear.scatter @!p0 [tilespmem:s11], [sflag:$0x3], $0x1000, $0x38;
	[tilespmem:$0x1E100] =	vst v63  }
0x41: {  	s11 =	simm.s32 @!p0 $0x3  }
0x42: {  	_ =	swait.ge @!p0 [sflag:s11], $0x1000  }
0x43: {  	[sflag:s11] =	ssyncset.done @!p0 $0x0  }
0x44: {  	[sflag:s11] =	ssyncadd.s32 @!p0 $0xFFFFF000  }
0x45: {  	[bflag:$0x0] =	sbarrier.arrive $0xFFFF  }
0x46: {  	s11 =	simm.s32 $0x0;
	s12 =	rddreg [dreg:$0x4]  }
0x47: {  	[tilespmem:s11], [sflag:$0x3] =	stream.linear.gather [hbm4b:s12+s11], $0x1400, $0x38;
	[tilespmem:$0x1E100] =	vst v63  }
0x48: {  	_ =	swait.ge [sflag:s23], $0x1400  }
0x49: {  	[sflag:s23] =	ssyncset.done $0x0  }
0x4a: {  	s13 =	rddreg [dreg:$0x5];
	[sflag:s23] =	ssyncadd.s32 $0xFFFFEC00  }
0x4b: {  	[tilespmem:s24], [sflag:$0x3] =	stream.linear.gather [hbm4b:s13+s11], $0x1400, $0x38;
	[tilespmem:$0x1E100] =	vst v63  }
0x4c: {  	_ =	swait.ge [sflag:s23], $0x1400  }
0x4d: {  	[sflag:s23] =	ssyncset.done $0x0  }
0x4e: {  	[sflag:s23] =	ssyncadd.s32 $0xFFFFEC00  }
0x4f: {  	[tilespmem:s22], [sflag:$0x1] =	stream.indirect.gather [hbm4b:s1+s25], $0x80, s11, s25, $0xb8;
	[tilespmem:$0x1E100] =	vst v63  }
0x50: {  	_ =	swait.ge [sflag:s26], $0x4000  }
0x51: {  	[sflag:s26] =	ssyncset.done $0x0  }
0x52: {  	s12 =	simm.s32 $0x80;
	[sflag:s26] =	ssyncadd.s32 $0xFFFFC000  }
0x53: {  	[tilespmem:s28], [sflag:$0x2] =	stream.indirect.gather [hbm4b:s1+s25], $0x80, s12, s25, $0xb8;
	[tilespmem:$0x1E100] =	vst v63  }
0x54: {  	s13 =	simm.s32 $0x1400  }
0x55: {  	[spmem:s2] =	stream.indirect.scatter.add.f32 [tilespmem:s22], [sflag:$0x3], $0x80, s13, s25, $0xb8;
	[tilespmem:$0x1E100] =	vst v63  }
0x56: {  	_ =	swait.ge [sflag:s23], $0x4000  }
0x57: {  	[sflag:s23] =	ssyncset.done $0x0  }
0x58: {  	[sflag:s23] =	ssyncadd.s32 $0xFFFFC000  }
0x59: {  	_ =	swait.ge [sflag:s29], $0x4000  }
0x5a: {  	[sflag:s29] =	ssyncset.done $0x0  }
0x5b: {  	s12 =	simm.s32 $0x100;
	[sflag:s29] =	ssyncadd.s32 $0xFFFFC000  }
0x5c: {  	[tilespmem:s22], [sflag:$0x1] =	stream.indirect.gather [hbm4b:s1+s25], $0x80, s12, s25, $0xb8;
	[tilespmem:$0x1E100] =	vst v63  }
0x5d: {  	s13 =	simm.s32 $0x1480  }
0x5e: {  	[spmem:s2] =	stream.indirect.scatter.add.f32 [tilespmem:s28], [sflag:$0x3], $0x80, s13, s25, $0xb8;
	[tilespmem:$0x1E100] =	vst v63  }
0x5f: {  	_ =	swait.ge [sflag:s23], $0x4000  }
0x60: {  	s11 =	simm.s32 $0x400;
	[sflag:s23] =	ssyncset.done $0x0  }
.LBB2_4:
0x61: {  	p1 =	sne.s32 s11, $0x4800  }
0x62: {  	[sflag:s23] =	ssyncadd.s32 $0xFFFFC000;
	s12 =	smov.u32 s11;
	s11 =	sadd.s32 $0x400, s11  }
0x63: {  	_ = 	snop  }
0x64: {  	_ =	swait.ge [sflag:s26], $0x4000  }
0x65: {  	s12 =	sshra.s32 s12, $0x2;
	[sflag:s26] =	ssyncset.done $0x0  }
0x66: {  	s13 =	sadd.s32 $0x80, s12;
	[sflag:s26] =	ssyncadd.s32 $0xFFFFC000  }
0x67: {  	[tilespmem:s28], [sflag:$0x2] =	stream.indirect.gather [hbm4b:s1+s25], $0x80, s13, s25, $0xb8;
	[tilespmem:$0x1E100] =	vst v63  }
0x68: {  	s13 =	sadd.s32 $0x1400, s12  }
0x69: {  	[spmem:s2] =	stream.indirect.scatter.add.f32 [tilespmem:s22], [sflag:$0x3], $0x80, s13, s25, $0xb8;
	[tilespmem:$0x1E100] =	vst v63  }
0x6a: {  	_ =	swait.ge [sflag:s23], $0x4000  }
0x6b: {  	[sflag:s23] =	ssyncset.done $0x0  }
0x6c: {  	[sflag:s23] =	ssyncadd.s32 $0xFFFFC000  }
0x6d: {  	_ =	swait.ge [sflag:s29], $0x4000  }
0x6e: {  	[sflag:s29] =	ssyncset.done $0x0  }
0x6f: {  	s13 =	sadd.s32 $0x100, s12;
	[sflag:s29] =	ssyncadd.s32 $0xFFFFC000  }
0x70: {  	[tilespmem:s22], [sflag:$0x1] =	stream.indirect.gather [hbm4b:s1+s25], $0x80, s13, s25, $0xb8;
	[tilespmem:$0x1E100] =	vst v63  }
.Ltmp1:
0x71: {  	_ = 	snop;
	(pc) =	sbr.rel @p1 .LBB2_4-.Ltmp1, $4  }
0x72: {  	s12 =	sadd.s32 $0x1480, s12  }
0x73: {  	[spmem:s2] =	stream.indirect.scatter.add.f32 [tilespmem:s28], [sflag:$0x3], $0x80, s12, s25, $0xb8;
	[tilespmem:$0x1E100] =	vst v63  }
0x74: {  	_ =	swait.ge [sflag:s23], $0x4000  }
0x75: {  	[sflag:s23] =	ssyncset.done $0x0  }
0x76: {  	[sflag:s23] =	ssyncadd.s32 $0xFFFFC000  }
0x77: {  	_ =	swait.ge [sflag:s26], $0x4000  }
0x78: {  	[sflag:s26] =	ssyncset.done $0x0  }
0x79: {  	[sflag:s26] =	ssyncadd.s32 $0xFFFFC000  }
0x7a: {  	[tilespmem:s28], [sflag:$0x2] =	stream.indirect.gather [hbm4b:s1+s25], $0x80, s30, s25, $0xb8;
	[tilespmem:$0x1E100] =	vst v63  }
0x7b: {  	_ = 	snop  }
0x7c: {  	[spmem:s2] =	stream.indirect.scatter.add.f32 [tilespmem:s22], [sflag:$0x3], $0x80, s31, s25, $0xb8;
	[tilespmem:$0x1E100] =	vst v63  }
0x7d: {  	_ =	swait.ge [sflag:s23], $0x4000  }
0x7e: {  	[sflag:s23] =	ssyncset.done $0x0  }
0x7f: {  	[sflag:s23] =	ssyncadd.s32 $0xFFFFC000  }
0x80: {  	_ =	swait.ge [sflag:s29], $0x4000  }
0x81: {  	[sflag:s29] =	ssyncset.done $0x0  }
0x82: {  	[sflag:s29] =	ssyncadd.s32 $0xFFFFC000  }
0x83: {  	[spmem:s2] =	stream.indirect.scatter.add.f32 [tilespmem:s28], [sflag:$0x3], $0x80, s0, s25, $0xb8;
	[tilespmem:$0x1E100] =	vst v63  }
0x84: {  	_ =	swait.ge [sflag:s23], $0x4000  }
0x85: {  	[sflag:s23] =	ssyncset.done $0x0  }
0x86: {  	s11 =	simm.s32 $0x0;
	s12 =	rddreg [dreg:$0x6];
	[sflag:s23] =	ssyncadd.s32 $0xFFFFC000  }
0x87: {  	[tilespmem:s11], [sflag:$0x3] =	stream.linear.gather [hbm4b:s12+s11], $0x1400, $0x38;
	[tilespmem:$0x1E100] =	vst v63  }
0x88: {  	_ =	swait.ge [sflag:s23], $0x1400  }
0x89: {  	[sflag:s23] =	ssyncset.done $0x0  }
0x8a: {  	[sflag:s23] =	ssyncadd.s32 $0xFFFFEC00  }
0x8b: {  	[tilespmem:s24], [sflag:$0x3] =	stream.linear.gather [hbm4b:s14+s11], $0x1400, $0x38;
	[tilespmem:$0x1E100] =	vst v63  }
0x8c: {  	_ =	swait.ge [sflag:s23], $0x1400  }
0x8d: {  	[sflag:s23] =	ssyncset.done $0x0  }
0x8e: {  	[sflag:s23] =	ssyncadd.s32 $0xFFFFEC00  }
0x8f: {  	[tilespmem:s22], [sflag:$0x1] =	stream.indirect.gather [hbm4b:s1+s25], $0x80, s11, s25, $0xb8;
	[tilespmem:$0x1E100] =	vst v63  }
0x90: {  	_ =	swait.ge [sflag:s26], $0x4000  }
0x91: {  	[sflag:s26] =	ssyncset.done $0x0  }
0x92: {  	s12 =	simm.s32 $0x80;
	[sflag:s26] =	ssyncadd.s32 $0xFFFFC000  }
0x93: {  	[tilespmem:s28], [sflag:$0x2] =	stream.indirect.gather [hbm4b:s1+s25], $0x80, s12, s25, $0xb8;
	[tilespmem:$0x1E100] =	vst v63  }
0x94: {  	s13 =	simm.s32 $0x1400  }
0x95: {  	[spmem:s2] =	stream.indirect.scatter.add.f32 [tilespmem:s22], [sflag:$0x3], $0x80, s13, s25, $0xb8;
	[tilespmem:$0x1E100] =	vst v63  }
0x96: {  	_ =	swait.ge [sflag:s23], $0x4000  }
0x97: {  	[sflag:s23] =	ssyncset.done $0x0  }
0x98: {  	[sflag:s23] =	ssyncadd.s32 $0xFFFFC000  }
0x99: {  	_ =	swait.ge [sflag:s29], $0x4000  }
0x9a: {  	[sflag:s29] =	ssyncset.done $0x0  }
0x9b: {  	s12 =	simm.s32 $0x100;
	[sflag:s29] =	ssyncadd.s32 $0xFFFFC000  }
0x9c: {  	[tilespmem:s22], [sflag:$0x1] =	stream.indirect.gather [hbm4b:s1+s25], $0x80, s12, s25, $0xb8;
	[tilespmem:$0x1E100] =	vst v63  }
0x9d: {  	s13 =	simm.s32 $0x1480  }
0x9e: {  	[spmem:s2] =	stream.indirect.scatter.add.f32 [tilespmem:s28], [sflag:$0x3], $0x80, s13, s25, $0xb8;
	[tilespmem:$0x1E100] =	vst v63  }
0x9f: {  	_ =	swait.ge [sflag:s23], $0x4000  }
0xa0: {  	s11 =	simm.s32 $0x400;
	[sflag:s23] =	ssyncset.done $0x0  }
.LBB2_6:
0xa1: {  	p1 =	sne.s32 s11, $0x4800  }
0xa2: {  	[sflag:s23] =	ssyncadd.s32 $0xFFFFC000;
	s12 =	smov.u32 s11;
	s11 =	sadd.s32 $0x400, s11  }
0xa3: {  	_ = 	snop  }
0xa4: {  	_ =	swait.ge [sflag:s26], $0x4000  }
0xa5: {  	s12 =	sshra.s32 s12, $0x2;
	[sflag:s26] =	ssyncset.done $0x0  }
0xa6: {  	s13 =	sadd.s32 $0x80, s12;
	[sflag:s26] =	ssyncadd.s32 $0xFFFFC000  }
0xa7: {  	[tilespmem:s28], [sflag:$0x2] =	stream.indirect.gather [hbm4b:s1+s25], $0x80, s13, s25, $0xb8;
	[tilespmem:$0x1E100] =	vst v63  }
0xa8: {  	s13 =	sadd.s32 $0x1400, s12  }
0xa9: {  	[spmem:s2] =	stream.indirect.scatter.add.f32 [tilespmem:s22], [sflag:$0x3], $0x80, s13, s25, $0xb8;
	[tilespmem:$0x1E100] =	vst v63  }
0xaa: {  	_ =	swait.ge [sflag:s23], $0x4000  }
0xab: {  	[sflag:s23] =	ssyncset.done $0x0  }
0xac: {  	[sflag:s23] =	ssyncadd.s32 $0xFFFFC000  }
0xad: {  	_ =	swait.ge [sflag:s29], $0x4000  }
0xae: {  	[sflag:s29] =	ssyncset.done $0x0  }
0xaf: {  	s13 =	sadd.s32 $0x100, s12;
	[sflag:s29] =	ssyncadd.s32 $0xFFFFC000  }
0xb0: {  	[tilespmem:s22], [sflag:$0x1] =	stream.indirect.gather [hbm4b:s1+s25], $0x80, s13, s25, $0xb8;
	[tilespmem:$0x1E100] =	vst v63  }
.Ltmp2:
0xb1: {  	_ = 	snop;
	(pc) =	sbr.rel @p1 .LBB2_6-.Ltmp2, $4  }
0xb2: {  	s12 =	sadd.s32 $0x1480, s12  }
0xb3: {  	[spmem:s2] =	stream.indirect.scatter.add.f32 [tilespmem:s28], [sflag:$0x3], $0x80, s12, s25, $0xb8;
	[tilespmem:$0x1E100] =	vst v63  }
0xb4: {  	_ =	swait.ge [sflag:s23], $0x4000  }
0xb5: {  	[sflag:s23] =	ssyncset.done $0x0  }
0xb6: {  	[sflag:s23] =	ssyncadd.s32 $0xFFFFC000  }
0xb7: {  	_ =	swait.ge [sflag:s26], $0x4000  }
0xb8: {  	[sflag:s26] =	ssyncset.done $0x0  }
0xb9: {  	[sflag:s26] =	ssyncadd.s32 $0xFFFFC000  }
0xba: {  	[tilespmem:s28], [sflag:$0x2] =	stream.indirect.gather [hbm4b:s1+s25], $0x80, s30, s25, $0xb8;
	[tilespmem:$0x1E100] =	vst v63  }
0xbb: {  	_ = 	snop  }
0xbc: {  	[spmem:s2] =	stream.indirect.scatter.add.f32 [tilespmem:s22], [sflag:$0x3], $0x80, s31, s25, $0xb8;
	[tilespmem:$0x1E100] =	vst v63  }
0xbd: {  	_ =	swait.ge [sflag:s23], $0x4000  }
0xbe: {  	[sflag:s23] =	ssyncset.done $0x0  }
0xbf: {  	[sflag:s23] =	ssyncadd.s32 $0xFFFFC000  }
0xc0: {  	_ =	swait.ge [sflag:s29], $0x4000  }
0xc1: {  	[sflag:s29] =	ssyncset.done $0x0  }
0xc2: {  	[sflag:s29] =	ssyncadd.s32 $0xFFFFC000  }
0xc3: {  	[spmem:s2] =	stream.indirect.scatter.add.f32 [tilespmem:s28], [sflag:$0x3], $0x80, s0, s25, $0xb8;
	[tilespmem:$0x1E100] =	vst v63  }
0xc4: {  	_ =	swait.ge [sflag:s23], $0x4000  }
0xc5: {  	[sflag:s23] =	ssyncset.done $0x0  }
0xc6: {  	[sflag:s23] =	ssyncadd.s32 $0xFFFFC000  }
0xc7: {  	[bflag:$0x0] =	sbarrier.arrive $0xFFFF  }
0xc8: {  	[tilespmem:s22], [sflag:$0x3] =	stream.linear.gather [spmem:s5], $0x4000, $0x38;
	[tilespmem:$0x1E100] =	vst v63  }
0xc9: {  	_ =	swait.ge [sflag:s23], $0x4000  }
0xca: {  	[sflag:s23] =	ssyncset.done $0x0  }
0xcb: {  	[sflag:s23] =	ssyncadd.s32 $0xFFFFC000  }
0xcc: {  	[hbm4b:s15+s3] =	stream.linear.scatter [tilespmem:s22], [sflag:$0x3], $0x4000, $0x38;
	[tilespmem:$0x1E100] =	vst v63  }
0xcd: {  	_ =	swait.ge [sflag:s23], $0x4000  }
0xce: {  	[sflag:s23] =	ssyncset.done $0x0  }
0xcf: {  	[sflag:s23] =	ssyncadd.s32 $0xFFFFC000  }
0xd0: {  	[tilespmem:s22], [sflag:$0x3] =	stream.linear.gather [spmem:s6], $0x4000, $0x38;
	[tilespmem:$0x1E100] =	vst v63  }
0xd1: {  	_ =	swait.ge [sflag:s23], $0x4000  }
0xd2: {  	[sflag:s23] =	ssyncset.done $0x0  }
0xd3: {  	[sflag:s23] =	ssyncadd.s32 $0xFFFFC000  }
0xd4: {  	[hbm4b:s16+s3] =	stream.linear.scatter [tilespmem:s22], [sflag:$0x3], $0x4000, $0x38;
	[tilespmem:$0x1E100] =	vst v63  }
0xd5: {  	_ =	swait.ge [sflag:s23], $0x4000  }
0xd6: {  	[sflag:s23] =	ssyncset.done $0x0  }
0xd7: {  	[sflag:s23] =	ssyncadd.s32 $0xFFFFC000  }
0xd8: {  	[tilespmem:s22], [sflag:$0x3] =	stream.linear.gather [spmem:s7], $0x4000, $0x38;
	[tilespmem:$0x1E100] =	vst v63  }
0xd9: {  	_ =	swait.ge [sflag:s23], $0x4000  }
0xda: {  	[sflag:s23] =	ssyncset.done $0x0  }
0xdb: {  	[sflag:s23] =	ssyncadd.s32 $0xFFFFC000  }
0xdc: {  	[hbm4b:s17+s3] =	stream.linear.scatter [tilespmem:s22], [sflag:$0x3], $0x4000, $0x38;
	[tilespmem:$0x1E100] =	vst v63  }
0xdd: {  	_ =	swait.ge [sflag:s23], $0x4000  }
0xde: {  	[sflag:s23] =	ssyncset.done $0x0  }
0xdf: {  	[sflag:s23] =	ssyncadd.s32 $0xFFFFC000  }
0xe0: {  	[tilespmem:s22], [sflag:$0x3] =	stream.linear.gather [spmem:s8], $0x4000, $0x38;
	[tilespmem:$0x1E100] =	vst v63  }
0xe1: {  	_ =	swait.ge [sflag:s23], $0x4000  }
0xe2: {  	[sflag:s23] =	ssyncset.done $0x0  }
0xe3: {  	[sflag:s23] =	ssyncadd.s32 $0xFFFFC000  }
0xe4: {  	[hbm4b:s18+s3] =	stream.linear.scatter [tilespmem:s22], [sflag:$0x3], $0x4000, $0x38;
	[tilespmem:$0x1E100] =	vst v63  }
0xe5: {  	_ =	swait.ge [sflag:s23], $0x4000  }
0xe6: {  	[sflag:s23] =	ssyncset.done $0x0  }
0xe7: {  	[sflag:s23] =	ssyncadd.s32 $0xFFFFC000  }
0xe8: {  	[tilespmem:s28], [sflag:$0x3] =	stream.linear.gather [spmem:s9], $0x3800, $0x38;
	[tilespmem:$0x1E100] =	vst v63  }
0xe9: {  	_ =	swait.ge [sflag:s23], $0x3800  }
0xea: {  	[sflag:s23] =	ssyncset.done $0x0  }
0xeb: {  	[sflag:s23] =	ssyncadd.s32 $0xFFFFC800  }
0xec: {  	[hbm4b:s19+s3] =	stream.linear.scatter [tilespmem:s28], [sflag:$0x3], $0x3800, $0x38;
	[tilespmem:$0x1E100] =	vst v63  }
0xed: {  	_ =	swait.ge [sflag:s23], $0x3800  }
0xee: {  	[sflag:s23] =	ssyncset.done $0x0  }
0xef: {  	s11 =	simm.s32 @!p0 $0xA000;
	s12 =	simm.s32 @!p0 $0x3;
	[sflag:s23] =	ssyncadd.s32 $0xFFFFC800  }
0xf0: {  	[tilespmem:s11], [sflag:$0x3] =	stream.linear.gather @!p0 [spmem:s10], $0x800, $0x38;
	[tilespmem:$0x1E100] =	vst v63  }
0xf1: {  	s4 =	sadd.s32 $0x1, s4;
	_ =	swait.ge @!p0 [sflag:s12], $0x800  }
0xf2: {  	p1 =	sne.s32 s4, s21;
	[sflag:s12] =	ssyncset.done @!p0 $0x0  }
.Ltmp3:
0xf3: {  	s13 =	simm.s32 @!p0 $0x0;
	[sflag:s12] =	ssyncadd.s32 @!p0 $0xFFFFF800;
	(pc) =	sbr.rel @p1 .LBB2_1-.Ltmp3, $4  }
0xf4: {  	[hbm4b:s20+s13] =	stream.linear.scatter @!p0 [tilespmem:s11], [sflag:$0x3], $0x800, $0x38;
	[tilespmem:$0x1E100] =	vst v63  }
0xf5: {  	_ =	swait.ge @!p0 [sflag:s12], $0x800  }
0xf6: {  	[sflag:s12] =	ssyncset.done @!p0 $0x0  }
0xf7: {  	[sflag:s12] =	ssyncadd.s32 @!p0 $0xFFFFF800  }
0xf8: {  	_ =	sfence.sel $0x180000  }
0xf9: {  	[bflag:$0x0] =	sbarrier.arrive $0xFFFF  }
0xfa: {  	_ =	strace $0x9000004D  }
0xfb: {  	s0 =	stileid.u32;
	[bflag:$0x2] =	sbarrier.arrive $0xFFFF  }
0xfc: {  	p0 =	sne.s32 s0, $0x0;
	s0 =	rddreg [dreg:$0x3]  }
0xfd: {  	s0 =	sadd.s32 @!p0 $0x100000, s0  }
0xfe: {  	[sflag:s0] =	ssyncadd.tile.s32 @!p0 $0x1;
	_ =	shalt  }
.Lfunc_end2:
_tile_overlayer_lowered:
.L_overlay_start_2:
0xff: {  	(tag) =	ssettag $0x2  }
0x100: {  	s0 =	rddreg [dreg:$0x0];
	s2 =	stileid.u32  }
0x101: {  	s1 =	rddreg [dreg:$0x1];
	p0 =	sne.s32 s2, $0x0  }
0x102: {  	s3 =	rddreg [dreg:$0x2];
	[bflag:$0x3] =	sbarrier.arrive $0xFFFF;
	s2 =	simm.s32 @!p0 $0x1C03  }
0x103: {  	[timem:s3], [sflag:s2] =	dma.local @!p0 [hbm:s0], s1  }
0x104: {  	s0 =	simm.s32 @!p0 $0x3  }
0x105: {  	_ =	swait.ge @!p0 [sflag:s0], s1  }
0x106: {  	s1 =	ssub.s32 @!p0 $0x0, s1;
	[sflag:s0] =	ssyncset.done @!p0 $0x0  }
0x107: {  	[sflag:s0] =	ssyncadd.s32 @!p0 s1  }
0x108: {  	[bflag:$0x3] =	sbarrier.arrive $0xFFFF  }
0x109: {  	_ =	shalt  }

// kernel: kernel.8.cloned.1.call-start
scs
__scs_entry_jumppad:
0x0: {  	(pc) =	sbr.rel $0x88, $3  }
0x1: {  	(tag) =	ssettag $0x0;
	lr =	simm.s32 $0x1  }
0x2: {  	[smem:$0x3F9B] =	sst lr;
	_ =	strace $0xD0000000  }
0x3: {  	_ = 	snop  }
0x4: {  	_ = 	snop  }
0x5: {  	_ = 	snop  }
0x6: {  	_ = 	snop  }
0x7: {  	_ = 	snop  }
__scs_overlays_trampoline_lowered:
0x8: {  	[smem:$0x3FAA] =	sst s0  }
0x9: {  	[smem:$0x3FAB] =	sst s1  }
0xa: {  	[smem:$0x3FAC] =	sst s2  }
0xb: {  	[smem:$0x3FAD] =	sst s3  }
0xc: {  	[smem:$0x3FAE] =	sst s4  }
0xd: {  	[smem:$0x3FAF] =	sst s5  }
0xe: {  	[smem:$0x3FB0] =	sst s6  }
0xf: {  	[smem:$0x3FB1] =	sst s7  }
0x10: {  	[smem:$0x3FB2] =	sst s8  }
0x11: {  	[smem:$0x3FB3] =	sst s9;
	s0 =	simm.s32 @!p0 $0x0  }
0x12: {  	s1 =	sld [smem:$0x3F99];
	s0 =	simm.s32 @p0 $0x1  }
0x13: {  	[smem:$0x3FB4] =	sst s0;
	s0 =	simm.s32 @!p1 $0x0  }
0x14: {  	s2 =	sld [smem:$0x3F98];
	s0 =	simm.s32 @p1 $0x1  }
0x15: {  	[smem:$0x3FB5] =	sst s0;
	s0 =	simm.s32 @!p2 $0x0  }
0x16: {  	s3 =	sld [smem:$0x3FDB];
	s0 =	simm.s32 @p2 $0x1  }
0x17: {  	s4 =	simm.s32 $0x1BF5;
	[smem:$0x3FB7] =	sst s0  }
0x18: {  	s0 =	sld [smem:$0x3F9A];
	_ =	swait.ge [sflag:s4], $0x0  }
0x19: {  	s7 =	sld [smem:$0x3F9B]  }
0x1a: {  	s8 =	sadd.s32 $0xFFFFE003, lr  }
0x1b: {  	s9 =	sadd.s32 $0xFFFFFEF7, lr;
	s5 =	simm.s32 $0xFFFFFFFF;
	p2 =	slt.u32 s8, $0xFFFFF086  }
0x1c: {  	p1 =	slt.u32 s9, $0xF7A;
	s5 =	simm.s32 @!p2 $0x0  }
0x1d: {  	s5 =	simm.s32 @p1 $0x1;
	p0 =	seq.s32 s7, s2  }
0x1e: {  	s7 =	smul.u32 @!p0 $0xF7A, s2;
	p2 =	seq.s32 @!p0 s5, $0x0  }
0x1f: {  	s9 =	smul.u32 $0xF7A, s1;
	s8 =	simm.s32 @!p0 $0x1BF5;
	p2 =	por !p2, p0  }
0x20: {  	[sflag:s8] =	ssyncset.s32 @!p0 $0xFFFFF086;
	s6 =	sadd.s32 @!p0 s3, s7;
	s7 =	simm.s32 @!p0 $0x108  }
0x21: {  	s3 =	sadd.s32 s3, s9;
	s6 =	sadd.s32 @!p0 $0x88, s6;
	s7 =	simm.s32 @p2 $0x1082  }
0x22: {  	[simem:s7], [sflag:s8] =	dma.local @!p0 [hbm:s6], $0xF7A  }
0x23: {  	s9 =	sor.u32 $0xD0000000, s2;
	s6 =	simm.s32 $0x108;
	_ =	swait.ge @!p0 [sflag:s8], $0x0  }
0x24: {  	s3 =	sadd.s32 $0x88, s3;
	s6 =	simm.s32 @!p1 $0x1082;
	[sflag:s4] =	ssyncset.s32 $0xFFFFF086  }
0x25: {  	[simem:s6], [sflag:s4] =	dma.local [hbm:s3], $0xF7A  }
0x26: {  	[smem:$0x3F9B] =	sst s1;
	(tag) =	ssettag s2;
	_ =	strace s9  }
0x27: {  	s1 =	sld [smem:$0x3FAB]  }
0x28: {  	s2 =	sld [smem:$0x3FAC]  }
0x29: {  	s4 =	sld [smem:$0x3FAE]  }
0x2a: {  	p0 =	seq.s32 s5, $0x0;
	s5 =	sld [smem:$0x3FAF]  }
0x2b: {  	s6 =	sld [smem:$0x3FB0]  }
0x2c: {  	s7 =	sld [smem:$0x3FB1]  }
0x2d: {  	s3 =	simm.s32 $0x108;
	s8 =	sld [smem:$0x3FB2]  }
0x2e: {  	s3 =	simm.s32 @!p0 $0x1082;
	s9 =	sld [smem:$0x3FB3]  }
0x2f: {  	lr =	sadd.s32 s0, s3;
	s0 =	sld [smem:$0x3FAA]  }
0x30: {  	s3 =	sld [smem:$0x3FAD]  }
0x31: {  	[smem:$0x3FB6] =	sst s10  }
0x32: {  	s10 =	sld [smem:$0x3FB4];
	_ =	sdelay $0x3  }
0x33: {  	p0 =	seq.s32 s10, $0x1;
	s10 =	sld [smem:$0x3FB6];
	_ =	sdelay $0x3  }
0x34: {  	[smem:$0x3FB6] =	sst s10  }
0x35: {  	s10 =	sld [smem:$0x3FB5];
	_ =	sdelay $0x3  }
0x36: {  	p1 =	seq.s32 s10, $0x1;
	s10 =	sld [smem:$0x3FB6];
	_ =	sdelay $0x3  }
0x37: {  	[smem:$0x3FB6] =	sst s10  }
0x38: {  	s10 =	sld [smem:$0x3FB7]  }
0x39: {  	_ = 	snop;
	(pc) =	sbr.ind lr, $3  }
0x3a: {  	_ = 	snop  }
0x3b: {  	_ = 	snop  }
0x3c: {  	p2 =	seq.s32 s10, $0x1;
	s10 =	sld [smem:$0x3FB6]  }
0x3d: {  	_ =	shalt  }
0x3e: {  	_ =	shalt  }
0x3f: {  	_ =	shalt  }
0x40: {  	_ =	shalt  }
0x41: {  	_ =	shalt  }
0x42: {  	_ =	shalt  }
0x43: {  	_ =	shalt  }
0x44: {  	_ =	shalt  }
0x45: {  	_ =	shalt  }
0x46: {  	_ =	shalt  }
0x47: {  	_ =	shalt  }
0x48: {  	_ =	shalt  }
0x49: {  	_ =	shalt  }
0x4a: {  	_ =	shalt  }
0x4b: {  	_ =	shalt  }
0x4c: {  	_ =	shalt  }
0x4d: {  	_ =	shalt  }
0x4e: {  	_ =	shalt  }
0x4f: {  	_ =	shalt  }
0x50: {  	_ =	shalt  }
0x51: {  	_ =	shalt  }
0x52: {  	_ =	shalt  }
0x53: {  	_ =	shalt  }
0x54: {  	_ =	shalt  }
0x55: {  	_ =	shalt  }
0x56: {  	_ =	shalt  }
0x57: {  	_ =	shalt  }
0x58: {  	_ =	shalt  }
0x59: {  	_ =	shalt  }
0x5a: {  	_ =	shalt  }
0x5b: {  	_ =	shalt  }
0x5c: {  	_ =	shalt  }
0x5d: {  	_ =	shalt  }
0x5e: {  	_ =	shalt  }
0x5f: {  	_ =	shalt  }
0x60: {  	_ =	shalt  }
0x61: {  	_ =	shalt  }
0x62: {  	_ =	shalt  }
0x63: {  	_ =	shalt  }
0x64: {  	_ =	shalt  }
0x65: {  	_ =	shalt  }
0x66: {  	_ =	shalt  }
0x67: {  	_ =	shalt  }
0x68: {  	_ =	shalt  }
0x69: {  	_ =	shalt  }
0x6a: {  	_ =	shalt  }
0x6b: {  	_ =	shalt  }
0x6c: {  	_ =	shalt  }
0x6d: {  	_ =	shalt  }
0x6e: {  	_ =	shalt  }
0x6f: {  	_ =	shalt  }
0x70: {  	_ =	shalt  }
0x71: {  	_ =	shalt  }
0x72: {  	_ =	shalt  }
0x73: {  	_ =	shalt  }
0x74: {  	_ =	shalt  }
0x75: {  	_ =	shalt  }
0x76: {  	_ =	shalt  }
0x77: {  	_ =	shalt  }
0x78: {  	_ =	shalt  }
0x79: {  	_ =	shalt  }
0x7a: {  	_ =	shalt  }
0x7b: {  	_ =	shalt  }
0x7c: {  	_ =	shalt  }
0x7d: {  	_ =	shalt  }
0x7e: {  	_ =	shalt  }
0x7f: {  	_ =	shalt  }
0x80: {  	_ =	shalt  }
0x81: {  	_ =	shalt  }
0x82: {  	_ =	shalt  }
0x83: {  	_ =	shalt  }
0x84: {  	_ =	shalt  }
0x85: {  	_ =	shalt  }
0x86: {  	_ =	shalt  }
0x87: {  	_ =	shalt  }
.Lfunc_end0:
.L_simem_size_0:
called_computation_lowered:
.L_overlay_start_0:
0x88: {  	s2 =	sld [smem:$0x3FD9]  }
0x89: {  	s3 =	sld [smem:$0x3FFE];
	_ =	sdelay $0x1  }
0x8a: {  	s1 =	srdreg.scid  }
0x8b: {  	s0 =	sand.u32 $0x1, s1  }
0x8c: {  	s17 =	sshll.u32 s0, $0xA;
	s2 =	sadd.s32 s3, s2  }
0x8d: {  	s2 =	sadd.s32 s2, s17  }
0x8e: {  	[smem:$0x3FC2] =	sst s2  }
0x8f: {  	_ = 	snop  }
0x90: {  	s2 =	sld [smem:$0x3FD0];
	(tm) =	ssettm $0x1  }
0x91: {  	s18 =	sld [smem:$0x3FFB];
	_ =	sdelay $0x3  }
0x92: {  	_ =	strace s18  }
0x93: {  	s3 =	sld [smem:$0x3FFC];
	_ =	sdelay $0x3  }
0x94: {  	_ =	strace s3  }
0x95: {  	s3 =	sld [smem:$0x3FFD];
	_ =	sdelay $0x3  }
0x96: {  	_ =	strace s3  }
0x97: {  	_ =	strace $0x8FFFFFFF  }
0x98: {  	s19 =	sld [smem:$0x3FDB];
	_ =	sdelay $0x1  }
0x99: {  	s4 =	simm.s32 $_scs_section_size  }
0x9a: {  	s5 =	simm.s32 $_size__tile_overlayer_lowered;
	s6 =	simm.s32 $_tile_overlayer_lowered  }
0x9b: {  	s22 =	simm.s32 $0x1BFF;
	s21 =	sshll.u32 s6, $0x1;
	s3 =	sadd.s32 s4, s19  }
0x9c: {  	s7 =	simm.s32 $0x0;
	s20 =	sshll.u32 s5, $0x1;
	s5 =	sadd.s32 s21, s3  }
0x9d: {  	[timem:s7], [sflag:s22] =	dma.local [hbm:s5], s20  }
0x9e: {  	_ =	swait.ge [sflag:s22], s20  }
0x9f: {  	s4 =	ssub.s32 $0x0, s20;
	[sflag:s22] =	ssyncset.done $0x0  }
0xa0: {  	[sflag:s22] =	ssyncadd.s32 s4;
	_ =	sdelay $0x1  }
0xa1: {  	s23 =	simm.s32 $0x1B8B  }
0xa2: {  	_ =	swait.ge [sflag:s23], $0x1  }
0xa3: {  	[sflag:s23] =	ssyncset.done $0x0  }
0xa4: {  	s25 =	simm.s32 $0x1B8E;
	s24 =	sld [smem:$0x3FFE];
	[sflag:s23] =	ssyncadd.s32 $0xFFFFFFFF  }
0xa5: {  	s26 =	simm.s32 $execute0_lowered;
	[smem:$0x3FD2] =	sst s25  }
0xa6: {  	s5 =	sshll.u32 s26, $0x1;
	_ =	strace $0x80000046;
	[dreg:$0x1] =	wrdreg $0xFFFFFFFF  }
0xa7: {  	s28 =	simm.s32 $_size_execute0_lowered;
	s3 =	sadd.s32 s3, s5;
	[dreg:$0x0] =	wrdreg $0x0  }
0xa8: {  	s5 =	sshll.u32 s28, $0x1;
	[dreg:$0x2] =	wrdreg s3  }
0xa9: {  	[dreg:$0x3] =	wrdreg s5  }
0xaa: {  	[dreg:$0x4] =	wrdreg $0xC0  }
0xab: {  	_ =	task [dreg:s7], $0x5FFFF  }
0xac: {  	[dreg:$0x1] =	wrdreg $0xFFFFFFFF  }
0xad: {  	[dreg:$0x0] =	wrdreg $0x60  }
0xae: {  	[dreg:$0x2] =	wrdreg s24  }
0xaf: {  	[dreg:$0x3] =	wrdreg s2  }
0xb0: {  	[dreg:$0x4] =	wrdreg $0x2B000  }
0xb1: {  	[dreg:$0x5] =	wrdreg $0x9  }
0xb2: {  	_ =	task.clear_ibuf [dreg:s7], $0x6FFFF;
	_ =	strace $0x90000046  }
0xb3: {  	s29 =	simm.s32 $0x9;
	_ =	strace $0x80000048  }
0xb4: {  	_ =	swait.ge [sflag:s29], $0x1  }
0xb5: {  	[sflag:s29] =	ssyncadd.s32 $0xFFFFFFFF  }
0xb6: {  	_ =	strace $0x90000048  }
0xb7: {  	_ =	sfence  }
0xb8: {  	s30 =	sld [smem:$0x0];
	_ =	sdelay $0x2  }
0xb9: {  	s31 =	sshll.u32 s1, $0xD;
	s1 =	sshrl.u32 s1, $0x2  }
0xba: {  	s3 =	sand.u32 $0x4000, s31;
	s1 =	sadd.s32 s1, s30  }
0xbb: {  	s0 =	sor.u32 s3, s0;
	s1 =	sshll.u32 s1, $0x11  }
0xbc: {  	s0 =	sor.u32 s1, s0  }
0xbd: {  	s0 =	sadd.s32 $0x8F2B, s0  }
0xbe: {  	[sflag:s0] =	ssyncadd.remote.s32 $0x1  }
0xbf: {  	_ =	sfence.sel $0xFFFF  }
0xc0: {  	[dreg:$0x0] =	wrdreg $0xFFFFFFFF;
	(pc) =	sbr.abs _section_cstart, $3  }
0xc1: {  	[dreg:$0x1] =	wrdreg $0xFFFFFFFF  }
0xc2: {  	_ =	task.clear_ibuf [dreg:s7], $0x2FFFF;
	_ =	strace $0x9FFFFFFF  }
0xc3: {  	(tm) =	ssettm $0x7FFFFFFF  }
tec
execute0_lowered:
.L_overlay_start_1:
0x0: {  	(tag) =	ssettag $0x1  }
0x1: {  	s4 =	rddreg [dreg:$0x0]  }
0x2: {  	s8 =	rddreg [dreg:$0x1];
	s1 =	srdreg.scid  }
0x3: {  	s0 =	stileid.u32;
	s2 =	rddreg [dreg:$0x2];
	s3 =	simm.s32 $0x0  }
0x4: {  	s13 =	simm.s32 $0x80;
	s14 =	simm.s32 $0x2800;
	s15 =	simm.s32 $0x0  }
0x5: {  	s5 =	sand.u32 $0x1, s1;
	s6 =	sshll.u32 s0, $0x1;
	s1 =	rddreg [dreg:$0x3]  }
0x6: {  	[smem:$0x7FF] =	sst s3;
	s9 =	smul.u32 $0x270, s0;
	s6 =	sor.u32 s5, s6  }
0x7: {  	p0 =	sne.s32 s0, $0xF;
	s7 =	ssub.s32 $0x2, s5;
	s6 =	smul.u32 $0x500, s6  }
0x8: {  	_ =	strace $0x80000047;
	s11 =	smul.u32 $0x2710, s5;
	s30 =	sshrl.u32 s7, $0x1  }
0x9: {  	s5 =	sadd.s32 $0x2700, s2;
	s12 =	ssub.s32 s7, s30;
	s10 =	sadd.s32 s6, s4  }
0xa: {  	s4 =	sadd.s32 s9, s2;
	s6 =	sadd.s32 $0x2710, s2;
	s9 =	sadd.s32 s9, s11  }
0xb: {  	s11 =	sshrl.u32 s11, $0x3;
	s7 =	sadd.s32 $0xD600, s10;
	s9 =	sshrl.u32 s9, $0x3  }
0xc: {  	s31 =	sadd.s32 s8, s11;
	s10 =	smax.u32 s12, $0x1;
	s11 =	simm.s32 $0x2880  }
0xd: {  	v0 =	vimm.f32 $1.000000000e+00;
	v1 =	vimm.f32 $0.0e+00;
	s12 =	simm.s32 $0x1;
	s8 =	sadd.s32 s8, s9;
	s9 =	sadd.s32 $0x4E0, s31  }
.LBB2_1:
0xe: {  	[tilespmem:$0x2800] =	vst v0  }
0xf: {  	[tilespmem:$0x2810] =	vst v0  }
0x10: {  	[tilespmem:$0x2820] =	vst v0  }
0x11: {  	[tilespmem:$0x2830] =	vst v0  }
0x12: {  	[tilespmem:$0x2840] =	vst v0  }
0x13: {  	[tilespmem:$0x2850] =	vst v0  }
0x14: {  	[tilespmem:$0x2860] =	vst v0  }
0x15: {  	[tilespmem:$0x2870] =	vst v0  }
0x16: {  	[tilespmem:$0x2880] =	vst v1  }
0x17: {  	[tilespmem:$0x2890] =	vst v1  }
0x18: {  	[tilespmem:$0x28A0] =	vst v1  }
0x19: {  	[tilespmem:$0x28B0] =	vst v1  }
0x1a: {  	[tilespmem:$0x28C0] =	vst v1  }
0x1b: {  	[tilespmem:$0x28D0] =	vst v1  }
0x1c: {  	[tilespmem:$0x28E0] =	vst v1  }
0x1d: {  	[tilespmem:$0x28F0] =	vst v1  }
0x1e: {  	[tilespmem:$0x2900] =	vst v1  }
0x1f: {  	[tilespmem:$0x2910] =	vst v1  }
0x20: {  	[tilespmem:$0x2920] =	vst v1  }
0x21: {  	[tilespmem:$0x2930] =	vst v1  }
0x22: {  	[tilespmem:$0x2940] =	vst v1  }
0x23: {  	[tilespmem:$0x2950] =	vst v1  }
0x24: {  	[tilespmem:$0x2960] =	vst v1  }
0x25: {  	[tilespmem:$0x2970] =	vst v1  }
0x26: {  	[tilespmem:$0x2980] =	vst v1  }
0x27: {  	[tilespmem:$0x2990] =	vst v1  }
0x28: {  	[tilespmem:$0x29A0] =	vst v1  }
0x29: {  	[tilespmem:$0x29B0] =	vst v1  }
0x2a: {  	[tilespmem:$0x29C0] =	vst v1  }
0x2b: {  	[tilespmem:$0x29D0] =	vst v1  }
0x2c: {  	[tilespmem:$0x29E0] =	vst v1  }
0x2d: {  	[tilespmem:$0x29F0] =	vst v1  }
0x2e: {  	[tilespmem:$0x2A00] =	vst v1  }
0x2f: {  	[tilespmem:$0x2A10] =	vst v1  }
0x30: {  	[tilespmem:$0x2A20] =	vst v1  }
0x31: {  	[tilespmem:$0x2A30] =	vst v1  }
0x32: {  	[tilespmem:$0x2A40] =	vst v1  }
0x33: {  	[tilespmem:$0x2A50] =	vst v1  }
0x34: {  	[tilespmem:$0x2A60] =	vst v1  }
0x35: {  	[tilespmem:$0x2A70] =	vst v1  }
0x36: {  	[tilespmem:$0x2A80] =	vst v1  }
0x37: {  	[tilespmem:$0x2A90] =	vst v1  }
0x38: {  	[tilespmem:$0x2AA0] =	vst v1  }
0x39: {  	[tilespmem:$0x2AB0] =	vst v1  }
0x3a: {  	[tilespmem:$0x2AC0] =	vst v1  }
0x3b: {  	[tilespmem:$0x2AD0] =	vst v1  }
0x3c: {  	[tilespmem:$0x2AE0] =	vst v1  }
0x3d: {  	[tilespmem:$0x2AF0] =	vst v1  }
0x3e: {  	[spmem:s4] =	stream.linear.scatter [tilespmem:s11], [sflag:$0x1], $0x270, $0x38;
	[tilespmem:$0x2D78] =	vst v63  }
0x3f: {  	_ =	swait.ge [sflag:s12], $0x270  }
0x40: {  	[sflag:s12] =	ssyncset.done $0x0  }
0x41: {  	s16 =	simm.s32 @!p0 $0x2880;
	[sflag:s12] =	ssyncadd.s32 $0xFFFFFD90  }
0x42: {  	[spmem:s5] =	stream.linear.scatter @!p0 [tilespmem:s16], [sflag:$0x1], $0x10, $0x38;
	[tilespmem:$0x2D78] =	vst v63  }
0x43: {  	s16 =	simm.s32 @!p0 $0x1  }
0x44: {  	_ =	swait.ge @!p0 [sflag:s16], $0x10  }
0x45: {  	[sflag:s16] =	ssyncset.done @!p0 $0x0  }
0x46: {  	s17 =	simm.s32 @!p0 $0x2890;
	[sflag:s16] =	ssyncadd.s32 @!p0 $0xFFFFFFF0  }
0x47: {  	[spmem:s6] =	stream.linear.scatter @!p0 [tilespmem:s17], [sflag:$0x1], $0x10, $0x38;
	[tilespmem:$0x2D78] =	vst v63  }
0x48: {  	_ =	swait.ge @!p0 [sflag:s16], $0x10  }
0x49: {  	[sflag:s16] =	ssyncset.done @!p0 $0x0  }
0x4a: {  	[sflag:s16] =	ssyncadd.s32 @!p0 $0xFFFFFFF0  }
0x4b: {  	[tilespmem:s3], [sflag:$0x1] =	stream.linear.gather [hbm4b:s7+s3], $0x2800, $0x38;
	[tilespmem:$0x2D78] =	vst v63  }
0x4c: {  	_ =	swait.ge [sflag:s12], $0x2800  }
0x4d: {  	[sflag:s12] =	ssyncset.done $0x0  }
0x4e: {  	[sflag:s12] =	ssyncadd.s32 $0xFFFFD800  }
0x4f: {  	s31 =	simm.s32 $0x0;
	[bflag:$0x0] =	sbarrier.arrive $0xFFFF  }
0x50: {  	[spmem:s2] =	stream.indirect.scatter.add.f32 [tilespmem:s14], [sflag:$0x1], $0x1, s31, s13, $0xb8;
	[tilespmem:$0x2D78] =	vst v63  }
0x51: {  	_ =	swait.ge [sflag:s12], $0x80  }
0x52: {  	s16 =	simm.s32 $0x200;
	[sflag:s12] =	ssyncset.done $0x0  }
.LBB2_2:
0x53: {  	s17 =	sshra.s32 s16, $0x2;
	[sflag:s12] =	ssyncadd.s32 $0xFFFFFF80;
	p1 =	sne.s32 s16, $0x9E00  }
0x54: {  	[spmem:s2] =	stream.indirect.scatter.add.f32 [tilespmem:s14], [sflag:$0x1], $0x1, s17, s13, $0xb8;
	[tilespmem:$0x2D78] =	vst v63  }
.Ltmp0:
0x55: {  	_ = 	snop;
	(pc) =	sbr.rel @p1 .LBB2_2-.Ltmp0, $4  }
0x56: {  	_ = 	snop  }
0x57: {  	s16 =	sadd.s32 $0x200, s16  }
0x58: {  	_ =	swait.ge [sflag:s12], $0x80  }
0x59: {  	[sflag:s12] =	ssyncset.done $0x0  }
0x5a: {  	[sflag:s12] =	ssyncadd.s32 $0xFFFFFF80  }
0x5b: {  	[bflag:$0x0] =	sbarrier.arrive $0xFFFF  }
0x5c: {  	[tilespmem:s11], [sflag:$0x1] =	stream.linear.gather [spmem:s4], $0x270, $0x38;
	[tilespmem:$0x2D78] =	vst v63  }
0x5d: {  	_ =	swait.ge [sflag:s12], $0x270  }
0x5e: {  	[sflag:s12] =	ssyncset.done $0x0  }
0x5f: {  	[sflag:s12] =	ssyncadd.s32 $0xFFFFFD90  }
0x60: {  	[hbm4b:s8+s3] =	stream.linear.scatter [tilespmem:s11], [sflag:$0x1], $0x270, $0x38;
	[tilespmem:$0x2D78] =	vst v63  }
0x61: {  	_ =	swait.ge [sflag:s12], $0x270  }
0x62: {  	[sflag:s12] =	ssyncset.done $0x0  }
0x63: {  	s16 =	simm.s32 @!p0 $0x2AF0;
	s17 =	simm.s32 @!p0 $0x1;
	[sflag:s12] =	ssyncadd.s32 $0xFFFFFD90  }
0x64: {  	[tilespmem:s16], [sflag:$0x1] =	stream.linear.gather @!p0 [spmem:s5], $0x10, $0x38;
	[tilespmem:$0x2D78] =	vst v63  }
0x65: {  	s15 =	sadd.s32 $0x1, s15;
	_ =	swait.ge @!p0 [sflag:s17], $0x10  }
0x66: {  	p1 =	sne.s32 s15, s10;
	[sflag:s17] =	ssyncset.done @!p0 $0x0  }
.Ltmp1:
0x67: {  	s18 =	simm.s32 @!p0 $0x0;
	[sflag:s17] =	ssyncadd.s32 @!p0 $0xFFFFFFF0;
	(pc) =	sbr.rel @p1 .LBB2_1-.Ltmp1, $4  }
0x68: {  	[hbm4b:s9+s18] =	stream.linear.scatter @!p0 [tilespmem:s16], [sflag:$0x1], $0x10, $0x38;
	[tilespmem:$0x2D78] =	vst v63  }
0x69: {  	_ =	swait.ge @!p0 [sflag:s17], $0x10  }
0x6a: {  	[sflag:s17] =	ssyncset.done @!p0 $0x0  }
0x6b: {  	[sflag:s17] =	ssyncadd.s32 @!p0 $0xFFFFFFF0  }
0x6c: {  	_ =	sfence.sel $0x180000  }
0x6d: {  	[bflag:$0x0] =	sbarrier.arrive $0xFFFF  }
0x6e: {  	p0 =	sne.s32 s0, $0x0;
	_ =	strace $0x90000047  }
0x6f: {  	s0 =	sadd.s32 @!p0 $0x100000, s1;
	[bflag:$0x2] =	sbarrier.arrive $0xFFFF  }
0x70: {  	[sflag:s0] =	ssyncadd.tile.s32 @!p0 $0x1;
	_ =	shalt  }
.Lfunc_end2:
_tile_overlayer_lowered:
.L_overlay_start_2:
0x71: {  	(tag) =	ssettag $0x2  }
0x72: {  	s0 =	rddreg [dreg:$0x0];
	s2 =	stileid.u32  }
0x73: {  	s1 =	rddreg [dreg:$0x1];
	p0 =	sne.s32 s2, $0x0  }
0x74: {  	s3 =	rddreg [dreg:$0x2];
	[bflag:$0x3] =	sbarrier.arrive $0xFFFF;
	s2 =	simm.s32 @!p0 $0x1C01  }
0x75: {  	[timem:s3], [sflag:s2] =	dma.local @!p0 [hbm:s0], s1  }
0x76: {  	s0 =	simm.s32 @!p0 $0x1  }
0x77: {  	_ =	swait.ge @!p0 [sflag:s0], s1  }
0x78: {  	s1 =	ssub.s32 @!p0 $0x0, s1;
	[sflag:s0] =	ssyncset.done @!p0 $0x0  }
0x79: {  	[sflag:s0] =	ssyncadd.s32 @!p0 s1  }
0x7a: {  	[bflag:$0x3] =	sbarrier.arrive $0xFFFF  }
0x7b: {  	_ =	shalt  }

</sc_bundles>
